<compile_context>
chip_gen: v7x
topology: tpu7x:2x2x1
jax: 0.10.2.dev20260603
libtpu: 0.0.44.dev20260713+nightly
codegen_flags: <defaults>
</compile_context>

<pallas_src>
import dataclasses

import jax
import jax.numpy as jnp
from jax import lax
from jax.experimental import pallas as pl
from jax.experimental.pallas import tpu as pltpu
from jax.experimental.pallas import tpu_sc as plsc

_HIDDEN = 32
_PACK = 4
_PACKED_W = _PACK * _HIDDEN
_CHUNK = 128
_LANES = 16
_NC, _NS = 2, 16
_GR = 4
_OR = 2
_JB = 8


_BSH = (4096 // _CHUNK).bit_length() - 1


def kernel(agent_ids, table):
    b, t = agent_ids.shape
    n = b * t
    nw = _NC * _NS
    bchunks = b // _CHUNK
    nchunks = n // _CHUNK
    steps = nchunks // nw
    windows = steps // _GR
    ids_t = agent_ids.T
    tab4 = table.reshape(table.shape[0] // _PACK, _PACKED_W)

    mesh = plsc.VectorSubcoreMesh(core_axis_name="c", subcore_axis_name="s")
    cparams = pltpu.CompilerParams()
    if "needs_layout_passes" in pltpu.CompilerParams.__dataclass_fields__:
        cparams = dataclasses.replace(cparams, needs_layout_passes=False)

    @pl.kernel(
        out_type=jax.ShapeDtypeStruct((t, _HIDDEN, b), table.dtype),
        mesh=mesh,
        compiler_params=cparams,
        scratch_types=[
            pltpu.VMEM((_GR, _CHUNK), jnp.int32),
            pltpu.VMEM((_GR, _CHUNK), jnp.int32),
            pltpu.VMEM((_GR, _CHUNK, _PACKED_W), jnp.float32),
            pltpu.VMEM((_OR, _HIDDEN, _CHUNK), jnp.float32),
            pltpu.SemaphoreType.DMA((_GR,)),
            pltpu.SemaphoreType.DMA((_OR,)),
            pltpu.SemaphoreType.DMA((_GR,)),
        ],
    )
    def gather_kernel(tab_hbm, ids_hbm, out_hbm, raw_v, idx_v, rows_v, out_v,
                      gsem, osem, idsem):
        wid = lax.axis_index("s") * _NC + lax.axis_index("c")
        cbase = wid * steps
        lane_iota = lax.iota(jnp.int32, _LANES)

        def fire_ids(c, slot):
            cg = cbase + c
            pltpu.async_copy(
                ids_hbm.at[cg >> _BSH, pl.ds((cg & (bchunks - 1)) * _CHUNK,
                                          _CHUNK)],
                raw_v.at[slot],
                idsem.at[slot],
            )

        def wait_ids(slot):
            pltpu.make_async_copy(
                ids_hbm.at[0, pl.ds(0, _CHUNK)], raw_v.at[slot],
                idsem.at[slot]
            ).wait()

        def fire_gather(slot):
            @plsc.parallel_loop(0, _CHUNK, step=_LANES)
            def _(k):
                idx_v[slot, pl.ds(k, _LANES)] = lax.shift_right_logical(
                    raw_v[slot, pl.ds(k, _LANES)], 2
                )

            h = _CHUNK // 2
            pltpu.async_copy(
                tab_hbm.at[idx_v.at[slot, pl.ds(0, h)]],
                rows_v.at[slot, pl.ds(0, h)],
                gsem.at[slot],
            )
            pltpu.async_copy(
                tab_hbm.at[idx_v.at[slot, pl.ds(h, h)]],
                rows_v.at[slot, pl.ds(h, h)],
                gsem.at[slot],
            )

        def wait_gather(slot):
            h = _CHUNK // 2
            for p in range(2):
                pltpu.make_async_copy(
                    tab_hbm.at[idx_v.at[slot, pl.ds(p * h, h)]],
                    rows_v.at[slot, pl.ds(p * h, h)],
                    gsem.at[slot],
                ).wait()

        def out_dst(c, oslot):
            cg = cbase + c
            return out_hbm.at[
                cg >> _BSH, :, pl.ds((cg & (bchunks - 1)) * _CHUNK, _CHUNK)
            ]

        for c0 in range(_GR):
            fire_ids(c0, c0)
        for c0 in range(_GR - 1):
            wait_ids(c0)
            fire_gather(c0)

        @pl.loop(0, windows)
        def _(w):
            for slot in range(_GR):
                c = w * _GR + slot
                nslot = (slot + _GR - 1) % _GR
                oslot = slot % _OR

                wait_gather(slot)

                @pl.when(c + _GR - 1 < steps)
                def _():
                    wait_ids(nslot)
                    fire_gather(nslot)

                @pl.when(c >= _OR)
                def _():
                    pltpu.make_async_copy(
                        out_v.at[oslot], out_dst(0, oslot), osem.at[oslot]
                    ).wait()

                @plsc.parallel_loop(0, _CHUNK, step=_LANES, unroll=2)
                def _(k):
                    riv = lane_iota + k
                    colb = (
                        raw_v[slot, pl.ds(k, _LANES)] & (_PACK - 1)
                    ) * _HIDDEN
                    for j0 in range(0, _HIDDEN, _JB):
                        vals = [
                            plsc.load_gather(
                                rows_v.at[slot], [riv, colb + (j0 + u)]
                            )
                            for u in range(_JB)
                        ]
                        for u in range(_JB):
                            out_v[oslot, j0 + u, pl.ds(k, _LANES)] = vals[u]

                pltpu.async_copy(
                    out_v.at[oslot], out_dst(c, oslot), osem.at[oslot]
                )

                @pl.when(c + _GR < steps)
                def _():
                    fire_ids(c + _GR, slot)

        for oslot in range(_OR):
            pltpu.make_async_copy(
                out_v.at[oslot], out_dst(0, oslot), osem.at[oslot]
            ).wait()

    out_tjb = gather_kernel(tab4, ids_t)
    return out_tjb.transpose(2, 0, 1)

# --- scband reference (transcript-rebuilt; emitter-appended) ---
"""Pipeline reference for scband-agent-embedding-86620900426379 (READ-ONLY COPY).

The authoritative reference and input builder live on the scoring server;
editing this copy changes nothing except your own understanding.
"""

import jax, jax.numpy as jnp
import numpy as np

N_AGENTS = 1000000
HIDDEN_DIM = 32
B, T = 4096, 200

def setup_inputs(seed: int = 0) -> dict:
    key = jax.random.key(seed)
    k_ids, k_tab = jax.random.split(key)
    agent_ids = jax.random.randint(k_ids, (B, T), 0, N_AGENTS, dtype=jnp.int64 if jax.config.jax_enable_x64 else jnp.int32)
    table = jax.random.normal(k_tab, (N_AGENTS, HIDDEN_DIM), dtype=jnp.float32)
    return {"agent_ids": agent_ids, "table": table}

def reference(agent_ids, table):
    # nn.Embedding forward: row gather from the embedding table
    return jnp.take(table, agent_ids, axis=0)

if __name__ == "__main__":
    import jax
    _d = setup_inputs()
    print(jax.jit(kernel)(*tuple(_d.values())))

</pallas_src>

<mosaic_0001>
#map = affine_map<(d0, d1) -> (0, 0)>
#map1 = affine_map<(d0, d1) -> (0, 0, 0)>
module attributes {stable_mosaic.version = 14 : i64} {
  func.func @gather_kernel(%arg0: i32, %arg1: i32, %arg2: memref<250000x128xf32, #tpu.memory_space<hbm>>, %arg3: memref<200x4096xi32, #tpu.memory_space<hbm>>, %arg4: memref<200x32x4096xf32, #tpu.memory_space<hbm>>, %arg5: memref<4x128xi32, #tpu.memory_space<vmem>>, %arg6: memref<4x128xi32, #tpu.memory_space<vmem>>, %arg7: memref<4x128x128xf32, #tpu.memory_space<vmem>>, %arg8: memref<2x32x128xf32, #tpu.memory_space<vmem>>, %arg9: memref<4x!tpu.dma_semaphore, #tpu.memory_space<semaphore_mem>>, %arg10: memref<2x!tpu.dma_semaphore, #tpu.memory_space<semaphore_mem>>, %arg11: memref<4x!tpu.dma_semaphore, #tpu.memory_space<semaphore_mem>>) attributes {dimension_semantics = [#tpu.dimension_semantics<core_parallel>, #tpu.dimension_semantics<subcore_parallel>], iteration_bounds = array<i64: 2, 16>, scalar_prefetch = 0 : i64, scratch_operands = 7 : i64, tpu.core_type = #tpu.core_type<sc_vector_subcore>, window_params = [{transform_indices = #map}, {transform_indices = #map}, {transform_indices = #map1}]} {
    %mul3A = arith.constant 2 : i32
    %mul3A_0 = arith.muli %arg1, %mul3A : i32
    %add3A = arith.addi %mul3A_0, %arg0 : i32
    %mul3A_1 = arith.constant 200 : i32
    %mul3A_2 = arith.muli %add3A, %mul3A_1 : i32
    %iota3A = tpu.iota {dimensions = array<i32: 0>} : vector<16xi32>
    %add3A_3 = arith.constant 0 : i32
    %add3A_4 = arith.addi %mul3A_2, %add3A_3 : i32
    %shift_right_arithmetic3A = arith.constant 5 : i32
    %shift_right_arithmetic3A_5 = arith.shrsi %add3A_4, %shift_right_arithmetic3A : i32
    %and3A = arith.constant 31 : i32
    %and3A_6 = arith.andi %add3A_4, %and3A : i32
    %mul3A_7 = arith.constant 128 : i32
    %mul3A_8 = arith.muli %and3A_6, %mul3A_7 : i32
    %dma_start3A = arith.constant 0 : i32
    %dma_start3A_9 = arith.constant 0 : i32
    %dma_start3A_10 = arith.constant 0 : i32
    %dma_start3A_11 = tpu.memref_slice %arg5[%dma_start3A, %dma_start3A_10] : memref<4x128xi32, #tpu.memory_space<vmem>> -> memref<1x128xi32, #tpu.memory_space<vmem>>
    %dma_start3A_12 = tpu.memref_squeeze %dma_start3A_11 : memref<1x128xi32, #tpu.memory_space<vmem>> -> memref<128xi32, #tpu.memory_space<vmem>>
    %dma_start3A_13 = tpu.memref_slice %arg3[%shift_right_arithmetic3A_5, %mul3A_8] : memref<200x4096xi32, #tpu.memory_space<hbm>> -> memref<1x128xi32, #tpu.memory_space<hbm>>
    %dma_start3A_14 = tpu.memref_squeeze %dma_start3A_13 : memref<1x128xi32, #tpu.memory_space<hbm>> -> memref<128xi32, #tpu.memory_space<hbm>>
    %dma_start3A_15 = tpu.memref_slice %arg11[%dma_start3A_9] : memref<4x!tpu.dma_semaphore, #tpu.memory_space<semaphore_mem>> -> memref<1x!tpu.dma_semaphore, #tpu.memory_space<semaphore_mem>>
    %dma_start3A_16 = tpu.memref_squeeze %dma_start3A_15 : memref<1x!tpu.dma_semaphore, #tpu.memory_space<semaphore_mem>> -> memref<!tpu.dma_semaphore, #tpu.memory_space<semaphore_mem>>
    %dma_start3A_17 = arith.constant 0 : i32
    %dma_start3A_18 = tpu.memref_slice %arg5[%dma_start3A, %dma_start3A_17] : memref<4x128xi32, #tpu.memory_space<vmem>> -> memref<1x128xi32, #tpu.memory_space<vmem>>
    %dma_start3A_19 = tpu.memref_squeeze %dma_start3A_18 : memref<1x128xi32, #tpu.memory_space<vmem>> -> memref<128xi32, #tpu.memory_space<vmem>>
    %dma_start3A_20 = tpu.memref_slice %arg3[%shift_right_arithmetic3A_5, %mul3A_8] : memref<200x4096xi32, #tpu.memory_space<hbm>> -> memref<1x128xi32, #tpu.memory_space<hbm>>
    %dma_start3A_21 = tpu.memref_squeeze %dma_start3A_20 : memref<1x128xi32, #tpu.memory_space<hbm>> -> memref<128xi32, #tpu.memory_space<hbm>>
    tpu.enqueue_dma source(%dma_start3A_21 : memref<128xi32, #tpu.memory_space<hbm>>) target(%dma_start3A_19 : memref<128xi32, #tpu.memory_space<vmem>>) target_semaphore(%dma_start3A_16 : memref<!tpu.dma_semaphore, #tpu.memory_space<semaphore_mem>>)
    %add3A_22 = arith.constant 1 : i32
    %add3A_23 = arith.addi %mul3A_2, %add3A_22 : i32
    %shift_right_arithmetic3A_24 = arith.constant 5 : i32
    %shift_right_arithmetic3A_25 = arith.shrsi %add3A_23, %shift_right_arithmetic3A_24 : i32
    %and3A_26 = arith.constant 31 : i32
    %and3A_27 = arith.andi %add3A_23, %and3A_26 : i32
    %mul3A_28 = arith.constant 128 : i32
    %mul3A_29 = arith.muli %and3A_27, %mul3A_28 : i32
    %dma_start3A_30 = arith.constant 1 : i32
    %dma_start3A_31 = arith.constant 1 : i32
    %dma_start3A_32 = arith.constant 0 : i32
    %dma_start3A_33 = tpu.memref_slice %arg5[%dma_start3A_30, %dma_start3A_32] : memref<4x128xi32, #tpu.memory_space<vmem>> -> memref<1x128xi32, #tpu.memory_space<vmem>>
    %dma_start3A_34 = tpu.memref_squeeze %dma_start3A_33 : memref<1x128xi32, #tpu.memory_space<vmem>> -> memref<128xi32, #tpu.memory_space<vmem>>
    %dma_start3A_35 = tpu.memref_slice %arg3[%shift_right_arithmetic3A_25, %mul3A_29] : memref<200x4096xi32, #tpu.memory_space<hbm>> -> memref<1x128xi32, #tpu.memory_space<hbm>>
    %dma_start3A_36 = tpu.memref_squeeze %dma_start3A_35 : memref<1x128xi32, #tpu.memory_space<hbm>> -> memref<128xi32, #tpu.memory_space<hbm>>
    %dma_start3A_37 = tpu.memref_slice %arg11[%dma_start3A_31] : memref<4x!tpu.dma_semaphore, #tpu.memory_space<semaphore_mem>> -> memref<1x!tpu.dma_semaphore, #tpu.memory_space<semaphore_mem>>
    %dma_start3A_38 = tpu.memref_squeeze %dma_start3A_37 : memref<1x!tpu.dma_semaphore, #tpu.memory_space<semaphore_mem>> -> memref<!tpu.dma_semaphore, #tpu.memory_space<semaphore_mem>>
    %dma_start3A_39 = arith.constant 0 : i32
    %dma_start3A_40 = tpu.memref_slice %arg5[%dma_start3A_30, %dma_start3A_39] : memref<4x128xi32, #tpu.memory_space<vmem>> -> memref<1x128xi32, #tpu.memory_space<vmem>>
    %dma_start3A_41 = tpu.memref_squeeze %dma_start3A_40 : memref<1x128xi32, #tpu.memory_space<vmem>> -> memref<128xi32, #tpu.memory_space<vmem>>
    %dma_start3A_42 = tpu.memref_slice %arg3[%shift_right_arithmetic3A_25, %mul3A_29] : memref<200x4096xi32, #tpu.memory_space<hbm>> -> memref<1x128xi32, #tpu.memory_space<hbm>>
    %dma_start3A_43 = tpu.memref_squeeze %dma_start3A_42 : memref<1x128xi32, #tpu.memory_space<hbm>> -> memref<128xi32, #tpu.memory_space<hbm>>
    tpu.enqueue_dma source(%dma_start3A_43 : memref<128xi32, #tpu.memory_space<hbm>>) target(%dma_start3A_41 : memref<128xi32, #tpu.memory_space<vmem>>) target_semaphore(%dma_start3A_38 : memref<!tpu.dma_semaphore, #tpu.memory_space<semaphore_mem>>)
    %add3A_44 = arith.constant 2 : i32
    %add3A_45 = arith.addi %mul3A_2, %add3A_44 : i32
    %shift_right_arithmetic3A_46 = arith.constant 5 : i32
    %shift_right_arithmetic3A_47 = arith.shrsi %add3A_45, %shift_right_arithmetic3A_46 : i32
    %and3A_48 = arith.constant 31 : i32
    %and3A_49 = arith.andi %add3A_45, %and3A_48 : i32
    %mul3A_50 = arith.constant 128 : i32
    %mul3A_51 = arith.muli %and3A_49, %mul3A_50 : i32
    %dma_start3A_52 = arith.constant 2 : i32
    %dma_start3A_53 = arith.constant 2 : i32
    %dma_start3A_54 = arith.constant 0 : i32
    %dma_start3A_55 = tpu.memref_slice %arg5[%dma_start3A_52, %dma_start3A_54] : memref<4x128xi32, #tpu.memory_space<vmem>> -> memref<1x128xi32, #tpu.memory_space<vmem>>
    %dma_start3A_56 = tpu.memref_squeeze %dma_start3A_55 : memref<1x128xi32, #tpu.memory_space<vmem>> -> memref<128xi32, #tpu.memory_space<vmem>>
    %dma_start3A_57 = tpu.memref_slice %arg3[%shift_right_arithmetic3A_47, %mul3A_51] : memref<200x4096xi32, #tpu.memory_space<hbm>> -> memref<1x128xi32, #tpu.memory_space<hbm>>
    %dma_start3A_58 = tpu.memref_squeeze %dma_start3A_57 : memref<1x128xi32, #tpu.memory_space<hbm>> -> memref<128xi32, #tpu.memory_space<hbm>>
    %dma_start3A_59 = tpu.memref_slice %arg11[%dma_start3A_53] : memref<4x!tpu.dma_semaphore, #tpu.memory_space<semaphore_mem>> -> memref<1x!tpu.dma_semaphore, #tpu.memory_space<semaphore_mem>>
    %dma_start3A_60 = tpu.memref_squeeze %dma_start3A_59 : memref<1x!tpu.dma_semaphore, #tpu.memory_space<semaphore_mem>> -> memref<!tpu.dma_semaphore, #tpu.memory_space<semaphore_mem>>
    %dma_start3A_61 = arith.constant 0 : i32
    %dma_start3A_62 = tpu.memref_slice %arg5[%dma_start3A_52, %dma_start3A_61] : memref<4x128xi32, #tpu.memory_space<vmem>> -> memref<1x128xi32, #tpu.memory_space<vmem>>
    %dma_start3A_63 = tpu.memref_squeeze %dma_start3A_62 : memref<1x128xi32, #tpu.memory_space<vmem>> -> memref<128xi32, #tpu.memory_space<vmem>>
    %dma_start3A_64 = tpu.memref_slice %arg3[%shift_right_arithmetic3A_47, %mul3A_51] : memref<200x4096xi32, #tpu.memory_space<hbm>> -> memref<1x128xi32, #tpu.memory_space<hbm>>
    %dma_start3A_65 = tpu.memref_squeeze %dma_start3A_64 : memref<1x128xi32, #tpu.memory_space<hbm>> -> memref<128xi32, #tpu.memory_space<hbm>>
    tpu.enqueue_dma source(%dma_start3A_65 : memref<128xi32, #tpu.memory_space<hbm>>) target(%dma_start3A_63 : memref<128xi32, #tpu.memory_space<vmem>>) target_semaphore(%dma_start3A_60 : memref<!tpu.dma_semaphore, #tpu.memory_space<semaphore_mem>>)
    %add3A_66 = arith.constant 3 : i32
    %add3A_67 = arith.addi %mul3A_2, %add3A_66 : i32
    %shift_right_arithmetic3A_68 = arith.constant 5 : i32
    %shift_right_arithmetic3A_69 = arith.shrsi %add3A_67, %shift_right_arithmetic3A_68 : i32
    %and3A_70 = arith.constant 31 : i32
    %and3A_71 = arith.andi %add3A_67, %and3A_70 : i32
    %mul3A_72 = arith.constant 128 : i32
    %mul3A_73 = arith.muli %and3A_71, %mul3A_72 : i32
    %dma_start3A_74 = arith.constant 3 : i32
    %dma_start3A_75 = arith.constant 3 : i32
    %dma_start3A_76 = arith.constant 0 : i32
    %dma_start3A_77 = tpu.memref_slice %arg5[%dma_start3A_74, %dma_start3A_76] : memref<4x128xi32, #tpu.memory_space<vmem>> -> memref<1x128xi32, #tpu.memory_space<vmem>>
    %dma_start3A_78 = tpu.memref_squeeze %dma_start3A_77 : memref<1x128xi32, #tpu.memory_space<vmem>> -> memref<128xi32, #tpu.memory_space<vmem>>
    %dma_start3A_79 = tpu.memref_slice %arg3[%shift_right_arithmetic3A_69, %mul3A_73] : memref<200x4096xi32, #tpu.memory_space<hbm>> -> memref<1x128xi32, #tpu.memory_space<hbm>>
    %dma_start3A_80 = tpu.memref_squeeze %dma_start3A_79 : memref<1x128xi32, #tpu.memory_space<hbm>> -> memref<128xi32, #tpu.memory_space<hbm>>
    %dma_start3A_81 = tpu.memref_slice %arg11[%dma_start3A_75] : memref<4x!tpu.dma_semaphore, #tpu.memory_space<semaphore_mem>> -> memref<1x!tpu.dma_semaphore, #tpu.memory_space<semaphore_mem>>
    %dma_start3A_82 = tpu.memref_squeeze %dma_start3A_81 : memref<1x!tpu.dma_semaphore, #tpu.memory_space<semaphore_mem>> -> memref<!tpu.dma_semaphore, #tpu.memory_space<semaphore_mem>>
    %dma_start3A_83 = arith.constant 0 : i32
    %dma_start3A_84 = tpu.memref_slice %arg5[%dma_start3A_74, %dma_start3A_83] : memref<4x128xi32, #tpu.memory_space<vmem>> -> memref<1x128xi32, #tpu.memory_space<vmem>>
    %dma_start3A_85 = tpu.memref_squeeze %dma_start3A_84 : memref<1x128xi32, #tpu.memory_space<vmem>> -> memref<128xi32, #tpu.memory_space<vmem>>
    %dma_start3A_86 = tpu.memref_slice %arg3[%shift_right_arithmetic3A_69, %mul3A_73] : memref<200x4096xi32, #tpu.memory_space<hbm>> -> memref<1x128xi32, #tpu.memory_space<hbm>>
    %dma_start3A_87 = tpu.memref_squeeze %dma_start3A_86 : memref<1x128xi32, #tpu.memory_space<hbm>> -> memref<128xi32, #tpu.memory_space<hbm>>
    tpu.enqueue_dma source(%dma_start3A_87 : memref<128xi32, #tpu.memory_space<hbm>>) target(%dma_start3A_85 : memref<128xi32, #tpu.memory_space<vmem>>) target_semaphore(%dma_start3A_82 : memref<!tpu.dma_semaphore, #tpu.memory_space<semaphore_mem>>)
    %dma_wait3A = arith.constant 0 : i32
    %dma_wait3A_88 = arith.constant 0 : i32
    %dma_wait3A_89 = arith.constant 0 : i32
    %dma_wait3A_90 = arith.constant 0 : i32
    %dma_wait3A_91 = tpu.memref_slice %arg5[%dma_wait3A_88, %dma_wait3A_90] : memref<4x128xi32, #tpu.memory_space<vmem>> -> memref<1x128xi32, #tpu.memory_space<vmem>>
    %dma_wait3A_92 = tpu.memref_squeeze %dma_wait3A_91 : memref<1x128xi32, #tpu.memory_space<vmem>> -> memref<128xi32, #tpu.memory_space<vmem>>
    %dma_wait3A_93 = arith.constant 0 : i32
    %dma_wait3A_94 = tpu.memref_slice %arg3[%dma_wait3A, %dma_wait3A_93] : memref<200x4096xi32, #tpu.memory_space<hbm>> -> memref<1x128xi32, #tpu.memory_space<hbm>>
    %dma_wait3A_95 = tpu.memref_squeeze %dma_wait3A_94 : memref<1x128xi32, #tpu.memory_space<hbm>> -> memref<128xi32, #tpu.memory_space<hbm>>
    %dma_wait3A_96 = tpu.memref_slice %arg11[%dma_wait3A_89] : memref<4x!tpu.dma_semaphore, #tpu.memory_space<semaphore_mem>> -> memref<1x!tpu.dma_semaphore, #tpu.memory_space<semaphore_mem>>
    %dma_wait3A_97 = tpu.memref_squeeze %dma_wait3A_96 : memref<1x!tpu.dma_semaphore, #tpu.memory_space<semaphore_mem>> -> memref<!tpu.dma_semaphore, #tpu.memory_space<semaphore_mem>>
    %dma_wait3A_98 = arith.constant 0 : i32
    %dma_wait3A_99 = tpu.memref_slice %arg5[%dma_wait3A_88, %dma_wait3A_98] : memref<4x128xi32, #tpu.memory_space<vmem>> -> memref<1x128xi32, #tpu.memory_space<vmem>>
    %dma_wait3A_100 = tpu.memref_squeeze %dma_wait3A_99 : memref<1x128xi32, #tpu.memory_space<vmem>> -> memref<128xi32, #tpu.memory_space<vmem>>
    %dma_wait3A_101 = arith.constant 0 : i32
    %dma_wait3A_102 = tpu.memref_slice %arg3[%dma_wait3A, %dma_wait3A_101] : memref<200x4096xi32, #tpu.memory_space<hbm>> -> memref<1x128xi32, #tpu.memory_space<hbm>>
    %dma_wait3A_103 = tpu.memref_squeeze %dma_wait3A_102 : memref<1x128xi32, #tpu.memory_space<hbm>> -> memref<128xi32, #tpu.memory_space<hbm>>
    tpu.wait_dma2 semaphore(%dma_wait3A_97 : memref<!tpu.dma_semaphore, #tpu.memory_space<semaphore_mem>>) src(%dma_wait3A_103 : memref<128xi32, #tpu.memory_space<hbm>>) dst(%dma_wait3A_100 : memref<128xi32, #tpu.memory_space<vmem>>)
    %parallel_loop3A = arith.constant 0 : i32
    %parallel_loop3A_104 = arith.constant 128 : i32
    %parallel_loop3A_105 = arith.constant 16 : i32
    scf.for %parallel_loop3A_292 = %parallel_loop3A to %parallel_loop3A_104 step %parallel_loop3A_105  : i32 {
      %parallel_loop3A_293 = arith.constant 0 : i32
      %parallel_loop3A_294 = arith.index_cast %parallel_loop3A_293 : i32 to index
      %parallel_loop3A_295 = arith.index_cast %parallel_loop3A_292 : i32 to index
      %parallel_loop3A_296 = tpu.vector_load %arg5[%parallel_loop3A_294, %parallel_loop3A_295] {strides = array<i32>} : memref<4x128xi32, #tpu.memory_space<vmem>>, vector<16xi32>,
      %parallel_loop3A_297 = arith.constant 2 : i32
      %parallel_loop3A_298 = vector.broadcast %parallel_loop3A_297 : i32 to vector<16xi32>
      %parallel_loop3A_299 = arith.shrui %parallel_loop3A_296, %parallel_loop3A_298 : vector<16xi32>
      %parallel_loop3A_300 = arith.constant 0 : i32
      %parallel_loop3A_301 = arith.index_cast %parallel_loop3A_300 : i32 to index
      %parallel_loop3A_302 = arith.index_cast %parallel_loop3A_292 : i32 to index
      %parallel_loop3A_303 = tpu.vector_load %arg6[%parallel_loop3A_301, %parallel_loop3A_302] {strides = array<i32>} : memref<4x128xi32, #tpu.memory_space<vmem>>, vector<16xi32>,
      tpu.vector_store %arg6[%parallel_loop3A_301, %parallel_loop3A_302], %parallel_loop3A_299 {strides = array<i32>} : memref<4x128xi32, #tpu.memory_space<vmem>>, vector<16xi32>,
    } {sc.loop_unroll_factor = 1 : i64, sc.parallel_access}
    %dma_start3A_106 = arith.constant 0 : i32
    %dma_start3A_107 = arith.constant 0 : i32
    %dma_start3A_108 = arith.constant 0 : i32
    %dma_start3A_109 = arith.constant 0 : i32
    %dma_start3A_110 = arith.constant 0 : i32
    %dma_start3A_111 = tpu.memref_slice %arg7[%dma_start3A_107, %dma_start3A_109, %dma_start3A_110] : memref<4x128x128xf32, #tpu.memory_space<vmem>> -> memref<1x64x128xf32, #tpu.memory_space<vmem>>
    %dma_start3A_112 = tpu.memref_squeeze %dma_start3A_111 : memref<1x64x128xf32, #tpu.memory_space<vmem>> -> memref<64x128xf32, #tpu.memory_space<vmem>>
    %dma_start3A_113 = arith.constant 0 : i32
    %dma_start3A_114 = tpu.memref_slice %arg6[%dma_start3A_106, %dma_start3A_113] : memref<4x128xi32, #tpu.memory_space<vmem>> -> memref<1x64xi32, #tpu.memory_space<vmem>>
    %dma_start3A_115 = tpu.memref_squeeze %dma_start3A_114 : memref<1x64xi32, #tpu.memory_space<vmem>> -> memref<64xi32, #tpu.memory_space<vmem>>
    %dma_start3A_116 = arith.constant 0 : i32
    %dma_start3A_117 = arith.constant 0 : i32
    %dma_start3A_118 = tpu.memref_slice %arg2[%dma_start3A_116, %dma_start3A_117] : memref<250000x128xf32, #tpu.memory_space<hbm>> -> memref<250000x128xf32, #tpu.memory_space<hbm>>
    %dma_start3A_119 = tpu.memref_slice %arg9[%dma_start3A_108] : memref<4x!tpu.dma_semaphore, #tpu.memory_space<semaphore_mem>> -> memref<1x!tpu.dma_semaphore, #tpu.memory_space<semaphore_mem>>
    %dma_start3A_120 = tpu.memref_squeeze %dma_start3A_119 : memref<1x!tpu.dma_semaphore, #tpu.memory_space<semaphore_mem>> -> memref<!tpu.dma_semaphore, #tpu.memory_space<semaphore_mem>>
    tpu.enqueue_indirect_dma source(%dma_start3A_118 : memref<250000x128xf32, #tpu.memory_space<hbm>>) target(%dma_start3A_112 : memref<64x128xf32, #tpu.memory_space<vmem>>) offsets(%dma_start3A_115 : memref<64xi32, #tpu.memory_space<vmem>>) semaphore(%dma_start3A_120 : memref<!tpu.dma_semaphore, #tpu.memory_space<semaphore_mem>>)
    %dma_start3A_121 = arith.constant 0 : i32
    %dma_start3A_122 = arith.constant 0 : i32
    %dma_start3A_123 = arith.constant 0 : i32
    %dma_start3A_124 = arith.constant 64 : i32
    %dma_start3A_125 = arith.constant 0 : i32
    %dma_start3A_126 = tpu.memref_slice %arg7[%dma_start3A_122, %dma_start3A_124, %dma_start3A_125] : memref<4x128x128xf32, #tpu.memory_space<vmem>> -> memref<1x64x128xf32, #tpu.memory_space<vmem>>
    %dma_start3A_127 = tpu.memref_squeeze %dma_start3A_126 : memref<1x64x128xf32, #tpu.memory_space<vmem>> -> memref<64x128xf32, #tpu.memory_space<vmem>>
    %dma_start3A_128 = arith.constant 64 : i32
    %dma_start3A_129 = tpu.memref_slice %arg6[%dma_start3A_121, %dma_start3A_128] : memref<4x128xi32, #tpu.memory_space<vmem>> -> memref<1x64xi32, #tpu.memory_space<vmem>>
    %dma_start3A_130 = tpu.memref_squeeze %dma_start3A_129 : memref<1x64xi32, #tpu.memory_space<vmem>> -> memref<64xi32, #tpu.memory_space<vmem>>
    %dma_start3A_131 = arith.constant 0 : i32
    %dma_start3A_132 = arith.constant 0 : i32
    %dma_start3A_133 = tpu.memref_slice %arg2[%dma_start3A_131, %dma_start3A_132] : memref<250000x128xf32, #tpu.memory_space<hbm>> -> memref<250000x128xf32, #tpu.memory_space<hbm>>
    %dma_start3A_134 = tpu.memref_slice %arg9[%dma_start3A_123] : memref<4x!tpu.dma_semaphore, #tpu.memory_space<semaphore_mem>> -> memref<1x!tpu.dma_semaphore, #tpu.memory_space<semaphore_mem>>
    %dma_start3A_135 = tpu.memref_squeeze %dma_start3A_134 : memref<1x!tpu.dma_semaphore, #tpu.memory_space<semaphore_mem>> -> memref<!tpu.dma_semaphore, #tpu.memory_space<semaphore_mem>>
    tpu.enqueue_indirect_dma source(%dma_start3A_133 : memref<250000x128xf32, #tpu.memory_space<hbm>>) target(%dma_start3A_127 : memref<64x128xf32, #tpu.memory_space<vmem>>) offsets(%dma_start3A_130 : memref<64xi32, #tpu.memory_space<vmem>>) semaphore(%dma_start3A_135 : memref<!tpu.dma_semaphore, #tpu.memory_space<semaphore_mem>>)
    %dma_wait3A_136 = arith.constant 0 : i32
    %dma_wait3A_137 = arith.constant 1 : i32
    %dma_wait3A_138 = arith.constant 1 : i32
    %dma_wait3A_139 = arith.constant 0 : i32
    %dma_wait3A_140 = tpu.memref_slice %arg5[%dma_wait3A_137, %dma_wait3A_139] : memref<4x128xi32, #tpu.memory_space<vmem>> -> memref<1x128xi32, #tpu.memory_space<vmem>>
    %dma_wait3A_141 = tpu.memref_squeeze %dma_wait3A_140 : memref<1x128xi32, #tpu.memory_space<vmem>> -> memref<128xi32, #tpu.memory_space<vmem>>
    %dma_wait3A_142 = arith.constant 0 : i32
    %dma_wait3A_143 = tpu.memref_slice %arg3[%dma_wait3A_136, %dma_wait3A_142] : memref<200x4096xi32, #tpu.memory_space<hbm>> -> memref<1x128xi32, #tpu.memory_space<hbm>>
    %dma_wait3A_144 = tpu.memref_squeeze %dma_wait3A_143 : memref<1x128xi32, #tpu.memory_space<hbm>> -> memref<128xi32, #tpu.memory_space<hbm>>
    %dma_wait3A_145 = tpu.memref_slice %arg11[%dma_wait3A_138] : memref<4x!tpu.dma_semaphore, #tpu.memory_space<semaphore_mem>> -> memref<1x!tpu.dma_semaphore, #tpu.memory_space<semaphore_mem>>
    %dma_wait3A_146 = tpu.memref_squeeze %dma_wait3A_145 : memref<1x!tpu.dma_semaphore, #tpu.memory_space<semaphore_mem>> -> memref<!tpu.dma_semaphore, #tpu.memory_space<semaphore_mem>>
    %dma_wait3A_147 = arith.constant 0 : i32
    %dma_wait3A_148 = tpu.memref_slice %arg5[%dma_wait3A_137, %dma_wait3A_147] : memref<4x128xi32, #tpu.memory_space<vmem>> -> memref<1x128xi32, #tpu.memory_space<vmem>>
    %dma_wait3A_149 = tpu.memref_squeeze %dma_wait3A_148 : memref<1x128xi32, #tpu.memory_space<vmem>> -> memref<128xi32, #tpu.memory_space<vmem>>
    %dma_wait3A_150 = arith.constant 0 : i32
    %dma_wait3A_151 = tpu.memref_slice %arg3[%dma_wait3A_136, %dma_wait3A_150] : memref<200x4096xi32, #tpu.memory_space<hbm>> -> memref<1x128xi32, #tpu.memory_space<hbm>>
    %dma_wait3A_152 = tpu.memref_squeeze %dma_wait3A_151 : memref<1x128xi32, #tpu.memory_space<hbm>> -> memref<128xi32, #tpu.memory_space<hbm>>
    tpu.wait_dma2 semaphore(%dma_wait3A_146 : memref<!tpu.dma_semaphore, #tpu.memory_space<semaphore_mem>>) src(%dma_wait3A_152 : memref<128xi32, #tpu.memory_space<hbm>>) dst(%dma_wait3A_149 : memref<128xi32, #tpu.memory_space<vmem>>)
    %parallel_loop3A_153 = arith.constant 0 : i32
    %parallel_loop3A_154 = arith.constant 128 : i32
    %parallel_loop3A_155 = arith.constant 16 : i32
    scf.for %parallel_loop3A_292 = %parallel_loop3A_153 to %parallel_loop3A_154 step %parallel_loop3A_155  : i32 {
      %parallel_loop3A_293 = arith.constant 1 : i32
      %parallel_loop3A_294 = arith.index_cast %parallel_loop3A_293 : i32 to index
      %parallel_loop3A_295 = arith.index_cast %parallel_loop3A_292 : i32 to index
      %parallel_loop3A_296 = tpu.vector_load %arg5[%parallel_loop3A_294, %parallel_loop3A_295] {strides = array<i32>} : memref<4x128xi32, #tpu.memory_space<vmem>>, vector<16xi32>,
      %parallel_loop3A_297 = arith.constant 2 : i32
      %parallel_loop3A_298 = vector.broadcast %parallel_loop3A_297 : i32 to vector<16xi32>
      %parallel_loop3A_299 = arith.shrui %parallel_loop3A_296, %parallel_loop3A_298 : vector<16xi32>
      %parallel_loop3A_300 = arith.constant 1 : i32
      %parallel_loop3A_301 = arith.index_cast %parallel_loop3A_300 : i32 to index
      %parallel_loop3A_302 = arith.index_cast %parallel_loop3A_292 : i32 to index
      %parallel_loop3A_303 = tpu.vector_load %arg6[%parallel_loop3A_301, %parallel_loop3A_302] {strides = array<i32>} : memref<4x128xi32, #tpu.memory_space<vmem>>, vector<16xi32>,
      tpu.vector_store %arg6[%parallel_loop3A_301, %parallel_loop3A_302], %parallel_loop3A_299 {strides = array<i32>} : memref<4x128xi32, #tpu.memory_space<vmem>>, vector<16xi32>,
    } {sc.loop_unroll_factor = 1 : i64, sc.parallel_access}
    %dma_start3A_156 = arith.constant 1 : i32
    %dma_start3A_157 = arith.constant 1 : i32
    %dma_start3A_158 = arith.constant 1 : i32
    %dma_start3A_159 = arith.constant 0 : i32
    %dma_start3A_160 = arith.constant 0 : i32
    %dma_start3A_161 = tpu.memref_slice %arg7[%dma_start3A_157, %dma_start3A_159, %dma_start3A_160] : memref<4x128x128xf32, #tpu.memory_space<vmem>> -> memref<1x64x128xf32, #tpu.memory_space<vmem>>
    %dma_start3A_162 = tpu.memref_squeeze %dma_start3A_161 : memref<1x64x128xf32, #tpu.memory_space<vmem>> -> memref<64x128xf32, #tpu.memory_space<vmem>>
    %dma_start3A_163 = arith.constant 0 : i32
    %dma_start3A_164 = tpu.memref_slice %arg6[%dma_start3A_156, %dma_start3A_163] : memref<4x128xi32, #tpu.memory_space<vmem>> -> memref<1x64xi32, #tpu.memory_space<vmem>>
    %dma_start3A_165 = tpu.memref_squeeze %dma_start3A_164 : memref<1x64xi32, #tpu.memory_space<vmem>> -> memref<64xi32, #tpu.memory_space<vmem>>
    %dma_start3A_166 = arith.constant 0 : i32
    %dma_start3A_167 = arith.constant 0 : i32
    %dma_start3A_168 = tpu.memref_slice %arg2[%dma_start3A_166, %dma_start3A_167] : memref<250000x128xf32, #tpu.memory_space<hbm>> -> memref<250000x128xf32, #tpu.memory_space<hbm>>
    %dma_start3A_169 = tpu.memref_slice %arg9[%dma_start3A_158] : memref<4x!tpu.dma_semaphore, #tpu.memory_space<semaphore_mem>> -> memref<1x!tpu.dma_semaphore, #tpu.memory_space<semaphore_mem>>
    %dma_start3A_170 = tpu.memref_squeeze %dma_start3A_169 : memref<1x!tpu.dma_semaphore, #tpu.memory_space<semaphore_mem>> -> memref<!tpu.dma_semaphore, #tpu.memory_space<semaphore_mem>>
    tpu.enqueue_indirect_dma source(%dma_start3A_168 : memref<250000x128xf32, #tpu.memory_space<hbm>>) target(%dma_start3A_162 : memref<64x128xf32, #tpu.memory_space<vmem>>) offsets(%dma_start3A_165 : memref<64xi32, #tpu.memory_space<vmem>>) semaphore(%dma_start3A_170 : memref<!tpu.dma_semaphore, #tpu.memory_space<semaphore_mem>>)
    %dma_start3A_171 = arith.constant 1 : i32
    %dma_start3A_172 = arith.constant 1 : i32
    %dma_start3A_173 = arith.constant 1 : i32
    %dma_start3A_174 = arith.constant 64 : i32
    %dma_start3A_175 = arith.constant 0 : i32
    %dma_start3A_176 = tpu.memref_slice %arg7[%dma_start3A_172, %dma_start3A_174, %dma_start3A_175] : memref<4x128x128xf32, #tpu.memory_space<vmem>> -> memref<1x64x128xf32, #tpu.memory_space<vmem>>
    %dma_start3A_177 = tpu.memref_squeeze %dma_start3A_176 : memref<1x64x128xf32, #tpu.memory_space<vmem>> -> memref<64x128xf32, #tpu.memory_space<vmem>>
    %dma_start3A_178 = arith.constant 64 : i32
    %dma_start3A_179 = tpu.memref_slice %arg6[%dma_start3A_171, %dma_start3A_178] : memref<4x128xi32, #tpu.memory_space<vmem>> -> memref<1x64xi32, #tpu.memory_space<vmem>>
    %dma_start3A_180 = tpu.memref_squeeze %dma_start3A_179 : memref<1x64xi32, #tpu.memory_space<vmem>> -> memref<64xi32, #tpu.memory_space<vmem>>
    %dma_start3A_181 = arith.constant 0 : i32
    %dma_start3A_182 = arith.constant 0 : i32
    %dma_start3A_183 = tpu.memref_slice %arg2[%dma_start3A_181, %dma_start3A_182] : memref<250000x128xf32, #tpu.memory_space<hbm>> -> memref<250000x128xf32, #tpu.memory_space<hbm>>
    %dma_start3A_184 = tpu.memref_slice %arg9[%dma_start3A_173] : memref<4x!tpu.dma_semaphore, #tpu.memory_space<semaphore_mem>> -> memref<1x!tpu.dma_semaphore, #tpu.memory_space<semaphore_mem>>
    %dma_start3A_185 = tpu.memref_squeeze %dma_start3A_184 : memref<1x!tpu.dma_semaphore, #tpu.memory_space<semaphore_mem>> -> memref<!tpu.dma_semaphore, #tpu.memory_space<semaphore_mem>>
    tpu.enqueue_indirect_dma source(%dma_start3A_183 : memref<250000x128xf32, #tpu.memory_space<hbm>>) target(%dma_start3A_177 : memref<64x128xf32, #tpu.memory_space<vmem>>) offsets(%dma_start3A_180 : memref<64xi32, #tpu.memory_space<vmem>>) semaphore(%dma_start3A_185 : memref<!tpu.dma_semaphore, #tpu.memory_space<semaphore_mem>>)
    %dma_wait3A_186 = arith.constant 0 : i32
    %dma_wait3A_187 = arith.constant 2 : i32
    %dma_wait3A_188 = arith.constant 2 : i32
    %dma_wait3A_189 = arith.constant 0 : i32
    %dma_wait3A_190 = tpu.memref_slice %arg5[%dma_wait3A_187, %dma_wait3A_189] : memref<4x128xi32, #tpu.memory_space<vmem>> -> memref<1x128xi32, #tpu.memory_space<vmem>>
    %dma_wait3A_191 = tpu.memref_squeeze %dma_wait3A_190 : memref<1x128xi32, #tpu.memory_space<vmem>> -> memref<128xi32, #tpu.memory_space<vmem>>
    %dma_wait3A_192 = arith.constant 0 : i32
    %dma_wait3A_193 = tpu.memref_slice %arg3[%dma_wait3A_186, %dma_wait3A_192] : memref<200x4096xi32, #tpu.memory_space<hbm>> -> memref<1x128xi32, #tpu.memory_space<hbm>>
    %dma_wait3A_194 = tpu.memref_squeeze %dma_wait3A_193 : memref<1x128xi32, #tpu.memory_space<hbm>> -> memref<128xi32, #tpu.memory_space<hbm>>
    %dma_wait3A_195 = tpu.memref_slice %arg11[%dma_wait3A_188] : memref<4x!tpu.dma_semaphore, #tpu.memory_space<semaphore_mem>> -> memref<1x!tpu.dma_semaphore, #tpu.memory_space<semaphore_mem>>
    %dma_wait3A_196 = tpu.memref_squeeze %dma_wait3A_195 : memref<1x!tpu.dma_semaphore, #tpu.memory_space<semaphore_mem>> -> memref<!tpu.dma_semaphore, #tpu.memory_space<semaphore_mem>>
    %dma_wait3A_197 = arith.constant 0 : i32
    %dma_wait3A_198 = tpu.memref_slice %arg5[%dma_wait3A_187, %dma_wait3A_197] : memref<4x128xi32, #tpu.memory_space<vmem>> -> memref<1x128xi32, #tpu.memory_space<vmem>>
    %dma_wait3A_199 = tpu.memref_squeeze %dma_wait3A_198 : memref<1x128xi32, #tpu.memory_space<vmem>> -> memref<128xi32, #tpu.memory_space<vmem>>
    %dma_wait3A_200 = arith.constant 0 : i32
    %dma_wait3A_201 = tpu.memref_slice %arg3[%dma_wait3A_186, %dma_wait3A_200] : memref<200x4096xi32, #tpu.memory_space<hbm>> -> memref<1x128xi32, #tpu.memory_space<hbm>>
    %dma_wait3A_202 = tpu.memref_squeeze %dma_wait3A_201 : memref<1x128xi32, #tpu.memory_space<hbm>> -> memref<128xi32, #tpu.memory_space<hbm>>
    tpu.wait_dma2 semaphore(%dma_wait3A_196 : memref<!tpu.dma_semaphore, #tpu.memory_space<semaphore_mem>>) src(%dma_wait3A_202 : memref<128xi32, #tpu.memory_space<hbm>>) dst(%dma_wait3A_199 : memref<128xi32, #tpu.memory_space<vmem>>)
    %parallel_loop3A_203 = arith.constant 0 : i32
    %parallel_loop3A_204 = arith.constant 128 : i32
    %parallel_loop3A_205 = arith.constant 16 : i32
    scf.for %parallel_loop3A_292 = %parallel_loop3A_203 to %parallel_loop3A_204 step %parallel_loop3A_205  : i32 {
      %parallel_loop3A_293 = arith.constant 2 : i32
      %parallel_loop3A_294 = arith.index_cast %parallel_loop3A_293 : i32 to index
      %parallel_loop3A_295 = arith.index_cast %parallel_loop3A_292 : i32 to index
      %parallel_loop3A_296 = tpu.vector_load %arg5[%parallel_loop3A_294, %parallel_loop3A_295] {strides = array<i32>} : memref<4x128xi32, #tpu.memory_space<vmem>>, vector<16xi32>,
      %parallel_loop3A_297 = arith.constant 2 : i32
      %parallel_loop3A_298 = vector.broadcast %parallel_loop3A_297 : i32 to vector<16xi32>
      %parallel_loop3A_299 = arith.shrui %parallel_loop3A_296, %parallel_loop3A_298 : vector<16xi32>
      %parallel_loop3A_300 = arith.constant 2 : i32
      %parallel_loop3A_301 = arith.index_cast %parallel_loop3A_300 : i32 to index
      %parallel_loop3A_302 = arith.index_cast %parallel_loop3A_292 : i32 to index
      %parallel_loop3A_303 = tpu.vector_load %arg6[%parallel_loop3A_301, %parallel_loop3A_302] {strides = array<i32>} : memref<4x128xi32, #tpu.memory_space<vmem>>, vector<16xi32>,
      tpu.vector_store %arg6[%parallel_loop3A_301, %parallel_loop3A_302], %parallel_loop3A_299 {strides = array<i32>} : memref<4x128xi32, #tpu.memory_space<vmem>>, vector<16xi32>,
    } {sc.loop_unroll_factor = 1 : i64, sc.parallel_access}
    %dma_start3A_206 = arith.constant 2 : i32
    %dma_start3A_207 = arith.constant 2 : i32
    %dma_start3A_208 = arith.constant 2 : i32
    %dma_start3A_209 = arith.constant 0 : i32
    %dma_start3A_210 = arith.constant 0 : i32
    %dma_start3A_211 = tpu.memref_slice %arg7[%dma_start3A_207, %dma_start3A_209, %dma_start3A_210] : memref<4x128x128xf32, #tpu.memory_space<vmem>> -> memref<1x64x128xf32, #tpu.memory_space<vmem>>
    %dma_start3A_212 = tpu.memref_squeeze %dma_start3A_211 : memref<1x64x128xf32, #tpu.memory_space<vmem>> -> memref<64x128xf32, #tpu.memory_space<vmem>>
    %dma_start3A_213 = arith.constant 0 : i32
    %dma_start3A_214 = tpu.memref_slice %arg6[%dma_start3A_206, %dma_start3A_213] : memref<4x128xi32, #tpu.memory_space<vmem>> -> memref<1x64xi32, #tpu.memory_space<vmem>>
    %dma_start3A_215 = tpu.memref_squeeze %dma_start3A_214 : memref<1x64xi32, #tpu.memory_space<vmem>> -> memref<64xi32, #tpu.memory_space<vmem>>
    %dma_start3A_216 = arith.constant 0 : i32
    %dma_start3A_217 = arith.constant 0 : i32
    %dma_start3A_218 = tpu.memref_slice %arg2[%dma_start3A_216, %dma_start3A_217] : memref<250000x128xf32, #tpu.memory_space<hbm>> -> memref<250000x128xf32, #tpu.memory_space<hbm>>
    %dma_start3A_219 = tpu.memref_slice %arg9[%dma_start3A_208] : memref<4x!tpu.dma_semaphore, #tpu.memory_space<semaphore_mem>> -> memref<1x!tpu.dma_semaphore, #tpu.memory_space<semaphore_mem>>
    %dma_start3A_220 = tpu.memref_squeeze %dma_start3A_219 : memref<1x!tpu.dma_semaphore, #tpu.memory_space<semaphore_mem>> -> memref<!tpu.dma_semaphore, #tpu.memory_space<semaphore_mem>>
    tpu.enqueue_indirect_dma source(%dma_start3A_218 : memref<250000x128xf32, #tpu.memory_space<hbm>>) target(%dma_start3A_212 : memref<64x128xf32, #tpu.memory_space<vmem>>) offsets(%dma_start3A_215 : memref<64xi32, #tpu.memory_space<vmem>>) semaphore(%dma_start3A_220 : memref<!tpu.dma_semaphore, #tpu.memory_space<semaphore_mem>>)
    %dma_start3A_221 = arith.constant 2 : i32
    %dma_start3A_222 = arith.constant 2 : i32
    %dma_start3A_223 = arith.constant 2 : i32
    %dma_start3A_224 = arith.constant 64 : i32
    %dma_start3A_225 = arith.constant 0 : i32
    %dma_start3A_226 = tpu.memref_slice %arg7[%dma_start3A_222, %dma_start3A_224, %dma_start3A_225] : memref<4x128x128xf32, #tpu.memory_space<vmem>> -> memref<1x64x128xf32, #tpu.memory_space<vmem>>
    %dma_start3A_227 = tpu.memref_squeeze %dma_start3A_226 : memref<1x64x128xf32, #tpu.memory_space<vmem>> -> memref<64x128xf32, #tpu.memory_space<vmem>>
    %dma_start3A_228 = arith.constant 64 : i32
    %dma_start3A_229 = tpu.memref_slice %arg6[%dma_start3A_221, %dma_start3A_228] : memref<4x128xi32, #tpu.memory_space<vmem>> -> memref<1x64xi32, #tpu.memory_space<vmem>>
    %dma_start3A_230 = tpu.memref_squeeze %dma_start3A_229 : memref<1x64xi32, #tpu.memory_space<vmem>> -> memref<64xi32, #tpu.memory_space<vmem>>
    %dma_start3A_231 = arith.constant 0 : i32
    %dma_start3A_232 = arith.constant 0 : i32
    %dma_start3A_233 = tpu.memref_slice %arg2[%dma_start3A_231, %dma_start3A_232] : memref<250000x128xf32, #tpu.memory_space<hbm>> -> memref<250000x128xf32, #tpu.memory_space<hbm>>
    %dma_start3A_234 = tpu.memref_slice %arg9[%dma_start3A_223] : memref<4x!tpu.dma_semaphore, #tpu.memory_space<semaphore_mem>> -> memref<1x!tpu.dma_semaphore, #tpu.memory_space<semaphore_mem>>
    %dma_start3A_235 = tpu.memref_squeeze %dma_start3A_234 : memref<1x!tpu.dma_semaphore, #tpu.memory_space<semaphore_mem>> -> memref<!tpu.dma_semaphore, #tpu.memory_space<semaphore_mem>>
    tpu.enqueue_indirect_dma source(%dma_start3A_233 : memref<250000x128xf32, #tpu.memory_space<hbm>>) target(%dma_start3A_227 : memref<64x128xf32, #tpu.memory_space<vmem>>) offsets(%dma_start3A_230 : memref<64xi32, #tpu.memory_space<vmem>>) semaphore(%dma_start3A_235 : memref<!tpu.dma_semaphore, #tpu.memory_space<semaphore_mem>>)
    %scan3A = arith.constant 0 : i32
    %scan3A_236 = arith.constant 50 : i32
    %scan3A_237 = arith.addi %scan3A, %scan3A_236 : i32
    %scan3A_238 = arith.constant 1 : i32
    scf.for %scan3A_292 = %scan3A to %scan3A_237 step %scan3A_238  : i32 {
      %mul3A_293 = arith.constant 1 : i32
      %mul3A_294 = arith.muli %scan3A_292, %mul3A_293 : i32
      %add3A_295 = arith.constant 0 : i32
      %add3A_296 = arith.addi %add3A_295, %mul3A_294 : i32
      %mul3A_297 = arith.constant 4 : i32
      %mul3A_298 = arith.muli %add3A_296, %mul3A_297 : i32
      %add3A_299 = arith.constant 0 : i32
      %add3A_300 = arith.addi %mul3A_298, %add3A_299 : i32
      %dma_wait3A_301 = arith.constant 0 : i32
      %dma_wait3A_302 = arith.constant 0 : i32
      %dma_wait3A_303 = arith.constant 0 : i32
      %dma_wait3A_304 = arith.constant 0 : i32
      %dma_wait3A_305 = arith.constant 0 : i32
      %dma_wait3A_306 = tpu.memref_slice %arg7[%dma_wait3A_302, %dma_wait3A_304, %dma_wait3A_305] : memref<4x128x128xf32, #tpu.memory_space<vmem>> -> memref<1x64x128xf32, #tpu.memory_space<vmem>>
      %dma_wait3A_307 = tpu.memref_squeeze %dma_wait3A_306 : memref<1x64x128xf32, #tpu.memory_space<vmem>> -> memref<64x128xf32, #tpu.memory_space<vmem>>
      %dma_wait3A_308 = arith.constant 0 : i32
      %dma_wait3A_309 = tpu.memref_slice %arg6[%dma_wait3A_301, %dma_wait3A_308] : memref<4x128xi32, #tpu.memory_space<vmem>> -> memref<1x64xi32, #tpu.memory_space<vmem>>
      %dma_wait3A_310 = tpu.memref_squeeze %dma_wait3A_309 : memref<1x64xi32, #tpu.memory_space<vmem>> -> memref<64xi32, #tpu.memory_space<vmem>>
      %dma_wait3A_311 = arith.constant 0 : i32
      %dma_wait3A_312 = arith.constant 0 : i32
      %dma_wait3A_313 = tpu.memref_slice %arg2[%dma_wait3A_311, %dma_wait3A_312] : memref<250000x128xf32, #tpu.memory_space<hbm>> -> memref<250000x128xf32, #tpu.memory_space<hbm>>
      %dma_wait3A_314 = tpu.memref_slice %arg9[%dma_wait3A_303] : memref<4x!tpu.dma_semaphore, #tpu.memory_space<semaphore_mem>> -> memref<1x!tpu.dma_semaphore, #tpu.memory_space<semaphore_mem>>
      %dma_wait3A_315 = tpu.memref_squeeze %dma_wait3A_314 : memref<1x!tpu.dma_semaphore, #tpu.memory_space<semaphore_mem>> -> memref<!tpu.dma_semaphore, #tpu.memory_space<semaphore_mem>>
      tpu.wait_indirect_dma semaphore(%dma_wait3A_315 : memref<!tpu.dma_semaphore, #tpu.memory_space<semaphore_mem>>) src(%dma_wait3A_313 : memref<250000x128xf32, #tpu.memory_space<hbm>>) dst(%dma_wait3A_307 : memref<64x128xf32, #tpu.memory_space<vmem>>)
      %dma_wait3A_316 = arith.constant 0 : i32
      %dma_wait3A_317 = arith.constant 0 : i32
      %dma_wait3A_318 = arith.constant 0 : i32
      %dma_wait3A_319 = arith.constant 64 : i32
      %dma_wait3A_320 = arith.constant 0 : i32
      %dma_wait3A_321 = tpu.memref_slice %arg7[%dma_wait3A_317, %dma_wait3A_319, %dma_wait3A_320] : memref<4x128x128xf32, #tpu.memory_space<vmem>> -> memref<1x64x128xf32, #tpu.memory_space<vmem>>
      %dma_wait3A_322 = tpu.memref_squeeze %dma_wait3A_321 : memref<1x64x128xf32, #tpu.memory_space<vmem>> -> memref<64x128xf32, #tpu.memory_space<vmem>>
      %dma_wait3A_323 = arith.constant 64 : i32
      %dma_wait3A_324 = tpu.memref_slice %arg6[%dma_wait3A_316, %dma_wait3A_323] : memref<4x128xi32, #tpu.memory_space<vmem>> -> memref<1x64xi32, #tpu.memory_space<vmem>>
      %dma_wait3A_325 = tpu.memref_squeeze %dma_wait3A_324 : memref<1x64xi32, #tpu.memory_space<vmem>> -> memref<64xi32, #tpu.memory_space<vmem>>
      %dma_wait3A_326 = arith.constant 0 : i32
      %dma_wait3A_327 = arith.constant 0 : i32
      %dma_wait3A_328 = tpu.memref_slice %arg2[%dma_wait3A_326, %dma_wait3A_327] : memref<250000x128xf32, #tpu.memory_space<hbm>> -> memref<250000x128xf32, #tpu.memory_space<hbm>>
      %dma_wait3A_329 = tpu.memref_slice %arg9[%dma_wait3A_318] : memref<4x!tpu.dma_semaphore, #tpu.memory_space<semaphore_mem>> -> memref<1x!tpu.dma_semaphore, #tpu.memory_space<semaphore_mem>>
      %dma_wait3A_330 = tpu.memref_squeeze %dma_wait3A_329 : memref<1x!tpu.dma_semaphore, #tpu.memory_space<semaphore_mem>> -> memref<!tpu.dma_semaphore, #tpu.memory_space<semaphore_mem>>
      tpu.wait_indirect_dma semaphore(%dma_wait3A_330 : memref<!tpu.dma_semaphore, #tpu.memory_space<semaphore_mem>>) src(%dma_wait3A_328 : memref<250000x128xf32, #tpu.memory_space<hbm>>) dst(%dma_wait3A_322 : memref<64x128xf32, #tpu.memory_space<vmem>>)
      %add3A_331 = arith.constant 4 : i32
      %add3A_332 = arith.addi %add3A_300, %add3A_331 : i32
      %sub3A = arith.constant 1 : i32
      %sub3A_333 = arith.subi %add3A_332, %sub3A : i32
      %lt3A = arith.constant 200 : i32
      %lt3A_334 = arith.cmpi slt, %sub3A_333, %lt3A : i32
      %convert_element_type3A = arith.extui %lt3A_334 : i1 to i32
      %cond3A = arith.constant 0 : i32
      %cond3A_335 = arith.cmpi ne, %convert_element_type3A, %cond3A : i32
      scf.if %cond3A_335 {
        %dma_wait3A_624 = arith.constant 0 : i32
        %dma_wait3A_625 = arith.constant 3 : i32
        %dma_wait3A_626 = arith.constant 3 : i32
        %dma_wait3A_627 = arith.constant 0 : i32
        %dma_wait3A_628 = tpu.memref_slice %arg5[%dma_wait3A_625, %dma_wait3A_627] : memref<4x128xi32, #tpu.memory_space<vmem>> -> memref<1x128xi32, #tpu.memory_space<vmem>>
        %dma_wait3A_629 = tpu.memref_squeeze %dma_wait3A_628 : memref<1x128xi32, #tpu.memory_space<vmem>> -> memref<128xi32, #tpu.memory_space<vmem>>
        %dma_wait3A_630 = arith.constant 0 : i32
        %dma_wait3A_631 = tpu.memref_slice %arg3[%dma_wait3A_624, %dma_wait3A_630] : memref<200x4096xi32, #tpu.memory_space<hbm>> -> memref<1x128xi32, #tpu.memory_space<hbm>>
        %dma_wait3A_632 = tpu.memref_squeeze %dma_wait3A_631 : memref<1x128xi32, #tpu.memory_space<hbm>> -> memref<128xi32, #tpu.memory_space<hbm>>
        %dma_wait3A_633 = tpu.memref_slice %arg11[%dma_wait3A_626] : memref<4x!tpu.dma_semaphore, #tpu.memory_space<semaphore_mem>> -> memref<1x!tpu.dma_semaphore, #tpu.memory_space<semaphore_mem>>
        %dma_wait3A_634 = tpu.memref_squeeze %dma_wait3A_633 : memref<1x!tpu.dma_semaphore, #tpu.memory_space<semaphore_mem>> -> memref<!tpu.dma_semaphore, #tpu.memory_space<semaphore_mem>>
        %dma_wait3A_635 = arith.constant 0 : i32
        %dma_wait3A_636 = tpu.memref_slice %arg5[%dma_wait3A_625, %dma_wait3A_635] : memref<4x128xi32, #tpu.memory_space<vmem>> -> memref<1x128xi32, #tpu.memory_space<vmem>>
        %dma_wait3A_637 = tpu.memref_squeeze %dma_wait3A_636 : memref<1x128xi32, #tpu.memory_space<vmem>> -> memref<128xi32, #tpu.memory_space<vmem>>
        %dma_wait3A_638 = arith.constant 0 : i32
        %dma_wait3A_639 = tpu.memref_slice %arg3[%dma_wait3A_624, %dma_wait3A_638] : memref<200x4096xi32, #tpu.memory_space<hbm>> -> memref<1x128xi32, #tpu.memory_space<hbm>>
        %dma_wait3A_640 = tpu.memref_squeeze %dma_wait3A_639 : memref<1x128xi32, #tpu.memory_space<hbm>> -> memref<128xi32, #tpu.memory_space<hbm>>
        tpu.wait_dma2 semaphore(%dma_wait3A_634 : memref<!tpu.dma_semaphore, #tpu.memory_space<semaphore_mem>>) src(%dma_wait3A_640 : memref<128xi32, #tpu.memory_space<hbm>>) dst(%dma_wait3A_637 : memref<128xi32, #tpu.memory_space<vmem>>)
        %parallel_loop3A_641 = arith.constant 0 : i32
        %parallel_loop3A_642 = arith.constant 128 : i32
        %parallel_loop3A_643 = arith.constant 16 : i32
        scf.for %parallel_loop3A_674 = %parallel_loop3A_641 to %parallel_loop3A_642 step %parallel_loop3A_643  : i32 {
          %parallel_loop3A_675 = arith.constant 3 : i32
          %parallel_loop3A_676 = arith.index_cast %parallel_loop3A_675 : i32 to index
          %parallel_loop3A_677 = arith.index_cast %parallel_loop3A_674 : i32 to index
          %parallel_loop3A_678 = tpu.vector_load %arg5[%parallel_loop3A_676, %parallel_loop3A_677] {strides = array<i32>} : memref<4x128xi32, #tpu.memory_space<vmem>>, vector<16xi32>,
          %parallel_loop3A_679 = arith.constant 2 : i32
          %parallel_loop3A_680 = vector.broadcast %parallel_loop3A_679 : i32 to vector<16xi32>
          %parallel_loop3A_681 = arith.shrui %parallel_loop3A_678, %parallel_loop3A_680 : vector<16xi32>
          %parallel_loop3A_682 = arith.constant 3 : i32
          %parallel_loop3A_683 = arith.index_cast %parallel_loop3A_682 : i32 to index
          %parallel_loop3A_684 = arith.index_cast %parallel_loop3A_674 : i32 to index
          %parallel_loop3A_685 = tpu.vector_load %arg6[%parallel_loop3A_683, %parallel_loop3A_684] {strides = array<i32>} : memref<4x128xi32, #tpu.memory_space<vmem>>, vector<16xi32>,
          tpu.vector_store %arg6[%parallel_loop3A_683, %parallel_loop3A_684], %parallel_loop3A_681 {strides = array<i32>} : memref<4x128xi32, #tpu.memory_space<vmem>>, vector<16xi32>,
        } {sc.loop_unroll_factor = 1 : i64, sc.parallel_access}
        %dma_start3A_644 = arith.constant 3 : i32
        %dma_start3A_645 = arith.constant 3 : i32
        %dma_start3A_646 = arith.constant 3 : i32
        %dma_start3A_647 = arith.constant 0 : i32
        %dma_start3A_648 = arith.constant 0 : i32
        %dma_start3A_649 = tpu.memref_slice %arg7[%dma_start3A_645, %dma_start3A_647, %dma_start3A_648] : memref<4x128x128xf32, #tpu.memory_space<vmem>> -> memref<1x64x128xf32, #tpu.memory_space<vmem>>
        %dma_start3A_650 = tpu.memref_squeeze %dma_start3A_649 : memref<1x64x128xf32, #tpu.memory_space<vmem>> -> memref<64x128xf32, #tpu.memory_space<vmem>>
        %dma_start3A_651 = arith.constant 0 : i32
        %dma_start3A_652 = tpu.memref_slice %arg6[%dma_start3A_644, %dma_start3A_651] : memref<4x128xi32, #tpu.memory_space<vmem>> -> memref<1x64xi32, #tpu.memory_space<vmem>>
        %dma_start3A_653 = tpu.memref_squeeze %dma_start3A_652 : memref<1x64xi32, #tpu.memory_space<vmem>> -> memref<64xi32, #tpu.memory_space<vmem>>
        %dma_start3A_654 = arith.constant 0 : i32
        %dma_start3A_655 = arith.constant 0 : i32
        %dma_start3A_656 = tpu.memref_slice %arg2[%dma_start3A_654, %dma_start3A_655] : memref<250000x128xf32, #tpu.memory_space<hbm>> -> memref<250000x128xf32, #tpu.memory_space<hbm>>
        %dma_start3A_657 = tpu.memref_slice %arg9[%dma_start3A_646] : memref<4x!tpu.dma_semaphore, #tpu.memory_space<semaphore_mem>> -> memref<1x!tpu.dma_semaphore, #tpu.memory_space<semaphore_mem>>
        %dma_start3A_658 = tpu.memref_squeeze %dma_start3A_657 : memref<1x!tpu.dma_semaphore, #tpu.memory_space<semaphore_mem>> -> memref<!tpu.dma_semaphore, #tpu.memory_space<semaphore_mem>>
        tpu.enqueue_indirect_dma source(%dma_start3A_656 : memref<250000x128xf32, #tpu.memory_space<hbm>>) target(%dma_start3A_650 : memref<64x128xf32, #tpu.memory_space<vmem>>) offsets(%dma_start3A_653 : memref<64xi32, #tpu.memory_space<vmem>>) semaphore(%dma_start3A_658 : memref<!tpu.dma_semaphore, #tpu.memory_space<semaphore_mem>>)
        %dma_start3A_659 = arith.constant 3 : i32
        %dma_start3A_660 = arith.constant 3 : i32
        %dma_start3A_661 = arith.constant 3 : i32
        %dma_start3A_662 = arith.constant 64 : i32
        %dma_start3A_663 = arith.constant 0 : i32
        %dma_start3A_664 = tpu.memref_slice %arg7[%dma_start3A_660, %dma_start3A_662, %dma_start3A_663] : memref<4x128x128xf32, #tpu.memory_space<vmem>> -> memref<1x64x128xf32, #tpu.memory_space<vmem>>
        %dma_start3A_665 = tpu.memref_squeeze %dma_start3A_664 : memref<1x64x128xf32, #tpu.memory_space<vmem>> -> memref<64x128xf32, #tpu.memory_space<vmem>>
        %dma_start3A_666 = arith.constant 64 : i32
        %dma_start3A_667 = tpu.memref_slice %arg6[%dma_start3A_659, %dma_start3A_666] : memref<4x128xi32, #tpu.memory_space<vmem>> -> memref<1x64xi32, #tpu.memory_space<vmem>>
        %dma_start3A_668 = tpu.memref_squeeze %dma_start3A_667 : memref<1x64xi32, #tpu.memory_space<vmem>> -> memref<64xi32, #tpu.memory_space<vmem>>
        %dma_start3A_669 = arith.constant 0 : i32
        %dma_start3A_670 = arith.constant 0 : i32
        %dma_start3A_671 = tpu.memref_slice %arg2[%dma_start3A_669, %dma_start3A_670] : memref<250000x128xf32, #tpu.memory_space<hbm>> -> memref<250000x128xf32, #tpu.memory_space<hbm>>
        %dma_start3A_672 = tpu.memref_slice %arg9[%dma_start3A_661] : memref<4x!tpu.dma_semaphore, #tpu.memory_space<semaphore_mem>> -> memref<1x!tpu.dma_semaphore, #tpu.memory_space<semaphore_mem>>
        %dma_start3A_673 = tpu.memref_squeeze %dma_start3A_672 : memref<1x!tpu.dma_semaphore, #tpu.memory_space<semaphore_mem>> -> memref<!tpu.dma_semaphore, #tpu.memory_space<semaphore_mem>>
        tpu.enqueue_indirect_dma source(%dma_start3A_671 : memref<250000x128xf32, #tpu.memory_space<hbm>>) target(%dma_start3A_665 : memref<64x128xf32, #tpu.memory_space<vmem>>) offsets(%dma_start3A_668 : memref<64xi32, #tpu.memory_space<vmem>>) semaphore(%dma_start3A_673 : memref<!tpu.dma_semaphore, #tpu.memory_space<semaphore_mem>>)
      } else {
      }
      %ge3A = arith.constant 2 : i32
      %ge3A_336 = arith.cmpi sge, %add3A_300, %ge3A : i32
      %convert_element_type3A_337 = arith.extui %ge3A_336 : i1 to i32
      %cond3A_338 = arith.constant 0 : i32
      %cond3A_339 = arith.cmpi ne, %convert_element_type3A_337, %cond3A_338 : i32
      scf.if %cond3A_339 {
        %add3A_624 = arith.constant 0 : i32
        %add3A_625 = arith.addi %mul3A_2, %add3A_624 : i32
        %shift_right_arithmetic3A_626 = arith.constant 5 : i32
        %shift_right_arithmetic3A_627 = arith.shrsi %add3A_625, %shift_right_arithmetic3A_626 : i32
        %and3A_628 = arith.constant 31 : i32
        %and3A_629 = arith.andi %add3A_625, %and3A_628 : i32
        %mul3A_630 = arith.constant 128 : i32
        %mul3A_631 = arith.muli %and3A_629, %mul3A_630 : i32
        %dma_wait3A_632 = arith.constant 0 : i32
        %dma_wait3A_633 = arith.constant 0 : i32
        %dma_wait3A_634 = arith.constant 0 : i32
        %dma_wait3A_635 = arith.constant 0 : i32
        %dma_wait3A_636 = tpu.memref_slice %arg8[%dma_wait3A_632, %dma_wait3A_634, %dma_wait3A_635] : memref<2x32x128xf32, #tpu.memory_space<vmem>> -> memref<1x32x128xf32, #tpu.memory_space<vmem>>
        %dma_wait3A_637 = tpu.memref_squeeze %dma_wait3A_636 : memref<1x32x128xf32, #tpu.memory_space<vmem>> -> memref<32x128xf32, #tpu.memory_space<vmem>>
        %dma_wait3A_638 = arith.constant 0 : i32
        %dma_wait3A_639 = tpu.memref_slice %arg4[%shift_right_arithmetic3A_627, %dma_wait3A_638, %mul3A_631] : memref<200x32x4096xf32, #tpu.memory_space<hbm>> -> memref<1x32x128xf32, #tpu.memory_space<hbm>>
        %dma_wait3A_640 = tpu.memref_squeeze %dma_wait3A_639 : memref<1x32x128xf32, #tpu.memory_space<hbm>> -> memref<32x128xf32, #tpu.memory_space<hbm>>
        %dma_wait3A_641 = tpu.memref_slice %arg10[%dma_wait3A_633] : memref<2x!tpu.dma_semaphore, #tpu.memory_space<semaphore_mem>> -> memref<1x!tpu.dma_semaphore, #tpu.memory_space<semaphore_mem>>
        %dma_wait3A_642 = tpu.memref_squeeze %dma_wait3A_641 : memref<1x!tpu.dma_semaphore, #tpu.memory_space<semaphore_mem>> -> memref<!tpu.dma_semaphore, #tpu.memory_space<semaphore_mem>>
        %dma_wait3A_643 = arith.constant 0 : i32
        %dma_wait3A_644 = tpu.memref_slice %arg4[%shift_right_arithmetic3A_627, %dma_wait3A_643, %mul3A_631] : memref<200x32x4096xf32, #tpu.memory_space<hbm>> -> memref<1x32x128xf32, #tpu.memory_space<hbm>>
        %dma_wait3A_645 = tpu.memref_squeeze %dma_wait3A_644 : memref<1x32x128xf32, #tpu.memory_space<hbm>> -> memref<32x128xf32, #tpu.memory_space<hbm>>
        %dma_wait3A_646 = arith.constant 0 : i32
        %dma_wait3A_647 = arith.constant 0 : i32
        %dma_wait3A_648 = tpu.memref_slice %arg8[%dma_wait3A_632, %dma_wait3A_646, %dma_wait3A_647] : memref<2x32x128xf32, #tpu.memory_space<vmem>> -> memref<1x32x128xf32, #tpu.memory_space<vmem>>
        %dma_wait3A_649 = tpu.memref_squeeze %dma_wait3A_648 : memref<1x32x128xf32, #tpu.memory_space<vmem>> -> memref<32x128xf32, #tpu.memory_space<vmem>>
        tpu.wait_dma2 semaphore(%dma_wait3A_642 : memref<!tpu.dma_semaphore, #tpu.memory_space<semaphore_mem>>) src(%dma_wait3A_649 : memref<32x128xf32, #tpu.memory_space<vmem>>) dst(%dma_wait3A_645 : memref<32x128xf32, #tpu.memory_space<hbm>>)
      } else {
      }
      %parallel_loop3A_340 = arith.constant 0 : i32
      %parallel_loop3A_341 = arith.constant 128 : i32
      %parallel_loop3A_342 = arith.constant 16 : i32
      scf.for %parallel_loop3A_624 = %parallel_loop3A_340 to %parallel_loop3A_341 step %parallel_loop3A_342  : i32 {
        %parallel_loop3A_625 = vector.broadcast %parallel_loop3A_624 : i32 to vector<16xi32>
        %parallel_loop3A_626 = arith.addi %iota3A, %parallel_loop3A_625 : vector<16xi32>
        %parallel_loop3A_627 = arith.constant 0 : i32
        %parallel_loop3A_628 = arith.index_cast %parallel_loop3A_627 : i32 to index
        %parallel_loop3A_629 = arith.index_cast %parallel_loop3A_624 : i32 to index
        %parallel_loop3A_630 = tpu.vector_load %arg5[%parallel_loop3A_628, %parallel_loop3A_629] {strides = array<i32>} : memref<4x128xi32, #tpu.memory_space<vmem>>, vector<16xi32>,
        %parallel_loop3A_631 = arith.constant 3 : i32
        %parallel_loop3A_632 = vector.broadcast %parallel_loop3A_631 : i32 to vector<16xi32>
        %parallel_loop3A_633 = arith.andi %parallel_loop3A_630, %parallel_loop3A_632 : vector<16xi32>
        %parallel_loop3A_634 = arith.constant 32 : i32
        %parallel_loop3A_635 = vector.broadcast %parallel_loop3A_634 : i32 to vector<16xi32>
        %parallel_loop3A_636 = arith.muli %parallel_loop3A_633, %parallel_loop3A_635 : vector<16xi32>
        %parallel_loop3A_637 = arith.constant 0 : i32
        %parallel_loop3A_638 = vector.broadcast %parallel_loop3A_637 : i32 to vector<16xi32>
        %parallel_loop3A_639 = arith.addi %parallel_loop3A_636, %parallel_loop3A_638 : vector<16xi32>
        %parallel_loop3A_640 = arith.constant 0 : i32
        %parallel_loop3A_641 = arith.constant 0 : i32
        %parallel_loop3A_642 = arith.constant 0 : i32
        %parallel_loop3A_643 = tpu.memref_slice %arg7[%parallel_loop3A_640, %parallel_loop3A_641, %parallel_loop3A_642] : memref<4x128x128xf32, #tpu.memory_space<vmem>> -> memref<1x128x128xf32, #tpu.memory_space<vmem>>
        %parallel_loop3A_644 = tpu.memref_squeeze %parallel_loop3A_643 : memref<1x128x128xf32, #tpu.memory_space<vmem>> -> memref<128x128xf32, #tpu.memory_space<vmem>>
        %parallel_loop3A_645 = tpu.vector_load_idx %parallel_loop3A_644[%parallel_loop3A_626, %parallel_loop3A_639] : memref<128x128xf32, #tpu.memory_space<vmem>>[vector<16xi32>, vector<16xi32>], vector<16xf32>,
        %parallel_loop3A_646 = arith.constant 1 : i32
        %parallel_loop3A_647 = vector.broadcast %parallel_loop3A_646 : i32 to vector<16xi32>
        %parallel_loop3A_648 = arith.addi %parallel_loop3A_636, %parallel_loop3A_647 : vector<16xi32>
        %parallel_loop3A_649 = arith.constant 0 : i32
        %parallel_loop3A_650 = arith.constant 0 : i32
        %parallel_loop3A_651 = arith.constant 0 : i32
        %parallel_loop3A_652 = tpu.memref_slice %arg7[%parallel_loop3A_649, %parallel_loop3A_650, %parallel_loop3A_651] : memref<4x128x128xf32, #tpu.memory_space<vmem>> -> memref<1x128x128xf32, #tpu.memory_space<vmem>>
        %parallel_loop3A_653 = tpu.memref_squeeze %parallel_loop3A_652 : memref<1x128x128xf32, #tpu.memory_space<vmem>> -> memref<128x128xf32, #tpu.memory_space<vmem>>
        %parallel_loop3A_654 = tpu.vector_load_idx %parallel_loop3A_653[%parallel_loop3A_626, %parallel_loop3A_648] : memref<128x128xf32, #tpu.memory_space<vmem>>[vector<16xi32>, vector<16xi32>], vector<16xf32>,
        %parallel_loop3A_655 = arith.constant 2 : i32
        %parallel_loop3A_656 = vector.broadcast %parallel_loop3A_655 : i32 to vector<16xi32>
        %parallel_loop3A_657 = arith.addi %parallel_loop3A_636, %parallel_loop3A_656 : vector<16xi32>
        %parallel_loop3A_658 = arith.constant 0 : i32
        %parallel_loop3A_659 = arith.constant 0 : i32
        %parallel_loop3A_660 = arith.constant 0 : i32
        %parallel_loop3A_661 = tpu.memref_slice %arg7[%parallel_loop3A_658, %parallel_loop3A_659, %parallel_loop3A_660] : memref<4x128x128xf32, #tpu.memory_space<vmem>> -> memref<1x128x128xf32, #tpu.memory_space<vmem>>
        %parallel_loop3A_662 = tpu.memref_squeeze %parallel_loop3A_661 : memref<1x128x128xf32, #tpu.memory_space<vmem>> -> memref<128x128xf32, #tpu.memory_space<vmem>>
        %parallel_loop3A_663 = tpu.vector_load_idx %parallel_loop3A_662[%parallel_loop3A_626, %parallel_loop3A_657] : memref<128x128xf32, #tpu.memory_space<vmem>>[vector<16xi32>, vector<16xi32>], vector<16xf32>,
        %parallel_loop3A_664 = arith.constant 3 : i32
        %parallel_loop3A_665 = vector.broadcast %parallel_loop3A_664 : i32 to vector<16xi32>
        %parallel_loop3A_666 = arith.addi %parallel_loop3A_636, %parallel_loop3A_665 : vector<16xi32>
        %parallel_loop3A_667 = arith.constant 0 : i32
        %parallel_loop3A_668 = arith.constant 0 : i32
        %parallel_loop3A_669 = arith.constant 0 : i32
        %parallel_loop3A_670 = tpu.memref_slice %arg7[%parallel_loop3A_667, %parallel_loop3A_668, %parallel_loop3A_669] : memref<4x128x128xf32, #tpu.memory_space<vmem>> -> memref<1x128x128xf32, #tpu.memory_space<vmem>>
        %parallel_loop3A_671 = tpu.memref_squeeze %parallel_loop3A_670 : memref<1x128x128xf32, #tpu.memory_space<vmem>> -> memref<128x128xf32, #tpu.memory_space<vmem>>
        %parallel_loop3A_672 = tpu.vector_load_idx %parallel_loop3A_671[%parallel_loop3A_626, %parallel_loop3A_666] : memref<128x128xf32, #tpu.memory_space<vmem>>[vector<16xi32>, vector<16xi32>], vector<16xf32>,
        %parallel_loop3A_673 = arith.constant 4 : i32
        %parallel_loop3A_674 = vector.broadcast %parallel_loop3A_673 : i32 to vector<16xi32>
        %parallel_loop3A_675 = arith.addi %parallel_loop3A_636, %parallel_loop3A_674 : vector<16xi32>
        %parallel_loop3A_676 = arith.constant 0 : i32
        %parallel_loop3A_677 = arith.constant 0 : i32
        %parallel_loop3A_678 = arith.constant 0 : i32
        %parallel_loop3A_679 = tpu.memref_slice %arg7[%parallel_loop3A_676, %parallel_loop3A_677, %parallel_loop3A_678] : memref<4x128x128xf32, #tpu.memory_space<vmem>> -> memref<1x128x128xf32, #tpu.memory_space<vmem>>
        %parallel_loop3A_680 = tpu.memref_squeeze %parallel_loop3A_679 : memref<1x128x128xf32, #tpu.memory_space<vmem>> -> memref<128x128xf32, #tpu.memory_space<vmem>>
        %parallel_loop3A_681 = tpu.vector_load_idx %parallel_loop3A_680[%parallel_loop3A_626, %parallel_loop3A_675] : memref<128x128xf32, #tpu.memory_space<vmem>>[vector<16xi32>, vector<16xi32>], vector<16xf32>,
        %parallel_loop3A_682 = arith.constant 5 : i32
        %parallel_loop3A_683 = vector.broadcast %parallel_loop3A_682 : i32 to vector<16xi32>
        %parallel_loop3A_684 = arith.addi %parallel_loop3A_636, %parallel_loop3A_683 : vector<16xi32>
        %parallel_loop3A_685 = arith.constant 0 : i32
        %parallel_loop3A_686 = arith.constant 0 : i32
        %parallel_loop3A_687 = arith.constant 0 : i32
        %parallel_loop3A_688 = tpu.memref_slice %arg7[%parallel_loop3A_685, %parallel_loop3A_686, %parallel_loop3A_687] : memref<4x128x128xf32, #tpu.memory_space<vmem>> -> memref<1x128x128xf32, #tpu.memory_space<vmem>>
        %parallel_loop3A_689 = tpu.memref_squeeze %parallel_loop3A_688 : memref<1x128x128xf32, #tpu.memory_space<vmem>> -> memref<128x128xf32, #tpu.memory_space<vmem>>
        %parallel_loop3A_690 = tpu.vector_load_idx %parallel_loop3A_689[%parallel_loop3A_626, %parallel_loop3A_684] : memref<128x128xf32, #tpu.memory_space<vmem>>[vector<16xi32>, vector<16xi32>], vector<16xf32>,
        %parallel_loop3A_691 = arith.constant 6 : i32
        %parallel_loop3A_692 = vector.broadcast %parallel_loop3A_691 : i32 to vector<16xi32>
        %parallel_loop3A_693 = arith.addi %parallel_loop3A_636, %parallel_loop3A_692 : vector<16xi32>
        %parallel_loop3A_694 = arith.constant 0 : i32
        %parallel_loop3A_695 = arith.constant 0 : i32
        %parallel_loop3A_696 = arith.constant 0 : i32
        %parallel_loop3A_697 = tpu.memref_slice %arg7[%parallel_loop3A_694, %parallel_loop3A_695, %parallel_loop3A_696] : memref<4x128x128xf32, #tpu.memory_space<vmem>> -> memref<1x128x128xf32, #tpu.memory_space<vmem>>
        %parallel_loop3A_698 = tpu.memref_squeeze %parallel_loop3A_697 : memref<1x128x128xf32, #tpu.memory_space<vmem>> -> memref<128x128xf32, #tpu.memory_space<vmem>>
        %parallel_loop3A_699 = tpu.vector_load_idx %parallel_loop3A_698[%parallel_loop3A_626, %parallel_loop3A_693] : memref<128x128xf32, #tpu.memory_space<vmem>>[vector<16xi32>, vector<16xi32>], vector<16xf32>,
        %parallel_loop3A_700 = arith.constant 7 : i32
        %parallel_loop3A_701 = vector.broadcast %parallel_loop3A_700 : i32 to vector<16xi32>
        %parallel_loop3A_702 = arith.addi %parallel_loop3A_636, %parallel_loop3A_701 : vector<16xi32>
        %parallel_loop3A_703 = arith.constant 0 : i32
        %parallel_loop3A_704 = arith.constant 0 : i32
        %parallel_loop3A_705 = arith.constant 0 : i32
        %parallel_loop3A_706 = tpu.memref_slice %arg7[%parallel_loop3A_703, %parallel_loop3A_704, %parallel_loop3A_705] : memref<4x128x128xf32, #tpu.memory_space<vmem>> -> memref<1x128x128xf32, #tpu.memory_space<vmem>>
        %parallel_loop3A_707 = tpu.memref_squeeze %parallel_loop3A_706 : memref<1x128x128xf32, #tpu.memory_space<vmem>> -> memref<128x128xf32, #tpu.memory_space<vmem>>
        %parallel_loop3A_708 = tpu.vector_load_idx %parallel_loop3A_707[%parallel_loop3A_626, %parallel_loop3A_702] : memref<128x128xf32, #tpu.memory_space<vmem>>[vector<16xi32>, vector<16xi32>], vector<16xf32>,
        %parallel_loop3A_709 = arith.constant 0 : i32
        %parallel_loop3A_710 = arith.constant 0 : i32
        %parallel_loop3A_711 = arith.index_cast %parallel_loop3A_709 : i32 to index
        %parallel_loop3A_712 = arith.index_cast %parallel_loop3A_710 : i32 to index
        %parallel_loop3A_713 = arith.index_cast %parallel_loop3A_624 : i32 to index
        %parallel_loop3A_714 = tpu.vector_load %arg8[%parallel_loop3A_711, %parallel_loop3A_712, %parallel_loop3A_713] {strides = array<i32>} : memref<2x32x128xf32, #tpu.memory_space<vmem>>, vector<16xf32>,
        tpu.vector_store %arg8[%parallel_loop3A_711, %parallel_loop3A_712, %parallel_loop3A_713], %parallel_loop3A_645 {strides = array<i32>} : memref<2x32x128xf32, #tpu.memory_space<vmem>>, vector<16xf32>,
        %parallel_loop3A_715 = arith.constant 0 : i32
        %parallel_loop3A_716 = arith.constant 1 : i32
        %parallel_loop3A_717 = arith.index_cast %parallel_loop3A_715 : i32 to index
        %parallel_loop3A_718 = arith.index_cast %parallel_loop3A_716 : i32 to index
        %parallel_loop3A_719 = arith.index_cast %parallel_loop3A_624 : i32 to index
        %parallel_loop3A_720 = tpu.vector_load %arg8[%parallel_loop3A_717, %parallel_loop3A_718, %parallel_loop3A_719] {strides = array<i32>} : memref<2x32x128xf32, #tpu.memory_space<vmem>>, vector<16xf32>,
        tpu.vector_store %arg8[%parallel_loop3A_717, %parallel_loop3A_718, %parallel_loop3A_719], %parallel_loop3A_654 {strides = array<i32>} : memref<2x32x128xf32, #tpu.memory_space<vmem>>, vector<16xf32>,
        %parallel_loop3A_721 = arith.constant 0 : i32
        %parallel_loop3A_722 = arith.constant 2 : i32
        %parallel_loop3A_723 = arith.index_cast %parallel_loop3A_721 : i32 to index
        %parallel_loop3A_724 = arith.index_cast %parallel_loop3A_722 : i32 to index
        %parallel_loop3A_725 = arith.index_cast %parallel_loop3A_624 : i32 to index
        %parallel_loop3A_726 = tpu.vector_load %arg8[%parallel_loop3A_723, %parallel_loop3A_724, %parallel_loop3A_725] {strides = array<i32>} : memref<2x32x128xf32, #tpu.memory_space<vmem>>, vector<16xf32>,
        tpu.vector_store %arg8[%parallel_loop3A_723, %parallel_loop3A_724, %parallel_loop3A_725], %parallel_loop3A_663 {strides = array<i32>} : memref<2x32x128xf32, #tpu.memory_space<vmem>>, vector<16xf32>,
        %parallel_loop3A_727 = arith.constant 0 : i32
        %parallel_loop3A_728 = arith.constant 3 : i32
        %parallel_loop3A_729 = arith.index_cast %parallel_loop3A_727 : i32 to index
        %parallel_loop3A_730 = arith.index_cast %parallel_loop3A_728 : i32 to index
        %parallel_loop3A_731 = arith.index_cast %parallel_loop3A_624 : i32 to index
        %parallel_loop3A_732 = tpu.vector_load %arg8[%parallel_loop3A_729, %parallel_loop3A_730, %parallel_loop3A_731] {strides = array<i32>} : memref<2x32x128xf32, #tpu.memory_space<vmem>>, vector<16xf32>,
        tpu.vector_store %arg8[%parallel_loop3A_729, %parallel_loop3A_730, %parallel_loop3A_731], %parallel_loop3A_672 {strides = array<i32>} : memref<2x32x128xf32, #tpu.memory_space<vmem>>, vector<16xf32>,
        %parallel_loop3A_733 = arith.constant 0 : i32
        %parallel_loop3A_734 = arith.constant 4 : i32
        %parallel_loop3A_735 = arith.index_cast %parallel_loop3A_733 : i32 to index
        %parallel_loop3A_736 = arith.index_cast %parallel_loop3A_734 : i32 to index
        %parallel_loop3A_737 = arith.index_cast %parallel_loop3A_624 : i32 to index
        %parallel_loop3A_738 = tpu.vector_load %arg8[%parallel_loop3A_735, %parallel_loop3A_736, %parallel_loop3A_737] {strides = array<i32>} : memref<2x32x128xf32, #tpu.memory_space<vmem>>, vector<16xf32>,
        tpu.vector_store %arg8[%parallel_loop3A_735, %parallel_loop3A_736, %parallel_loop3A_737], %parallel_loop3A_681 {strides = array<i32>} : memref<2x32x128xf32, #tpu.memory_space<vmem>>, vector<16xf32>,
        %parallel_loop3A_739 = arith.constant 0 : i32
        %parallel_loop3A_740 = arith.constant 5 : i32
        %parallel_loop3A_741 = arith.index_cast %parallel_loop3A_739 : i32 to index
        %parallel_loop3A_742 = arith.index_cast %parallel_loop3A_740 : i32 to index
        %parallel_loop3A_743 = arith.index_cast %parallel_loop3A_624 : i32 to index
        %parallel_loop3A_744 = tpu.vector_load %arg8[%parallel_loop3A_741, %parallel_loop3A_742, %parallel_loop3A_743] {strides = array<i32>} : memref<2x32x128xf32, #tpu.memory_space<vmem>>, vector<16xf32>,
        tpu.vector_store %arg8[%parallel_loop3A_741, %parallel_loop3A_742, %parallel_loop3A_743], %parallel_loop3A_690 {strides = array<i32>} : memref<2x32x128xf32, #tpu.memory_space<vmem>>, vector<16xf32>,
        %parallel_loop3A_745 = arith.constant 0 : i32
        %parallel_loop3A_746 = arith.constant 6 : i32
        %parallel_loop3A_747 = arith.index_cast %parallel_loop3A_745 : i32 to index
        %parallel_loop3A_748 = arith.index_cast %parallel_loop3A_746 : i32 to index
        %parallel_loop3A_749 = arith.index_cast %parallel_loop3A_624 : i32 to index
        %parallel_loop3A_750 = tpu.vector_load %arg8[%parallel_loop3A_747, %parallel_loop3A_748, %parallel_loop3A_749] {strides = array<i32>} : memref<2x32x128xf32, #tpu.memory_space<vmem>>, vector<16xf32>,
        tpu.vector_store %arg8[%parallel_loop3A_747, %parallel_loop3A_748, %parallel_loop3A_749], %parallel_loop3A_699 {strides = array<i32>} : memref<2x32x128xf32, #tpu.memory_space<vmem>>, vector<16xf32>,
        %parallel_loop3A_751 = arith.constant 0 : i32
        %parallel_loop3A_752 = arith.constant 7 : i32
        %parallel_loop3A_753 = arith.index_cast %parallel_loop3A_751 : i32 to index
        %parallel_loop3A_754 = arith.index_cast %parallel_loop3A_752 : i32 to index
        %parallel_loop3A_755 = arith.index_cast %parallel_loop3A_624 : i32 to index
        %parallel_loop3A_756 = tpu.vector_load %arg8[%parallel_loop3A_753, %parallel_loop3A_754, %parallel_loop3A_755] {strides = array<i32>} : memref<2x32x128xf32, #tpu.memory_space<vmem>>, vector<16xf32>,
        tpu.vector_store %arg8[%parallel_loop3A_753, %parallel_loop3A_754, %parallel_loop3A_755], %parallel_loop3A_708 {strides = array<i32>} : memref<2x32x128xf32, #tpu.memory_space<vmem>>, vector<16xf32>,
        %parallel_loop3A_757 = arith.constant 8 : i32
        %parallel_loop3A_758 = vector.broadcast %parallel_loop3A_757 : i32 to vector<16xi32>
        %parallel_loop3A_759 = arith.addi %parallel_loop3A_636, %parallel_loop3A_758 : vector<16xi32>
        %parallel_loop3A_760 = arith.constant 0 : i32
        %parallel_loop3A_761 = arith.constant 0 : i32
        %parallel_loop3A_762 = arith.constant 0 : i32
        %parallel_loop3A_763 = tpu.memref_slice %arg7[%parallel_loop3A_760, %parallel_loop3A_761, %parallel_loop3A_762] : memref<4x128x128xf32, #tpu.memory_space<vmem>> -> memref<1x128x128xf32, #tpu.memory_space<vmem>>
        %parallel_loop3A_764 = tpu.memref_squeeze %parallel_loop3A_763 : memref<1x128x128xf32, #tpu.memory_space<vmem>> -> memref<128x128xf32, #tpu.memory_space<vmem>>
        %parallel_loop3A_765 = tpu.vector_load_idx %parallel_loop3A_764[%parallel_loop3A_626, %parallel_loop3A_759] : memref<128x128xf32, #tpu.memory_space<vmem>>[vector<16xi32>, vector<16xi32>], vector<16xf32>,
        %parallel_loop3A_766 = arith.constant 9 : i32
        %parallel_loop3A_767 = vector.broadcast %parallel_loop3A_766 : i32 to vector<16xi32>
        %parallel_loop3A_768 = arith.addi %parallel_loop3A_636, %parallel_loop3A_767 : vector<16xi32>
        %parallel_loop3A_769 = arith.constant 0 : i32
        %parallel_loop3A_770 = arith.constant 0 : i32
        %parallel_loop3A_771 = arith.constant 0 : i32
        %parallel_loop3A_772 = tpu.memref_slice %arg7[%parallel_loop3A_769, %parallel_loop3A_770, %parallel_loop3A_771] : memref<4x128x128xf32, #tpu.memory_space<vmem>> -> memref<1x128x128xf32, #tpu.memory_space<vmem>>
        %parallel_loop3A_773 = tpu.memref_squeeze %parallel_loop3A_772 : memref<1x128x128xf32, #tpu.memory_space<vmem>> -> memref<128x128xf32, #tpu.memory_space<vmem>>
        %parallel_loop3A_774 = tpu.vector_load_idx %parallel_loop3A_773[%parallel_loop3A_626, %parallel_loop3A_768] : memref<128x128xf32, #tpu.memory_space<vmem>>[vector<16xi32>, vector<16xi32>], vector<16xf32>,
        %parallel_loop3A_775 = arith.constant 10 : i32
        %parallel_loop3A_776 = vector.broadcast %parallel_loop3A_775 : i32 to vector<16xi32>
        %parallel_loop3A_777 = arith.addi %parallel_loop3A_636, %parallel_loop3A_776 : vector<16xi32>
        %parallel_loop3A_778 = arith.constant 0 : i32
        %parallel_loop3A_779 = arith.constant 0 : i32
        %parallel_loop3A_780 = arith.constant 0 : i32
        %parallel_loop3A_781 = tpu.memref_slice %arg7[%parallel_loop3A_778, %parallel_loop3A_779, %parallel_loop3A_780] : memref<4x128x128xf32, #tpu.memory_space<vmem>> -> memref<1x128x128xf32, #tpu.memory_space<vmem>>
        %parallel_loop3A_782 = tpu.memref_squeeze %parallel_loop3A_781 : memref<1x128x128xf32, #tpu.memory_space<vmem>> -> memref<128x128xf32, #tpu.memory_space<vmem>>
        %parallel_loop3A_783 = tpu.vector_load_idx %parallel_loop3A_782[%parallel_loop3A_626, %parallel_loop3A_777] : memref<128x128xf32, #tpu.memory_space<vmem>>[vector<16xi32>, vector<16xi32>], vector<16xf32>,
        %parallel_loop3A_784 = arith.constant 11 : i32
        %parallel_loop3A_785 = vector.broadcast %parallel_loop3A_784 : i32 to vector<16xi32>
        %parallel_loop3A_786 = arith.addi %parallel_loop3A_636, %parallel_loop3A_785 : vector<16xi32>
        %parallel_loop3A_787 = arith.constant 0 : i32
        %parallel_loop3A_788 = arith.constant 0 : i32
        %parallel_loop3A_789 = arith.constant 0 : i32
        %parallel_loop3A_790 = tpu.memref_slice %arg7[%parallel_loop3A_787, %parallel_loop3A_788, %parallel_loop3A_789] : memref<4x128x128xf32, #tpu.memory_space<vmem>> -> memref<1x128x128xf32, #tpu.memory_space<vmem>>
        %parallel_loop3A_791 = tpu.memref_squeeze %parallel_loop3A_790 : memref<1x128x128xf32, #tpu.memory_space<vmem>> -> memref<128x128xf32, #tpu.memory_space<vmem>>
        %parallel_loop3A_792 = tpu.vector_load_idx %parallel_loop3A_791[%parallel_loop3A_626, %parallel_loop3A_786] : memref<128x128xf32, #tpu.memory_space<vmem>>[vector<16xi32>, vector<16xi32>], vector<16xf32>,
        %parallel_loop3A_793 = arith.constant 12 : i32
        %parallel_loop3A_794 = vector.broadcast %parallel_loop3A_793 : i32 to vector<16xi32>
        %parallel_loop3A_795 = arith.addi %parallel_loop3A_636, %parallel_loop3A_794 : vector<16xi32>
        %parallel_loop3A_796 = arith.constant 0 : i32
        %parallel_loop3A_797 = arith.constant 0 : i32
        %parallel_loop3A_798 = arith.constant 0 : i32
        %parallel_loop3A_799 = tpu.memref_slice %arg7[%parallel_loop3A_796, %parallel_loop3A_797, %parallel_loop3A_798] : memref<4x128x128xf32, #tpu.memory_space<vmem>> -> memref<1x128x128xf32, #tpu.memory_space<vmem>>
        %parallel_loop3A_800 = tpu.memref_squeeze %parallel_loop3A_799 : memref<1x128x128xf32, #tpu.memory_space<vmem>> -> memref<128x128xf32, #tpu.memory_space<vmem>>
        %parallel_loop3A_801 = tpu.vector_load_idx %parallel_loop3A_800[%parallel_loop3A_626, %parallel_loop3A_795] : memref<128x128xf32, #tpu.memory_space<vmem>>[vector<16xi32>, vector<16xi32>], vector<16xf32>,
        %parallel_loop3A_802 = arith.constant 13 : i32
        %parallel_loop3A_803 = vector.broadcast %parallel_loop3A_802 : i32 to vector<16xi32>
        %parallel_loop3A_804 = arith.addi %parallel_loop3A_636, %parallel_loop3A_803 : vector<16xi32>
        %parallel_loop3A_805 = arith.constant 0 : i32
        %parallel_loop3A_806 = arith.constant 0 : i32
        %parallel_loop3A_807 = arith.constant 0 : i32
        %parallel_loop3A_808 = tpu.memref_slice %arg7[%parallel_loop3A_805, %parallel_loop3A_806, %parallel_loop3A_807] : memref<4x128x128xf32, #tpu.memory_space<vmem>> -> memref<1x128x128xf32, #tpu.memory_space<vmem>>
        %parallel_loop3A_809 = tpu.memref_squeeze %parallel_loop3A_808 : memref<1x128x128xf32, #tpu.memory_space<vmem>> -> memref<128x128xf32, #tpu.memory_space<vmem>>
        %parallel_loop3A_810 = tpu.vector_load_idx %parallel_loop3A_809[%parallel_loop3A_626, %parallel_loop3A_804] : memref<128x128xf32, #tpu.memory_space<vmem>>[vector<16xi32>, vector<16xi32>], vector<16xf32>,
        %parallel_loop3A_811 = arith.constant 14 : i32
        %parallel_loop3A_812 = vector.broadcast %parallel_loop3A_811 : i32 to vector<16xi32>
        %parallel_loop3A_813 = arith.addi %parallel_loop3A_636, %parallel_loop3A_812 : vector<16xi32>
        %parallel_loop3A_814 = arith.constant 0 : i32
        %parallel_loop3A_815 = arith.constant 0 : i32
        %parallel_loop3A_816 = arith.constant 0 : i32
        %parallel_loop3A_817 = tpu.memref_slice %arg7[%parallel_loop3A_814, %parallel_loop3A_815, %parallel_loop3A_816] : memref<4x128x128xf32, #tpu.memory_space<vmem>> -> memref<1x128x128xf32, #tpu.memory_space<vmem>>
        %parallel_loop3A_818 = tpu.memref_squeeze %parallel_loop3A_817 : memref<1x128x128xf32, #tpu.memory_space<vmem>> -> memref<128x128xf32, #tpu.memory_space<vmem>>
        %parallel_loop3A_819 = tpu.vector_load_idx %parallel_loop3A_818[%parallel_loop3A_626, %parallel_loop3A_813] : memref<128x128xf32, #tpu.memory_space<vmem>>[vector<16xi32>, vector<16xi32>], vector<16xf32>,
        %parallel_loop3A_820 = arith.constant 15 : i32
        %parallel_loop3A_821 = vector.broadcast %parallel_loop3A_820 : i32 to vector<16xi32>
        %parallel_loop3A_822 = arith.addi %parallel_loop3A_636, %parallel_loop3A_821 : vector<16xi32>
        %parallel_loop3A_823 = arith.constant 0 : i32
        %parallel_loop3A_824 = arith.constant 0 : i32
        %parallel_loop3A_825 = arith.constant 0 : i32
        %parallel_loop3A_826 = tpu.memref_slice %arg7[%parallel_loop3A_823, %parallel_loop3A_824, %parallel_loop3A_825] : memref<4x128x128xf32, #tpu.memory_space<vmem>> -> memref<1x128x128xf32, #tpu.memory_space<vmem>>
        %parallel_loop3A_827 = tpu.memref_squeeze %parallel_loop3A_826 : memref<1x128x128xf32, #tpu.memory_space<vmem>> -> memref<128x128xf32, #tpu.memory_space<vmem>>
        %parallel_loop3A_828 = tpu.vector_load_idx %parallel_loop3A_827[%parallel_loop3A_626, %parallel_loop3A_822] : memref<128x128xf32, #tpu.memory_space<vmem>>[vector<16xi32>, vector<16xi32>], vector<16xf32>,
        %parallel_loop3A_829 = arith.constant 0 : i32
        %parallel_loop3A_830 = arith.constant 8 : i32
        %parallel_loop3A_831 = arith.index_cast %parallel_loop3A_829 : i32 to index
        %parallel_loop3A_832 = arith.index_cast %parallel_loop3A_830 : i32 to index
        %parallel_loop3A_833 = arith.index_cast %parallel_loop3A_624 : i32 to index
        %parallel_loop3A_834 = tpu.vector_load %arg8[%parallel_loop3A_831, %parallel_loop3A_832, %parallel_loop3A_833] {strides = array<i32>} : memref<2x32x128xf32, #tpu.memory_space<vmem>>, vector<16xf32>,
        tpu.vector_store %arg8[%parallel_loop3A_831, %parallel_loop3A_832, %parallel_loop3A_833], %parallel_loop3A_765 {strides = array<i32>} : memref<2x32x128xf32, #tpu.memory_space<vmem>>, vector<16xf32>,
        %parallel_loop3A_835 = arith.constant 0 : i32
        %parallel_loop3A_836 = arith.constant 9 : i32
        %parallel_loop3A_837 = arith.index_cast %parallel_loop3A_835 : i32 to index
        %parallel_loop3A_838 = arith.index_cast %parallel_loop3A_836 : i32 to index
        %parallel_loop3A_839 = arith.index_cast %parallel_loop3A_624 : i32 to index
        %parallel_loop3A_840 = tpu.vector_load %arg8[%parallel_loop3A_837, %parallel_loop3A_838, %parallel_loop3A_839] {strides = array<i32>} : memref<2x32x128xf32, #tpu.memory_space<vmem>>, vector<16xf32>,
        tpu.vector_store %arg8[%parallel_loop3A_837, %parallel_loop3A_838, %parallel_loop3A_839], %parallel_loop3A_774 {strides = array<i32>} : memref<2x32x128xf32, #tpu.memory_space<vmem>>, vector<16xf32>,
        %parallel_loop3A_841 = arith.constant 0 : i32
        %parallel_loop3A_842 = arith.constant 10 : i32
        %parallel_loop3A_843 = arith.index_cast %parallel_loop3A_841 : i32 to index
        %parallel_loop3A_844 = arith.index_cast %parallel_loop3A_842 : i32 to index
        %parallel_loop3A_845 = arith.index_cast %parallel_loop3A_624 : i32 to index
        %parallel_loop3A_846 = tpu.vector_load %arg8[%parallel_loop3A_843, %parallel_loop3A_844, %parallel_loop3A_845] {strides = array<i32>} : memref<2x32x128xf32, #tpu.memory_space<vmem>>, vector<16xf32>,
        tpu.vector_store %arg8[%parallel_loop3A_843, %parallel_loop3A_844, %parallel_loop3A_845], %parallel_loop3A_783 {strides = array<i32>} : memref<2x32x128xf32, #tpu.memory_space<vmem>>, vector<16xf32>,
        %parallel_loop3A_847 = arith.constant 0 : i32
        %parallel_loop3A_848 = arith.constant 11 : i32
        %parallel_loop3A_849 = arith.index_cast %parallel_loop3A_847 : i32 to index
        %parallel_loop3A_850 = arith.index_cast %parallel_loop3A_848 : i32 to index
        %parallel_loop3A_851 = arith.index_cast %parallel_loop3A_624 : i32 to index
        %parallel_loop3A_852 = tpu.vector_load %arg8[%parallel_loop3A_849, %parallel_loop3A_850, %parallel_loop3A_851] {strides = array<i32>} : memref<2x32x128xf32, #tpu.memory_space<vmem>>, vector<16xf32>,
        tpu.vector_store %arg8[%parallel_loop3A_849, %parallel_loop3A_850, %parallel_loop3A_851], %parallel_loop3A_792 {strides = array<i32>} : memref<2x32x128xf32, #tpu.memory_space<vmem>>, vector<16xf32>,
        %parallel_loop3A_853 = arith.constant 0 : i32
        %parallel_loop3A_854 = arith.constant 12 : i32
        %parallel_loop3A_855 = arith.index_cast %parallel_loop3A_853 : i32 to index
        %parallel_loop3A_856 = arith.index_cast %parallel_loop3A_854 : i32 to index
        %parallel_loop3A_857 = arith.index_cast %parallel_loop3A_624 : i32 to index
        %parallel_loop3A_858 = tpu.vector_load %arg8[%parallel_loop3A_855, %parallel_loop3A_856, %parallel_loop3A_857] {strides = array<i32>} : memref<2x32x128xf32, #tpu.memory_space<vmem>>, vector<16xf32>,
        tpu.vector_store %arg8[%parallel_loop3A_855, %parallel_loop3A_856, %parallel_loop3A_857], %parallel_loop3A_801 {strides = array<i32>} : memref<2x32x128xf32, #tpu.memory_space<vmem>>, vector<16xf32>,
        %parallel_loop3A_859 = arith.constant 0 : i32
        %parallel_loop3A_860 = arith.constant 13 : i32
        %parallel_loop3A_861 = arith.index_cast %parallel_loop3A_859 : i32 to index
        %parallel_loop3A_862 = arith.index_cast %parallel_loop3A_860 : i32 to index
        %parallel_loop3A_863 = arith.index_cast %parallel_loop3A_624 : i32 to index
        %parallel_loop3A_864 = tpu.vector_load %arg8[%parallel_loop3A_861, %parallel_loop3A_862, %parallel_loop3A_863] {strides = array<i32>} : memref<2x32x128xf32, #tpu.memory_space<vmem>>, vector<16xf32>,
        tpu.vector_store %arg8[%parallel_loop3A_861, %parallel_loop3A_862, %parallel_loop3A_863], %parallel_loop3A_810 {strides = array<i32>} : memref<2x32x128xf32, #tpu.memory_space<vmem>>, vector<16xf32>,
        %parallel_loop3A_865 = arith.constant 0 : i32
        %parallel_loop3A_866 = arith.constant 14 : i32
        %parallel_loop3A_867 = arith.index_cast %parallel_loop3A_865 : i32 to index
        %parallel_loop3A_868 = arith.index_cast %parallel_loop3A_866 : i32 to index
        %parallel_loop3A_869 = arith.index_cast %parallel_loop3A_624 : i32 to index
        %parallel_loop3A_870 = tpu.vector_load %arg8[%parallel_loop3A_867, %parallel_loop3A_868, %parallel_loop3A_869] {strides = array<i32>} : memref<2x32x128xf32, #tpu.memory_space<vmem>>, vector<16xf32>,
        tpu.vector_store %arg8[%parallel_loop3A_867, %parallel_loop3A_868, %parallel_loop3A_869], %parallel_loop3A_819 {strides = array<i32>} : memref<2x32x128xf32, #tpu.memory_space<vmem>>, vector<16xf32>,
        %parallel_loop3A_871 = arith.constant 0 : i32
        %parallel_loop3A_872 = arith.constant 15 : i32
        %parallel_loop3A_873 = arith.index_cast %parallel_loop3A_871 : i32 to index
        %parallel_loop3A_874 = arith.index_cast %parallel_loop3A_872 : i32 to index
        %parallel_loop3A_875 = arith.index_cast %parallel_loop3A_624 : i32 to index
        %parallel_loop3A_876 = tpu.vector_load %arg8[%parallel_loop3A_873, %parallel_loop3A_874, %parallel_loop3A_875] {strides = array<i32>} : memref<2x32x128xf32, #tpu.memory_space<vmem>>, vector<16xf32>,
        tpu.vector_store %arg8[%parallel_loop3A_873, %parallel_loop3A_874, %parallel_loop3A_875], %parallel_loop3A_828 {strides = array<i32>} : memref<2x32x128xf32, #tpu.memory_space<vmem>>, vector<16xf32>,
        %parallel_loop3A_877 = arith.constant 16 : i32
        %parallel_loop3A_878 = vector.broadcast %parallel_loop3A_877 : i32 to vector<16xi32>
        %parallel_loop3A_879 = arith.addi %parallel_loop3A_636, %parallel_loop3A_878 : vector<16xi32>
        %parallel_loop3A_880 = arith.constant 0 : i32
        %parallel_loop3A_881 = arith.constant 0 : i32
        %parallel_loop3A_882 = arith.constant 0 : i32
        %parallel_loop3A_883 = tpu.memref_slice %arg7[%parallel_loop3A_880, %parallel_loop3A_881, %parallel_loop3A_882] : memref<4x128x128xf32, #tpu.memory_space<vmem>> -> memref<1x128x128xf32, #tpu.memory_space<vmem>>
        %parallel_loop3A_884 = tpu.memref_squeeze %parallel_loop3A_883 : memref<1x128x128xf32, #tpu.memory_space<vmem>> -> memref<128x128xf32, #tpu.memory_space<vmem>>
        %parallel_loop3A_885 = tpu.vector_load_idx %parallel_loop3A_884[%parallel_loop3A_626, %parallel_loop3A_879] : memref<128x128xf32, #tpu.memory_space<vmem>>[vector<16xi32>, vector<16xi32>], vector<16xf32>,
        %parallel_loop3A_886 = arith.constant 17 : i32
        %parallel_loop3A_887 = vector.broadcast %parallel_loop3A_886 : i32 to vector<16xi32>
        %parallel_loop3A_888 = arith.addi %parallel_loop3A_636, %parallel_loop3A_887 : vector<16xi32>
        %parallel_loop3A_889 = arith.constant 0 : i32
        %parallel_loop3A_890 = arith.constant 0 : i32
        %parallel_loop3A_891 = arith.constant 0 : i32
        %parallel_loop3A_892 = tpu.memref_slice %arg7[%parallel_loop3A_889, %parallel_loop3A_890, %parallel_loop3A_891] : memref<4x128x128xf32, #tpu.memory_space<vmem>> -> memref<1x128x128xf32, #tpu.memory_space<vmem>>
        %parallel_loop3A_893 = tpu.memref_squeeze %parallel_loop3A_892 : memref<1x128x128xf32, #tpu.memory_space<vmem>> -> memref<128x128xf32, #tpu.memory_space<vmem>>
        %parallel_loop3A_894 = tpu.vector_load_idx %parallel_loop3A_893[%parallel_loop3A_626, %parallel_loop3A_888] : memref<128x128xf32, #tpu.memory_space<vmem>>[vector<16xi32>, vector<16xi32>], vector<16xf32>,
        %parallel_loop3A_895 = arith.constant 18 : i32
        %parallel_loop3A_896 = vector.broadcast %parallel_loop3A_895 : i32 to vector<16xi32>
        %parallel_loop3A_897 = arith.addi %parallel_loop3A_636, %parallel_loop3A_896 : vector<16xi32>
        %parallel_loop3A_898 = arith.constant 0 : i32
        %parallel_loop3A_899 = arith.constant 0 : i32
        %parallel_loop3A_900 = arith.constant 0 : i32
        %parallel_loop3A_901 = tpu.memref_slice %arg7[%parallel_loop3A_898, %parallel_loop3A_899, %parallel_loop3A_900] : memref<4x128x128xf32, #tpu.memory_space<vmem>> -> memref<1x128x128xf32, #tpu.memory_space<vmem>>
        %parallel_loop3A_902 = tpu.memref_squeeze %parallel_loop3A_901 : memref<1x128x128xf32, #tpu.memory_space<vmem>> -> memref<128x128xf32, #tpu.memory_space<vmem>>
        %parallel_loop3A_903 = tpu.vector_load_idx %parallel_loop3A_902[%parallel_loop3A_626, %parallel_loop3A_897] : memref<128x128xf32, #tpu.memory_space<vmem>>[vector<16xi32>, vector<16xi32>], vector<16xf32>,
        %parallel_loop3A_904 = arith.constant 19 : i32
        %parallel_loop3A_905 = vector.broadcast %parallel_loop3A_904 : i32 to vector<16xi32>
        %parallel_loop3A_906 = arith.addi %parallel_loop3A_636, %parallel_loop3A_905 : vector<16xi32>
        %parallel_loop3A_907 = arith.constant 0 : i32
        %parallel_loop3A_908 = arith.constant 0 : i32
        %parallel_loop3A_909 = arith.constant 0 : i32
        %parallel_loop3A_910 = tpu.memref_slice %arg7[%parallel_loop3A_907, %parallel_loop3A_908, %parallel_loop3A_909] : memref<4x128x128xf32, #tpu.memory_space<vmem>> -> memref<1x128x128xf32, #tpu.memory_space<vmem>>
        %parallel_loop3A_911 = tpu.memref_squeeze %parallel_loop3A_910 : memref<1x128x128xf32, #tpu.memory_space<vmem>> -> memref<128x128xf32, #tpu.memory_space<vmem>>
        %parallel_loop3A_912 = tpu.vector_load_idx %parallel_loop3A_911[%parallel_loop3A_626, %parallel_loop3A_906] : memref<128x128xf32, #tpu.memory_space<vmem>>[vector<16xi32>, vector<16xi32>], vector<16xf32>,
        %parallel_loop3A_913 = arith.constant 20 : i32
        %parallel_loop3A_914 = vector.broadcast %parallel_loop3A_913 : i32 to vector<16xi32>
        %parallel_loop3A_915 = arith.addi %parallel_loop3A_636, %parallel_loop3A_914 : vector<16xi32>
        %parallel_loop3A_916 = arith.constant 0 : i32
        %parallel_loop3A_917 = arith.constant 0 : i32
        %parallel_loop3A_918 = arith.constant 0 : i32
        %parallel_loop3A_919 = tpu.memref_slice %arg7[%parallel_loop3A_916, %parallel_loop3A_917, %parallel_loop3A_918] : memref<4x128x128xf32, #tpu.memory_space<vmem>> -> memref<1x128x128xf32, #tpu.memory_space<vmem>>
        %parallel_loop3A_920 = tpu.memref_squeeze %parallel_loop3A_919 : memref<1x128x128xf32, #tpu.memory_space<vmem>> -> memref<128x128xf32, #tpu.memory_space<vmem>>
        %parallel_loop3A_921 = tpu.vector_load_idx %parallel_loop3A_920[%parallel_loop3A_626, %parallel_loop3A_915] : memref<128x128xf32, #tpu.memory_space<vmem>>[vector<16xi32>, vector<16xi32>], vector<16xf32>,
        %parallel_loop3A_922 = arith.constant 21 : i32
        %parallel_loop3A_923 = vector.broadcast %parallel_loop3A_922 : i32 to vector<16xi32>
        %parallel_loop3A_924 = arith.addi %parallel_loop3A_636, %parallel_loop3A_923 : vector<16xi32>
        %parallel_loop3A_925 = arith.constant 0 : i32
        %parallel_loop3A_926 = arith.constant 0 : i32
        %parallel_loop3A_927 = arith.constant 0 : i32
        %parallel_loop3A_928 = tpu.memref_slice %arg7[%parallel_loop3A_925, %parallel_loop3A_926, %parallel_loop3A_927] : memref<4x128x128xf32, #tpu.memory_space<vmem>> -> memref<1x128x128xf32, #tpu.memory_space<vmem>>
        %parallel_loop3A_929 = tpu.memref_squeeze %parallel_loop3A_928 : memref<1x128x128xf32, #tpu.memory_space<vmem>> -> memref<128x128xf32, #tpu.memory_space<vmem>>
        %parallel_loop3A_930 = tpu.vector_load_idx %parallel_loop3A_929[%parallel_loop3A_626, %parallel_loop3A_924] : memref<128x128xf32, #tpu.memory_space<vmem>>[vector<16xi32>, vector<16xi32>], vector<16xf32>,
        %parallel_loop3A_931 = arith.constant 22 : i32
        %parallel_loop3A_932 = vector.broadcast %parallel_loop3A_931 : i32 to vector<16xi32>
        %parallel_loop3A_933 = arith.addi %parallel_loop3A_636, %parallel_loop3A_932 : vector<16xi32>
        %parallel_loop3A_934 = arith.constant 0 : i32
        %parallel_loop3A_935 = arith.constant 0 : i32
        %parallel_loop3A_936 = arith.constant 0 : i32
        %parallel_loop3A_937 = tpu.memref_slice %arg7[%parallel_loop3A_934, %parallel_loop3A_935, %parallel_loop3A_936] : memref<4x128x128xf32, #tpu.memory_space<vmem>> -> memref<1x128x128xf32, #tpu.memory_space<vmem>>
        %parallel_loop3A_938 = tpu.memref_squeeze %parallel_loop3A_937 : memref<1x128x128xf32, #tpu.memory_space<vmem>> -> memref<128x128xf32, #tpu.memory_space<vmem>>
        %parallel_loop3A_939 = tpu.vector_load_idx %parallel_loop3A_938[%parallel_loop3A_626, %parallel_loop3A_933] : memref<128x128xf32, #tpu.memory_space<vmem>>[vector<16xi32>, vector<16xi32>], vector<16xf32>,
        %parallel_loop3A_940 = arith.constant 23 : i32
        %parallel_loop3A_941 = vector.broadcast %parallel_loop3A_940 : i32 to vector<16xi32>
        %parallel_loop3A_942 = arith.addi %parallel_loop3A_636, %parallel_loop3A_941 : vector<16xi32>
        %parallel_loop3A_943 = arith.constant 0 : i32
        %parallel_loop3A_944 = arith.constant 0 : i32
        %parallel_loop3A_945 = arith.constant 0 : i32
        %parallel_loop3A_946 = tpu.memref_slice %arg7[%parallel_loop3A_943, %parallel_loop3A_944, %parallel_loop3A_945] : memref<4x128x128xf32, #tpu.memory_space<vmem>> -> memref<1x128x128xf32, #tpu.memory_space<vmem>>
        %parallel_loop3A_947 = tpu.memref_squeeze %parallel_loop3A_946 : memref<1x128x128xf32, #tpu.memory_space<vmem>> -> memref<128x128xf32, #tpu.memory_space<vmem>>
        %parallel_loop3A_948 = tpu.vector_load_idx %parallel_loop3A_947[%parallel_loop3A_626, %parallel_loop3A_942] : memref<128x128xf32, #tpu.memory_space<vmem>>[vector<16xi32>, vector<16xi32>], vector<16xf32>,
        %parallel_loop3A_949 = arith.constant 0 : i32
        %parallel_loop3A_950 = arith.constant 16 : i32
        %parallel_loop3A_951 = arith.index_cast %parallel_loop3A_949 : i32 to index
        %parallel_loop3A_952 = arith.index_cast %parallel_loop3A_950 : i32 to index
        %parallel_loop3A_953 = arith.index_cast %parallel_loop3A_624 : i32 to index
        %parallel_loop3A_954 = tpu.vector_load %arg8[%parallel_loop3A_951, %parallel_loop3A_952, %parallel_loop3A_953] {strides = array<i32>} : memref<2x32x128xf32, #tpu.memory_space<vmem>>, vector<16xf32>,
        tpu.vector_store %arg8[%parallel_loop3A_951, %parallel_loop3A_952, %parallel_loop3A_953], %parallel_loop3A_885 {strides = array<i32>} : memref<2x32x128xf32, #tpu.memory_space<vmem>>, vector<16xf32>,
        %parallel_loop3A_955 = arith.constant 0 : i32
        %parallel_loop3A_956 = arith.constant 17 : i32
        %parallel_loop3A_957 = arith.index_cast %parallel_loop3A_955 : i32 to index
        %parallel_loop3A_958 = arith.index_cast %parallel_loop3A_956 : i32 to index
        %parallel_loop3A_959 = arith.index_cast %parallel_loop3A_624 : i32 to index
        %parallel_loop3A_960 = tpu.vector_load %arg8[%parallel_loop3A_957, %parallel_loop3A_958, %parallel_loop3A_959] {strides = array<i32>} : memref<2x32x128xf32, #tpu.memory_space<vmem>>, vector<16xf32>,
        tpu.vector_store %arg8[%parallel_loop3A_957, %parallel_loop3A_958, %parallel_loop3A_959], %parallel_loop3A_894 {strides = array<i32>} : memref<2x32x128xf32, #tpu.memory_space<vmem>>, vector<16xf32>,
        %parallel_loop3A_961 = arith.constant 0 : i32
        %parallel_loop3A_962 = arith.constant 18 : i32
        %parallel_loop3A_963 = arith.index_cast %parallel_loop3A_961 : i32 to index
        %parallel_loop3A_964 = arith.index_cast %parallel_loop3A_962 : i32 to index
        %parallel_loop3A_965 = arith.index_cast %parallel_loop3A_624 : i32 to index
        %parallel_loop3A_966 = tpu.vector_load %arg8[%parallel_loop3A_963, %parallel_loop3A_964, %parallel_loop3A_965] {strides = array<i32>} : memref<2x32x128xf32, #tpu.memory_space<vmem>>, vector<16xf32>,
        tpu.vector_store %arg8[%parallel_loop3A_963, %parallel_loop3A_964, %parallel_loop3A_965], %parallel_loop3A_903 {strides = array<i32>} : memref<2x32x128xf32, #tpu.memory_space<vmem>>, vector<16xf32>,
        %parallel_loop3A_967 = arith.constant 0 : i32
        %parallel_loop3A_968 = arith.constant 19 : i32
        %parallel_loop3A_969 = arith.index_cast %parallel_loop3A_967 : i32 to index
        %parallel_loop3A_970 = arith.index_cast %parallel_loop3A_968 : i32 to index
        %parallel_loop3A_971 = arith.index_cast %parallel_loop3A_624 : i32 to index
        %parallel_loop3A_972 = tpu.vector_load %arg8[%parallel_loop3A_969, %parallel_loop3A_970, %parallel_loop3A_971] {strides = array<i32>} : memref<2x32x128xf32, #tpu.memory_space<vmem>>, vector<16xf32>,
        tpu.vector_store %arg8[%parallel_loop3A_969, %parallel_loop3A_970, %parallel_loop3A_971], %parallel_loop3A_912 {strides = array<i32>} : memref<2x32x128xf32, #tpu.memory_space<vmem>>, vector<16xf32>,
        %parallel_loop3A_973 = arith.constant 0 : i32
        %parallel_loop3A_974 = arith.constant 20 : i32
        %parallel_loop3A_975 = arith.index_cast %parallel_loop3A_973 : i32 to index
        %parallel_loop3A_976 = arith.index_cast %parallel_loop3A_974 : i32 to index
        %parallel_loop3A_977 = arith.index_cast %parallel_loop3A_624 : i32 to index
        %parallel_loop3A_978 = tpu.vector_load %arg8[%parallel_loop3A_975, %parallel_loop3A_976, %parallel_loop3A_977] {strides = array<i32>} : memref<2x32x128xf32, #tpu.memory_space<vmem>>, vector<16xf32>,
        tpu.vector_store %arg8[%parallel_loop3A_975, %parallel_loop3A_976, %parallel_loop3A_977], %parallel_loop3A_921 {strides = array<i32>} : memref<2x32x128xf32, #tpu.memory_space<vmem>>, vector<16xf32>,
        %parallel_loop3A_979 = arith.constant 0 : i32
        %parallel_loop3A_980 = arith.constant 21 : i32
        %parallel_loop3A_981 = arith.index_cast %parallel_loop3A_979 : i32 to index
        %parallel_loop3A_982 = arith.index_cast %parallel_loop3A_980 : i32 to index
        %parallel_loop3A_983 = arith.index_cast %parallel_loop3A_624 : i32 to index
        %parallel_loop3A_984 = tpu.vector_load %arg8[%parallel_loop3A_981, %parallel_loop3A_982, %parallel_loop3A_983] {strides = array<i32>} : memref<2x32x128xf32, #tpu.memory_space<vmem>>, vector<16xf32>,
        tpu.vector_store %arg8[%parallel_loop3A_981, %parallel_loop3A_982, %parallel_loop3A_983], %parallel_loop3A_930 {strides = array<i32>} : memref<2x32x128xf32, #tpu.memory_space<vmem>>, vector<16xf32>,
        %parallel_loop3A_985 = arith.constant 0 : i32
        %parallel_loop3A_986 = arith.constant 22 : i32
        %parallel_loop3A_987 = arith.index_cast %parallel_loop3A_985 : i32 to index
        %parallel_loop3A_988 = arith.index_cast %parallel_loop3A_986 : i32 to index
        %parallel_loop3A_989 = arith.index_cast %parallel_loop3A_624 : i32 to index
        %parallel_loop3A_990 = tpu.vector_load %arg8[%parallel_loop3A_987, %parallel_loop3A_988, %parallel_loop3A_989] {strides = array<i32>} : memref<2x32x128xf32, #tpu.memory_space<vmem>>, vector<16xf32>,
        tpu.vector_store %arg8[%parallel_loop3A_987, %parallel_loop3A_988, %parallel_loop3A_989], %parallel_loop3A_939 {strides = array<i32>} : memref<2x32x128xf32, #tpu.memory_space<vmem>>, vector<16xf32>,
        %parallel_loop3A_991 = arith.constant 0 : i32
        %parallel_loop3A_992 = arith.constant 23 : i32
        %parallel_loop3A_993 = arith.index_cast %parallel_loop3A_991 : i32 to index
        %parallel_loop3A_994 = arith.index_cast %parallel_loop3A_992 : i32 to index
        %parallel_loop3A_995 = arith.index_cast %parallel_loop3A_624 : i32 to index
        %parallel_loop3A_996 = tpu.vector_load %arg8[%parallel_loop3A_993, %parallel_loop3A_994, %parallel_loop3A_995] {strides = array<i32>} : memref<2x32x128xf32, #tpu.memory_space<vmem>>, vector<16xf32>,
        tpu.vector_store %arg8[%parallel_loop3A_993, %parallel_loop3A_994, %parallel_loop3A_995], %parallel_loop3A_948 {strides = array<i32>} : memref<2x32x128xf32, #tpu.memory_space<vmem>>, vector<16xf32>,
        %parallel_loop3A_997 = arith.constant 24 : i32
        %parallel_loop3A_998 = vector.broadcast %parallel_loop3A_997 : i32 to vector<16xi32>
        %parallel_loop3A_999 = arith.addi %parallel_loop3A_636, %parallel_loop3A_998 : vector<16xi32>
        %parallel_loop3A_1000 = arith.constant 0 : i32
        %parallel_loop3A_1001 = arith.constant 0 : i32
        %parallel_loop3A_1002 = arith.constant 0 : i32
        %parallel_loop3A_1003 = tpu.memref_slice %arg7[%parallel_loop3A_1000, %parallel_loop3A_1001, %parallel_loop3A_1002] : memref<4x128x128xf32, #tpu.memory_space<vmem>> -> memref<1x128x128xf32, #tpu.memory_space<vmem>>
        %parallel_loop3A_1004 = tpu.memref_squeeze %parallel_loop3A_1003 : memref<1x128x128xf32, #tpu.memory_space<vmem>> -> memref<128x128xf32, #tpu.memory_space<vmem>>
        %parallel_loop3A_1005 = tpu.vector_load_idx %parallel_loop3A_1004[%parallel_loop3A_626, %parallel_loop3A_999] : memref<128x128xf32, #tpu.memory_space<vmem>>[vector<16xi32>, vector<16xi32>], vector<16xf32>,
        %parallel_loop3A_1006 = arith.constant 25 : i32
        %parallel_loop3A_1007 = vector.broadcast %parallel_loop3A_1006 : i32 to vector<16xi32>
        %parallel_loop3A_1008 = arith.addi %parallel_loop3A_636, %parallel_loop3A_1007 : vector<16xi32>
        %parallel_loop3A_1009 = arith.constant 0 : i32
        %parallel_loop3A_1010 = arith.constant 0 : i32
        %parallel_loop3A_1011 = arith.constant 0 : i32
        %parallel_loop3A_1012 = tpu.memref_slice %arg7[%parallel_loop3A_1009, %parallel_loop3A_1010, %parallel_loop3A_1011] : memref<4x128x128xf32, #tpu.memory_space<vmem>> -> memref<1x128x128xf32, #tpu.memory_space<vmem>>
        %parallel_loop3A_1013 = tpu.memref_squeeze %parallel_loop3A_1012 : memref<1x128x128xf32, #tpu.memory_space<vmem>> -> memref<128x128xf32, #tpu.memory_space<vmem>>
        %parallel_loop3A_1014 = tpu.vector_load_idx %parallel_loop3A_1013[%parallel_loop3A_626, %parallel_loop3A_1008] : memref<128x128xf32, #tpu.memory_space<vmem>>[vector<16xi32>, vector<16xi32>], vector<16xf32>,
        %parallel_loop3A_1015 = arith.constant 26 : i32
        %parallel_loop3A_1016 = vector.broadcast %parallel_loop3A_1015 : i32 to vector<16xi32>
        %parallel_loop3A_1017 = arith.addi %parallel_loop3A_636, %parallel_loop3A_1016 : vector<16xi32>
        %parallel_loop3A_1018 = arith.constant 0 : i32
        %parallel_loop3A_1019 = arith.constant 0 : i32
        %parallel_loop3A_1020 = arith.constant 0 : i32
        %parallel_loop3A_1021 = tpu.memref_slice %arg7[%parallel_loop3A_1018, %parallel_loop3A_1019, %parallel_loop3A_1020] : memref<4x128x128xf32, #tpu.memory_space<vmem>> -> memref<1x128x128xf32, #tpu.memory_space<vmem>>
        %parallel_loop3A_1022 = tpu.memref_squeeze %parallel_loop3A_1021 : memref<1x128x128xf32, #tpu.memory_space<vmem>> -> memref<128x128xf32, #tpu.memory_space<vmem>>
        %parallel_loop3A_1023 = tpu.vector_load_idx %parallel_loop3A_1022[%parallel_loop3A_626, %parallel_loop3A_1017] : memref<128x128xf32, #tpu.memory_space<vmem>>[vector<16xi32>, vector<16xi32>], vector<16xf32>,
        %parallel_loop3A_1024 = arith.constant 27 : i32
        %parallel_loop3A_1025 = vector.broadcast %parallel_loop3A_1024 : i32 to vector<16xi32>
        %parallel_loop3A_1026 = arith.addi %parallel_loop3A_636, %parallel_loop3A_1025 : vector<16xi32>
        %parallel_loop3A_1027 = arith.constant 0 : i32
        %parallel_loop3A_1028 = arith.constant 0 : i32
        %parallel_loop3A_1029 = arith.constant 0 : i32
        %parallel_loop3A_1030 = tpu.memref_slice %arg7[%parallel_loop3A_1027, %parallel_loop3A_1028, %parallel_loop3A_1029] : memref<4x128x128xf32, #tpu.memory_space<vmem>> -> memref<1x128x128xf32, #tpu.memory_space<vmem>>
        %parallel_loop3A_1031 = tpu.memref_squeeze %parallel_loop3A_1030 : memref<1x128x128xf32, #tpu.memory_space<vmem>> -> memref<128x128xf32, #tpu.memory_space<vmem>>
        %parallel_loop3A_1032 = tpu.vector_load_idx %parallel_loop3A_1031[%parallel_loop3A_626, %parallel_loop3A_1026] : memref<128x128xf32, #tpu.memory_space<vmem>>[vector<16xi32>, vector<16xi32>], vector<16xf32>,
        %parallel_loop3A_1033 = arith.constant 28 : i32
        %parallel_loop3A_1034 = vector.broadcast %parallel_loop3A_1033 : i32 to vector<16xi32>
        %parallel_loop3A_1035 = arith.addi %parallel_loop3A_636, %parallel_loop3A_1034 : vector<16xi32>
        %parallel_loop3A_1036 = arith.constant 0 : i32
        %parallel_loop3A_1037 = arith.constant 0 : i32
        %parallel_loop3A_1038 = arith.constant 0 : i32
        %parallel_loop3A_1039 = tpu.memref_slice %arg7[%parallel_loop3A_1036, %parallel_loop3A_1037, %parallel_loop3A_1038] : memref<4x128x128xf32, #tpu.memory_space<vmem>> -> memref<1x128x128xf32, #tpu.memory_space<vmem>>
        %parallel_loop3A_1040 = tpu.memref_squeeze %parallel_loop3A_1039 : memref<1x128x128xf32, #tpu.memory_space<vmem>> -> memref<128x128xf32, #tpu.memory_space<vmem>>
        %parallel_loop3A_1041 = tpu.vector_load_idx %parallel_loop3A_1040[%parallel_loop3A_626, %parallel_loop3A_1035] : memref<128x128xf32, #tpu.memory_space<vmem>>[vector<16xi32>, vector<16xi32>], vector<16xf32>,
        %parallel_loop3A_1042 = arith.constant 29 : i32
        %parallel_loop3A_1043 = vector.broadcast %parallel_loop3A_1042 : i32 to vector<16xi32>
        %parallel_loop3A_1044 = arith.addi %parallel_loop3A_636, %parallel_loop3A_1043 : vector<16xi32>
        %parallel_loop3A_1045 = arith.constant 0 : i32
        %parallel_loop3A_1046 = arith.constant 0 : i32
        %parallel_loop3A_1047 = arith.constant 0 : i32
        %parallel_loop3A_1048 = tpu.memref_slice %arg7[%parallel_loop3A_1045, %parallel_loop3A_1046, %parallel_loop3A_1047] : memref<4x128x128xf32, #tpu.memory_space<vmem>> -> memref<1x128x128xf32, #tpu.memory_space<vmem>>
        %parallel_loop3A_1049 = tpu.memref_squeeze %parallel_loop3A_1048 : memref<1x128x128xf32, #tpu.memory_space<vmem>> -> memref<128x128xf32, #tpu.memory_space<vmem>>
        %parallel_loop3A_1050 = tpu.vector_load_idx %parallel_loop3A_1049[%parallel_loop3A_626, %parallel_loop3A_1044] : memref<128x128xf32, #tpu.memory_space<vmem>>[vector<16xi32>, vector<16xi32>], vector<16xf32>,
        %parallel_loop3A_1051 = arith.constant 30 : i32
        %parallel_loop3A_1052 = vector.broadcast %parallel_loop3A_1051 : i32 to vector<16xi32>
        %parallel_loop3A_1053 = arith.addi %parallel_loop3A_636, %parallel_loop3A_1052 : vector<16xi32>
        %parallel_loop3A_1054 = arith.constant 0 : i32
        %parallel_loop3A_1055 = arith.constant 0 : i32
        %parallel_loop3A_1056 = arith.constant 0 : i32
        %parallel_loop3A_1057 = tpu.memref_slice %arg7[%parallel_loop3A_1054, %parallel_loop3A_1055, %parallel_loop3A_1056] : memref<4x128x128xf32, #tpu.memory_space<vmem>> -> memref<1x128x128xf32, #tpu.memory_space<vmem>>
        %parallel_loop3A_1058 = tpu.memref_squeeze %parallel_loop3A_1057 : memref<1x128x128xf32, #tpu.memory_space<vmem>> -> memref<128x128xf32, #tpu.memory_space<vmem>>
        %parallel_loop3A_1059 = tpu.vector_load_idx %parallel_loop3A_1058[%parallel_loop3A_626, %parallel_loop3A_1053] : memref<128x128xf32, #tpu.memory_space<vmem>>[vector<16xi32>, vector<16xi32>], vector<16xf32>,
        %parallel_loop3A_1060 = arith.constant 31 : i32
        %parallel_loop3A_1061 = vector.broadcast %parallel_loop3A_1060 : i32 to vector<16xi32>
        %parallel_loop3A_1062 = arith.addi %parallel_loop3A_636, %parallel_loop3A_1061 : vector<16xi32>
        %parallel_loop3A_1063 = arith.constant 0 : i32
        %parallel_loop3A_1064 = arith.constant 0 : i32
        %parallel_loop3A_1065 = arith.constant 0 : i32
        %parallel_loop3A_1066 = tpu.memref_slice %arg7[%parallel_loop3A_1063, %parallel_loop3A_1064, %parallel_loop3A_1065] : memref<4x128x128xf32, #tpu.memory_space<vmem>> -> memref<1x128x128xf32, #tpu.memory_space<vmem>>
        %parallel_loop3A_1067 = tpu.memref_squeeze %parallel_loop3A_1066 : memref<1x128x128xf32, #tpu.memory_space<vmem>> -> memref<128x128xf32, #tpu.memory_space<vmem>>
        %parallel_loop3A_1068 = tpu.vector_load_idx %parallel_loop3A_1067[%parallel_loop3A_626, %parallel_loop3A_1062] : memref<128x128xf32, #tpu.memory_space<vmem>>[vector<16xi32>, vector<16xi32>], vector<16xf32>,
        %parallel_loop3A_1069 = arith.constant 0 : i32
        %parallel_loop3A_1070 = arith.constant 24 : i32
        %parallel_loop3A_1071 = arith.index_cast %parallel_loop3A_1069 : i32 to index
        %parallel_loop3A_1072 = arith.index_cast %parallel_loop3A_1070 : i32 to index
        %parallel_loop3A_1073 = arith.index_cast %parallel_loop3A_624 : i32 to index
        %parallel_loop3A_1074 = tpu.vector_load %arg8[%parallel_loop3A_1071, %parallel_loop3A_1072, %parallel_loop3A_1073] {strides = array<i32>} : memref<2x32x128xf32, #tpu.memory_space<vmem>>, vector<16xf32>,
        tpu.vector_store %arg8[%parallel_loop3A_1071, %parallel_loop3A_1072, %parallel_loop3A_1073], %parallel_loop3A_1005 {strides = array<i32>} : memref<2x32x128xf32, #tpu.memory_space<vmem>>, vector<16xf32>,
        %parallel_loop3A_1075 = arith.constant 0 : i32
        %parallel_loop3A_1076 = arith.constant 25 : i32
        %parallel_loop3A_1077 = arith.index_cast %parallel_loop3A_1075 : i32 to index
        %parallel_loop3A_1078 = arith.index_cast %parallel_loop3A_1076 : i32 to index
        %parallel_loop3A_1079 = arith.index_cast %parallel_loop3A_624 : i32 to index
        %parallel_loop3A_1080 = tpu.vector_load %arg8[%parallel_loop3A_1077, %parallel_loop3A_1078, %parallel_loop3A_1079] {strides = array<i32>} : memref<2x32x128xf32, #tpu.memory_space<vmem>>, vector<16xf32>,
        tpu.vector_store %arg8[%parallel_loop3A_1077, %parallel_loop3A_1078, %parallel_loop3A_1079], %parallel_loop3A_1014 {strides = array<i32>} : memref<2x32x128xf32, #tpu.memory_space<vmem>>, vector<16xf32>,
        %parallel_loop3A_1081 = arith.constant 0 : i32
        %parallel_loop3A_1082 = arith.constant 26 : i32
        %parallel_loop3A_1083 = arith.index_cast %parallel_loop3A_1081 : i32 to index
        %parallel_loop3A_1084 = arith.index_cast %parallel_loop3A_1082 : i32 to index
        %parallel_loop3A_1085 = arith.index_cast %parallel_loop3A_624 : i32 to index
        %parallel_loop3A_1086 = tpu.vector_load %arg8[%parallel_loop3A_1083, %parallel_loop3A_1084, %parallel_loop3A_1085] {strides = array<i32>} : memref<2x32x128xf32, #tpu.memory_space<vmem>>, vector<16xf32>,
        tpu.vector_store %arg8[%parallel_loop3A_1083, %parallel_loop3A_1084, %parallel_loop3A_1085], %parallel_loop3A_1023 {strides = array<i32>} : memref<2x32x128xf32, #tpu.memory_space<vmem>>, vector<16xf32>,
        %parallel_loop3A_1087 = arith.constant 0 : i32
        %parallel_loop3A_1088 = arith.constant 27 : i32
        %parallel_loop3A_1089 = arith.index_cast %parallel_loop3A_1087 : i32 to index
        %parallel_loop3A_1090 = arith.index_cast %parallel_loop3A_1088 : i32 to index
        %parallel_loop3A_1091 = arith.index_cast %parallel_loop3A_624 : i32 to index
        %parallel_loop3A_1092 = tpu.vector_load %arg8[%parallel_loop3A_1089, %parallel_loop3A_1090, %parallel_loop3A_1091] {strides = array<i32>} : memref<2x32x128xf32, #tpu.memory_space<vmem>>, vector<16xf32>,
        tpu.vector_store %arg8[%parallel_loop3A_1089, %parallel_loop3A_1090, %parallel_loop3A_1091], %parallel_loop3A_1032 {strides = array<i32>} : memref<2x32x128xf32, #tpu.memory_space<vmem>>, vector<16xf32>,
        %parallel_loop3A_1093 = arith.constant 0 : i32
        %parallel_loop3A_1094 = arith.constant 28 : i32
        %parallel_loop3A_1095 = arith.index_cast %parallel_loop3A_1093 : i32 to index
        %parallel_loop3A_1096 = arith.index_cast %parallel_loop3A_1094 : i32 to index
        %parallel_loop3A_1097 = arith.index_cast %parallel_loop3A_624 : i32 to index
        %parallel_loop3A_1098 = tpu.vector_load %arg8[%parallel_loop3A_1095, %parallel_loop3A_1096, %parallel_loop3A_1097] {strides = array<i32>} : memref<2x32x128xf32, #tpu.memory_space<vmem>>, vector<16xf32>,
        tpu.vector_store %arg8[%parallel_loop3A_1095, %parallel_loop3A_1096, %parallel_loop3A_1097], %parallel_loop3A_1041 {strides = array<i32>} : memref<2x32x128xf32, #tpu.memory_space<vmem>>, vector<16xf32>,
        %parallel_loop3A_1099 = arith.constant 0 : i32
        %parallel_loop3A_1100 = arith.constant 29 : i32
        %parallel_loop3A_1101 = arith.index_cast %parallel_loop3A_1099 : i32 to index
        %parallel_loop3A_1102 = arith.index_cast %parallel_loop3A_1100 : i32 to index
        %parallel_loop3A_1103 = arith.index_cast %parallel_loop3A_624 : i32 to index
        %parallel_loop3A_1104 = tpu.vector_load %arg8[%parallel_loop3A_1101, %parallel_loop3A_1102, %parallel_loop3A_1103] {strides = array<i32>} : memref<2x32x128xf32, #tpu.memory_space<vmem>>, vector<16xf32>,
        tpu.vector_store %arg8[%parallel_loop3A_1101, %parallel_loop3A_1102, %parallel_loop3A_1103], %parallel_loop3A_1050 {strides = array<i32>} : memref<2x32x128xf32, #tpu.memory_space<vmem>>, vector<16xf32>,
        %parallel_loop3A_1105 = arith.constant 0 : i32
        %parallel_loop3A_1106 = arith.constant 30 : i32
        %parallel_loop3A_1107 = arith.index_cast %parallel_loop3A_1105 : i32 to index
        %parallel_loop3A_1108 = arith.index_cast %parallel_loop3A_1106 : i32 to index
        %parallel_loop3A_1109 = arith.index_cast %parallel_loop3A_624 : i32 to index
        %parallel_loop3A_1110 = tpu.vector_load %arg8[%parallel_loop3A_1107, %parallel_loop3A_1108, %parallel_loop3A_1109] {strides = array<i32>} : memref<2x32x128xf32, #tpu.memory_space<vmem>>, vector<16xf32>,
        tpu.vector_store %arg8[%parallel_loop3A_1107, %parallel_loop3A_1108, %parallel_loop3A_1109], %parallel_loop3A_1059 {strides = array<i32>} : memref<2x32x128xf32, #tpu.memory_space<vmem>>, vector<16xf32>,
        %parallel_loop3A_1111 = arith.constant 0 : i32
        %parallel_loop3A_1112 = arith.constant 31 : i32
        %parallel_loop3A_1113 = arith.index_cast %parallel_loop3A_1111 : i32 to index
        %parallel_loop3A_1114 = arith.index_cast %parallel_loop3A_1112 : i32 to index
        %parallel_loop3A_1115 = arith.index_cast %parallel_loop3A_624 : i32 to index
        %parallel_loop3A_1116 = tpu.vector_load %arg8[%parallel_loop3A_1113, %parallel_loop3A_1114, %parallel_loop3A_1115] {strides = array<i32>} : memref<2x32x128xf32, #tpu.memory_space<vmem>>, vector<16xf32>,
        tpu.vector_store %arg8[%parallel_loop3A_1113, %parallel_loop3A_1114, %parallel_loop3A_1115], %parallel_loop3A_1068 {strides = array<i32>} : memref<2x32x128xf32, #tpu.memory_space<vmem>>, vector<16xf32>,
      } {sc.loop_unroll_factor = 2 : i64, sc.parallel_access}
      %add3A_343 = arith.addi %mul3A_2, %add3A_300 : i32
      %shift_right_arithmetic3A_344 = arith.constant 5 : i32
      %shift_right_arithmetic3A_345 = arith.shrsi %add3A_343, %shift_right_arithmetic3A_344 : i32
      %and3A_346 = arith.constant 31 : i32
      %and3A_347 = arith.andi %add3A_343, %and3A_346 : i32
      %mul3A_348 = arith.constant 128 : i32
      %mul3A_349 = arith.muli %and3A_347, %mul3A_348 : i32
      %dma_start3A_350 = arith.constant 0 : i32
      %dma_start3A_351 = arith.constant 0 : i32
      %dma_start3A_352 = arith.constant 0 : i32
      %dma_start3A_353 = arith.constant 0 : i32
      %dma_start3A_354 = tpu.memref_slice %arg8[%dma_start3A_350, %dma_start3A_352, %dma_start3A_353] : memref<2x32x128xf32, #tpu.memory_space<vmem>> -> memref<1x32x128xf32, #tpu.memory_space<vmem>>
      %dma_start3A_355 = tpu.memref_squeeze %dma_start3A_354 : memref<1x32x128xf32, #tpu.memory_space<vmem>> -> memref<32x128xf32, #tpu.memory_space<vmem>>
      %dma_start3A_356 = arith.constant 0 : i32
      %dma_start3A_357 = tpu.memref_slice %arg4[%shift_right_arithmetic3A_345, %dma_start3A_356, %mul3A_349] : memref<200x32x4096xf32, #tpu.memory_space<hbm>> -> memref<1x32x128xf32, #tpu.memory_space<hbm>>
      %dma_start3A_358 = tpu.memref_squeeze %dma_start3A_357 : memref<1x32x128xf32, #tpu.memory_space<hbm>> -> memref<32x128xf32, #tpu.memory_space<hbm>>
      %dma_start3A_359 = tpu.memref_slice %arg10[%dma_start3A_351] : memref<2x!tpu.dma_semaphore, #tpu.memory_space<semaphore_mem>> -> memref<1x!tpu.dma_semaphore, #tpu.memory_space<semaphore_mem>>
      %dma_start3A_360 = tpu.memref_squeeze %dma_start3A_359 : memref<1x!tpu.dma_semaphore, #tpu.memory_space<semaphore_mem>> -> memref<!tpu.dma_semaphore, #tpu.memory_space<semaphore_mem>>
      %dma_start3A_361 = arith.constant 0 : i32
      %dma_start3A_362 = tpu.memref_slice %arg4[%shift_right_arithmetic3A_345, %dma_start3A_361, %mul3A_349] : memref<200x32x4096xf32, #tpu.memory_space<hbm>> -> memref<1x32x128xf32, #tpu.memory_space<hbm>>
      %dma_start3A_363 = tpu.memref_squeeze %dma_start3A_362 : memref<1x32x128xf32, #tpu.memory_space<hbm>> -> memref<32x128xf32, #tpu.memory_space<hbm>>
      %dma_start3A_364 = arith.constant 0 : i32
      %dma_start3A_365 = arith.constant 0 : i32
      %dma_start3A_366 = tpu.memref_slice %arg8[%dma_start3A_350, %dma_start3A_364, %dma_start3A_365] : memref<2x32x128xf32, #tpu.memory_space<vmem>> -> memref<1x32x128xf32, #tpu.memory_space<vmem>>
      %dma_start3A_367 = tpu.memref_squeeze %dma_start3A_366 : memref<1x32x128xf32, #tpu.memory_space<vmem>> -> memref<32x128xf32, #tpu.memory_space<vmem>>
      tpu.enqueue_dma source(%dma_start3A_367 : memref<32x128xf32, #tpu.memory_space<vmem>>) target(%dma_start3A_363 : memref<32x128xf32, #tpu.memory_space<hbm>>) target_semaphore(%dma_start3A_360 : memref<!tpu.dma_semaphore, #tpu.memory_space<semaphore_mem>>)
      %add3A_368 = arith.constant 4 : i32
      %add3A_369 = arith.addi %add3A_300, %add3A_368 : i32
      %lt3A_370 = arith.constant 200 : i32
      %lt3A_371 = arith.cmpi slt, %add3A_369, %lt3A_370 : i32
      %convert_element_type3A_372 = arith.extui %lt3A_371 : i1 to i32
      %cond3A_373 = arith.constant 0 : i32
      %cond3A_374 = arith.cmpi ne, %convert_element_type3A_372, %cond3A_373 : i32
      scf.if %cond3A_374 {
        %add3A_624 = arith.constant 4 : i32
        %add3A_625 = arith.addi %add3A_300, %add3A_624 : i32
        %add3A_626 = arith.addi %mul3A_2, %add3A_625 : i32
        %shift_right_arithmetic3A_627 = arith.constant 5 : i32
        %shift_right_arithmetic3A_628 = arith.shrsi %add3A_626, %shift_right_arithmetic3A_627 : i32
        %and3A_629 = arith.constant 31 : i32
        %and3A_630 = arith.andi %add3A_626, %and3A_629 : i32
        %mul3A_631 = arith.constant 128 : i32
        %mul3A_632 = arith.muli %and3A_630, %mul3A_631 : i32
        %dma_start3A_633 = arith.constant 0 : i32
        %dma_start3A_634 = arith.constant 0 : i32
        %dma_start3A_635 = arith.constant 0 : i32
        %dma_start3A_636 = tpu.memref_slice %arg5[%dma_start3A_633, %dma_start3A_635] : memref<4x128xi32, #tpu.memory_space<vmem>> -> memref<1x128xi32, #tpu.memory_space<vmem>>
        %dma_start3A_637 = tpu.memref_squeeze %dma_start3A_636 : memref<1x128xi32, #tpu.memory_space<vmem>> -> memref<128xi32, #tpu.memory_space<vmem>>
        %dma_start3A_638 = tpu.memref_slice %arg3[%shift_right_arithmetic3A_628, %mul3A_632] : memref<200x4096xi32, #tpu.memory_space<hbm>> -> memref<1x128xi32, #tpu.memory_space<hbm>>
        %dma_start3A_639 = tpu.memref_squeeze %dma_start3A_638 : memref<1x128xi32, #tpu.memory_space<hbm>> -> memref<128xi32, #tpu.memory_space<hbm>>
        %dma_start3A_640 = tpu.memref_slice %arg11[%dma_start3A_634] : memref<4x!tpu.dma_semaphore, #tpu.memory_space<semaphore_mem>> -> memref<1x!tpu.dma_semaphore, #tpu.memory_space<semaphore_mem>>
        %dma_start3A_641 = tpu.memref_squeeze %dma_start3A_640 : memref<1x!tpu.dma_semaphore, #tpu.memory_space<semaphore_mem>> -> memref<!tpu.dma_semaphore, #tpu.memory_space<semaphore_mem>>
        %dma_start3A_642 = arith.constant 0 : i32
        %dma_start3A_643 = tpu.memref_slice %arg5[%dma_start3A_633, %dma_start3A_642] : memref<4x128xi32, #tpu.memory_space<vmem>> -> memref<1x128xi32, #tpu.memory_space<vmem>>
        %dma_start3A_644 = tpu.memref_squeeze %dma_start3A_643 : memref<1x128xi32, #tpu.memory_space<vmem>> -> memref<128xi32, #tpu.memory_space<vmem>>
        %dma_start3A_645 = tpu.memref_slice %arg3[%shift_right_arithmetic3A_628, %mul3A_632] : memref<200x4096xi32, #tpu.memory_space<hbm>> -> memref<1x128xi32, #tpu.memory_space<hbm>>
        %dma_start3A_646 = tpu.memref_squeeze %dma_start3A_645 : memref<1x128xi32, #tpu.memory_space<hbm>> -> memref<128xi32, #tpu.memory_space<hbm>>
        tpu.enqueue_dma source(%dma_start3A_646 : memref<128xi32, #tpu.memory_space<hbm>>) target(%dma_start3A_644 : memref<128xi32, #tpu.memory_space<vmem>>) target_semaphore(%dma_start3A_641 : memref<!tpu.dma_semaphore, #tpu.memory_space<semaphore_mem>>)
      } else {
      }
      %mul3A_375 = arith.constant 4 : i32
      %mul3A_376 = arith.muli %add3A_296, %mul3A_375 : i32
      %add3A_377 = arith.constant 1 : i32
      %add3A_378 = arith.addi %mul3A_376, %add3A_377 : i32
      %dma_wait3A_379 = arith.constant 1 : i32
      %dma_wait3A_380 = arith.constant 1 : i32
      %dma_wait3A_381 = arith.constant 1 : i32
      %dma_wait3A_382 = arith.constant 0 : i32
      %dma_wait3A_383 = arith.constant 0 : i32
      %dma_wait3A_384 = tpu.memref_slice %arg7[%dma_wait3A_380, %dma_wait3A_382, %dma_wait3A_383] : memref<4x128x128xf32, #tpu.memory_space<vmem>> -> memref<1x64x128xf32, #tpu.memory_space<vmem>>
      %dma_wait3A_385 = tpu.memref_squeeze %dma_wait3A_384 : memref<1x64x128xf32, #tpu.memory_space<vmem>> -> memref<64x128xf32, #tpu.memory_space<vmem>>
      %dma_wait3A_386 = arith.constant 0 : i32
      %dma_wait3A_387 = tpu.memref_slice %arg6[%dma_wait3A_379, %dma_wait3A_386] : memref<4x128xi32, #tpu.memory_space<vmem>> -> memref<1x64xi32, #tpu.memory_space<vmem>>
      %dma_wait3A_388 = tpu.memref_squeeze %dma_wait3A_387 : memref<1x64xi32, #tpu.memory_space<vmem>> -> memref<64xi32, #tpu.memory_space<vmem>>
      %dma_wait3A_389 = arith.constant 0 : i32
      %dma_wait3A_390 = arith.constant 0 : i32
      %dma_wait3A_391 = tpu.memref_slice %arg2[%dma_wait3A_389, %dma_wait3A_390] : memref<250000x128xf32, #tpu.memory_space<hbm>> -> memref<250000x128xf32, #tpu.memory_space<hbm>>
      %dma_wait3A_392 = tpu.memref_slice %arg9[%dma_wait3A_381] : memref<4x!tpu.dma_semaphore, #tpu.memory_space<semaphore_mem>> -> memref<1x!tpu.dma_semaphore, #tpu.memory_space<semaphore_mem>>
      %dma_wait3A_393 = tpu.memref_squeeze %dma_wait3A_392 : memref<1x!tpu.dma_semaphore, #tpu.memory_space<semaphore_mem>> -> memref<!tpu.dma_semaphore, #tpu.memory_space<semaphore_mem>>
      tpu.wait_indirect_dma semaphore(%dma_wait3A_393 : memref<!tpu.dma_semaphore, #tpu.memory_space<semaphore_mem>>) src(%dma_wait3A_391 : memref<250000x128xf32, #tpu.memory_space<hbm>>) dst(%dma_wait3A_385 : memref<64x128xf32, #tpu.memory_space<vmem>>)
      %dma_wait3A_394 = arith.constant 1 : i32
      %dma_wait3A_395 = arith.constant 1 : i32
      %dma_wait3A_396 = arith.constant 1 : i32
      %dma_wait3A_397 = arith.constant 64 : i32
      %dma_wait3A_398 = arith.constant 0 : i32
      %dma_wait3A_399 = tpu.memref_slice %arg7[%dma_wait3A_395, %dma_wait3A_397, %dma_wait3A_398] : memref<4x128x128xf32, #tpu.memory_space<vmem>> -> memref<1x64x128xf32, #tpu.memory_space<vmem>>
      %dma_wait3A_400 = tpu.memref_squeeze %dma_wait3A_399 : memref<1x64x128xf32, #tpu.memory_space<vmem>> -> memref<64x128xf32, #tpu.memory_space<vmem>>
      %dma_wait3A_401 = arith.constant 64 : i32
      %dma_wait3A_402 = tpu.memref_slice %arg6[%dma_wait3A_394, %dma_wait3A_401] : memref<4x128xi32, #tpu.memory_space<vmem>> -> memref<1x64xi32, #tpu.memory_space<vmem>>
      %dma_wait3A_403 = tpu.memref_squeeze %dma_wait3A_402 : memref<1x64xi32, #tpu.memory_space<vmem>> -> memref<64xi32, #tpu.memory_space<vmem>>
      %dma_wait3A_404 = arith.constant 0 : i32
      %dma_wait3A_405 = arith.constant 0 : i32
      %dma_wait3A_406 = tpu.memref_slice %arg2[%dma_wait3A_404, %dma_wait3A_405] : memref<250000x128xf32, #tpu.memory_space<hbm>> -> memref<250000x128xf32, #tpu.memory_space<hbm>>
      %dma_wait3A_407 = tpu.memref_slice %arg9[%dma_wait3A_396] : memref<4x!tpu.dma_semaphore, #tpu.memory_space<semaphore_mem>> -> memref<1x!tpu.dma_semaphore, #tpu.memory_space<semaphore_mem>>
      %dma_wait3A_408 = tpu.memref_squeeze %dma_wait3A_407 : memref<1x!tpu.dma_semaphore, #tpu.memory_space<semaphore_mem>> -> memref<!tpu.dma_semaphore, #tpu.memory_space<semaphore_mem>>
      tpu.wait_indirect_dma semaphore(%dma_wait3A_408 : memref<!tpu.dma_semaphore, #tpu.memory_space<semaphore_mem>>) src(%dma_wait3A_406 : memref<250000x128xf32, #tpu.memory_space<hbm>>) dst(%dma_wait3A_400 : memref<64x128xf32, #tpu.memory_space<vmem>>)
      %add3A_409 = arith.constant 4 : i32
      %add3A_410 = arith.addi %add3A_378, %add3A_409 : i32
      %sub3A_411 = arith.constant 1 : i32
      %sub3A_412 = arith.subi %add3A_410, %sub3A_411 : i32
      %lt3A_413 = arith.constant 200 : i32
      %lt3A_414 = arith.cmpi slt, %sub3A_412, %lt3A_413 : i32
      %convert_element_type3A_415 = arith.extui %lt3A_414 : i1 to i32
      %cond3A_416 = arith.constant 0 : i32
      %cond3A_417 = arith.cmpi ne, %convert_element_type3A_415, %cond3A_416 : i32
      scf.if %cond3A_417 {
        %dma_wait3A_624 = arith.constant 0 : i32
        %dma_wait3A_625 = arith.constant 0 : i32
        %dma_wait3A_626 = arith.constant 0 : i32
        %dma_wait3A_627 = arith.constant 0 : i32
        %dma_wait3A_628 = tpu.memref_slice %arg5[%dma_wait3A_625, %dma_wait3A_627] : memref<4x128xi32, #tpu.memory_space<vmem>> -> memref<1x128xi32, #tpu.memory_space<vmem>>
        %dma_wait3A_629 = tpu.memref_squeeze %dma_wait3A_628 : memref<1x128xi32, #tpu.memory_space<vmem>> -> memref<128xi32, #tpu.memory_space<vmem>>
        %dma_wait3A_630 = arith.constant 0 : i32
        %dma_wait3A_631 = tpu.memref_slice %arg3[%dma_wait3A_624, %dma_wait3A_630] : memref<200x4096xi32, #tpu.memory_space<hbm>> -> memref<1x128xi32, #tpu.memory_space<hbm>>
        %dma_wait3A_632 = tpu.memref_squeeze %dma_wait3A_631 : memref<1x128xi32, #tpu.memory_space<hbm>> -> memref<128xi32, #tpu.memory_space<hbm>>
        %dma_wait3A_633 = tpu.memref_slice %arg11[%dma_wait3A_626] : memref<4x!tpu.dma_semaphore, #tpu.memory_space<semaphore_mem>> -> memref<1x!tpu.dma_semaphore, #tpu.memory_space<semaphore_mem>>
        %dma_wait3A_634 = tpu.memref_squeeze %dma_wait3A_633 : memref<1x!tpu.dma_semaphore, #tpu.memory_space<semaphore_mem>> -> memref<!tpu.dma_semaphore, #tpu.memory_space<semaphore_mem>>
        %dma_wait3A_635 = arith.constant 0 : i32
        %dma_wait3A_636 = tpu.memref_slice %arg5[%dma_wait3A_625, %dma_wait3A_635] : memref<4x128xi32, #tpu.memory_space<vmem>> -> memref<1x128xi32, #tpu.memory_space<vmem>>
        %dma_wait3A_637 = tpu.memref_squeeze %dma_wait3A_636 : memref<1x128xi32, #tpu.memory_space<vmem>> -> memref<128xi32, #tpu.memory_space<vmem>>
        %dma_wait3A_638 = arith.constant 0 : i32
        %dma_wait3A_639 = tpu.memref_slice %arg3[%dma_wait3A_624, %dma_wait3A_638] : memref<200x4096xi32, #tpu.memory_space<hbm>> -> memref<1x128xi32, #tpu.memory_space<hbm>>
        %dma_wait3A_640 = tpu.memref_squeeze %dma_wait3A_639 : memref<1x128xi32, #tpu.memory_space<hbm>> -> memref<128xi32, #tpu.memory_space<hbm>>
        tpu.wait_dma2 semaphore(%dma_wait3A_634 : memref<!tpu.dma_semaphore, #tpu.memory_space<semaphore_mem>>) src(%dma_wait3A_640 : memref<128xi32, #tpu.memory_space<hbm>>) dst(%dma_wait3A_637 : memref<128xi32, #tpu.memory_space<vmem>>)
        %parallel_loop3A_641 = arith.constant 0 : i32
        %parallel_loop3A_642 = arith.constant 128 : i32
        %parallel_loop3A_643 = arith.constant 16 : i32
        scf.for %parallel_loop3A_674 = %parallel_loop3A_641 to %parallel_loop3A_642 step %parallel_loop3A_643  : i32 {
          %parallel_loop3A_675 = arith.constant 0 : i32
          %parallel_loop3A_676 = arith.index_cast %parallel_loop3A_675 : i32 to index
          %parallel_loop3A_677 = arith.index_cast %parallel_loop3A_674 : i32 to index
          %parallel_loop3A_678 = tpu.vector_load %arg5[%parallel_loop3A_676, %parallel_loop3A_677] {strides = array<i32>} : memref<4x128xi32, #tpu.memory_space<vmem>>, vector<16xi32>,
          %parallel_loop3A_679 = arith.constant 2 : i32
          %parallel_loop3A_680 = vector.broadcast %parallel_loop3A_679 : i32 to vector<16xi32>
          %parallel_loop3A_681 = arith.shrui %parallel_loop3A_678, %parallel_loop3A_680 : vector<16xi32>
          %parallel_loop3A_682 = arith.constant 0 : i32
          %parallel_loop3A_683 = arith.index_cast %parallel_loop3A_682 : i32 to index
          %parallel_loop3A_684 = arith.index_cast %parallel_loop3A_674 : i32 to index
          %parallel_loop3A_685 = tpu.vector_load %arg6[%parallel_loop3A_683, %parallel_loop3A_684] {strides = array<i32>} : memref<4x128xi32, #tpu.memory_space<vmem>>, vector<16xi32>,
          tpu.vector_store %arg6[%parallel_loop3A_683, %parallel_loop3A_684], %parallel_loop3A_681 {strides = array<i32>} : memref<4x128xi32, #tpu.memory_space<vmem>>, vector<16xi32>,
        } {sc.loop_unroll_factor = 1 : i64, sc.parallel_access}
        %dma_start3A_644 = arith.constant 0 : i32
        %dma_start3A_645 = arith.constant 0 : i32
        %dma_start3A_646 = arith.constant 0 : i32
        %dma_start3A_647 = arith.constant 0 : i32
        %dma_start3A_648 = arith.constant 0 : i32
        %dma_start3A_649 = tpu.memref_slice %arg7[%dma_start3A_645, %dma_start3A_647, %dma_start3A_648] : memref<4x128x128xf32, #tpu.memory_space<vmem>> -> memref<1x64x128xf32, #tpu.memory_space<vmem>>
        %dma_start3A_650 = tpu.memref_squeeze %dma_start3A_649 : memref<1x64x128xf32, #tpu.memory_space<vmem>> -> memref<64x128xf32, #tpu.memory_space<vmem>>
        %dma_start3A_651 = arith.constant 0 : i32
        %dma_start3A_652 = tpu.memref_slice %arg6[%dma_start3A_644, %dma_start3A_651] : memref<4x128xi32, #tpu.memory_space<vmem>> -> memref<1x64xi32, #tpu.memory_space<vmem>>
        %dma_start3A_653 = tpu.memref_squeeze %dma_start3A_652 : memref<1x64xi32, #tpu.memory_space<vmem>> -> memref<64xi32, #tpu.memory_space<vmem>>
        %dma_start3A_654 = arith.constant 0 : i32
        %dma_start3A_655 = arith.constant 0 : i32
        %dma_start3A_656 = tpu.memref_slice %arg2[%dma_start3A_654, %dma_start3A_655] : memref<250000x128xf32, #tpu.memory_space<hbm>> -> memref<250000x128xf32, #tpu.memory_space<hbm>>
        %dma_start3A_657 = tpu.memref_slice %arg9[%dma_start3A_646] : memref<4x!tpu.dma_semaphore, #tpu.memory_space<semaphore_mem>> -> memref<1x!tpu.dma_semaphore, #tpu.memory_space<semaphore_mem>>
        %dma_start3A_658 = tpu.memref_squeeze %dma_start3A_657 : memref<1x!tpu.dma_semaphore, #tpu.memory_space<semaphore_mem>> -> memref<!tpu.dma_semaphore, #tpu.memory_space<semaphore_mem>>
        tpu.enqueue_indirect_dma source(%dma_start3A_656 : memref<250000x128xf32, #tpu.memory_space<hbm>>) target(%dma_start3A_650 : memref<64x128xf32, #tpu.memory_space<vmem>>) offsets(%dma_start3A_653 : memref<64xi32, #tpu.memory_space<vmem>>) semaphore(%dma_start3A_658 : memref<!tpu.dma_semaphore, #tpu.memory_space<semaphore_mem>>)
        %dma_start3A_659 = arith.constant 0 : i32
        %dma_start3A_660 = arith.constant 0 : i32
        %dma_start3A_661 = arith.constant 0 : i32
        %dma_start3A_662 = arith.constant 64 : i32
        %dma_start3A_663 = arith.constant 0 : i32
        %dma_start3A_664 = tpu.memref_slice %arg7[%dma_start3A_660, %dma_start3A_662, %dma_start3A_663] : memref<4x128x128xf32, #tpu.memory_space<vmem>> -> memref<1x64x128xf32, #tpu.memory_space<vmem>>
        %dma_start3A_665 = tpu.memref_squeeze %dma_start3A_664 : memref<1x64x128xf32, #tpu.memory_space<vmem>> -> memref<64x128xf32, #tpu.memory_space<vmem>>
        %dma_start3A_666 = arith.constant 64 : i32
        %dma_start3A_667 = tpu.memref_slice %arg6[%dma_start3A_659, %dma_start3A_666] : memref<4x128xi32, #tpu.memory_space<vmem>> -> memref<1x64xi32, #tpu.memory_space<vmem>>
        %dma_start3A_668 = tpu.memref_squeeze %dma_start3A_667 : memref<1x64xi32, #tpu.memory_space<vmem>> -> memref<64xi32, #tpu.memory_space<vmem>>
        %dma_start3A_669 = arith.constant 0 : i32
        %dma_start3A_670 = arith.constant 0 : i32
        %dma_start3A_671 = tpu.memref_slice %arg2[%dma_start3A_669, %dma_start3A_670] : memref<250000x128xf32, #tpu.memory_space<hbm>> -> memref<250000x128xf32, #tpu.memory_space<hbm>>
        %dma_start3A_672 = tpu.memref_slice %arg9[%dma_start3A_661] : memref<4x!tpu.dma_semaphore, #tpu.memory_space<semaphore_mem>> -> memref<1x!tpu.dma_semaphore, #tpu.memory_space<semaphore_mem>>
        %dma_start3A_673 = tpu.memref_squeeze %dma_start3A_672 : memref<1x!tpu.dma_semaphore, #tpu.memory_space<semaphore_mem>> -> memref<!tpu.dma_semaphore, #tpu.memory_space<semaphore_mem>>
        tpu.enqueue_indirect_dma source(%dma_start3A_671 : memref<250000x128xf32, #tpu.memory_space<hbm>>) target(%dma_start3A_665 : memref<64x128xf32, #tpu.memory_space<vmem>>) offsets(%dma_start3A_668 : memref<64xi32, #tpu.memory_space<vmem>>) semaphore(%dma_start3A_673 : memref<!tpu.dma_semaphore, #tpu.memory_space<semaphore_mem>>)
      } else {
      }
      %ge3A_418 = arith.constant 2 : i32
      %ge3A_419 = arith.cmpi sge, %add3A_378, %ge3A_418 : i32
      %convert_element_type3A_420 = arith.extui %ge3A_419 : i1 to i32
      %cond3A_421 = arith.constant 0 : i32
      %cond3A_422 = arith.cmpi ne, %convert_element_type3A_420, %cond3A_421 : i32
      scf.if %cond3A_422 {
        %add3A_624 = arith.constant 0 : i32
        %add3A_625 = arith.addi %mul3A_2, %add3A_624 : i32
        %shift_right_arithmetic3A_626 = arith.constant 5 : i32
        %shift_right_arithmetic3A_627 = arith.shrsi %add3A_625, %shift_right_arithmetic3A_626 : i32
        %and3A_628 = arith.constant 31 : i32
        %and3A_629 = arith.andi %add3A_625, %and3A_628 : i32
        %mul3A_630 = arith.constant 128 : i32
        %mul3A_631 = arith.muli %and3A_629, %mul3A_630 : i32
        %dma_wait3A_632 = arith.constant 1 : i32
        %dma_wait3A_633 = arith.constant 1 : i32
        %dma_wait3A_634 = arith.constant 0 : i32
        %dma_wait3A_635 = arith.constant 0 : i32
        %dma_wait3A_636 = tpu.memref_slice %arg8[%dma_wait3A_632, %dma_wait3A_634, %dma_wait3A_635] : memref<2x32x128xf32, #tpu.memory_space<vmem>> -> memref<1x32x128xf32, #tpu.memory_space<vmem>>
        %dma_wait3A_637 = tpu.memref_squeeze %dma_wait3A_636 : memref<1x32x128xf32, #tpu.memory_space<vmem>> -> memref<32x128xf32, #tpu.memory_space<vmem>>
        %dma_wait3A_638 = arith.constant 0 : i32
        %dma_wait3A_639 = tpu.memref_slice %arg4[%shift_right_arithmetic3A_627, %dma_wait3A_638, %mul3A_631] : memref<200x32x4096xf32, #tpu.memory_space<hbm>> -> memref<1x32x128xf32, #tpu.memory_space<hbm>>
        %dma_wait3A_640 = tpu.memref_squeeze %dma_wait3A_639 : memref<1x32x128xf32, #tpu.memory_space<hbm>> -> memref<32x128xf32, #tpu.memory_space<hbm>>
        %dma_wait3A_641 = tpu.memref_slice %arg10[%dma_wait3A_633] : memref<2x!tpu.dma_semaphore, #tpu.memory_space<semaphore_mem>> -> memref<1x!tpu.dma_semaphore, #tpu.memory_space<semaphore_mem>>
        %dma_wait3A_642 = tpu.memref_squeeze %dma_wait3A_641 : memref<1x!tpu.dma_semaphore, #tpu.memory_space<semaphore_mem>> -> memref<!tpu.dma_semaphore, #tpu.memory_space<semaphore_mem>>
        %dma_wait3A_643 = arith.constant 0 : i32
        %dma_wait3A_644 = tpu.memref_slice %arg4[%shift_right_arithmetic3A_627, %dma_wait3A_643, %mul3A_631] : memref<200x32x4096xf32, #tpu.memory_space<hbm>> -> memref<1x32x128xf32, #tpu.memory_space<hbm>>
        %dma_wait3A_645 = tpu.memref_squeeze %dma_wait3A_644 : memref<1x32x128xf32, #tpu.memory_space<hbm>> -> memref<32x128xf32, #tpu.memory_space<hbm>>
        %dma_wait3A_646 = arith.constant 0 : i32
        %dma_wait3A_647 = arith.constant 0 : i32
        %dma_wait3A_648 = tpu.memref_slice %arg8[%dma_wait3A_632, %dma_wait3A_646, %dma_wait3A_647] : memref<2x32x128xf32, #tpu.memory_space<vmem>> -> memref<1x32x128xf32, #tpu.memory_space<vmem>>
        %dma_wait3A_649 = tpu.memref_squeeze %dma_wait3A_648 : memref<1x32x128xf32, #tpu.memory_space<vmem>> -> memref<32x128xf32, #tpu.memory_space<vmem>>
        tpu.wait_dma2 semaphore(%dma_wait3A_642 : memref<!tpu.dma_semaphore, #tpu.memory_space<semaphore_mem>>) src(%dma_wait3A_649 : memref<32x128xf32, #tpu.memory_space<vmem>>) dst(%dma_wait3A_645 : memref<32x128xf32, #tpu.memory_space<hbm>>)
      } else {
      }
      %parallel_loop3A_423 = arith.constant 0 : i32
      %parallel_loop3A_424 = arith.constant 128 : i32
      %parallel_loop3A_425 = arith.constant 16 : i32
      scf.for %parallel_loop3A_624 = %parallel_loop3A_423 to %parallel_loop3A_424 step %parallel_loop3A_425  : i32 {
        %parallel_loop3A_625 = vector.broadcast %parallel_loop3A_624 : i32 to vector<16xi32>
        %parallel_loop3A_626 = arith.addi %iota3A, %parallel_loop3A_625 : vector<16xi32>
        %parallel_loop3A_627 = arith.constant 1 : i32
        %parallel_loop3A_628 = arith.index_cast %parallel_loop3A_627 : i32 to index
        %parallel_loop3A_629 = arith.index_cast %parallel_loop3A_624 : i32 to index
        %parallel_loop3A_630 = tpu.vector_load %arg5[%parallel_loop3A_628, %parallel_loop3A_629] {strides = array<i32>} : memref<4x128xi32, #tpu.memory_space<vmem>>, vector<16xi32>,
        %parallel_loop3A_631 = arith.constant 3 : i32
        %parallel_loop3A_632 = vector.broadcast %parallel_loop3A_631 : i32 to vector<16xi32>
        %parallel_loop3A_633 = arith.andi %parallel_loop3A_630, %parallel_loop3A_632 : vector<16xi32>
        %parallel_loop3A_634 = arith.constant 32 : i32
        %parallel_loop3A_635 = vector.broadcast %parallel_loop3A_634 : i32 to vector<16xi32>
        %parallel_loop3A_636 = arith.muli %parallel_loop3A_633, %parallel_loop3A_635 : vector<16xi32>
        %parallel_loop3A_637 = arith.constant 0 : i32
        %parallel_loop3A_638 = vector.broadcast %parallel_loop3A_637 : i32 to vector<16xi32>
        %parallel_loop3A_639 = arith.addi %parallel_loop3A_636, %parallel_loop3A_638 : vector<16xi32>
        %parallel_loop3A_640 = arith.constant 1 : i32
        %parallel_loop3A_641 = arith.constant 0 : i32
        %parallel_loop3A_642 = arith.constant 0 : i32
        %parallel_loop3A_643 = tpu.memref_slice %arg7[%parallel_loop3A_640, %parallel_loop3A_641, %parallel_loop3A_642] : memref<4x128x128xf32, #tpu.memory_space<vmem>> -> memref<1x128x128xf32, #tpu.memory_space<vmem>>
        %parallel_loop3A_644 = tpu.memref_squeeze %parallel_loop3A_643 : memref<1x128x128xf32, #tpu.memory_space<vmem>> -> memref<128x128xf32, #tpu.memory_space<vmem>>
        %parallel_loop3A_645 = tpu.vector_load_idx %parallel_loop3A_644[%parallel_loop3A_626, %parallel_loop3A_639] : memref<128x128xf32, #tpu.memory_space<vmem>>[vector<16xi32>, vector<16xi32>], vector<16xf32>,
        %parallel_loop3A_646 = arith.constant 1 : i32
        %parallel_loop3A_647 = vector.broadcast %parallel_loop3A_646 : i32 to vector<16xi32>
        %parallel_loop3A_648 = arith.addi %parallel_loop3A_636, %parallel_loop3A_647 : vector<16xi32>
        %parallel_loop3A_649 = arith.constant 1 : i32
        %parallel_loop3A_650 = arith.constant 0 : i32
        %parallel_loop3A_651 = arith.constant 0 : i32
        %parallel_loop3A_652 = tpu.memref_slice %arg7[%parallel_loop3A_649, %parallel_loop3A_650, %parallel_loop3A_651] : memref<4x128x128xf32, #tpu.memory_space<vmem>> -> memref<1x128x128xf32, #tpu.memory_space<vmem>>
        %parallel_loop3A_653 = tpu.memref_squeeze %parallel_loop3A_652 : memref<1x128x128xf32, #tpu.memory_space<vmem>> -> memref<128x128xf32, #tpu.memory_space<vmem>>
        %parallel_loop3A_654 = tpu.vector_load_idx %parallel_loop3A_653[%parallel_loop3A_626, %parallel_loop3A_648] : memref<128x128xf32, #tpu.memory_space<vmem>>[vector<16xi32>, vector<16xi32>], vector<16xf32>,
        %parallel_loop3A_655 = arith.constant 2 : i32
        %parallel_loop3A_656 = vector.broadcast %parallel_loop3A_655 : i32 to vector<16xi32>
        %parallel_loop3A_657 = arith.addi %parallel_loop3A_636, %parallel_loop3A_656 : vector<16xi32>
        %parallel_loop3A_658 = arith.constant 1 : i32
        %parallel_loop3A_659 = arith.constant 0 : i32
        %parallel_loop3A_660 = arith.constant 0 : i32
        %parallel_loop3A_661 = tpu.memref_slice %arg7[%parallel_loop3A_658, %parallel_loop3A_659, %parallel_loop3A_660] : memref<4x128x128xf32, #tpu.memory_space<vmem>> -> memref<1x128x128xf32, #tpu.memory_space<vmem>>
        %parallel_loop3A_662 = tpu.memref_squeeze %parallel_loop3A_661 : memref<1x128x128xf32, #tpu.memory_space<vmem>> -> memref<128x128xf32, #tpu.memory_space<vmem>>
        %parallel_loop3A_663 = tpu.vector_load_idx %parallel_loop3A_662[%parallel_loop3A_626, %parallel_loop3A_657] : memref<128x128xf32, #tpu.memory_space<vmem>>[vector<16xi32>, vector<16xi32>], vector<16xf32>,
        %parallel_loop3A_664 = arith.constant 3 : i32
        %parallel_loop3A_665 = vector.broadcast %parallel_loop3A_664 : i32 to vector<16xi32>
        %parallel_loop3A_666 = arith.addi %parallel_loop3A_636, %parallel_loop3A_665 : vector<16xi32>
        %parallel_loop3A_667 = arith.constant 1 : i32
        %parallel_loop3A_668 = arith.constant 0 : i32
        %parallel_loop3A_669 = arith.constant 0 : i32
        %parallel_loop3A_670 = tpu.memref_slice %arg7[%parallel_loop3A_667, %parallel_loop3A_668, %parallel_loop3A_669] : memref<4x128x128xf32, #tpu.memory_space<vmem>> -> memref<1x128x128xf32, #tpu.memory_space<vmem>>
        %parallel_loop3A_671 = tpu.memref_squeeze %parallel_loop3A_670 : memref<1x128x128xf32, #tpu.memory_space<vmem>> -> memref<128x128xf32, #tpu.memory_space<vmem>>
        %parallel_loop3A_672 = tpu.vector_load_idx %parallel_loop3A_671[%parallel_loop3A_626, %parallel_loop3A_666] : memref<128x128xf32, #tpu.memory_space<vmem>>[vector<16xi32>, vector<16xi32>], vector<16xf32>,
        %parallel_loop3A_673 = arith.constant 4 : i32
        %parallel_loop3A_674 = vector.broadcast %parallel_loop3A_673 : i32 to vector<16xi32>
        %parallel_loop3A_675 = arith.addi %parallel_loop3A_636, %parallel_loop3A_674 : vector<16xi32>
        %parallel_loop3A_676 = arith.constant 1 : i32
        %parallel_loop3A_677 = arith.constant 0 : i32
        %parallel_loop3A_678 = arith.constant 0 : i32
        %parallel_loop3A_679 = tpu.memref_slice %arg7[%parallel_loop3A_676, %parallel_loop3A_677, %parallel_loop3A_678] : memref<4x128x128xf32, #tpu.memory_space<vmem>> -> memref<1x128x128xf32, #tpu.memory_space<vmem>>
        %parallel_loop3A_680 = tpu.memref_squeeze %parallel_loop3A_679 : memref<1x128x128xf32, #tpu.memory_space<vmem>> -> memref<128x128xf32, #tpu.memory_space<vmem>>
        %parallel_loop3A_681 = tpu.vector_load_idx %parallel_loop3A_680[%parallel_loop3A_626, %parallel_loop3A_675] : memref<128x128xf32, #tpu.memory_space<vmem>>[vector<16xi32>, vector<16xi32>], vector<16xf32>,
        %parallel_loop3A_682 = arith.constant 5 : i32
        %parallel_loop3A_683 = vector.broadcast %parallel_loop3A_682 : i32 to vector<16xi32>
        %parallel_loop3A_684 = arith.addi %parallel_loop3A_636, %parallel_loop3A_683 : vector<16xi32>
        %parallel_loop3A_685 = arith.constant 1 : i32
        %parallel_loop3A_686 = arith.constant 0 : i32
        %parallel_loop3A_687 = arith.constant 0 : i32
        %parallel_loop3A_688 = tpu.memref_slice %arg7[%parallel_loop3A_685, %parallel_loop3A_686, %parallel_loop3A_687] : memref<4x128x128xf32, #tpu.memory_space<vmem>> -> memref<1x128x128xf32, #tpu.memory_space<vmem>>
        %parallel_loop3A_689 = tpu.memref_squeeze %parallel_loop3A_688 : memref<1x128x128xf32, #tpu.memory_space<vmem>> -> memref<128x128xf32, #tpu.memory_space<vmem>>
        %parallel_loop3A_690 = tpu.vector_load_idx %parallel_loop3A_689[%parallel_loop3A_626, %parallel_loop3A_684] : memref<128x128xf32, #tpu.memory_space<vmem>>[vector<16xi32>, vector<16xi32>], vector<16xf32>,
        %parallel_loop3A_691 = arith.constant 6 : i32
        %parallel_loop3A_692 = vector.broadcast %parallel_loop3A_691 : i32 to vector<16xi32>
        %parallel_loop3A_693 = arith.addi %parallel_loop3A_636, %parallel_loop3A_692 : vector<16xi32>
        %parallel_loop3A_694 = arith.constant 1 : i32
        %parallel_loop3A_695 = arith.constant 0 : i32
        %parallel_loop3A_696 = arith.constant 0 : i32
        %parallel_loop3A_697 = tpu.memref_slice %arg7[%parallel_loop3A_694, %parallel_loop3A_695, %parallel_loop3A_696] : memref<4x128x128xf32, #tpu.memory_space<vmem>> -> memref<1x128x128xf32, #tpu.memory_space<vmem>>
        %parallel_loop3A_698 = tpu.memref_squeeze %parallel_loop3A_697 : memref<1x128x128xf32, #tpu.memory_space<vmem>> -> memref<128x128xf32, #tpu.memory_space<vmem>>
        %parallel_loop3A_699 = tpu.vector_load_idx %parallel_loop3A_698[%parallel_loop3A_626, %parallel_loop3A_693] : memref<128x128xf32, #tpu.memory_space<vmem>>[vector<16xi32>, vector<16xi32>], vector<16xf32>,
        %parallel_loop3A_700 = arith.constant 7 : i32
        %parallel_loop3A_701 = vector.broadcast %parallel_loop3A_700 : i32 to vector<16xi32>
        %parallel_loop3A_702 = arith.addi %parallel_loop3A_636, %parallel_loop3A_701 : vector<16xi32>
        %parallel_loop3A_703 = arith.constant 1 : i32
        %parallel_loop3A_704 = arith.constant 0 : i32
        %parallel_loop3A_705 = arith.constant 0 : i32
        %parallel_loop3A_706 = tpu.memref_slice %arg7[%parallel_loop3A_703, %parallel_loop3A_704, %parallel_loop3A_705] : memref<4x128x128xf32, #tpu.memory_space<vmem>> -> memref<1x128x128xf32, #tpu.memory_space<vmem>>
        %parallel_loop3A_707 = tpu.memref_squeeze %parallel_loop3A_706 : memref<1x128x128xf32, #tpu.memory_space<vmem>> -> memref<128x128xf32, #tpu.memory_space<vmem>>
        %parallel_loop3A_708 = tpu.vector_load_idx %parallel_loop3A_707[%parallel_loop3A_626, %parallel_loop3A_702] : memref<128x128xf32, #tpu.memory_space<vmem>>[vector<16xi32>, vector<16xi32>], vector<16xf32>,
        %parallel_loop3A_709 = arith.constant 1 : i32
        %parallel_loop3A_710 = arith.constant 0 : i32
        %parallel_loop3A_711 = arith.index_cast %parallel_loop3A_709 : i32 to index
        %parallel_loop3A_712 = arith.index_cast %parallel_loop3A_710 : i32 to index
        %parallel_loop3A_713 = arith.index_cast %parallel_loop3A_624 : i32 to index
        %parallel_loop3A_714 = tpu.vector_load %arg8[%parallel_loop3A_711, %parallel_loop3A_712, %parallel_loop3A_713] {strides = array<i32>} : memref<2x32x128xf32, #tpu.memory_space<vmem>>, vector<16xf32>,
        tpu.vector_store %arg8[%parallel_loop3A_711, %parallel_loop3A_712, %parallel_loop3A_713], %parallel_loop3A_645 {strides = array<i32>} : memref<2x32x128xf32, #tpu.memory_space<vmem>>, vector<16xf32>,
        %parallel_loop3A_715 = arith.constant 1 : i32
        %parallel_loop3A_716 = arith.constant 1 : i32
        %parallel_loop3A_717 = arith.index_cast %parallel_loop3A_715 : i32 to index
        %parallel_loop3A_718 = arith.index_cast %parallel_loop3A_716 : i32 to index
        %parallel_loop3A_719 = arith.index_cast %parallel_loop3A_624 : i32 to index
        %parallel_loop3A_720 = tpu.vector_load %arg8[%parallel_loop3A_717, %parallel_loop3A_718, %parallel_loop3A_719] {strides = array<i32>} : memref<2x32x128xf32, #tpu.memory_space<vmem>>, vector<16xf32>,
        tpu.vector_store %arg8[%parallel_loop3A_717, %parallel_loop3A_718, %parallel_loop3A_719], %parallel_loop3A_654 {strides = array<i32>} : memref<2x32x128xf32, #tpu.memory_space<vmem>>, vector<16xf32>,
        %parallel_loop3A_721 = arith.constant 1 : i32
        %parallel_loop3A_722 = arith.constant 2 : i32
        %parallel_loop3A_723 = arith.index_cast %parallel_loop3A_721 : i32 to index
        %parallel_loop3A_724 = arith.index_cast %parallel_loop3A_722 : i32 to index
        %parallel_loop3A_725 = arith.index_cast %parallel_loop3A_624 : i32 to index
        %parallel_loop3A_726 = tpu.vector_load %arg8[%parallel_loop3A_723, %parallel_loop3A_724, %parallel_loop3A_725] {strides = array<i32>} : memref<2x32x128xf32, #tpu.memory_space<vmem>>, vector<16xf32>,
        tpu.vector_store %arg8[%parallel_loop3A_723, %parallel_loop3A_724, %parallel_loop3A_725], %parallel_loop3A_663 {strides = array<i32>} : memref<2x32x128xf32, #tpu.memory_space<vmem>>, vector<16xf32>,
        %parallel_loop3A_727 = arith.constant 1 : i32
        %parallel_loop3A_728 = arith.constant 3 : i32
        %parallel_loop3A_729 = arith.index_cast %parallel_loop3A_727 : i32 to index
        %parallel_loop3A_730 = arith.index_cast %parallel_loop3A_728 : i32 to index
        %parallel_loop3A_731 = arith.index_cast %parallel_loop3A_624 : i32 to index
        %parallel_loop3A_732 = tpu.vector_load %arg8[%parallel_loop3A_729, %parallel_loop3A_730, %parallel_loop3A_731] {strides = array<i32>} : memref<2x32x128xf32, #tpu.memory_space<vmem>>, vector<16xf32>,
        tpu.vector_store %arg8[%parallel_loop3A_729, %parallel_loop3A_730, %parallel_loop3A_731], %parallel_loop3A_672 {strides = array<i32>} : memref<2x32x128xf32, #tpu.memory_space<vmem>>, vector<16xf32>,
        %parallel_loop3A_733 = arith.constant 1 : i32
        %parallel_loop3A_734 = arith.constant 4 : i32
        %parallel_loop3A_735 = arith.index_cast %parallel_loop3A_733 : i32 to index
        %parallel_loop3A_736 = arith.index_cast %parallel_loop3A_734 : i32 to index
        %parallel_loop3A_737 = arith.index_cast %parallel_loop3A_624 : i32 to index
        %parallel_loop3A_738 = tpu.vector_load %arg8[%parallel_loop3A_735, %parallel_loop3A_736, %parallel_loop3A_737] {strides = array<i32>} : memref<2x32x128xf32, #tpu.memory_space<vmem>>, vector<16xf32>,
        tpu.vector_store %arg8[%parallel_loop3A_735, %parallel_loop3A_736, %parallel_loop3A_737], %parallel_loop3A_681 {strides = array<i32>} : memref<2x32x128xf32, #tpu.memory_space<vmem>>, vector<16xf32>,
        %parallel_loop3A_739 = arith.constant 1 : i32
        %parallel_loop3A_740 = arith.constant 5 : i32
        %parallel_loop3A_741 = arith.index_cast %parallel_loop3A_739 : i32 to index
        %parallel_loop3A_742 = arith.index_cast %parallel_loop3A_740 : i32 to index
        %parallel_loop3A_743 = arith.index_cast %parallel_loop3A_624 : i32 to index
        %parallel_loop3A_744 = tpu.vector_load %arg8[%parallel_loop3A_741, %parallel_loop3A_742, %parallel_loop3A_743] {strides = array<i32>} : memref<2x32x128xf32, #tpu.memory_space<vmem>>, vector<16xf32>,
        tpu.vector_store %arg8[%parallel_loop3A_741, %parallel_loop3A_742, %parallel_loop3A_743], %parallel_loop3A_690 {strides = array<i32>} : memref<2x32x128xf32, #tpu.memory_space<vmem>>, vector<16xf32>,
        %parallel_loop3A_745 = arith.constant 1 : i32
        %parallel_loop3A_746 = arith.constant 6 : i32
        %parallel_loop3A_747 = arith.index_cast %parallel_loop3A_745 : i32 to index
        %parallel_loop3A_748 = arith.index_cast %parallel_loop3A_746 : i32 to index
        %parallel_loop3A_749 = arith.index_cast %parallel_loop3A_624 : i32 to index
        %parallel_loop3A_750 = tpu.vector_load %arg8[%parallel_loop3A_747, %parallel_loop3A_748, %parallel_loop3A_749] {strides = array<i32>} : memref<2x32x128xf32, #tpu.memory_space<vmem>>, vector<16xf32>,
        tpu.vector_store %arg8[%parallel_loop3A_747, %parallel_loop3A_748, %parallel_loop3A_749], %parallel_loop3A_699 {strides = array<i32>} : memref<2x32x128xf32, #tpu.memory_space<vmem>>, vector<16xf32>,
        %parallel_loop3A_751 = arith.constant 1 : i32
        %parallel_loop3A_752 = arith.constant 7 : i32
        %parallel_loop3A_753 = arith.index_cast %parallel_loop3A_751 : i32 to index
        %parallel_loop3A_754 = arith.index_cast %parallel_loop3A_752 : i32 to index
        %parallel_loop3A_755 = arith.index_cast %parallel_loop3A_624 : i32 to index
        %parallel_loop3A_756 = tpu.vector_load %arg8[%parallel_loop3A_753, %parallel_loop3A_754, %parallel_loop3A_755] {strides = array<i32>} : memref<2x32x128xf32, #tpu.memory_space<vmem>>, vector<16xf32>,
        tpu.vector_store %arg8[%parallel_loop3A_753, %parallel_loop3A_754, %parallel_loop3A_755], %parallel_loop3A_708 {strides = array<i32>} : memref<2x32x128xf32, #tpu.memory_space<vmem>>, vector<16xf32>,
        %parallel_loop3A_757 = arith.constant 8 : i32
        %parallel_loop3A_758 = vector.broadcast %parallel_loop3A_757 : i32 to vector<16xi32>
        %parallel_loop3A_759 = arith.addi %parallel_loop3A_636, %parallel_loop3A_758 : vector<16xi32>
        %parallel_loop3A_760 = arith.constant 1 : i32
        %parallel_loop3A_761 = arith.constant 0 : i32
        %parallel_loop3A_762 = arith.constant 0 : i32
        %parallel_loop3A_763 = tpu.memref_slice %arg7[%parallel_loop3A_760, %parallel_loop3A_761, %parallel_loop3A_762] : memref<4x128x128xf32, #tpu.memory_space<vmem>> -> memref<1x128x128xf32, #tpu.memory_space<vmem>>
        %parallel_loop3A_764 = tpu.memref_squeeze %parallel_loop3A_763 : memref<1x128x128xf32, #tpu.memory_space<vmem>> -> memref<128x128xf32, #tpu.memory_space<vmem>>
        %parallel_loop3A_765 = tpu.vector_load_idx %parallel_loop3A_764[%parallel_loop3A_626, %parallel_loop3A_759] : memref<128x128xf32, #tpu.memory_space<vmem>>[vector<16xi32>, vector<16xi32>], vector<16xf32>,
        %parallel_loop3A_766 = arith.constant 9 : i32
        %parallel_loop3A_767 = vector.broadcast %parallel_loop3A_766 : i32 to vector<16xi32>
        %parallel_loop3A_768 = arith.addi %parallel_loop3A_636, %parallel_loop3A_767 : vector<16xi32>
        %parallel_loop3A_769 = arith.constant 1 : i32
        %parallel_loop3A_770 = arith.constant 0 : i32
        %parallel_loop3A_771 = arith.constant 0 : i32
        %parallel_loop3A_772 = tpu.memref_slice %arg7[%parallel_loop3A_769, %parallel_loop3A_770, %parallel_loop3A_771] : memref<4x128x128xf32, #tpu.memory_space<vmem>> -> memref<1x128x128xf32, #tpu.memory_space<vmem>>
        %parallel_loop3A_773 = tpu.memref_squeeze %parallel_loop3A_772 : memref<1x128x128xf32, #tpu.memory_space<vmem>> -> memref<128x128xf32, #tpu.memory_space<vmem>>
        %parallel_loop3A_774 = tpu.vector_load_idx %parallel_loop3A_773[%parallel_loop3A_626, %parallel_loop3A_768] : memref<128x128xf32, #tpu.memory_space<vmem>>[vector<16xi32>, vector<16xi32>], vector<16xf32>,
        %parallel_loop3A_775 = arith.constant 10 : i32
        %parallel_loop3A_776 = vector.broadcast %parallel_loop3A_775 : i32 to vector<16xi32>
        %parallel_loop3A_777 = arith.addi %parallel_loop3A_636, %parallel_loop3A_776 : vector<16xi32>
        %parallel_loop3A_778 = arith.constant 1 : i32
        %parallel_loop3A_779 = arith.constant 0 : i32
        %parallel_loop3A_780 = arith.constant 0 : i32
        %parallel_loop3A_781 = tpu.memref_slice %arg7[%parallel_loop3A_778, %parallel_loop3A_779, %parallel_loop3A_780] : memref<4x128x128xf32, #tpu.memory_space<vmem>> -> memref<1x128x128xf32, #tpu.memory_space<vmem>>
        %parallel_loop3A_782 = tpu.memref_squeeze %parallel_loop3A_781 : memref<1x128x128xf32, #tpu.memory_space<vmem>> -> memref<128x128xf32, #tpu.memory_space<vmem>>
        %parallel_loop3A_783 = tpu.vector_load_idx %parallel_loop3A_782[%parallel_loop3A_626, %parallel_loop3A_777] : memref<128x128xf32, #tpu.memory_space<vmem>>[vector<16xi32>, vector<16xi32>], vector<16xf32>,
        %parallel_loop3A_784 = arith.constant 11 : i32
        %parallel_loop3A_785 = vector.broadcast %parallel_loop3A_784 : i32 to vector<16xi32>
        %parallel_loop3A_786 = arith.addi %parallel_loop3A_636, %parallel_loop3A_785 : vector<16xi32>
        %parallel_loop3A_787 = arith.constant 1 : i32
        %parallel_loop3A_788 = arith.constant 0 : i32
        %parallel_loop3A_789 = arith.constant 0 : i32
        %parallel_loop3A_790 = tpu.memref_slice %arg7[%parallel_loop3A_787, %parallel_loop3A_788, %parallel_loop3A_789] : memref<4x128x128xf32, #tpu.memory_space<vmem>> -> memref<1x128x128xf32, #tpu.memory_space<vmem>>
        %parallel_loop3A_791 = tpu.memref_squeeze %parallel_loop3A_790 : memref<1x128x128xf32, #tpu.memory_space<vmem>> -> memref<128x128xf32, #tpu.memory_space<vmem>>
        %parallel_loop3A_792 = tpu.vector_load_idx %parallel_loop3A_791[%parallel_loop3A_626, %parallel_loop3A_786] : memref<128x128xf32, #tpu.memory_space<vmem>>[vector<16xi32>, vector<16xi32>], vector<16xf32>,
        %parallel_loop3A_793 = arith.constant 12 : i32
        %parallel_loop3A_794 = vector.broadcast %parallel_loop3A_793 : i32 to vector<16xi32>
        %parallel_loop3A_795 = arith.addi %parallel_loop3A_636, %parallel_loop3A_794 : vector<16xi32>
        %parallel_loop3A_796 = arith.constant 1 : i32
        %parallel_loop3A_797 = arith.constant 0 : i32
        %parallel_loop3A_798 = arith.constant 0 : i32
        %parallel_loop3A_799 = tpu.memref_slice %arg7[%parallel_loop3A_796, %parallel_loop3A_797, %parallel_loop3A_798] : memref<4x128x128xf32, #tpu.memory_space<vmem>> -> memref<1x128x128xf32, #tpu.memory_space<vmem>>
        %parallel_loop3A_800 = tpu.memref_squeeze %parallel_loop3A_799 : memref<1x128x128xf32, #tpu.memory_space<vmem>> -> memref<128x128xf32, #tpu.memory_space<vmem>>
        %parallel_loop3A_801 = tpu.vector_load_idx %parallel_loop3A_800[%parallel_loop3A_626, %parallel_loop3A_795] : memref<128x128xf32, #tpu.memory_space<vmem>>[vector<16xi32>, vector<16xi32>], vector<16xf32>,
        %parallel_loop3A_802 = arith.constant 13 : i32
        %parallel_loop3A_803 = vector.broadcast %parallel_loop3A_802 : i32 to vector<16xi32>
        %parallel_loop3A_804 = arith.addi %parallel_loop3A_636, %parallel_loop3A_803 : vector<16xi32>
        %parallel_loop3A_805 = arith.constant 1 : i32
        %parallel_loop3A_806 = arith.constant 0 : i32
        %parallel_loop3A_807 = arith.constant 0 : i32
        %parallel_loop3A_808 = tpu.memref_slice %arg7[%parallel_loop3A_805, %parallel_loop3A_806, %parallel_loop3A_807] : memref<4x128x128xf32, #tpu.memory_space<vmem>> -> memref<1x128x128xf32, #tpu.memory_space<vmem>>
        %parallel_loop3A_809 = tpu.memref_squeeze %parallel_loop3A_808 : memref<1x128x128xf32, #tpu.memory_space<vmem>> -> memref<128x128xf32, #tpu.memory_space<vmem>>
        %parallel_loop3A_810 = tpu.vector_load_idx %parallel_loop3A_809[%parallel_loop3A_626, %parallel_loop3A_804] : memref<128x128xf32, #tpu.memory_space<vmem>>[vector<16xi32>, vector<16xi32>], vector<16xf32>,
        %parallel_loop3A_811 = arith.constant 14 : i32
        %parallel_loop3A_812 = vector.broadcast %parallel_loop3A_811 : i32 to vector<16xi32>
        %parallel_loop3A_813 = arith.addi %parallel_loop3A_636, %parallel_loop3A_812 : vector<16xi32>
        %parallel_loop3A_814 = arith.constant 1 : i32
        %parallel_loop3A_815 = arith.constant 0 : i32
        %parallel_loop3A_816 = arith.constant 0 : i32
        %parallel_loop3A_817 = tpu.memref_slice %arg7[%parallel_loop3A_814, %parallel_loop3A_815, %parallel_loop3A_816] : memref<4x128x128xf32, #tpu.memory_space<vmem>> -> memref<1x128x128xf32, #tpu.memory_space<vmem>>
        %parallel_loop3A_818 = tpu.memref_squeeze %parallel_loop3A_817 : memref<1x128x128xf32, #tpu.memory_space<vmem>> -> memref<128x128xf32, #tpu.memory_space<vmem>>
        %parallel_loop3A_819 = tpu.vector_load_idx %parallel_loop3A_818[%parallel_loop3A_626, %parallel_loop3A_813] : memref<128x128xf32, #tpu.memory_space<vmem>>[vector<16xi32>, vector<16xi32>], vector<16xf32>,
        %parallel_loop3A_820 = arith.constant 15 : i32
        %parallel_loop3A_821 = vector.broadcast %parallel_loop3A_820 : i32 to vector<16xi32>
        %parallel_loop3A_822 = arith.addi %parallel_loop3A_636, %parallel_loop3A_821 : vector<16xi32>
        %parallel_loop3A_823 = arith.constant 1 : i32
        %parallel_loop3A_824 = arith.constant 0 : i32
        %parallel_loop3A_825 = arith.constant 0 : i32
        %parallel_loop3A_826 = tpu.memref_slice %arg7[%parallel_loop3A_823, %parallel_loop3A_824, %parallel_loop3A_825] : memref<4x128x128xf32, #tpu.memory_space<vmem>> -> memref<1x128x128xf32, #tpu.memory_space<vmem>>
        %parallel_loop3A_827 = tpu.memref_squeeze %parallel_loop3A_826 : memref<1x128x128xf32, #tpu.memory_space<vmem>> -> memref<128x128xf32, #tpu.memory_space<vmem>>
        %parallel_loop3A_828 = tpu.vector_load_idx %parallel_loop3A_827[%parallel_loop3A_626, %parallel_loop3A_822] : memref<128x128xf32, #tpu.memory_space<vmem>>[vector<16xi32>, vector<16xi32>], vector<16xf32>,
        %parallel_loop3A_829 = arith.constant 1 : i32
        %parallel_loop3A_830 = arith.constant 8 : i32
        %parallel_loop3A_831 = arith.index_cast %parallel_loop3A_829 : i32 to index
        %parallel_loop3A_832 = arith.index_cast %parallel_loop3A_830 : i32 to index
        %parallel_loop3A_833 = arith.index_cast %parallel_loop3A_624 : i32 to index
        %parallel_loop3A_834 = tpu.vector_load %arg8[%parallel_loop3A_831, %parallel_loop3A_832, %parallel_loop3A_833] {strides = array<i32>} : memref<2x32x128xf32, #tpu.memory_space<vmem>>, vector<16xf32>,
        tpu.vector_store %arg8[%parallel_loop3A_831, %parallel_loop3A_832, %parallel_loop3A_833], %parallel_loop3A_765 {strides = array<i32>} : memref<2x32x128xf32, #tpu.memory_space<vmem>>, vector<16xf32>,
        %parallel_loop3A_835 = arith.constant 1 : i32
        %parallel_loop3A_836 = arith.constant 9 : i32
        %parallel_loop3A_837 = arith.index_cast %parallel_loop3A_835 : i32 to index
        %parallel_loop3A_838 = arith.index_cast %parallel_loop3A_836 : i32 to index
        %parallel_loop3A_839 = arith.index_cast %parallel_loop3A_624 : i32 to index
        %parallel_loop3A_840 = tpu.vector_load %arg8[%parallel_loop3A_837, %parallel_loop3A_838, %parallel_loop3A_839] {strides = array<i32>} : memref<2x32x128xf32, #tpu.memory_space<vmem>>, vector<16xf32>,
        tpu.vector_store %arg8[%parallel_loop3A_837, %parallel_loop3A_838, %parallel_loop3A_839], %parallel_loop3A_774 {strides = array<i32>} : memref<2x32x128xf32, #tpu.memory_space<vmem>>, vector<16xf32>,
        %parallel_loop3A_841 = arith.constant 1 : i32
        %parallel_loop3A_842 = arith.constant 10 : i32
        %parallel_loop3A_843 = arith.index_cast %parallel_loop3A_841 : i32 to index
        %parallel_loop3A_844 = arith.index_cast %parallel_loop3A_842 : i32 to index
        %parallel_loop3A_845 = arith.index_cast %parallel_loop3A_624 : i32 to index
        %parallel_loop3A_846 = tpu.vector_load %arg8[%parallel_loop3A_843, %parallel_loop3A_844, %parallel_loop3A_845] {strides = array<i32>} : memref<2x32x128xf32, #tpu.memory_space<vmem>>, vector<16xf32>,
        tpu.vector_store %arg8[%parallel_loop3A_843, %parallel_loop3A_844, %parallel_loop3A_845], %parallel_loop3A_783 {strides = array<i32>} : memref<2x32x128xf32, #tpu.memory_space<vmem>>, vector<16xf32>,
        %parallel_loop3A_847 = arith.constant 1 : i32
        %parallel_loop3A_848 = arith.constant 11 : i32
        %parallel_loop3A_849 = arith.index_cast %parallel_loop3A_847 : i32 to index
        %parallel_loop3A_850 = arith.index_cast %parallel_loop3A_848 : i32 to index
        %parallel_loop3A_851 = arith.index_cast %parallel_loop3A_624 : i32 to index
        %parallel_loop3A_852 = tpu.vector_load %arg8[%parallel_loop3A_849, %parallel_loop3A_850, %parallel_loop3A_851] {strides = array<i32>} : memref<2x32x128xf32, #tpu.memory_space<vmem>>, vector<16xf32>,
        tpu.vector_store %arg8[%parallel_loop3A_849, %parallel_loop3A_850, %parallel_loop3A_851], %parallel_loop3A_792 {strides = array<i32>} : memref<2x32x128xf32, #tpu.memory_space<vmem>>, vector<16xf32>,
        %parallel_loop3A_853 = arith.constant 1 : i32
        %parallel_loop3A_854 = arith.constant 12 : i32
        %parallel_loop3A_855 = arith.index_cast %parallel_loop3A_853 : i32 to index
        %parallel_loop3A_856 = arith.index_cast %parallel_loop3A_854 : i32 to index
        %parallel_loop3A_857 = arith.index_cast %parallel_loop3A_624 : i32 to index
        %parallel_loop3A_858 = tpu.vector_load %arg8[%parallel_loop3A_855, %parallel_loop3A_856, %parallel_loop3A_857] {strides = array<i32>} : memref<2x32x128xf32, #tpu.memory_space<vmem>>, vector<16xf32>,
        tpu.vector_store %arg8[%parallel_loop3A_855, %parallel_loop3A_856, %parallel_loop3A_857], %parallel_loop3A_801 {strides = array<i32>} : memref<2x32x128xf32, #tpu.memory_space<vmem>>, vector<16xf32>,
        %parallel_loop3A_859 = arith.constant 1 : i32
        %parallel_loop3A_860 = arith.constant 13 : i32
        %parallel_loop3A_861 = arith.index_cast %parallel_loop3A_859 : i32 to index
        %parallel_loop3A_862 = arith.index_cast %parallel_loop3A_860 : i32 to index
        %parallel_loop3A_863 = arith.index_cast %parallel_loop3A_624 : i32 to index
        %parallel_loop3A_864 = tpu.vector_load %arg8[%parallel_loop3A_861, %parallel_loop3A_862, %parallel_loop3A_863] {strides = array<i32>} : memref<2x32x128xf32, #tpu.memory_space<vmem>>, vector<16xf32>,
        tpu.vector_store %arg8[%parallel_loop3A_861, %parallel_loop3A_862, %parallel_loop3A_863], %parallel_loop3A_810 {strides = array<i32>} : memref<2x32x128xf32, #tpu.memory_space<vmem>>, vector<16xf32>,
        %parallel_loop3A_865 = arith.constant 1 : i32
        %parallel_loop3A_866 = arith.constant 14 : i32
        %parallel_loop3A_867 = arith.index_cast %parallel_loop3A_865 : i32 to index
        %parallel_loop3A_868 = arith.index_cast %parallel_loop3A_866 : i32 to index
        %parallel_loop3A_869 = arith.index_cast %parallel_loop3A_624 : i32 to index
        %parallel_loop3A_870 = tpu.vector_load %arg8[%parallel_loop3A_867, %parallel_loop3A_868, %parallel_loop3A_869] {strides = array<i32>} : memref<2x32x128xf32, #tpu.memory_space<vmem>>, vector<16xf32>,
        tpu.vector_store %arg8[%parallel_loop3A_867, %parallel_loop3A_868, %parallel_loop3A_869], %parallel_loop3A_819 {strides = array<i32>} : memref<2x32x128xf32, #tpu.memory_space<vmem>>, vector<16xf32>,
        %parallel_loop3A_871 = arith.constant 1 : i32
        %parallel_loop3A_872 = arith.constant 15 : i32
        %parallel_loop3A_873 = arith.index_cast %parallel_loop3A_871 : i32 to index
        %parallel_loop3A_874 = arith.index_cast %parallel_loop3A_872 : i32 to index
        %parallel_loop3A_875 = arith.index_cast %parallel_loop3A_624 : i32 to index
        %parallel_loop3A_876 = tpu.vector_load %arg8[%parallel_loop3A_873, %parallel_loop3A_874, %parallel_loop3A_875] {strides = array<i32>} : memref<2x32x128xf32, #tpu.memory_space<vmem>>, vector<16xf32>,
        tpu.vector_store %arg8[%parallel_loop3A_873, %parallel_loop3A_874, %parallel_loop3A_875], %parallel_loop3A_828 {strides = array<i32>} : memref<2x32x128xf32, #tpu.memory_space<vmem>>, vector<16xf32>,
        %parallel_loop3A_877 = arith.constant 16 : i32
        %parallel_loop3A_878 = vector.broadcast %parallel_loop3A_877 : i32 to vector<16xi32>
        %parallel_loop3A_879 = arith.addi %parallel_loop3A_636, %parallel_loop3A_878 : vector<16xi32>
        %parallel_loop3A_880 = arith.constant 1 : i32
        %parallel_loop3A_881 = arith.constant 0 : i32
        %parallel_loop3A_882 = arith.constant 0 : i32
        %parallel_loop3A_883 = tpu.memref_slice %arg7[%parallel_loop3A_880, %parallel_loop3A_881, %parallel_loop3A_882] : memref<4x128x128xf32, #tpu.memory_space<vmem>> -> memref<1x128x128xf32, #tpu.memory_space<vmem>>
        %parallel_loop3A_884 = tpu.memref_squeeze %parallel_loop3A_883 : memref<1x128x128xf32, #tpu.memory_space<vmem>> -> memref<128x128xf32, #tpu.memory_space<vmem>>
        %parallel_loop3A_885 = tpu.vector_load_idx %parallel_loop3A_884[%parallel_loop3A_626, %parallel_loop3A_879] : memref<128x128xf32, #tpu.memory_space<vmem>>[vector<16xi32>, vector<16xi32>], vector<16xf32>,
        %parallel_loop3A_886 = arith.constant 17 : i32
        %parallel_loop3A_887 = vector.broadcast %parallel_loop3A_886 : i32 to vector<16xi32>
        %parallel_loop3A_888 = arith.addi %parallel_loop3A_636, %parallel_loop3A_887 : vector<16xi32>
        %parallel_loop3A_889 = arith.constant 1 : i32
        %parallel_loop3A_890 = arith.constant 0 : i32
        %parallel_loop3A_891 = arith.constant 0 : i32
        %parallel_loop3A_892 = tpu.memref_slice %arg7[%parallel_loop3A_889, %parallel_loop3A_890, %parallel_loop3A_891] : memref<4x128x128xf32, #tpu.memory_space<vmem>> -> memref<1x128x128xf32, #tpu.memory_space<vmem>>
        %parallel_loop3A_893 = tpu.memref_squeeze %parallel_loop3A_892 : memref<1x128x128xf32, #tpu.memory_space<vmem>> -> memref<128x128xf32, #tpu.memory_space<vmem>>
        %parallel_loop3A_894 = tpu.vector_load_idx %parallel_loop3A_893[%parallel_loop3A_626, %parallel_loop3A_888] : memref<128x128xf32, #tpu.memory_space<vmem>>[vector<16xi32>, vector<16xi32>], vector<16xf32>,
        %parallel_loop3A_895 = arith.constant 18 : i32
        %parallel_loop3A_896 = vector.broadcast %parallel_loop3A_895 : i32 to vector<16xi32>
        %parallel_loop3A_897 = arith.addi %parallel_loop3A_636, %parallel_loop3A_896 : vector<16xi32>
        %parallel_loop3A_898 = arith.constant 1 : i32
        %parallel_loop3A_899 = arith.constant 0 : i32
        %parallel_loop3A_900 = arith.constant 0 : i32
        %parallel_loop3A_901 = tpu.memref_slice %arg7[%parallel_loop3A_898, %parallel_loop3A_899, %parallel_loop3A_900] : memref<4x128x128xf32, #tpu.memory_space<vmem>> -> memref<1x128x128xf32, #tpu.memory_space<vmem>>
        %parallel_loop3A_902 = tpu.memref_squeeze %parallel_loop3A_901 : memref<1x128x128xf32, #tpu.memory_space<vmem>> -> memref<128x128xf32, #tpu.memory_space<vmem>>
        %parallel_loop3A_903 = tpu.vector_load_idx %parallel_loop3A_902[%parallel_loop3A_626, %parallel_loop3A_897] : memref<128x128xf32, #tpu.memory_space<vmem>>[vector<16xi32>, vector<16xi32>], vector<16xf32>,
        %parallel_loop3A_904 = arith.constant 19 : i32
        %parallel_loop3A_905 = vector.broadcast %parallel_loop3A_904 : i32 to vector<16xi32>
        %parallel_loop3A_906 = arith.addi %parallel_loop3A_636, %parallel_loop3A_905 : vector<16xi32>
        %parallel_loop3A_907 = arith.constant 1 : i32
        %parallel_loop3A_908 = arith.constant 0 : i32
        %parallel_loop3A_909 = arith.constant 0 : i32
        %parallel_loop3A_910 = tpu.memref_slice %arg7[%parallel_loop3A_907, %parallel_loop3A_908, %parallel_loop3A_909] : memref<4x128x128xf32, #tpu.memory_space<vmem>> -> memref<1x128x128xf32, #tpu.memory_space<vmem>>
        %parallel_loop3A_911 = tpu.memref_squeeze %parallel_loop3A_910 : memref<1x128x128xf32, #tpu.memory_space<vmem>> -> memref<128x128xf32, #tpu.memory_space<vmem>>
        %parallel_loop3A_912 = tpu.vector_load_idx %parallel_loop3A_911[%parallel_loop3A_626, %parallel_loop3A_906] : memref<128x128xf32, #tpu.memory_space<vmem>>[vector<16xi32>, vector<16xi32>], vector<16xf32>,
        %parallel_loop3A_913 = arith.constant 20 : i32
        %parallel_loop3A_914 = vector.broadcast %parallel_loop3A_913 : i32 to vector<16xi32>
        %parallel_loop3A_915 = arith.addi %parallel_loop3A_636, %parallel_loop3A_914 : vector<16xi32>
        %parallel_loop3A_916 = arith.constant 1 : i32
        %parallel_loop3A_917 = arith.constant 0 : i32
        %parallel_loop3A_918 = arith.constant 0 : i32
        %parallel_loop3A_919 = tpu.memref_slice %arg7[%parallel_loop3A_916, %parallel_loop3A_917, %parallel_loop3A_918] : memref<4x128x128xf32, #tpu.memory_space<vmem>> -> memref<1x128x128xf32, #tpu.memory_space<vmem>>
        %parallel_loop3A_920 = tpu.memref_squeeze %parallel_loop3A_919 : memref<1x128x128xf32, #tpu.memory_space<vmem>> -> memref<128x128xf32, #tpu.memory_space<vmem>>
        %parallel_loop3A_921 = tpu.vector_load_idx %parallel_loop3A_920[%parallel_loop3A_626, %parallel_loop3A_915] : memref<128x128xf32, #tpu.memory_space<vmem>>[vector<16xi32>, vector<16xi32>], vector<16xf32>,
        %parallel_loop3A_922 = arith.constant 21 : i32
        %parallel_loop3A_923 = vector.broadcast %parallel_loop3A_922 : i32 to vector<16xi32>
        %parallel_loop3A_924 = arith.addi %parallel_loop3A_636, %parallel_loop3A_923 : vector<16xi32>
        %parallel_loop3A_925 = arith.constant 1 : i32
        %parallel_loop3A_926 = arith.constant 0 : i32
        %parallel_loop3A_927 = arith.constant 0 : i32
        %parallel_loop3A_928 = tpu.memref_slice %arg7[%parallel_loop3A_925, %parallel_loop3A_926, %parallel_loop3A_927] : memref<4x128x128xf32, #tpu.memory_space<vmem>> -> memref<1x128x128xf32, #tpu.memory_space<vmem>>
        %parallel_loop3A_929 = tpu.memref_squeeze %parallel_loop3A_928 : memref<1x128x128xf32, #tpu.memory_space<vmem>> -> memref<128x128xf32, #tpu.memory_space<vmem>>
        %parallel_loop3A_930 = tpu.vector_load_idx %parallel_loop3A_929[%parallel_loop3A_626, %parallel_loop3A_924] : memref<128x128xf32, #tpu.memory_space<vmem>>[vector<16xi32>, vector<16xi32>], vector<16xf32>,
        %parallel_loop3A_931 = arith.constant 22 : i32
        %parallel_loop3A_932 = vector.broadcast %parallel_loop3A_931 : i32 to vector<16xi32>
        %parallel_loop3A_933 = arith.addi %parallel_loop3A_636, %parallel_loop3A_932 : vector<16xi32>
        %parallel_loop3A_934 = arith.constant 1 : i32
        %parallel_loop3A_935 = arith.constant 0 : i32
        %parallel_loop3A_936 = arith.constant 0 : i32
        %parallel_loop3A_937 = tpu.memref_slice %arg7[%parallel_loop3A_934, %parallel_loop3A_935, %parallel_loop3A_936] : memref<4x128x128xf32, #tpu.memory_space<vmem>> -> memref<1x128x128xf32, #tpu.memory_space<vmem>>
        %parallel_loop3A_938 = tpu.memref_squeeze %parallel_loop3A_937 : memref<1x128x128xf32, #tpu.memory_space<vmem>> -> memref<128x128xf32, #tpu.memory_space<vmem>>
        %parallel_loop3A_939 = tpu.vector_load_idx %parallel_loop3A_938[%parallel_loop3A_626, %parallel_loop3A_933] : memref<128x128xf32, #tpu.memory_space<vmem>>[vector<16xi32>, vector<16xi32>], vector<16xf32>,
        %parallel_loop3A_940 = arith.constant 23 : i32
        %parallel_loop3A_941 = vector.broadcast %parallel_loop3A_940 : i32 to vector<16xi32>
        %parallel_loop3A_942 = arith.addi %parallel_loop3A_636, %parallel_loop3A_941 : vector<16xi32>
        %parallel_loop3A_943 = arith.constant 1 : i32
        %parallel_loop3A_944 = arith.constant 0 : i32
        %parallel_loop3A_945 = arith.constant 0 : i32
        %parallel_loop3A_946 = tpu.memref_slice %arg7[%parallel_loop3A_943, %parallel_loop3A_944, %parallel_loop3A_945] : memref<4x128x128xf32, #tpu.memory_space<vmem>> -> memref<1x128x128xf32, #tpu.memory_space<vmem>>
        %parallel_loop3A_947 = tpu.memref_squeeze %parallel_loop3A_946 : memref<1x128x128xf32, #tpu.memory_space<vmem>> -> memref<128x128xf32, #tpu.memory_space<vmem>>
        %parallel_loop3A_948 = tpu.vector_load_idx %parallel_loop3A_947[%parallel_loop3A_626, %parallel_loop3A_942] : memref<128x128xf32, #tpu.memory_space<vmem>>[vector<16xi32>, vector<16xi32>], vector<16xf32>,
        %parallel_loop3A_949 = arith.constant 1 : i32
        %parallel_loop3A_950 = arith.constant 16 : i32
        %parallel_loop3A_951 = arith.index_cast %parallel_loop3A_949 : i32 to index
        %parallel_loop3A_952 = arith.index_cast %parallel_loop3A_950 : i32 to index
        %parallel_loop3A_953 = arith.index_cast %parallel_loop3A_624 : i32 to index
        %parallel_loop3A_954 = tpu.vector_load %arg8[%parallel_loop3A_951, %parallel_loop3A_952, %parallel_loop3A_953] {strides = array<i32>} : memref<2x32x128xf32, #tpu.memory_space<vmem>>, vector<16xf32>,
        tpu.vector_store %arg8[%parallel_loop3A_951, %parallel_loop3A_952, %parallel_loop3A_953], %parallel_loop3A_885 {strides = array<i32>} : memref<2x32x128xf32, #tpu.memory_space<vmem>>, vector<16xf32>,
        %parallel_loop3A_955 = arith.constant 1 : i32
        %parallel_loop3A_956 = arith.constant 17 : i32
        %parallel_loop3A_957 = arith.index_cast %parallel_loop3A_955 : i32 to index
        %parallel_loop3A_958 = arith.index_cast %parallel_loop3A_956 : i32 to index
        %parallel_loop3A_959 = arith.index_cast %parallel_loop3A_624 : i32 to index
        %parallel_loop3A_960 = tpu.vector_load %arg8[%parallel_loop3A_957, %parallel_loop3A_958, %parallel_loop3A_959] {strides = array<i32>} : memref<2x32x128xf32, #tpu.memory_space<vmem>>, vector<16xf32>,
        tpu.vector_store %arg8[%parallel_loop3A_957, %parallel_loop3A_958, %parallel_loop3A_959], %parallel_loop3A_894 {strides = array<i32>} : memref<2x32x128xf32, #tpu.memory_space<vmem>>, vector<16xf32>,
        %parallel_loop3A_961 = arith.constant 1 : i32
        %parallel_loop3A_962 = arith.constant 18 : i32
        %parallel_loop3A_963 = arith.index_cast %parallel_loop3A_961 : i32 to index
        %parallel_loop3A_964 = arith.index_cast %parallel_loop3A_962 : i32 to index
        %parallel_loop3A_965 = arith.index_cast %parallel_loop3A_624 : i32 to index
        %parallel_loop3A_966 = tpu.vector_load %arg8[%parallel_loop3A_963, %parallel_loop3A_964, %parallel_loop3A_965] {strides = array<i32>} : memref<2x32x128xf32, #tpu.memory_space<vmem>>, vector<16xf32>,
        tpu.vector_store %arg8[%parallel_loop3A_963, %parallel_loop3A_964, %parallel_loop3A_965], %parallel_loop3A_903 {strides = array<i32>} : memref<2x32x128xf32, #tpu.memory_space<vmem>>, vector<16xf32>,
        %parallel_loop3A_967 = arith.constant 1 : i32
        %parallel_loop3A_968 = arith.constant 19 : i32
        %parallel_loop3A_969 = arith.index_cast %parallel_loop3A_967 : i32 to index
        %parallel_loop3A_970 = arith.index_cast %parallel_loop3A_968 : i32 to index
        %parallel_loop3A_971 = arith.index_cast %parallel_loop3A_624 : i32 to index
        %parallel_loop3A_972 = tpu.vector_load %arg8[%parallel_loop3A_969, %parallel_loop3A_970, %parallel_loop3A_971] {strides = array<i32>} : memref<2x32x128xf32, #tpu.memory_space<vmem>>, vector<16xf32>,
        tpu.vector_store %arg8[%parallel_loop3A_969, %parallel_loop3A_970, %parallel_loop3A_971], %parallel_loop3A_912 {strides = array<i32>} : memref<2x32x128xf32, #tpu.memory_space<vmem>>, vector<16xf32>,
        %parallel_loop3A_973 = arith.constant 1 : i32
        %parallel_loop3A_974 = arith.constant 20 : i32
        %parallel_loop3A_975 = arith.index_cast %parallel_loop3A_973 : i32 to index
        %parallel_loop3A_976 = arith.index_cast %parallel_loop3A_974 : i32 to index
        %parallel_loop3A_977 = arith.index_cast %parallel_loop3A_624 : i32 to index
        %parallel_loop3A_978 = tpu.vector_load %arg8[%parallel_loop3A_975, %parallel_loop3A_976, %parallel_loop3A_977] {strides = array<i32>} : memref<2x32x128xf32, #tpu.memory_space<vmem>>, vector<16xf32>,
        tpu.vector_store %arg8[%parallel_loop3A_975, %parallel_loop3A_976, %parallel_loop3A_977], %parallel_loop3A_921 {strides = array<i32>} : memref<2x32x128xf32, #tpu.memory_space<vmem>>, vector<16xf32>,
        %parallel_loop3A_979 = arith.constant 1 : i32
        %parallel_loop3A_980 = arith.constant 21 : i32
        %parallel_loop3A_981 = arith.index_cast %parallel_loop3A_979 : i32 to index
        %parallel_loop3A_982 = arith.index_cast %parallel_loop3A_980 : i32 to index
        %parallel_loop3A_983 = arith.index_cast %parallel_loop3A_624 : i32 to index
        %parallel_loop3A_984 = tpu.vector_load %arg8[%parallel_loop3A_981, %parallel_loop3A_982, %parallel_loop3A_983] {strides = array<i32>} : memref<2x32x128xf32, #tpu.memory_space<vmem>>, vector<16xf32>,
        tpu.vector_store %arg8[%parallel_loop3A_981, %parallel_loop3A_982, %parallel_loop3A_983], %parallel_loop3A_930 {strides = array<i32>} : memref<2x32x128xf32, #tpu.memory_space<vmem>>, vector<16xf32>,
        %parallel_loop3A_985 = arith.constant 1 : i32
        %parallel_loop3A_986 = arith.constant 22 : i32
        %parallel_loop3A_987 = arith.index_cast %parallel_loop3A_985 : i32 to index
        %parallel_loop3A_988 = arith.index_cast %parallel_loop3A_986 : i32 to index
        %parallel_loop3A_989 = arith.index_cast %parallel_loop3A_624 : i32 to index
        %parallel_loop3A_990 = tpu.vector_load %arg8[%parallel_loop3A_987, %parallel_loop3A_988, %parallel_loop3A_989] {strides = array<i32>} : memref<2x32x128xf32, #tpu.memory_space<vmem>>, vector<16xf32>,
        tpu.vector_store %arg8[%parallel_loop3A_987, %parallel_loop3A_988, %parallel_loop3A_989], %parallel_loop3A_939 {strides = array<i32>} : memref<2x32x128xf32, #tpu.memory_space<vmem>>, vector<16xf32>,
        %parallel_loop3A_991 = arith.constant 1 : i32
        %parallel_loop3A_992 = arith.constant 23 : i32
        %parallel_loop3A_993 = arith.index_cast %parallel_loop3A_991 : i32 to index
        %parallel_loop3A_994 = arith.index_cast %parallel_loop3A_992 : i32 to index
        %parallel_loop3A_995 = arith.index_cast %parallel_loop3A_624 : i32 to index
        %parallel_loop3A_996 = tpu.vector_load %arg8[%parallel_loop3A_993, %parallel_loop3A_994, %parallel_loop3A_995] {strides = array<i32>} : memref<2x32x128xf32, #tpu.memory_space<vmem>>, vector<16xf32>,
        tpu.vector_store %arg8[%parallel_loop3A_993, %parallel_loop3A_994, %parallel_loop3A_995], %parallel_loop3A_948 {strides = array<i32>} : memref<2x32x128xf32, #tpu.memory_space<vmem>>, vector<16xf32>,
        %parallel_loop3A_997 = arith.constant 24 : i32
        %parallel_loop3A_998 = vector.broadcast %parallel_loop3A_997 : i32 to vector<16xi32>
        %parallel_loop3A_999 = arith.addi %parallel_loop3A_636, %parallel_loop3A_998 : vector<16xi32>
        %parallel_loop3A_1000 = arith.constant 1 : i32
        %parallel_loop3A_1001 = arith.constant 0 : i32
        %parallel_loop3A_1002 = arith.constant 0 : i32
        %parallel_loop3A_1003 = tpu.memref_slice %arg7[%parallel_loop3A_1000, %parallel_loop3A_1001, %parallel_loop3A_1002] : memref<4x128x128xf32, #tpu.memory_space<vmem>> -> memref<1x128x128xf32, #tpu.memory_space<vmem>>
        %parallel_loop3A_1004 = tpu.memref_squeeze %parallel_loop3A_1003 : memref<1x128x128xf32, #tpu.memory_space<vmem>> -> memref<128x128xf32, #tpu.memory_space<vmem>>
        %parallel_loop3A_1005 = tpu.vector_load_idx %parallel_loop3A_1004[%parallel_loop3A_626, %parallel_loop3A_999] : memref<128x128xf32, #tpu.memory_space<vmem>>[vector<16xi32>, vector<16xi32>], vector<16xf32>,
        %parallel_loop3A_1006 = arith.constant 25 : i32
        %parallel_loop3A_1007 = vector.broadcast %parallel_loop3A_1006 : i32 to vector<16xi32>
        %parallel_loop3A_1008 = arith.addi %parallel_loop3A_636, %parallel_loop3A_1007 : vector<16xi32>
        %parallel_loop3A_1009 = arith.constant 1 : i32
        %parallel_loop3A_1010 = arith.constant 0 : i32
        %parallel_loop3A_1011 = arith.constant 0 : i32
        %parallel_loop3A_1012 = tpu.memref_slice %arg7[%parallel_loop3A_1009, %parallel_loop3A_1010, %parallel_loop3A_1011] : memref<4x128x128xf32, #tpu.memory_space<vmem>> -> memref<1x128x128xf32, #tpu.memory_space<vmem>>
        %parallel_loop3A_1013 = tpu.memref_squeeze %parallel_loop3A_1012 : memref<1x128x128xf32, #tpu.memory_space<vmem>> -> memref<128x128xf32, #tpu.memory_space<vmem>>
        %parallel_loop3A_1014 = tpu.vector_load_idx %parallel_loop3A_1013[%parallel_loop3A_626, %parallel_loop3A_1008] : memref<128x128xf32, #tpu.memory_space<vmem>>[vector<16xi32>, vector<16xi32>], vector<16xf32>,
        %parallel_loop3A_1015 = arith.constant 26 : i32
        %parallel_loop3A_1016 = vector.broadcast %parallel_loop3A_1015 : i32 to vector<16xi32>
        %parallel_loop3A_1017 = arith.addi %parallel_loop3A_636, %parallel_loop3A_1016 : vector<16xi32>
        %parallel_loop3A_1018 = arith.constant 1 : i32
        %parallel_loop3A_1019 = arith.constant 0 : i32
        %parallel_loop3A_1020 = arith.constant 0 : i32
        %parallel_loop3A_1021 = tpu.memref_slice %arg7[%parallel_loop3A_1018, %parallel_loop3A_1019, %parallel_loop3A_1020] : memref<4x128x128xf32, #tpu.memory_space<vmem>> -> memref<1x128x128xf32, #tpu.memory_space<vmem>>
        %parallel_loop3A_1022 = tpu.memref_squeeze %parallel_loop3A_1021 : memref<1x128x128xf32, #tpu.memory_space<vmem>> -> memref<128x128xf32, #tpu.memory_space<vmem>>
        %parallel_loop3A_1023 = tpu.vector_load_idx %parallel_loop3A_1022[%parallel_loop3A_626, %parallel_loop3A_1017] : memref<128x128xf32, #tpu.memory_space<vmem>>[vector<16xi32>, vector<16xi32>], vector<16xf32>,
        %parallel_loop3A_1024 = arith.constant 27 : i32
        %parallel_loop3A_1025 = vector.broadcast %parallel_loop3A_1024 : i32 to vector<16xi32>
        %parallel_loop3A_1026 = arith.addi %parallel_loop3A_636, %parallel_loop3A_1025 : vector<16xi32>
        %parallel_loop3A_1027 = arith.constant 1 : i32
        %parallel_loop3A_1028 = arith.constant 0 : i32
        %parallel_loop3A_1029 = arith.constant 0 : i32
        %parallel_loop3A_1030 = tpu.memref_slice %arg7[%parallel_loop3A_1027, %parallel_loop3A_1028, %parallel_loop3A_1029] : memref<4x128x128xf32, #tpu.memory_space<vmem>> -> memref<1x128x128xf32, #tpu.memory_space<vmem>>
        %parallel_loop3A_1031 = tpu.memref_squeeze %parallel_loop3A_1030 : memref<1x128x128xf32, #tpu.memory_space<vmem>> -> memref<128x128xf32, #tpu.memory_space<vmem>>
        %parallel_loop3A_1032 = tpu.vector_load_idx %parallel_loop3A_1031[%parallel_loop3A_626, %parallel_loop3A_1026] : memref<128x128xf32, #tpu.memory_space<vmem>>[vector<16xi32>, vector<16xi32>], vector<16xf32>,
        %parallel_loop3A_1033 = arith.constant 28 : i32
        %parallel_loop3A_1034 = vector.broadcast %parallel_loop3A_1033 : i32 to vector<16xi32>
        %parallel_loop3A_1035 = arith.addi %parallel_loop3A_636, %parallel_loop3A_1034 : vector<16xi32>
        %parallel_loop3A_1036 = arith.constant 1 : i32
        %parallel_loop3A_1037 = arith.constant 0 : i32
        %parallel_loop3A_1038 = arith.constant 0 : i32
        %parallel_loop3A_1039 = tpu.memref_slice %arg7[%parallel_loop3A_1036, %parallel_loop3A_1037, %parallel_loop3A_1038] : memref<4x128x128xf32, #tpu.memory_space<vmem>> -> memref<1x128x128xf32, #tpu.memory_space<vmem>>
        %parallel_loop3A_1040 = tpu.memref_squeeze %parallel_loop3A_1039 : memref<1x128x128xf32, #tpu.memory_space<vmem>> -> memref<128x128xf32, #tpu.memory_space<vmem>>
        %parallel_loop3A_1041 = tpu.vector_load_idx %parallel_loop3A_1040[%parallel_loop3A_626, %parallel_loop3A_1035] : memref<128x128xf32, #tpu.memory_space<vmem>>[vector<16xi32>, vector<16xi32>], vector<16xf32>,
        %parallel_loop3A_1042 = arith.constant 29 : i32
        %parallel_loop3A_1043 = vector.broadcast %parallel_loop3A_1042 : i32 to vector<16xi32>
        %parallel_loop3A_1044 = arith.addi %parallel_loop3A_636, %parallel_loop3A_1043 : vector<16xi32>
        %parallel_loop3A_1045 = arith.constant 1 : i32
        %parallel_loop3A_1046 = arith.constant 0 : i32
        %parallel_loop3A_1047 = arith.constant 0 : i32
        %parallel_loop3A_1048 = tpu.memref_slice %arg7[%parallel_loop3A_1045, %parallel_loop3A_1046, %parallel_loop3A_1047] : memref<4x128x128xf32, #tpu.memory_space<vmem>> -> memref<1x128x128xf32, #tpu.memory_space<vmem>>
        %parallel_loop3A_1049 = tpu.memref_squeeze %parallel_loop3A_1048 : memref<1x128x128xf32, #tpu.memory_space<vmem>> -> memref<128x128xf32, #tpu.memory_space<vmem>>
        %parallel_loop3A_1050 = tpu.vector_load_idx %parallel_loop3A_1049[%parallel_loop3A_626, %parallel_loop3A_1044] : memref<128x128xf32, #tpu.memory_space<vmem>>[vector<16xi32>, vector<16xi32>], vector<16xf32>,
        %parallel_loop3A_1051 = arith.constant 30 : i32
        %parallel_loop3A_1052 = vector.broadcast %parallel_loop3A_1051 : i32 to vector<16xi32>
        %parallel_loop3A_1053 = arith.addi %parallel_loop3A_636, %parallel_loop3A_1052 : vector<16xi32>
        %parallel_loop3A_1054 = arith.constant 1 : i32
        %parallel_loop3A_1055 = arith.constant 0 : i32
        %parallel_loop3A_1056 = arith.constant 0 : i32
        %parallel_loop3A_1057 = tpu.memref_slice %arg7[%parallel_loop3A_1054, %parallel_loop3A_1055, %parallel_loop3A_1056] : memref<4x128x128xf32, #tpu.memory_space<vmem>> -> memref<1x128x128xf32, #tpu.memory_space<vmem>>
        %parallel_loop3A_1058 = tpu.memref_squeeze %parallel_loop3A_1057 : memref<1x128x128xf32, #tpu.memory_space<vmem>> -> memref<128x128xf32, #tpu.memory_space<vmem>>
        %parallel_loop3A_1059 = tpu.vector_load_idx %parallel_loop3A_1058[%parallel_loop3A_626, %parallel_loop3A_1053] : memref<128x128xf32, #tpu.memory_space<vmem>>[vector<16xi32>, vector<16xi32>], vector<16xf32>,
        %parallel_loop3A_1060 = arith.constant 31 : i32
        %parallel_loop3A_1061 = vector.broadcast %parallel_loop3A_1060 : i32 to vector<16xi32>
        %parallel_loop3A_1062 = arith.addi %parallel_loop3A_636, %parallel_loop3A_1061 : vector<16xi32>
        %parallel_loop3A_1063 = arith.constant 1 : i32
        %parallel_loop3A_1064 = arith.constant 0 : i32
        %parallel_loop3A_1065 = arith.constant 0 : i32
        %parallel_loop3A_1066 = tpu.memref_slice %arg7[%parallel_loop3A_1063, %parallel_loop3A_1064, %parallel_loop3A_1065] : memref<4x128x128xf32, #tpu.memory_space<vmem>> -> memref<1x128x128xf32, #tpu.memory_space<vmem>>
        %parallel_loop3A_1067 = tpu.memref_squeeze %parallel_loop3A_1066 : memref<1x128x128xf32, #tpu.memory_space<vmem>> -> memref<128x128xf32, #tpu.memory_space<vmem>>
        %parallel_loop3A_1068 = tpu.vector_load_idx %parallel_loop3A_1067[%parallel_loop3A_626, %parallel_loop3A_1062] : memref<128x128xf32, #tpu.memory_space<vmem>>[vector<16xi32>, vector<16xi32>], vector<16xf32>,
        %parallel_loop3A_1069 = arith.constant 1 : i32
        %parallel_loop3A_1070 = arith.constant 24 : i32
        %parallel_loop3A_1071 = arith.index_cast %parallel_loop3A_1069 : i32 to index
        %parallel_loop3A_1072 = arith.index_cast %parallel_loop3A_1070 : i32 to index
        %parallel_loop3A_1073 = arith.index_cast %parallel_loop3A_624 : i32 to index
        %parallel_loop3A_1074 = tpu.vector_load %arg8[%parallel_loop3A_1071, %parallel_loop3A_1072, %parallel_loop3A_1073] {strides = array<i32>} : memref<2x32x128xf32, #tpu.memory_space<vmem>>, vector<16xf32>,
        tpu.vector_store %arg8[%parallel_loop3A_1071, %parallel_loop3A_1072, %parallel_loop3A_1073], %parallel_loop3A_1005 {strides = array<i32>} : memref<2x32x128xf32, #tpu.memory_space<vmem>>, vector<16xf32>,
        %parallel_loop3A_1075 = arith.constant 1 : i32
        %parallel_loop3A_1076 = arith.constant 25 : i32
        %parallel_loop3A_1077 = arith.index_cast %parallel_loop3A_1075 : i32 to index
        %parallel_loop3A_1078 = arith.index_cast %parallel_loop3A_1076 : i32 to index
        %parallel_loop3A_1079 = arith.index_cast %parallel_loop3A_624 : i32 to index
        %parallel_loop3A_1080 = tpu.vector_load %arg8[%parallel_loop3A_1077, %parallel_loop3A_1078, %parallel_loop3A_1079] {strides = array<i32>} : memref<2x32x128xf32, #tpu.memory_space<vmem>>, vector<16xf32>,
        tpu.vector_store %arg8[%parallel_loop3A_1077, %parallel_loop3A_1078, %parallel_loop3A_1079], %parallel_loop3A_1014 {strides = array<i32>} : memref<2x32x128xf32, #tpu.memory_space<vmem>>, vector<16xf32>,
        %parallel_loop3A_1081 = arith.constant 1 : i32
        %parallel_loop3A_1082 = arith.constant 26 : i32
        %parallel_loop3A_1083 = arith.index_cast %parallel_loop3A_1081 : i32 to index
        %parallel_loop3A_1084 = arith.index_cast %parallel_loop3A_1082 : i32 to index
        %parallel_loop3A_1085 = arith.index_cast %parallel_loop3A_624 : i32 to index
        %parallel_loop3A_1086 = tpu.vector_load %arg8[%parallel_loop3A_1083, %parallel_loop3A_1084, %parallel_loop3A_1085] {strides = array<i32>} : memref<2x32x128xf32, #tpu.memory_space<vmem>>, vector<16xf32>,
        tpu.vector_store %arg8[%parallel_loop3A_1083, %parallel_loop3A_1084, %parallel_loop3A_1085], %parallel_loop3A_1023 {strides = array<i32>} : memref<2x32x128xf32, #tpu.memory_space<vmem>>, vector<16xf32>,
        %parallel_loop3A_1087 = arith.constant 1 : i32
        %parallel_loop3A_1088 = arith.constant 27 : i32
        %parallel_loop3A_1089 = arith.index_cast %parallel_loop3A_1087 : i32 to index
        %parallel_loop3A_1090 = arith.index_cast %parallel_loop3A_1088 : i32 to index
        %parallel_loop3A_1091 = arith.index_cast %parallel_loop3A_624 : i32 to index
        %parallel_loop3A_1092 = tpu.vector_load %arg8[%parallel_loop3A_1089, %parallel_loop3A_1090, %parallel_loop3A_1091] {strides = array<i32>} : memref<2x32x128xf32, #tpu.memory_space<vmem>>, vector<16xf32>,
        tpu.vector_store %arg8[%parallel_loop3A_1089, %parallel_loop3A_1090, %parallel_loop3A_1091], %parallel_loop3A_1032 {strides = array<i32>} : memref<2x32x128xf32, #tpu.memory_space<vmem>>, vector<16xf32>,
        %parallel_loop3A_1093 = arith.constant 1 : i32
        %parallel_loop3A_1094 = arith.constant 28 : i32
        %parallel_loop3A_1095 = arith.index_cast %parallel_loop3A_1093 : i32 to index
        %parallel_loop3A_1096 = arith.index_cast %parallel_loop3A_1094 : i32 to index
        %parallel_loop3A_1097 = arith.index_cast %parallel_loop3A_624 : i32 to index
        %parallel_loop3A_1098 = tpu.vector_load %arg8[%parallel_loop3A_1095, %parallel_loop3A_1096, %parallel_loop3A_1097] {strides = array<i32>} : memref<2x32x128xf32, #tpu.memory_space<vmem>>, vector<16xf32>,
        tpu.vector_store %arg8[%parallel_loop3A_1095, %parallel_loop3A_1096, %parallel_loop3A_1097], %parallel_loop3A_1041 {strides = array<i32>} : memref<2x32x128xf32, #tpu.memory_space<vmem>>, vector<16xf32>,
        %parallel_loop3A_1099 = arith.constant 1 : i32
        %parallel_loop3A_1100 = arith.constant 29 : i32
        %parallel_loop3A_1101 = arith.index_cast %parallel_loop3A_1099 : i32 to index
        %parallel_loop3A_1102 = arith.index_cast %parallel_loop3A_1100 : i32 to index
        %parallel_loop3A_1103 = arith.index_cast %parallel_loop3A_624 : i32 to index
        %parallel_loop3A_1104 = tpu.vector_load %arg8[%parallel_loop3A_1101, %parallel_loop3A_1102, %parallel_loop3A_1103] {strides = array<i32>} : memref<2x32x128xf32, #tpu.memory_space<vmem>>, vector<16xf32>,
        tpu.vector_store %arg8[%parallel_loop3A_1101, %parallel_loop3A_1102, %parallel_loop3A_1103], %parallel_loop3A_1050 {strides = array<i32>} : memref<2x32x128xf32, #tpu.memory_space<vmem>>, vector<16xf32>,
        %parallel_loop3A_1105 = arith.constant 1 : i32
        %parallel_loop3A_1106 = arith.constant 30 : i32
        %parallel_loop3A_1107 = arith.index_cast %parallel_loop3A_1105 : i32 to index
        %parallel_loop3A_1108 = arith.index_cast %parallel_loop3A_1106 : i32 to index
        %parallel_loop3A_1109 = arith.index_cast %parallel_loop3A_624 : i32 to index
        %parallel_loop3A_1110 = tpu.vector_load %arg8[%parallel_loop3A_1107, %parallel_loop3A_1108, %parallel_loop3A_1109] {strides = array<i32>} : memref<2x32x128xf32, #tpu.memory_space<vmem>>, vector<16xf32>,
        tpu.vector_store %arg8[%parallel_loop3A_1107, %parallel_loop3A_1108, %parallel_loop3A_1109], %parallel_loop3A_1059 {strides = array<i32>} : memref<2x32x128xf32, #tpu.memory_space<vmem>>, vector<16xf32>,
        %parallel_loop3A_1111 = arith.constant 1 : i32
        %parallel_loop3A_1112 = arith.constant 31 : i32
        %parallel_loop3A_1113 = arith.index_cast %parallel_loop3A_1111 : i32 to index
        %parallel_loop3A_1114 = arith.index_cast %parallel_loop3A_1112 : i32 to index
        %parallel_loop3A_1115 = arith.index_cast %parallel_loop3A_624 : i32 to index
        %parallel_loop3A_1116 = tpu.vector_load %arg8[%parallel_loop3A_1113, %parallel_loop3A_1114, %parallel_loop3A_1115] {strides = array<i32>} : memref<2x32x128xf32, #tpu.memory_space<vmem>>, vector<16xf32>,
        tpu.vector_store %arg8[%parallel_loop3A_1113, %parallel_loop3A_1114, %parallel_loop3A_1115], %parallel_loop3A_1068 {strides = array<i32>} : memref<2x32x128xf32, #tpu.memory_space<vmem>>, vector<16xf32>,
      } {sc.loop_unroll_factor = 2 : i64, sc.parallel_access}
      %add3A_426 = arith.addi %mul3A_2, %add3A_378 : i32
      %shift_right_arithmetic3A_427 = arith.constant 5 : i32
      %shift_right_arithmetic3A_428 = arith.shrsi %add3A_426, %shift_right_arithmetic3A_427 : i32
      %and3A_429 = arith.constant 31 : i32
      %and3A_430 = arith.andi %add3A_426, %and3A_429 : i32
      %mul3A_431 = arith.constant 128 : i32
      %mul3A_432 = arith.muli %and3A_430, %mul3A_431 : i32
      %dma_start3A_433 = arith.constant 1 : i32
      %dma_start3A_434 = arith.constant 1 : i32
      %dma_start3A_435 = arith.constant 0 : i32
      %dma_start3A_436 = arith.constant 0 : i32
      %dma_start3A_437 = tpu.memref_slice %arg8[%dma_start3A_433, %dma_start3A_435, %dma_start3A_436] : memref<2x32x128xf32, #tpu.memory_space<vmem>> -> memref<1x32x128xf32, #tpu.memory_space<vmem>>
      %dma_start3A_438 = tpu.memref_squeeze %dma_start3A_437 : memref<1x32x128xf32, #tpu.memory_space<vmem>> -> memref<32x128xf32, #tpu.memory_space<vmem>>
      %dma_start3A_439 = arith.constant 0 : i32
      %dma_start3A_440 = tpu.memref_slice %arg4[%shift_right_arithmetic3A_428, %dma_start3A_439, %mul3A_432] : memref<200x32x4096xf32, #tpu.memory_space<hbm>> -> memref<1x32x128xf32, #tpu.memory_space<hbm>>
      %dma_start3A_441 = tpu.memref_squeeze %dma_start3A_440 : memref<1x32x128xf32, #tpu.memory_space<hbm>> -> memref<32x128xf32, #tpu.memory_space<hbm>>
      %dma_start3A_442 = tpu.memref_slice %arg10[%dma_start3A_434] : memref<2x!tpu.dma_semaphore, #tpu.memory_space<semaphore_mem>> -> memref<1x!tpu.dma_semaphore, #tpu.memory_space<semaphore_mem>>
      %dma_start3A_443 = tpu.memref_squeeze %dma_start3A_442 : memref<1x!tpu.dma_semaphore, #tpu.memory_space<semaphore_mem>> -> memref<!tpu.dma_semaphore, #tpu.memory_space<semaphore_mem>>
      %dma_start3A_444 = arith.constant 0 : i32
      %dma_start3A_445 = tpu.memref_slice %arg4[%shift_right_arithmetic3A_428, %dma_start3A_444, %mul3A_432] : memref<200x32x4096xf32, #tpu.memory_space<hbm>> -> memref<1x32x128xf32, #tpu.memory_space<hbm>>
      %dma_start3A_446 = tpu.memref_squeeze %dma_start3A_445 : memref<1x32x128xf32, #tpu.memory_space<hbm>> -> memref<32x128xf32, #tpu.memory_space<hbm>>
      %dma_start3A_447 = arith.constant 0 : i32
      %dma_start3A_448 = arith.constant 0 : i32
      %dma_start3A_449 = tpu.memref_slice %arg8[%dma_start3A_433, %dma_start3A_447, %dma_start3A_448] : memref<2x32x128xf32, #tpu.memory_space<vmem>> -> memref<1x32x128xf32, #tpu.memory_space<vmem>>
      %dma_start3A_450 = tpu.memref_squeeze %dma_start3A_449 : memref<1x32x128xf32, #tpu.memory_space<vmem>> -> memref<32x128xf32, #tpu.memory_space<vmem>>
      tpu.enqueue_dma source(%dma_start3A_450 : memref<32x128xf32, #tpu.memory_space<vmem>>) target(%dma_start3A_446 : memref<32x128xf32, #tpu.memory_space<hbm>>) target_semaphore(%dma_start3A_443 : memref<!tpu.dma_semaphore, #tpu.memory_space<semaphore_mem>>)
      %add3A_451 = arith.constant 4 : i32
      %add3A_452 = arith.addi %add3A_378, %add3A_451 : i32
      %lt3A_453 = arith.constant 200 : i32
      %lt3A_454 = arith.cmpi slt, %add3A_452, %lt3A_453 : i32
      %convert_element_type3A_455 = arith.extui %lt3A_454 : i1 to i32
      %cond3A_456 = arith.constant 0 : i32
      %cond3A_457 = arith.cmpi ne, %convert_element_type3A_455, %cond3A_456 : i32
      scf.if %cond3A_457 {
        %add3A_624 = arith.constant 4 : i32
        %add3A_625 = arith.addi %add3A_378, %add3A_624 : i32
        %add3A_626 = arith.addi %mul3A_2, %add3A_625 : i32
        %shift_right_arithmetic3A_627 = arith.constant 5 : i32
        %shift_right_arithmetic3A_628 = arith.shrsi %add3A_626, %shift_right_arithmetic3A_627 : i32
        %and3A_629 = arith.constant 31 : i32
        %and3A_630 = arith.andi %add3A_626, %and3A_629 : i32
        %mul3A_631 = arith.constant 128 : i32
        %mul3A_632 = arith.muli %and3A_630, %mul3A_631 : i32
        %dma_start3A_633 = arith.constant 1 : i32
        %dma_start3A_634 = arith.constant 1 : i32
        %dma_start3A_635 = arith.constant 0 : i32
        %dma_start3A_636 = tpu.memref_slice %arg5[%dma_start3A_633, %dma_start3A_635] : memref<4x128xi32, #tpu.memory_space<vmem>> -> memref<1x128xi32, #tpu.memory_space<vmem>>
        %dma_start3A_637 = tpu.memref_squeeze %dma_start3A_636 : memref<1x128xi32, #tpu.memory_space<vmem>> -> memref<128xi32, #tpu.memory_space<vmem>>
        %dma_start3A_638 = tpu.memref_slice %arg3[%shift_right_arithmetic3A_628, %mul3A_632] : memref<200x4096xi32, #tpu.memory_space<hbm>> -> memref<1x128xi32, #tpu.memory_space<hbm>>
        %dma_start3A_639 = tpu.memref_squeeze %dma_start3A_638 : memref<1x128xi32, #tpu.memory_space<hbm>> -> memref<128xi32, #tpu.memory_space<hbm>>
        %dma_start3A_640 = tpu.memref_slice %arg11[%dma_start3A_634] : memref<4x!tpu.dma_semaphore, #tpu.memory_space<semaphore_mem>> -> memref<1x!tpu.dma_semaphore, #tpu.memory_space<semaphore_mem>>
        %dma_start3A_641 = tpu.memref_squeeze %dma_start3A_640 : memref<1x!tpu.dma_semaphore, #tpu.memory_space<semaphore_mem>> -> memref<!tpu.dma_semaphore, #tpu.memory_space<semaphore_mem>>
        %dma_start3A_642 = arith.constant 0 : i32
        %dma_start3A_643 = tpu.memref_slice %arg5[%dma_start3A_633, %dma_start3A_642] : memref<4x128xi32, #tpu.memory_space<vmem>> -> memref<1x128xi32, #tpu.memory_space<vmem>>
        %dma_start3A_644 = tpu.memref_squeeze %dma_start3A_643 : memref<1x128xi32, #tpu.memory_space<vmem>> -> memref<128xi32, #tpu.memory_space<vmem>>
        %dma_start3A_645 = tpu.memref_slice %arg3[%shift_right_arithmetic3A_628, %mul3A_632] : memref<200x4096xi32, #tpu.memory_space<hbm>> -> memref<1x128xi32, #tpu.memory_space<hbm>>
        %dma_start3A_646 = tpu.memref_squeeze %dma_start3A_645 : memref<1x128xi32, #tpu.memory_space<hbm>> -> memref<128xi32, #tpu.memory_space<hbm>>
        tpu.enqueue_dma source(%dma_start3A_646 : memref<128xi32, #tpu.memory_space<hbm>>) target(%dma_start3A_644 : memref<128xi32, #tpu.memory_space<vmem>>) target_semaphore(%dma_start3A_641 : memref<!tpu.dma_semaphore, #tpu.memory_space<semaphore_mem>>)
      } else {
      }
      %mul3A_458 = arith.constant 4 : i32
      %mul3A_459 = arith.muli %add3A_296, %mul3A_458 : i32
      %add3A_460 = arith.constant 2 : i32
      %add3A_461 = arith.addi %mul3A_459, %add3A_460 : i32
      %dma_wait3A_462 = arith.constant 2 : i32
      %dma_wait3A_463 = arith.constant 2 : i32
      %dma_wait3A_464 = arith.constant 2 : i32
      %dma_wait3A_465 = arith.constant 0 : i32
      %dma_wait3A_466 = arith.constant 0 : i32
      %dma_wait3A_467 = tpu.memref_slice %arg7[%dma_wait3A_463, %dma_wait3A_465, %dma_wait3A_466] : memref<4x128x128xf32, #tpu.memory_space<vmem>> -> memref<1x64x128xf32, #tpu.memory_space<vmem>>
      %dma_wait3A_468 = tpu.memref_squeeze %dma_wait3A_467 : memref<1x64x128xf32, #tpu.memory_space<vmem>> -> memref<64x128xf32, #tpu.memory_space<vmem>>
      %dma_wait3A_469 = arith.constant 0 : i32
      %dma_wait3A_470 = tpu.memref_slice %arg6[%dma_wait3A_462, %dma_wait3A_469] : memref<4x128xi32, #tpu.memory_space<vmem>> -> memref<1x64xi32, #tpu.memory_space<vmem>>
      %dma_wait3A_471 = tpu.memref_squeeze %dma_wait3A_470 : memref<1x64xi32, #tpu.memory_space<vmem>> -> memref<64xi32, #tpu.memory_space<vmem>>
      %dma_wait3A_472 = arith.constant 0 : i32
      %dma_wait3A_473 = arith.constant 0 : i32
      %dma_wait3A_474 = tpu.memref_slice %arg2[%dma_wait3A_472, %dma_wait3A_473] : memref<250000x128xf32, #tpu.memory_space<hbm>> -> memref<250000x128xf32, #tpu.memory_space<hbm>>
      %dma_wait3A_475 = tpu.memref_slice %arg9[%dma_wait3A_464] : memref<4x!tpu.dma_semaphore, #tpu.memory_space<semaphore_mem>> -> memref<1x!tpu.dma_semaphore, #tpu.memory_space<semaphore_mem>>
      %dma_wait3A_476 = tpu.memref_squeeze %dma_wait3A_475 : memref<1x!tpu.dma_semaphore, #tpu.memory_space<semaphore_mem>> -> memref<!tpu.dma_semaphore, #tpu.memory_space<semaphore_mem>>
      tpu.wait_indirect_dma semaphore(%dma_wait3A_476 : memref<!tpu.dma_semaphore, #tpu.memory_space<semaphore_mem>>) src(%dma_wait3A_474 : memref<250000x128xf32, #tpu.memory_space<hbm>>) dst(%dma_wait3A_468 : memref<64x128xf32, #tpu.memory_space<vmem>>)
      %dma_wait3A_477 = arith.constant 2 : i32
      %dma_wait3A_478 = arith.constant 2 : i32
      %dma_wait3A_479 = arith.constant 2 : i32
      %dma_wait3A_480 = arith.constant 64 : i32
      %dma_wait3A_481 = arith.constant 0 : i32
      %dma_wait3A_482 = tpu.memref_slice %arg7[%dma_wait3A_478, %dma_wait3A_480, %dma_wait3A_481] : memref<4x128x128xf32, #tpu.memory_space<vmem>> -> memref<1x64x128xf32, #tpu.memory_space<vmem>>
      %dma_wait3A_483 = tpu.memref_squeeze %dma_wait3A_482 : memref<1x64x128xf32, #tpu.memory_space<vmem>> -> memref<64x128xf32, #tpu.memory_space<vmem>>
      %dma_wait3A_484 = arith.constant 64 : i32
      %dma_wait3A_485 = tpu.memref_slice %arg6[%dma_wait3A_477, %dma_wait3A_484] : memref<4x128xi32, #tpu.memory_space<vmem>> -> memref<1x64xi32, #tpu.memory_space<vmem>>
      %dma_wait3A_486 = tpu.memref_squeeze %dma_wait3A_485 : memref<1x64xi32, #tpu.memory_space<vmem>> -> memref<64xi32, #tpu.memory_space<vmem>>
      %dma_wait3A_487 = arith.constant 0 : i32
      %dma_wait3A_488 = arith.constant 0 : i32
      %dma_wait3A_489 = tpu.memref_slice %arg2[%dma_wait3A_487, %dma_wait3A_488] : memref<250000x128xf32, #tpu.memory_space<hbm>> -> memref<250000x128xf32, #tpu.memory_space<hbm>>
      %dma_wait3A_490 = tpu.memref_slice %arg9[%dma_wait3A_479] : memref<4x!tpu.dma_semaphore, #tpu.memory_space<semaphore_mem>> -> memref<1x!tpu.dma_semaphore, #tpu.memory_space<semaphore_mem>>
      %dma_wait3A_491 = tpu.memref_squeeze %dma_wait3A_490 : memref<1x!tpu.dma_semaphore, #tpu.memory_space<semaphore_mem>> -> memref<!tpu.dma_semaphore, #tpu.memory_space<semaphore_mem>>
      tpu.wait_indirect_dma semaphore(%dma_wait3A_491 : memref<!tpu.dma_semaphore, #tpu.memory_space<semaphore_mem>>) src(%dma_wait3A_489 : memref<250000x128xf32, #tpu.memory_space<hbm>>) dst(%dma_wait3A_483 : memref<64x128xf32, #tpu.memory_space<vmem>>)
      %add3A_492 = arith.constant 4 : i32
      %add3A_493 = arith.addi %add3A_461, %add3A_492 : i32
      %sub3A_494 = arith.constant 1 : i32
      %sub3A_495 = arith.subi %add3A_493, %sub3A_494 : i32
      %lt3A_496 = arith.constant 200 : i32
      %lt3A_497 = arith.cmpi slt, %sub3A_495, %lt3A_496 : i32
      %convert_element_type3A_498 = arith.extui %lt3A_497 : i1 to i32
      %cond3A_499 = arith.constant 0 : i32
      %cond3A_500 = arith.cmpi ne, %convert_element_type3A_498, %cond3A_499 : i32
      scf.if %cond3A_500 {
        %dma_wait3A_624 = arith.constant 0 : i32
        %dma_wait3A_625 = arith.constant 1 : i32
        %dma_wait3A_626 = arith.constant 1 : i32
        %dma_wait3A_627 = arith.constant 0 : i32
        %dma_wait3A_628 = tpu.memref_slice %arg5[%dma_wait3A_625, %dma_wait3A_627] : memref<4x128xi32, #tpu.memory_space<vmem>> -> memref<1x128xi32, #tpu.memory_space<vmem>>
        %dma_wait3A_629 = tpu.memref_squeeze %dma_wait3A_628 : memref<1x128xi32, #tpu.memory_space<vmem>> -> memref<128xi32, #tpu.memory_space<vmem>>
        %dma_wait3A_630 = arith.constant 0 : i32
        %dma_wait3A_631 = tpu.memref_slice %arg3[%dma_wait3A_624, %dma_wait3A_630] : memref<200x4096xi32, #tpu.memory_space<hbm>> -> memref<1x128xi32, #tpu.memory_space<hbm>>
        %dma_wait3A_632 = tpu.memref_squeeze %dma_wait3A_631 : memref<1x128xi32, #tpu.memory_space<hbm>> -> memref<128xi32, #tpu.memory_space<hbm>>
        %dma_wait3A_633 = tpu.memref_slice %arg11[%dma_wait3A_626] : memref<4x!tpu.dma_semaphore, #tpu.memory_space<semaphore_mem>> -> memref<1x!tpu.dma_semaphore, #tpu.memory_space<semaphore_mem>>
        %dma_wait3A_634 = tpu.memref_squeeze %dma_wait3A_633 : memref<1x!tpu.dma_semaphore, #tpu.memory_space<semaphore_mem>> -> memref<!tpu.dma_semaphore, #tpu.memory_space<semaphore_mem>>
        %dma_wait3A_635 = arith.constant 0 : i32
        %dma_wait3A_636 = tpu.memref_slice %arg5[%dma_wait3A_625, %dma_wait3A_635] : memref<4x128xi32, #tpu.memory_space<vmem>> -> memref<1x128xi32, #tpu.memory_space<vmem>>
        %dma_wait3A_637 = tpu.memref_squeeze %dma_wait3A_636 : memref<1x128xi32, #tpu.memory_space<vmem>> -> memref<128xi32, #tpu.memory_space<vmem>>
        %dma_wait3A_638 = arith.constant 0 : i32
        %dma_wait3A_639 = tpu.memref_slice %arg3[%dma_wait3A_624, %dma_wait3A_638] : memref<200x4096xi32, #tpu.memory_space<hbm>> -> memref<1x128xi32, #tpu.memory_space<hbm>>
        %dma_wait3A_640 = tpu.memref_squeeze %dma_wait3A_639 : memref<1x128xi32, #tpu.memory_space<hbm>> -> memref<128xi32, #tpu.memory_space<hbm>>
        tpu.wait_dma2 semaphore(%dma_wait3A_634 : memref<!tpu.dma_semaphore, #tpu.memory_space<semaphore_mem>>) src(%dma_wait3A_640 : memref<128xi32, #tpu.memory_space<hbm>>) dst(%dma_wait3A_637 : memref<128xi32, #tpu.memory_space<vmem>>)
        %parallel_loop3A_641 = arith.constant 0 : i32
        %parallel_loop3A_642 = arith.constant 128 : i32
        %parallel_loop3A_643 = arith.constant 16 : i32
        scf.for %parallel_loop3A_674 = %parallel_loop3A_641 to %parallel_loop3A_642 step %parallel_loop3A_643  : i32 {
          %parallel_loop3A_675 = arith.constant 1 : i32
          %parallel_loop3A_676 = arith.index_cast %parallel_loop3A_675 : i32 to index
          %parallel_loop3A_677 = arith.index_cast %parallel_loop3A_674 : i32 to index
          %parallel_loop3A_678 = tpu.vector_load %arg5[%parallel_loop3A_676, %parallel_loop3A_677] {strides = array<i32>} : memref<4x128xi32, #tpu.memory_space<vmem>>, vector<16xi32>,
          %parallel_loop3A_679 = arith.constant 2 : i32
          %parallel_loop3A_680 = vector.broadcast %parallel_loop3A_679 : i32 to vector<16xi32>
          %parallel_loop3A_681 = arith.shrui %parallel_loop3A_678, %parallel_loop3A_680 : vector<16xi32>
          %parallel_loop3A_682 = arith.constant 1 : i32
          %parallel_loop3A_683 = arith.index_cast %parallel_loop3A_682 : i32 to index
          %parallel_loop3A_684 = arith.index_cast %parallel_loop3A_674 : i32 to index
          %parallel_loop3A_685 = tpu.vector_load %arg6[%parallel_loop3A_683, %parallel_loop3A_684] {strides = array<i32>} : memref<4x128xi32, #tpu.memory_space<vmem>>, vector<16xi32>,
          tpu.vector_store %arg6[%parallel_loop3A_683, %parallel_loop3A_684], %parallel_loop3A_681 {strides = array<i32>} : memref<4x128xi32, #tpu.memory_space<vmem>>, vector<16xi32>,
        } {sc.loop_unroll_factor = 1 : i64, sc.parallel_access}
        %dma_start3A_644 = arith.constant 1 : i32
        %dma_start3A_645 = arith.constant 1 : i32
        %dma_start3A_646 = arith.constant 1 : i32
        %dma_start3A_647 = arith.constant 0 : i32
        %dma_start3A_648 = arith.constant 0 : i32
        %dma_start3A_649 = tpu.memref_slice %arg7[%dma_start3A_645, %dma_start3A_647, %dma_start3A_648] : memref<4x128x128xf32, #tpu.memory_space<vmem>> -> memref<1x64x128xf32, #tpu.memory_space<vmem>>
        %dma_start3A_650 = tpu.memref_squeeze %dma_start3A_649 : memref<1x64x128xf32, #tpu.memory_space<vmem>> -> memref<64x128xf32, #tpu.memory_space<vmem>>
        %dma_start3A_651 = arith.constant 0 : i32
        %dma_start3A_652 = tpu.memref_slice %arg6[%dma_start3A_644, %dma_start3A_651] : memref<4x128xi32, #tpu.memory_space<vmem>> -> memref<1x64xi32, #tpu.memory_space<vmem>>
        %dma_start3A_653 = tpu.memref_squeeze %dma_start3A_652 : memref<1x64xi32, #tpu.memory_space<vmem>> -> memref<64xi32, #tpu.memory_space<vmem>>
        %dma_start3A_654 = arith.constant 0 : i32
        %dma_start3A_655 = arith.constant 0 : i32
        %dma_start3A_656 = tpu.memref_slice %arg2[%dma_start3A_654, %dma_start3A_655] : memref<250000x128xf32, #tpu.memory_space<hbm>> -> memref<250000x128xf32, #tpu.memory_space<hbm>>
        %dma_start3A_657 = tpu.memref_slice %arg9[%dma_start3A_646] : memref<4x!tpu.dma_semaphore, #tpu.memory_space<semaphore_mem>> -> memref<1x!tpu.dma_semaphore, #tpu.memory_space<semaphore_mem>>
        %dma_start3A_658 = tpu.memref_squeeze %dma_start3A_657 : memref<1x!tpu.dma_semaphore, #tpu.memory_space<semaphore_mem>> -> memref<!tpu.dma_semaphore, #tpu.memory_space<semaphore_mem>>
        tpu.enqueue_indirect_dma source(%dma_start3A_656 : memref<250000x128xf32, #tpu.memory_space<hbm>>) target(%dma_start3A_650 : memref<64x128xf32, #tpu.memory_space<vmem>>) offsets(%dma_start3A_653 : memref<64xi32, #tpu.memory_space<vmem>>) semaphore(%dma_start3A_658 : memref<!tpu.dma_semaphore, #tpu.memory_space<semaphore_mem>>)
        %dma_start3A_659 = arith.constant 1 : i32
        %dma_start3A_660 = arith.constant 1 : i32
        %dma_start3A_661 = arith.constant 1 : i32
        %dma_start3A_662 = arith.constant 64 : i32
        %dma_start3A_663 = arith.constant 0 : i32
        %dma_start3A_664 = tpu.memref_slice %arg7[%dma_start3A_660, %dma_start3A_662, %dma_start3A_663] : memref<4x128x128xf32, #tpu.memory_space<vmem>> -> memref<1x64x128xf32, #tpu.memory_space<vmem>>
        %dma_start3A_665 = tpu.memref_squeeze %dma_start3A_664 : memref<1x64x128xf32, #tpu.memory_space<vmem>> -> memref<64x128xf32, #tpu.memory_space<vmem>>
        %dma_start3A_666 = arith.constant 64 : i32
        %dma_start3A_667 = tpu.memref_slice %arg6[%dma_start3A_659, %dma_start3A_666] : memref<4x128xi32, #tpu.memory_space<vmem>> -> memref<1x64xi32, #tpu.memory_space<vmem>>
        %dma_start3A_668 = tpu.memref_squeeze %dma_start3A_667 : memref<1x64xi32, #tpu.memory_space<vmem>> -> memref<64xi32, #tpu.memory_space<vmem>>
        %dma_start3A_669 = arith.constant 0 : i32
        %dma_start3A_670 = arith.constant 0 : i32
        %dma_start3A_671 = tpu.memref_slice %arg2[%dma_start3A_669, %dma_start3A_670] : memref<250000x128xf32, #tpu.memory_space<hbm>> -> memref<250000x128xf32, #tpu.memory_space<hbm>>
        %dma_start3A_672 = tpu.memref_slice %arg9[%dma_start3A_661] : memref<4x!tpu.dma_semaphore, #tpu.memory_space<semaphore_mem>> -> memref<1x!tpu.dma_semaphore, #tpu.memory_space<semaphore_mem>>
        %dma_start3A_673 = tpu.memref_squeeze %dma_start3A_672 : memref<1x!tpu.dma_semaphore, #tpu.memory_space<semaphore_mem>> -> memref<!tpu.dma_semaphore, #tpu.memory_space<semaphore_mem>>
        tpu.enqueue_indirect_dma source(%dma_start3A_671 : memref<250000x128xf32, #tpu.memory_space<hbm>>) target(%dma_start3A_665 : memref<64x128xf32, #tpu.memory_space<vmem>>) offsets(%dma_start3A_668 : memref<64xi32, #tpu.memory_space<vmem>>) semaphore(%dma_start3A_673 : memref<!tpu.dma_semaphore, #tpu.memory_space<semaphore_mem>>)
      } else {
      }
      %ge3A_501 = arith.constant 2 : i32
      %ge3A_502 = arith.cmpi sge, %add3A_461, %ge3A_501 : i32
      %convert_element_type3A_503 = arith.extui %ge3A_502 : i1 to i32
      %cond3A_504 = arith.constant 0 : i32
      %cond3A_505 = arith.cmpi ne, %convert_element_type3A_503, %cond3A_504 : i32
      scf.if %cond3A_505 {
        %add3A_624 = arith.constant 0 : i32
        %add3A_625 = arith.addi %mul3A_2, %add3A_624 : i32
        %shift_right_arithmetic3A_626 = arith.constant 5 : i32
        %shift_right_arithmetic3A_627 = arith.shrsi %add3A_625, %shift_right_arithmetic3A_626 : i32
        %and3A_628 = arith.constant 31 : i32
        %and3A_629 = arith.andi %add3A_625, %and3A_628 : i32
        %mul3A_630 = arith.constant 128 : i32
        %mul3A_631 = arith.muli %and3A_629, %mul3A_630 : i32
        %dma_wait3A_632 = arith.constant 0 : i32
        %dma_wait3A_633 = arith.constant 0 : i32
        %dma_wait3A_634 = arith.constant 0 : i32
        %dma_wait3A_635 = arith.constant 0 : i32
        %dma_wait3A_636 = tpu.memref_slice %arg8[%dma_wait3A_632, %dma_wait3A_634, %dma_wait3A_635] : memref<2x32x128xf32, #tpu.memory_space<vmem>> -> memref<1x32x128xf32, #tpu.memory_space<vmem>>
        %dma_wait3A_637 = tpu.memref_squeeze %dma_wait3A_636 : memref<1x32x128xf32, #tpu.memory_space<vmem>> -> memref<32x128xf32, #tpu.memory_space<vmem>>
        %dma_wait3A_638 = arith.constant 0 : i32
        %dma_wait3A_639 = tpu.memref_slice %arg4[%shift_right_arithmetic3A_627, %dma_wait3A_638, %mul3A_631] : memref<200x32x4096xf32, #tpu.memory_space<hbm>> -> memref<1x32x128xf32, #tpu.memory_space<hbm>>
        %dma_wait3A_640 = tpu.memref_squeeze %dma_wait3A_639 : memref<1x32x128xf32, #tpu.memory_space<hbm>> -> memref<32x128xf32, #tpu.memory_space<hbm>>
        %dma_wait3A_641 = tpu.memref_slice %arg10[%dma_wait3A_633] : memref<2x!tpu.dma_semaphore, #tpu.memory_space<semaphore_mem>> -> memref<1x!tpu.dma_semaphore, #tpu.memory_space<semaphore_mem>>
        %dma_wait3A_642 = tpu.memref_squeeze %dma_wait3A_641 : memref<1x!tpu.dma_semaphore, #tpu.memory_space<semaphore_mem>> -> memref<!tpu.dma_semaphore, #tpu.memory_space<semaphore_mem>>
        %dma_wait3A_643 = arith.constant 0 : i32
        %dma_wait3A_644 = tpu.memref_slice %arg4[%shift_right_arithmetic3A_627, %dma_wait3A_643, %mul3A_631] : memref<200x32x4096xf32, #tpu.memory_space<hbm>> -> memref<1x32x128xf32, #tpu.memory_space<hbm>>
        %dma_wait3A_645 = tpu.memref_squeeze %dma_wait3A_644 : memref<1x32x128xf32, #tpu.memory_space<hbm>> -> memref<32x128xf32, #tpu.memory_space<hbm>>
        %dma_wait3A_646 = arith.constant 0 : i32
        %dma_wait3A_647 = arith.constant 0 : i32
        %dma_wait3A_648 = tpu.memref_slice %arg8[%dma_wait3A_632, %dma_wait3A_646, %dma_wait3A_647] : memref<2x32x128xf32, #tpu.memory_space<vmem>> -> memref<1x32x128xf32, #tpu.memory_space<vmem>>
        %dma_wait3A_649 = tpu.memref_squeeze %dma_wait3A_648 : memref<1x32x128xf32, #tpu.memory_space<vmem>> -> memref<32x128xf32, #tpu.memory_space<vmem>>
        tpu.wait_dma2 semaphore(%dma_wait3A_642 : memref<!tpu.dma_semaphore, #tpu.memory_space<semaphore_mem>>) src(%dma_wait3A_649 : memref<32x128xf32, #tpu.memory_space<vmem>>) dst(%dma_wait3A_645 : memref<32x128xf32, #tpu.memory_space<hbm>>)
      } else {
      }
      %parallel_loop3A_506 = arith.constant 0 : i32
      %parallel_loop3A_507 = arith.constant 128 : i32
      %parallel_loop3A_508 = arith.constant 16 : i32
      scf.for %parallel_loop3A_624 = %parallel_loop3A_506 to %parallel_loop3A_507 step %parallel_loop3A_508  : i32 {
        %parallel_loop3A_625 = vector.broadcast %parallel_loop3A_624 : i32 to vector<16xi32>
        %parallel_loop3A_626 = arith.addi %iota3A, %parallel_loop3A_625 : vector<16xi32>
        %parallel_loop3A_627 = arith.constant 2 : i32
        %parallel_loop3A_628 = arith.index_cast %parallel_loop3A_627 : i32 to index
        %parallel_loop3A_629 = arith.index_cast %parallel_loop3A_624 : i32 to index
        %parallel_loop3A_630 = tpu.vector_load %arg5[%parallel_loop3A_628, %parallel_loop3A_629] {strides = array<i32>} : memref<4x128xi32, #tpu.memory_space<vmem>>, vector<16xi32>,
        %parallel_loop3A_631 = arith.constant 3 : i32
        %parallel_loop3A_632 = vector.broadcast %parallel_loop3A_631 : i32 to vector<16xi32>
        %parallel_loop3A_633 = arith.andi %parallel_loop3A_630, %parallel_loop3A_632 : vector<16xi32>
        %parallel_loop3A_634 = arith.constant 32 : i32
        %parallel_loop3A_635 = vector.broadcast %parallel_loop3A_634 : i32 to vector<16xi32>
        %parallel_loop3A_636 = arith.muli %parallel_loop3A_633, %parallel_loop3A_635 : vector<16xi32>
        %parallel_loop3A_637 = arith.constant 0 : i32
        %parallel_loop3A_638 = vector.broadcast %parallel_loop3A_637 : i32 to vector<16xi32>
        %parallel_loop3A_639 = arith.addi %parallel_loop3A_636, %parallel_loop3A_638 : vector<16xi32>
        %parallel_loop3A_640 = arith.constant 2 : i32
        %parallel_loop3A_641 = arith.constant 0 : i32
        %parallel_loop3A_642 = arith.constant 0 : i32
        %parallel_loop3A_643 = tpu.memref_slice %arg7[%parallel_loop3A_640, %parallel_loop3A_641, %parallel_loop3A_642] : memref<4x128x128xf32, #tpu.memory_space<vmem>> -> memref<1x128x128xf32, #tpu.memory_space<vmem>>
        %parallel_loop3A_644 = tpu.memref_squeeze %parallel_loop3A_643 : memref<1x128x128xf32, #tpu.memory_space<vmem>> -> memref<128x128xf32, #tpu.memory_space<vmem>>
        %parallel_loop3A_645 = tpu.vector_load_idx %parallel_loop3A_644[%parallel_loop3A_626, %parallel_loop3A_639] : memref<128x128xf32, #tpu.memory_space<vmem>>[vector<16xi32>, vector<16xi32>], vector<16xf32>,
        %parallel_loop3A_646 = arith.constant 1 : i32
        %parallel_loop3A_647 = vector.broadcast %parallel_loop3A_646 : i32 to vector<16xi32>
        %parallel_loop3A_648 = arith.addi %parallel_loop3A_636, %parallel_loop3A_647 : vector<16xi32>
        %parallel_loop3A_649 = arith.constant 2 : i32
        %parallel_loop3A_650 = arith.constant 0 : i32
        %parallel_loop3A_651 = arith.constant 0 : i32
        %parallel_loop3A_652 = tpu.memref_slice %arg7[%parallel_loop3A_649, %parallel_loop3A_650, %parallel_loop3A_651] : memref<4x128x128xf32, #tpu.memory_space<vmem>> -> memref<1x128x128xf32, #tpu.memory_space<vmem>>
        %parallel_loop3A_653 = tpu.memref_squeeze %parallel_loop3A_652 : memref<1x128x128xf32, #tpu.memory_space<vmem>> -> memref<128x128xf32, #tpu.memory_space<vmem>>
        %parallel_loop3A_654 = tpu.vector_load_idx %parallel_loop3A_653[%parallel_loop3A_626, %parallel_loop3A_648] : memref<128x128xf32, #tpu.memory_space<vmem>>[vector<16xi32>, vector<16xi32>], vector<16xf32>,
        %parallel_loop3A_655 = arith.constant 2 : i32
        %parallel_loop3A_656 = vector.broadcast %parallel_loop3A_655 : i32 to vector<16xi32>
        %parallel_loop3A_657 = arith.addi %parallel_loop3A_636, %parallel_loop3A_656 : vector<16xi32>
        %parallel_loop3A_658 = arith.constant 2 : i32
        %parallel_loop3A_659 = arith.constant 0 : i32
        %parallel_loop3A_660 = arith.constant 0 : i32
        %parallel_loop3A_661 = tpu.memref_slice %arg7[%parallel_loop3A_658, %parallel_loop3A_659, %parallel_loop3A_660] : memref<4x128x128xf32, #tpu.memory_space<vmem>> -> memref<1x128x128xf32, #tpu.memory_space<vmem>>
        %parallel_loop3A_662 = tpu.memref_squeeze %parallel_loop3A_661 : memref<1x128x128xf32, #tpu.memory_space<vmem>> -> memref<128x128xf32, #tpu.memory_space<vmem>>
        %parallel_loop3A_663 = tpu.vector_load_idx %parallel_loop3A_662[%parallel_loop3A_626, %parallel_loop3A_657] : memref<128x128xf32, #tpu.memory_space<vmem>>[vector<16xi32>, vector<16xi32>], vector<16xf32>,
        %parallel_loop3A_664 = arith.constant 3 : i32
        %parallel_loop3A_665 = vector.broadcast %parallel_loop3A_664 : i32 to vector<16xi32>
        %parallel_loop3A_666 = arith.addi %parallel_loop3A_636, %parallel_loop3A_665 : vector<16xi32>
        %parallel_loop3A_667 = arith.constant 2 : i32
        %parallel_loop3A_668 = arith.constant 0 : i32
        %parallel_loop3A_669 = arith.constant 0 : i32
        %parallel_loop3A_670 = tpu.memref_slice %arg7[%parallel_loop3A_667, %parallel_loop3A_668, %parallel_loop3A_669] : memref<4x128x128xf32, #tpu.memory_space<vmem>> -> memref<1x128x128xf32, #tpu.memory_space<vmem>>
        %parallel_loop3A_671 = tpu.memref_squeeze %parallel_loop3A_670 : memref<1x128x128xf32, #tpu.memory_space<vmem>> -> memref<128x128xf32, #tpu.memory_space<vmem>>
        %parallel_loop3A_672 = tpu.vector_load_idx %parallel_loop3A_671[%parallel_loop3A_626, %parallel_loop3A_666] : memref<128x128xf32, #tpu.memory_space<vmem>>[vector<16xi32>, vector<16xi32>], vector<16xf32>,
        %parallel_loop3A_673 = arith.constant 4 : i32
        %parallel_loop3A_674 = vector.broadcast %parallel_loop3A_673 : i32 to vector<16xi32>
        %parallel_loop3A_675 = arith.addi %parallel_loop3A_636, %parallel_loop3A_674 : vector<16xi32>
        %parallel_loop3A_676 = arith.constant 2 : i32
        %parallel_loop3A_677 = arith.constant 0 : i32
        %parallel_loop3A_678 = arith.constant 0 : i32
        %parallel_loop3A_679 = tpu.memref_slice %arg7[%parallel_loop3A_676, %parallel_loop3A_677, %parallel_loop3A_678] : memref<4x128x128xf32, #tpu.memory_space<vmem>> -> memref<1x128x128xf32, #tpu.memory_space<vmem>>
        %parallel_loop3A_680 = tpu.memref_squeeze %parallel_loop3A_679 : memref<1x128x128xf32, #tpu.memory_space<vmem>> -> memref<128x128xf32, #tpu.memory_space<vmem>>
        %parallel_loop3A_681 = tpu.vector_load_idx %parallel_loop3A_680[%parallel_loop3A_626, %parallel_loop3A_675] : memref<128x128xf32, #tpu.memory_space<vmem>>[vector<16xi32>, vector<16xi32>], vector<16xf32>,
        %parallel_loop3A_682 = arith.constant 5 : i32
        %parallel_loop3A_683 = vector.broadcast %parallel_loop3A_682 : i32 to vector<16xi32>
        %parallel_loop3A_684 = arith.addi %parallel_loop3A_636, %parallel_loop3A_683 : vector<16xi32>
        %parallel_loop3A_685 = arith.constant 2 : i32
        %parallel_loop3A_686 = arith.constant 0 : i32
        %parallel_loop3A_687 = arith.constant 0 : i32
        %parallel_loop3A_688 = tpu.memref_slice %arg7[%parallel_loop3A_685, %parallel_loop3A_686, %parallel_loop3A_687] : memref<4x128x128xf32, #tpu.memory_space<vmem>> -> memref<1x128x128xf32, #tpu.memory_space<vmem>>
        %parallel_loop3A_689 = tpu.memref_squeeze %parallel_loop3A_688 : memref<1x128x128xf32, #tpu.memory_space<vmem>> -> memref<128x128xf32, #tpu.memory_space<vmem>>
        %parallel_loop3A_690 = tpu.vector_load_idx %parallel_loop3A_689[%parallel_loop3A_626, %parallel_loop3A_684] : memref<128x128xf32, #tpu.memory_space<vmem>>[vector<16xi32>, vector<16xi32>], vector<16xf32>,
        %parallel_loop3A_691 = arith.constant 6 : i32
        %parallel_loop3A_692 = vector.broadcast %parallel_loop3A_691 : i32 to vector<16xi32>
        %parallel_loop3A_693 = arith.addi %parallel_loop3A_636, %parallel_loop3A_692 : vector<16xi32>
        %parallel_loop3A_694 = arith.constant 2 : i32
        %parallel_loop3A_695 = arith.constant 0 : i32
        %parallel_loop3A_696 = arith.constant 0 : i32
        %parallel_loop3A_697 = tpu.memref_slice %arg7[%parallel_loop3A_694, %parallel_loop3A_695, %parallel_loop3A_696] : memref<4x128x128xf32, #tpu.memory_space<vmem>> -> memref<1x128x128xf32, #tpu.memory_space<vmem>>
        %parallel_loop3A_698 = tpu.memref_squeeze %parallel_loop3A_697 : memref<1x128x128xf32, #tpu.memory_space<vmem>> -> memref<128x128xf32, #tpu.memory_space<vmem>>
        %parallel_loop3A_699 = tpu.vector_load_idx %parallel_loop3A_698[%parallel_loop3A_626, %parallel_loop3A_693] : memref<128x128xf32, #tpu.memory_space<vmem>>[vector<16xi32>, vector<16xi32>], vector<16xf32>,
        %parallel_loop3A_700 = arith.constant 7 : i32
        %parallel_loop3A_701 = vector.broadcast %parallel_loop3A_700 : i32 to vector<16xi32>
        %parallel_loop3A_702 = arith.addi %parallel_loop3A_636, %parallel_loop3A_701 : vector<16xi32>
        %parallel_loop3A_703 = arith.constant 2 : i32
        %parallel_loop3A_704 = arith.constant 0 : i32
        %parallel_loop3A_705 = arith.constant 0 : i32
        %parallel_loop3A_706 = tpu.memref_slice %arg7[%parallel_loop3A_703, %parallel_loop3A_704, %parallel_loop3A_705] : memref<4x128x128xf32, #tpu.memory_space<vmem>> -> memref<1x128x128xf32, #tpu.memory_space<vmem>>
        %parallel_loop3A_707 = tpu.memref_squeeze %parallel_loop3A_706 : memref<1x128x128xf32, #tpu.memory_space<vmem>> -> memref<128x128xf32, #tpu.memory_space<vmem>>
        %parallel_loop3A_708 = tpu.vector_load_idx %parallel_loop3A_707[%parallel_loop3A_626, %parallel_loop3A_702] : memref<128x128xf32, #tpu.memory_space<vmem>>[vector<16xi32>, vector<16xi32>], vector<16xf32>,
        %parallel_loop3A_709 = arith.constant 0 : i32
        %parallel_loop3A_710 = arith.constant 0 : i32
        %parallel_loop3A_711 = arith.index_cast %parallel_loop3A_709 : i32 to index
        %parallel_loop3A_712 = arith.index_cast %parallel_loop3A_710 : i32 to index
        %parallel_loop3A_713 = arith.index_cast %parallel_loop3A_624 : i32 to index
        %parallel_loop3A_714 = tpu.vector_load %arg8[%parallel_loop3A_711, %parallel_loop3A_712, %parallel_loop3A_713] {strides = array<i32>} : memref<2x32x128xf32, #tpu.memory_space<vmem>>, vector<16xf32>,
        tpu.vector_store %arg8[%parallel_loop3A_711, %parallel_loop3A_712, %parallel_loop3A_713], %parallel_loop3A_645 {strides = array<i32>} : memref<2x32x128xf32, #tpu.memory_space<vmem>>, vector<16xf32>,
        %parallel_loop3A_715 = arith.constant 0 : i32
        %parallel_loop3A_716 = arith.constant 1 : i32
        %parallel_loop3A_717 = arith.index_cast %parallel_loop3A_715 : i32 to index
        %parallel_loop3A_718 = arith.index_cast %parallel_loop3A_716 : i32 to index
        %parallel_loop3A_719 = arith.index_cast %parallel_loop3A_624 : i32 to index
        %parallel_loop3A_720 = tpu.vector_load %arg8[%parallel_loop3A_717, %parallel_loop3A_718, %parallel_loop3A_719] {strides = array<i32>} : memref<2x32x128xf32, #tpu.memory_space<vmem>>, vector<16xf32>,
        tpu.vector_store %arg8[%parallel_loop3A_717, %parallel_loop3A_718, %parallel_loop3A_719], %parallel_loop3A_654 {strides = array<i32>} : memref<2x32x128xf32, #tpu.memory_space<vmem>>, vector<16xf32>,
        %parallel_loop3A_721 = arith.constant 0 : i32
        %parallel_loop3A_722 = arith.constant 2 : i32
        %parallel_loop3A_723 = arith.index_cast %parallel_loop3A_721 : i32 to index
        %parallel_loop3A_724 = arith.index_cast %parallel_loop3A_722 : i32 to index
        %parallel_loop3A_725 = arith.index_cast %parallel_loop3A_624 : i32 to index
        %parallel_loop3A_726 = tpu.vector_load %arg8[%parallel_loop3A_723, %parallel_loop3A_724, %parallel_loop3A_725] {strides = array<i32>} : memref<2x32x128xf32, #tpu.memory_space<vmem>>, vector<16xf32>,
        tpu.vector_store %arg8[%parallel_loop3A_723, %parallel_loop3A_724, %parallel_loop3A_725], %parallel_loop3A_663 {strides = array<i32>} : memref<2x32x128xf32, #tpu.memory_space<vmem>>, vector<16xf32>,
        %parallel_loop3A_727 = arith.constant 0 : i32
        %parallel_loop3A_728 = arith.constant 3 : i32
        %parallel_loop3A_729 = arith.index_cast %parallel_loop3A_727 : i32 to index
        %parallel_loop3A_730 = arith.index_cast %parallel_loop3A_728 : i32 to index
        %parallel_loop3A_731 = arith.index_cast %parallel_loop3A_624 : i32 to index
        %parallel_loop3A_732 = tpu.vector_load %arg8[%parallel_loop3A_729, %parallel_loop3A_730, %parallel_loop3A_731] {strides = array<i32>} : memref<2x32x128xf32, #tpu.memory_space<vmem>>, vector<16xf32>,
        tpu.vector_store %arg8[%parallel_loop3A_729, %parallel_loop3A_730, %parallel_loop3A_731], %parallel_loop3A_672 {strides = array<i32>} : memref<2x32x128xf32, #tpu.memory_space<vmem>>, vector<16xf32>,
        %parallel_loop3A_733 = arith.constant 0 : i32
        %parallel_loop3A_734 = arith.constant 4 : i32
        %parallel_loop3A_735 = arith.index_cast %parallel_loop3A_733 : i32 to index
        %parallel_loop3A_736 = arith.index_cast %parallel_loop3A_734 : i32 to index
        %parallel_loop3A_737 = arith.index_cast %parallel_loop3A_624 : i32 to index
        %parallel_loop3A_738 = tpu.vector_load %arg8[%parallel_loop3A_735, %parallel_loop3A_736, %parallel_loop3A_737] {strides = array<i32>} : memref<2x32x128xf32, #tpu.memory_space<vmem>>, vector<16xf32>,
        tpu.vector_store %arg8[%parallel_loop3A_735, %parallel_loop3A_736, %parallel_loop3A_737], %parallel_loop3A_681 {strides = array<i32>} : memref<2x32x128xf32, #tpu.memory_space<vmem>>, vector<16xf32>,
        %parallel_loop3A_739 = arith.constant 0 : i32
        %parallel_loop3A_740 = arith.constant 5 : i32
        %parallel_loop3A_741 = arith.index_cast %parallel_loop3A_739 : i32 to index
        %parallel_loop3A_742 = arith.index_cast %parallel_loop3A_740 : i32 to index
        %parallel_loop3A_743 = arith.index_cast %parallel_loop3A_624 : i32 to index
        %parallel_loop3A_744 = tpu.vector_load %arg8[%parallel_loop3A_741, %parallel_loop3A_742, %parallel_loop3A_743] {strides = array<i32>} : memref<2x32x128xf32, #tpu.memory_space<vmem>>, vector<16xf32>,
        tpu.vector_store %arg8[%parallel_loop3A_741, %parallel_loop3A_742, %parallel_loop3A_743], %parallel_loop3A_690 {strides = array<i32>} : memref<2x32x128xf32, #tpu.memory_space<vmem>>, vector<16xf32>,
        %parallel_loop3A_745 = arith.constant 0 : i32
        %parallel_loop3A_746 = arith.constant 6 : i32
        %parallel_loop3A_747 = arith.index_cast %parallel_loop3A_745 : i32 to index
        %parallel_loop3A_748 = arith.index_cast %parallel_loop3A_746 : i32 to index
        %parallel_loop3A_749 = arith.index_cast %parallel_loop3A_624 : i32 to index
        %parallel_loop3A_750 = tpu.vector_load %arg8[%parallel_loop3A_747, %parallel_loop3A_748, %parallel_loop3A_749] {strides = array<i32>} : memref<2x32x128xf32, #tpu.memory_space<vmem>>, vector<16xf32>,
        tpu.vector_store %arg8[%parallel_loop3A_747, %parallel_loop3A_748, %parallel_loop3A_749], %parallel_loop3A_699 {strides = array<i32>} : memref<2x32x128xf32, #tpu.memory_space<vmem>>, vector<16xf32>,
        %parallel_loop3A_751 = arith.constant 0 : i32
        %parallel_loop3A_752 = arith.constant 7 : i32
        %parallel_loop3A_753 = arith.index_cast %parallel_loop3A_751 : i32 to index
        %parallel_loop3A_754 = arith.index_cast %parallel_loop3A_752 : i32 to index
        %parallel_loop3A_755 = arith.index_cast %parallel_loop3A_624 : i32 to index
        %parallel_loop3A_756 = tpu.vector_load %arg8[%parallel_loop3A_753, %parallel_loop3A_754, %parallel_loop3A_755] {strides = array<i32>} : memref<2x32x128xf32, #tpu.memory_space<vmem>>, vector<16xf32>,
        tpu.vector_store %arg8[%parallel_loop3A_753, %parallel_loop3A_754, %parallel_loop3A_755], %parallel_loop3A_708 {strides = array<i32>} : memref<2x32x128xf32, #tpu.memory_space<vmem>>, vector<16xf32>,
        %parallel_loop3A_757 = arith.constant 8 : i32
        %parallel_loop3A_758 = vector.broadcast %parallel_loop3A_757 : i32 to vector<16xi32>
        %parallel_loop3A_759 = arith.addi %parallel_loop3A_636, %parallel_loop3A_758 : vector<16xi32>
        %parallel_loop3A_760 = arith.constant 2 : i32
        %parallel_loop3A_761 = arith.constant 0 : i32
        %parallel_loop3A_762 = arith.constant 0 : i32
        %parallel_loop3A_763 = tpu.memref_slice %arg7[%parallel_loop3A_760, %parallel_loop3A_761, %parallel_loop3A_762] : memref<4x128x128xf32, #tpu.memory_space<vmem>> -> memref<1x128x128xf32, #tpu.memory_space<vmem>>
        %parallel_loop3A_764 = tpu.memref_squeeze %parallel_loop3A_763 : memref<1x128x128xf32, #tpu.memory_space<vmem>> -> memref<128x128xf32, #tpu.memory_space<vmem>>
        %parallel_loop3A_765 = tpu.vector_load_idx %parallel_loop3A_764[%parallel_loop3A_626, %parallel_loop3A_759] : memref<128x128xf32, #tpu.memory_space<vmem>>[vector<16xi32>, vector<16xi32>], vector<16xf32>,
        %parallel_loop3A_766 = arith.constant 9 : i32
        %parallel_loop3A_767 = vector.broadcast %parallel_loop3A_766 : i32 to vector<16xi32>
        %parallel_loop3A_768 = arith.addi %parallel_loop3A_636, %parallel_loop3A_767 : vector<16xi32>
        %parallel_loop3A_769 = arith.constant 2 : i32
        %parallel_loop3A_770 = arith.constant 0 : i32
        %parallel_loop3A_771 = arith.constant 0 : i32
        %parallel_loop3A_772 = tpu.memref_slice %arg7[%parallel_loop3A_769, %parallel_loop3A_770, %parallel_loop3A_771] : memref<4x128x128xf32, #tpu.memory_space<vmem>> -> memref<1x128x128xf32, #tpu.memory_space<vmem>>
        %parallel_loop3A_773 = tpu.memref_squeeze %parallel_loop3A_772 : memref<1x128x128xf32, #tpu.memory_space<vmem>> -> memref<128x128xf32, #tpu.memory_space<vmem>>
        %parallel_loop3A_774 = tpu.vector_load_idx %parallel_loop3A_773[%parallel_loop3A_626, %parallel_loop3A_768] : memref<128x128xf32, #tpu.memory_space<vmem>>[vector<16xi32>, vector<16xi32>], vector<16xf32>,
        %parallel_loop3A_775 = arith.constant 10 : i32
        %parallel_loop3A_776 = vector.broadcast %parallel_loop3A_775 : i32 to vector<16xi32>
        %parallel_loop3A_777 = arith.addi %parallel_loop3A_636, %parallel_loop3A_776 : vector<16xi32>
        %parallel_loop3A_778 = arith.constant 2 : i32
        %parallel_loop3A_779 = arith.constant 0 : i32
        %parallel_loop3A_780 = arith.constant 0 : i32
        %parallel_loop3A_781 = tpu.memref_slice %arg7[%parallel_loop3A_778, %parallel_loop3A_779, %parallel_loop3A_780] : memref<4x128x128xf32, #tpu.memory_space<vmem>> -> memref<1x128x128xf32, #tpu.memory_space<vmem>>
        %parallel_loop3A_782 = tpu.memref_squeeze %parallel_loop3A_781 : memref<1x128x128xf32, #tpu.memory_space<vmem>> -> memref<128x128xf32, #tpu.memory_space<vmem>>
        %parallel_loop3A_783 = tpu.vector_load_idx %parallel_loop3A_782[%parallel_loop3A_626, %parallel_loop3A_777] : memref<128x128xf32, #tpu.memory_space<vmem>>[vector<16xi32>, vector<16xi32>], vector<16xf32>,
        %parallel_loop3A_784 = arith.constant 11 : i32
        %parallel_loop3A_785 = vector.broadcast %parallel_loop3A_784 : i32 to vector<16xi32>
        %parallel_loop3A_786 = arith.addi %parallel_loop3A_636, %parallel_loop3A_785 : vector<16xi32>
        %parallel_loop3A_787 = arith.constant 2 : i32
        %parallel_loop3A_788 = arith.constant 0 : i32
        %parallel_loop3A_789 = arith.constant 0 : i32
        %parallel_loop3A_790 = tpu.memref_slice %arg7[%parallel_loop3A_787, %parallel_loop3A_788, %parallel_loop3A_789] : memref<4x128x128xf32, #tpu.memory_space<vmem>> -> memref<1x128x128xf32, #tpu.memory_space<vmem>>
        %parallel_loop3A_791 = tpu.memref_squeeze %parallel_loop3A_790 : memref<1x128x128xf32, #tpu.memory_space<vmem>> -> memref<128x128xf32, #tpu.memory_space<vmem>>
        %parallel_loop3A_792 = tpu.vector_load_idx %parallel_loop3A_791[%parallel_loop3A_626, %parallel_loop3A_786] : memref<128x128xf32, #tpu.memory_space<vmem>>[vector<16xi32>, vector<16xi32>], vector<16xf32>,
        %parallel_loop3A_793 = arith.constant 12 : i32
        %parallel_loop3A_794 = vector.broadcast %parallel_loop3A_793 : i32 to vector<16xi32>
        %parallel_loop3A_795 = arith.addi %parallel_loop3A_636, %parallel_loop3A_794 : vector<16xi32>
        %parallel_loop3A_796 = arith.constant 2 : i32
        %parallel_loop3A_797 = arith.constant 0 : i32
        %parallel_loop3A_798 = arith.constant 0 : i32
        %parallel_loop3A_799 = tpu.memref_slice %arg7[%parallel_loop3A_796, %parallel_loop3A_797, %parallel_loop3A_798] : memref<4x128x128xf32, #tpu.memory_space<vmem>> -> memref<1x128x128xf32, #tpu.memory_space<vmem>>
        %parallel_loop3A_800 = tpu.memref_squeeze %parallel_loop3A_799 : memref<1x128x128xf32, #tpu.memory_space<vmem>> -> memref<128x128xf32, #tpu.memory_space<vmem>>
        %parallel_loop3A_801 = tpu.vector_load_idx %parallel_loop3A_800[%parallel_loop3A_626, %parallel_loop3A_795] : memref<128x128xf32, #tpu.memory_space<vmem>>[vector<16xi32>, vector<16xi32>], vector<16xf32>,
        %parallel_loop3A_802 = arith.constant 13 : i32
        %parallel_loop3A_803 = vector.broadcast %parallel_loop3A_802 : i32 to vector<16xi32>
        %parallel_loop3A_804 = arith.addi %parallel_loop3A_636, %parallel_loop3A_803 : vector<16xi32>
        %parallel_loop3A_805 = arith.constant 2 : i32
        %parallel_loop3A_806 = arith.constant 0 : i32
        %parallel_loop3A_807 = arith.constant 0 : i32
        %parallel_loop3A_808 = tpu.memref_slice %arg7[%parallel_loop3A_805, %parallel_loop3A_806, %parallel_loop3A_807] : memref<4x128x128xf32, #tpu.memory_space<vmem>> -> memref<1x128x128xf32, #tpu.memory_space<vmem>>
        %parallel_loop3A_809 = tpu.memref_squeeze %parallel_loop3A_808 : memref<1x128x128xf32, #tpu.memory_space<vmem>> -> memref<128x128xf32, #tpu.memory_space<vmem>>
        %parallel_loop3A_810 = tpu.vector_load_idx %parallel_loop3A_809[%parallel_loop3A_626, %parallel_loop3A_804] : memref<128x128xf32, #tpu.memory_space<vmem>>[vector<16xi32>, vector<16xi32>], vector<16xf32>,
        %parallel_loop3A_811 = arith.constant 14 : i32
        %parallel_loop3A_812 = vector.broadcast %parallel_loop3A_811 : i32 to vector<16xi32>
        %parallel_loop3A_813 = arith.addi %parallel_loop3A_636, %parallel_loop3A_812 : vector<16xi32>
        %parallel_loop3A_814 = arith.constant 2 : i32
        %parallel_loop3A_815 = arith.constant 0 : i32
        %parallel_loop3A_816 = arith.constant 0 : i32
        %parallel_loop3A_817 = tpu.memref_slice %arg7[%parallel_loop3A_814, %parallel_loop3A_815, %parallel_loop3A_816] : memref<4x128x128xf32, #tpu.memory_space<vmem>> -> memref<1x128x128xf32, #tpu.memory_space<vmem>>
        %parallel_loop3A_818 = tpu.memref_squeeze %parallel_loop3A_817 : memref<1x128x128xf32, #tpu.memory_space<vmem>> -> memref<128x128xf32, #tpu.memory_space<vmem>>
        %parallel_loop3A_819 = tpu.vector_load_idx %parallel_loop3A_818[%parallel_loop3A_626, %parallel_loop3A_813] : memref<128x128xf32, #tpu.memory_space<vmem>>[vector<16xi32>, vector<16xi32>], vector<16xf32>,
        %parallel_loop3A_820 = arith.constant 15 : i32
        %parallel_loop3A_821 = vector.broadcast %parallel_loop3A_820 : i32 to vector<16xi32>
        %parallel_loop3A_822 = arith.addi %parallel_loop3A_636, %parallel_loop3A_821 : vector<16xi32>
        %parallel_loop3A_823 = arith.constant 2 : i32
        %parallel_loop3A_824 = arith.constant 0 : i32
        %parallel_loop3A_825 = arith.constant 0 : i32
        %parallel_loop3A_826 = tpu.memref_slice %arg7[%parallel_loop3A_823, %parallel_loop3A_824, %parallel_loop3A_825] : memref<4x128x128xf32, #tpu.memory_space<vmem>> -> memref<1x128x128xf32, #tpu.memory_space<vmem>>
        %parallel_loop3A_827 = tpu.memref_squeeze %parallel_loop3A_826 : memref<1x128x128xf32, #tpu.memory_space<vmem>> -> memref<128x128xf32, #tpu.memory_space<vmem>>
        %parallel_loop3A_828 = tpu.vector_load_idx %parallel_loop3A_827[%parallel_loop3A_626, %parallel_loop3A_822] : memref<128x128xf32, #tpu.memory_space<vmem>>[vector<16xi32>, vector<16xi32>], vector<16xf32>,
        %parallel_loop3A_829 = arith.constant 0 : i32
        %parallel_loop3A_830 = arith.constant 8 : i32
        %parallel_loop3A_831 = arith.index_cast %parallel_loop3A_829 : i32 to index
        %parallel_loop3A_832 = arith.index_cast %parallel_loop3A_830 : i32 to index
        %parallel_loop3A_833 = arith.index_cast %parallel_loop3A_624 : i32 to index
        %parallel_loop3A_834 = tpu.vector_load %arg8[%parallel_loop3A_831, %parallel_loop3A_832, %parallel_loop3A_833] {strides = array<i32>} : memref<2x32x128xf32, #tpu.memory_space<vmem>>, vector<16xf32>,
        tpu.vector_store %arg8[%parallel_loop3A_831, %parallel_loop3A_832, %parallel_loop3A_833], %parallel_loop3A_765 {strides = array<i32>} : memref<2x32x128xf32, #tpu.memory_space<vmem>>, vector<16xf32>,
        %parallel_loop3A_835 = arith.constant 0 : i32
        %parallel_loop3A_836 = arith.constant 9 : i32
        %parallel_loop3A_837 = arith.index_cast %parallel_loop3A_835 : i32 to index
        %parallel_loop3A_838 = arith.index_cast %parallel_loop3A_836 : i32 to index
        %parallel_loop3A_839 = arith.index_cast %parallel_loop3A_624 : i32 to index
        %parallel_loop3A_840 = tpu.vector_load %arg8[%parallel_loop3A_837, %parallel_loop3A_838, %parallel_loop3A_839] {strides = array<i32>} : memref<2x32x128xf32, #tpu.memory_space<vmem>>, vector<16xf32>,
        tpu.vector_store %arg8[%parallel_loop3A_837, %parallel_loop3A_838, %parallel_loop3A_839], %parallel_loop3A_774 {strides = array<i32>} : memref<2x32x128xf32, #tpu.memory_space<vmem>>, vector<16xf32>,
        %parallel_loop3A_841 = arith.constant 0 : i32
        %parallel_loop3A_842 = arith.constant 10 : i32
        %parallel_loop3A_843 = arith.index_cast %parallel_loop3A_841 : i32 to index
        %parallel_loop3A_844 = arith.index_cast %parallel_loop3A_842 : i32 to index
        %parallel_loop3A_845 = arith.index_cast %parallel_loop3A_624 : i32 to index
        %parallel_loop3A_846 = tpu.vector_load %arg8[%parallel_loop3A_843, %parallel_loop3A_844, %parallel_loop3A_845] {strides = array<i32>} : memref<2x32x128xf32, #tpu.memory_space<vmem>>, vector<16xf32>,
        tpu.vector_store %arg8[%parallel_loop3A_843, %parallel_loop3A_844, %parallel_loop3A_845], %parallel_loop3A_783 {strides = array<i32>} : memref<2x32x128xf32, #tpu.memory_space<vmem>>, vector<16xf32>,
        %parallel_loop3A_847 = arith.constant 0 : i32
        %parallel_loop3A_848 = arith.constant 11 : i32
        %parallel_loop3A_849 = arith.index_cast %parallel_loop3A_847 : i32 to index
        %parallel_loop3A_850 = arith.index_cast %parallel_loop3A_848 : i32 to index
        %parallel_loop3A_851 = arith.index_cast %parallel_loop3A_624 : i32 to index
        %parallel_loop3A_852 = tpu.vector_load %arg8[%parallel_loop3A_849, %parallel_loop3A_850, %parallel_loop3A_851] {strides = array<i32>} : memref<2x32x128xf32, #tpu.memory_space<vmem>>, vector<16xf32>,
        tpu.vector_store %arg8[%parallel_loop3A_849, %parallel_loop3A_850, %parallel_loop3A_851], %parallel_loop3A_792 {strides = array<i32>} : memref<2x32x128xf32, #tpu.memory_space<vmem>>, vector<16xf32>,
        %parallel_loop3A_853 = arith.constant 0 : i32
        %parallel_loop3A_854 = arith.constant 12 : i32
        %parallel_loop3A_855 = arith.index_cast %parallel_loop3A_853 : i32 to index
        %parallel_loop3A_856 = arith.index_cast %parallel_loop3A_854 : i32 to index
        %parallel_loop3A_857 = arith.index_cast %parallel_loop3A_624 : i32 to index
        %parallel_loop3A_858 = tpu.vector_load %arg8[%parallel_loop3A_855, %parallel_loop3A_856, %parallel_loop3A_857] {strides = array<i32>} : memref<2x32x128xf32, #tpu.memory_space<vmem>>, vector<16xf32>,
        tpu.vector_store %arg8[%parallel_loop3A_855, %parallel_loop3A_856, %parallel_loop3A_857], %parallel_loop3A_801 {strides = array<i32>} : memref<2x32x128xf32, #tpu.memory_space<vmem>>, vector<16xf32>,
        %parallel_loop3A_859 = arith.constant 0 : i32
        %parallel_loop3A_860 = arith.constant 13 : i32
        %parallel_loop3A_861 = arith.index_cast %parallel_loop3A_859 : i32 to index
        %parallel_loop3A_862 = arith.index_cast %parallel_loop3A_860 : i32 to index
        %parallel_loop3A_863 = arith.index_cast %parallel_loop3A_624 : i32 to index
        %parallel_loop3A_864 = tpu.vector_load %arg8[%parallel_loop3A_861, %parallel_loop3A_862, %parallel_loop3A_863] {strides = array<i32>} : memref<2x32x128xf32, #tpu.memory_space<vmem>>, vector<16xf32>,
        tpu.vector_store %arg8[%parallel_loop3A_861, %parallel_loop3A_862, %parallel_loop3A_863], %parallel_loop3A_810 {strides = array<i32>} : memref<2x32x128xf32, #tpu.memory_space<vmem>>, vector<16xf32>,
        %parallel_loop3A_865 = arith.constant 0 : i32
        %parallel_loop3A_866 = arith.constant 14 : i32
        %parallel_loop3A_867 = arith.index_cast %parallel_loop3A_865 : i32 to index
        %parallel_loop3A_868 = arith.index_cast %parallel_loop3A_866 : i32 to index
        %parallel_loop3A_869 = arith.index_cast %parallel_loop3A_624 : i32 to index
        %parallel_loop3A_870 = tpu.vector_load %arg8[%parallel_loop3A_867, %parallel_loop3A_868, %parallel_loop3A_869] {strides = array<i32>} : memref<2x32x128xf32, #tpu.memory_space<vmem>>, vector<16xf32>,
        tpu.vector_store %arg8[%parallel_loop3A_867, %parallel_loop3A_868, %parallel_loop3A_869], %parallel_loop3A_819 {strides = array<i32>} : memref<2x32x128xf32, #tpu.memory_space<vmem>>, vector<16xf32>,
        %parallel_loop3A_871 = arith.constant 0 : i32
        %parallel_loop3A_872 = arith.constant 15 : i32
        %parallel_loop3A_873 = arith.index_cast %parallel_loop3A_871 : i32 to index
        %parallel_loop3A_874 = arith.index_cast %parallel_loop3A_872 : i32 to index
        %parallel_loop3A_875 = arith.index_cast %parallel_loop3A_624 : i32 to index
        %parallel_loop3A_876 = tpu.vector_load %arg8[%parallel_loop3A_873, %parallel_loop3A_874, %parallel_loop3A_875] {strides = array<i32>} : memref<2x32x128xf32, #tpu.memory_space<vmem>>, vector<16xf32>,
        tpu.vector_store %arg8[%parallel_loop3A_873, %parallel_loop3A_874, %parallel_loop3A_875], %parallel_loop3A_828 {strides = array<i32>} : memref<2x32x128xf32, #tpu.memory_space<vmem>>, vector<16xf32>,
        %parallel_loop3A_877 = arith.constant 16 : i32
        %parallel_loop3A_878 = vector.broadcast %parallel_loop3A_877 : i32 to vector<16xi32>
        %parallel_loop3A_879 = arith.addi %parallel_loop3A_636, %parallel_loop3A_878 : vector<16xi32>
        %parallel_loop3A_880 = arith.constant 2 : i32
        %parallel_loop3A_881 = arith.constant 0 : i32
        %parallel_loop3A_882 = arith.constant 0 : i32
        %parallel_loop3A_883 = tpu.memref_slice %arg7[%parallel_loop3A_880, %parallel_loop3A_881, %parallel_loop3A_882] : memref<4x128x128xf32, #tpu.memory_space<vmem>> -> memref<1x128x128xf32, #tpu.memory_space<vmem>>
        %parallel_loop3A_884 = tpu.memref_squeeze %parallel_loop3A_883 : memref<1x128x128xf32, #tpu.memory_space<vmem>> -> memref<128x128xf32, #tpu.memory_space<vmem>>
        %parallel_loop3A_885 = tpu.vector_load_idx %parallel_loop3A_884[%parallel_loop3A_626, %parallel_loop3A_879] : memref<128x128xf32, #tpu.memory_space<vmem>>[vector<16xi32>, vector<16xi32>], vector<16xf32>,
        %parallel_loop3A_886 = arith.constant 17 : i32
        %parallel_loop3A_887 = vector.broadcast %parallel_loop3A_886 : i32 to vector<16xi32>
        %parallel_loop3A_888 = arith.addi %parallel_loop3A_636, %parallel_loop3A_887 : vector<16xi32>
        %parallel_loop3A_889 = arith.constant 2 : i32
        %parallel_loop3A_890 = arith.constant 0 : i32
        %parallel_loop3A_891 = arith.constant 0 : i32
        %parallel_loop3A_892 = tpu.memref_slice %arg7[%parallel_loop3A_889, %parallel_loop3A_890, %parallel_loop3A_891] : memref<4x128x128xf32, #tpu.memory_space<vmem>> -> memref<1x128x128xf32, #tpu.memory_space<vmem>>
        %parallel_loop3A_893 = tpu.memref_squeeze %parallel_loop3A_892 : memref<1x128x128xf32, #tpu.memory_space<vmem>> -> memref<128x128xf32, #tpu.memory_space<vmem>>
        %parallel_loop3A_894 = tpu.vector_load_idx %parallel_loop3A_893[%parallel_loop3A_626, %parallel_loop3A_888] : memref<128x128xf32, #tpu.memory_space<vmem>>[vector<16xi32>, vector<16xi32>], vector<16xf32>,
        %parallel_loop3A_895 = arith.constant 18 : i32
        %parallel_loop3A_896 = vector.broadcast %parallel_loop3A_895 : i32 to vector<16xi32>
        %parallel_loop3A_897 = arith.addi %parallel_loop3A_636, %parallel_loop3A_896 : vector<16xi32>
        %parallel_loop3A_898 = arith.constant 2 : i32
        %parallel_loop3A_899 = arith.constant 0 : i32
        %parallel_loop3A_900 = arith.constant 0 : i32
        %parallel_loop3A_901 = tpu.memref_slice %arg7[%parallel_loop3A_898, %parallel_loop3A_899, %parallel_loop3A_900] : memref<4x128x128xf32, #tpu.memory_space<vmem>> -> memref<1x128x128xf32, #tpu.memory_space<vmem>>
        %parallel_loop3A_902 = tpu.memref_squeeze %parallel_loop3A_901 : memref<1x128x128xf32, #tpu.memory_space<vmem>> -> memref<128x128xf32, #tpu.memory_space<vmem>>
        %parallel_loop3A_903 = tpu.vector_load_idx %parallel_loop3A_902[%parallel_loop3A_626, %parallel_loop3A_897] : memref<128x128xf32, #tpu.memory_space<vmem>>[vector<16xi32>, vector<16xi32>], vector<16xf32>,
        %parallel_loop3A_904 = arith.constant 19 : i32
        %parallel_loop3A_905 = vector.broadcast %parallel_loop3A_904 : i32 to vector<16xi32>
        %parallel_loop3A_906 = arith.addi %parallel_loop3A_636, %parallel_loop3A_905 : vector<16xi32>
        %parallel_loop3A_907 = arith.constant 2 : i32
        %parallel_loop3A_908 = arith.constant 0 : i32
        %parallel_loop3A_909 = arith.constant 0 : i32
        %parallel_loop3A_910 = tpu.memref_slice %arg7[%parallel_loop3A_907, %parallel_loop3A_908, %parallel_loop3A_909] : memref<4x128x128xf32, #tpu.memory_space<vmem>> -> memref<1x128x128xf32, #tpu.memory_space<vmem>>
        %parallel_loop3A_911 = tpu.memref_squeeze %parallel_loop3A_910 : memref<1x128x128xf32, #tpu.memory_space<vmem>> -> memref<128x128xf32, #tpu.memory_space<vmem>>
        %parallel_loop3A_912 = tpu.vector_load_idx %parallel_loop3A_911[%parallel_loop3A_626, %parallel_loop3A_906] : memref<128x128xf32, #tpu.memory_space<vmem>>[vector<16xi32>, vector<16xi32>], vector<16xf32>,
        %parallel_loop3A_913 = arith.constant 20 : i32
        %parallel_loop3A_914 = vector.broadcast %parallel_loop3A_913 : i32 to vector<16xi32>
        %parallel_loop3A_915 = arith.addi %parallel_loop3A_636, %parallel_loop3A_914 : vector<16xi32>
        %parallel_loop3A_916 = arith.constant 2 : i32
        %parallel_loop3A_917 = arith.constant 0 : i32
        %parallel_loop3A_918 = arith.constant 0 : i32
        %parallel_loop3A_919 = tpu.memref_slice %arg7[%parallel_loop3A_916, %parallel_loop3A_917, %parallel_loop3A_918] : memref<4x128x128xf32, #tpu.memory_space<vmem>> -> memref<1x128x128xf32, #tpu.memory_space<vmem>>
        %parallel_loop3A_920 = tpu.memref_squeeze %parallel_loop3A_919 : memref<1x128x128xf32, #tpu.memory_space<vmem>> -> memref<128x128xf32, #tpu.memory_space<vmem>>
        %parallel_loop3A_921 = tpu.vector_load_idx %parallel_loop3A_920[%parallel_loop3A_626, %parallel_loop3A_915] : memref<128x128xf32, #tpu.memory_space<vmem>>[vector<16xi32>, vector<16xi32>], vector<16xf32>,
        %parallel_loop3A_922 = arith.constant 21 : i32
        %parallel_loop3A_923 = vector.broadcast %parallel_loop3A_922 : i32 to vector<16xi32>
        %parallel_loop3A_924 = arith.addi %parallel_loop3A_636, %parallel_loop3A_923 : vector<16xi32>
        %parallel_loop3A_925 = arith.constant 2 : i32
        %parallel_loop3A_926 = arith.constant 0 : i32
        %parallel_loop3A_927 = arith.constant 0 : i32
        %parallel_loop3A_928 = tpu.memref_slice %arg7[%parallel_loop3A_925, %parallel_loop3A_926, %parallel_loop3A_927] : memref<4x128x128xf32, #tpu.memory_space<vmem>> -> memref<1x128x128xf32, #tpu.memory_space<vmem>>
        %parallel_loop3A_929 = tpu.memref_squeeze %parallel_loop3A_928 : memref<1x128x128xf32, #tpu.memory_space<vmem>> -> memref<128x128xf32, #tpu.memory_space<vmem>>
        %parallel_loop3A_930 = tpu.vector_load_idx %parallel_loop3A_929[%parallel_loop3A_626, %parallel_loop3A_924] : memref<128x128xf32, #tpu.memory_space<vmem>>[vector<16xi32>, vector<16xi32>], vector<16xf32>,
        %parallel_loop3A_931 = arith.constant 22 : i32
        %parallel_loop3A_932 = vector.broadcast %parallel_loop3A_931 : i32 to vector<16xi32>
        %parallel_loop3A_933 = arith.addi %parallel_loop3A_636, %parallel_loop3A_932 : vector<16xi32>
        %parallel_loop3A_934 = arith.constant 2 : i32
        %parallel_loop3A_935 = arith.constant 0 : i32
        %parallel_loop3A_936 = arith.constant 0 : i32
        %parallel_loop3A_937 = tpu.memref_slice %arg7[%parallel_loop3A_934, %parallel_loop3A_935, %parallel_loop3A_936] : memref<4x128x128xf32, #tpu.memory_space<vmem>> -> memref<1x128x128xf32, #tpu.memory_space<vmem>>
        %parallel_loop3A_938 = tpu.memref_squeeze %parallel_loop3A_937 : memref<1x128x128xf32, #tpu.memory_space<vmem>> -> memref<128x128xf32, #tpu.memory_space<vmem>>
        %parallel_loop3A_939 = tpu.vector_load_idx %parallel_loop3A_938[%parallel_loop3A_626, %parallel_loop3A_933] : memref<128x128xf32, #tpu.memory_space<vmem>>[vector<16xi32>, vector<16xi32>], vector<16xf32>,
        %parallel_loop3A_940 = arith.constant 23 : i32
        %parallel_loop3A_941 = vector.broadcast %parallel_loop3A_940 : i32 to vector<16xi32>
        %parallel_loop3A_942 = arith.addi %parallel_loop3A_636, %parallel_loop3A_941 : vector<16xi32>
        %parallel_loop3A_943 = arith.constant 2 : i32
        %parallel_loop3A_944 = arith.constant 0 : i32
        %parallel_loop3A_945 = arith.constant 0 : i32
        %parallel_loop3A_946 = tpu.memref_slice %arg7[%parallel_loop3A_943, %parallel_loop3A_944, %parallel_loop3A_945] : memref<4x128x128xf32, #tpu.memory_space<vmem>> -> memref<1x128x128xf32, #tpu.memory_space<vmem>>
        %parallel_loop3A_947 = tpu.memref_squeeze %parallel_loop3A_946 : memref<1x128x128xf32, #tpu.memory_space<vmem>> -> memref<128x128xf32, #tpu.memory_space<vmem>>
        %parallel_loop3A_948 = tpu.vector_load_idx %parallel_loop3A_947[%parallel_loop3A_626, %parallel_loop3A_942] : memref<128x128xf32, #tpu.memory_space<vmem>>[vector<16xi32>, vector<16xi32>], vector<16xf32>,
        %parallel_loop3A_949 = arith.constant 0 : i32
        %parallel_loop3A_950 = arith.constant 16 : i32
        %parallel_loop3A_951 = arith.index_cast %parallel_loop3A_949 : i32 to index
        %parallel_loop3A_952 = arith.index_cast %parallel_loop3A_950 : i32 to index
        %parallel_loop3A_953 = arith.index_cast %parallel_loop3A_624 : i32 to index
        %parallel_loop3A_954 = tpu.vector_load %arg8[%parallel_loop3A_951, %parallel_loop3A_952, %parallel_loop3A_953] {strides = array<i32>} : memref<2x32x128xf32, #tpu.memory_space<vmem>>, vector<16xf32>,
        tpu.vector_store %arg8[%parallel_loop3A_951, %parallel_loop3A_952, %parallel_loop3A_953], %parallel_loop3A_885 {strides = array<i32>} : memref<2x32x128xf32, #tpu.memory_space<vmem>>, vector<16xf32>,
        %parallel_loop3A_955 = arith.constant 0 : i32
        %parallel_loop3A_956 = arith.constant 17 : i32
        %parallel_loop3A_957 = arith.index_cast %parallel_loop3A_955 : i32 to index
        %parallel_loop3A_958 = arith.index_cast %parallel_loop3A_956 : i32 to index
        %parallel_loop3A_959 = arith.index_cast %parallel_loop3A_624 : i32 to index
        %parallel_loop3A_960 = tpu.vector_load %arg8[%parallel_loop3A_957, %parallel_loop3A_958, %parallel_loop3A_959] {strides = array<i32>} : memref<2x32x128xf32, #tpu.memory_space<vmem>>, vector<16xf32>,
        tpu.vector_store %arg8[%parallel_loop3A_957, %parallel_loop3A_958, %parallel_loop3A_959], %parallel_loop3A_894 {strides = array<i32>} : memref<2x32x128xf32, #tpu.memory_space<vmem>>, vector<16xf32>,
        %parallel_loop3A_961 = arith.constant 0 : i32
        %parallel_loop3A_962 = arith.constant 18 : i32
        %parallel_loop3A_963 = arith.index_cast %parallel_loop3A_961 : i32 to index
        %parallel_loop3A_964 = arith.index_cast %parallel_loop3A_962 : i32 to index
        %parallel_loop3A_965 = arith.index_cast %parallel_loop3A_624 : i32 to index
        %parallel_loop3A_966 = tpu.vector_load %arg8[%parallel_loop3A_963, %parallel_loop3A_964, %parallel_loop3A_965] {strides = array<i32>} : memref<2x32x128xf32, #tpu.memory_space<vmem>>, vector<16xf32>,
        tpu.vector_store %arg8[%parallel_loop3A_963, %parallel_loop3A_964, %parallel_loop3A_965], %parallel_loop3A_903 {strides = array<i32>} : memref<2x32x128xf32, #tpu.memory_space<vmem>>, vector<16xf32>,
        %parallel_loop3A_967 = arith.constant 0 : i32
        %parallel_loop3A_968 = arith.constant 19 : i32
        %parallel_loop3A_969 = arith.index_cast %parallel_loop3A_967 : i32 to index
        %parallel_loop3A_970 = arith.index_cast %parallel_loop3A_968 : i32 to index
        %parallel_loop3A_971 = arith.index_cast %parallel_loop3A_624 : i32 to index
        %parallel_loop3A_972 = tpu.vector_load %arg8[%parallel_loop3A_969, %parallel_loop3A_970, %parallel_loop3A_971] {strides = array<i32>} : memref<2x32x128xf32, #tpu.memory_space<vmem>>, vector<16xf32>,
        tpu.vector_store %arg8[%parallel_loop3A_969, %parallel_loop3A_970, %parallel_loop3A_971], %parallel_loop3A_912 {strides = array<i32>} : memref<2x32x128xf32, #tpu.memory_space<vmem>>, vector<16xf32>,
        %parallel_loop3A_973 = arith.constant 0 : i32
        %parallel_loop3A_974 = arith.constant 20 : i32
        %parallel_loop3A_975 = arith.index_cast %parallel_loop3A_973 : i32 to index
        %parallel_loop3A_976 = arith.index_cast %parallel_loop3A_974 : i32 to index
        %parallel_loop3A_977 = arith.index_cast %parallel_loop3A_624 : i32 to index
        %parallel_loop3A_978 = tpu.vector_load %arg8[%parallel_loop3A_975, %parallel_loop3A_976, %parallel_loop3A_977] {strides = array<i32>} : memref<2x32x128xf32, #tpu.memory_space<vmem>>, vector<16xf32>,
        tpu.vector_store %arg8[%parallel_loop3A_975, %parallel_loop3A_976, %parallel_loop3A_977], %parallel_loop3A_921 {strides = array<i32>} : memref<2x32x128xf32, #tpu.memory_space<vmem>>, vector<16xf32>,
        %parallel_loop3A_979 = arith.constant 0 : i32
        %parallel_loop3A_980 = arith.constant 21 : i32
        %parallel_loop3A_981 = arith.index_cast %parallel_loop3A_979 : i32 to index
        %parallel_loop3A_982 = arith.index_cast %parallel_loop3A_980 : i32 to index
        %parallel_loop3A_983 = arith.index_cast %parallel_loop3A_624 : i32 to index
        %parallel_loop3A_984 = tpu.vector_load %arg8[%parallel_loop3A_981, %parallel_loop3A_982, %parallel_loop3A_983] {strides = array<i32>} : memref<2x32x128xf32, #tpu.memory_space<vmem>>, vector<16xf32>,
        tpu.vector_store %arg8[%parallel_loop3A_981, %parallel_loop3A_982, %parallel_loop3A_983], %parallel_loop3A_930 {strides = array<i32>} : memref<2x32x128xf32, #tpu.memory_space<vmem>>, vector<16xf32>,
        %parallel_loop3A_985 = arith.constant 0 : i32
        %parallel_loop3A_986 = arith.constant 22 : i32
        %parallel_loop3A_987 = arith.index_cast %parallel_loop3A_985 : i32 to index
        %parallel_loop3A_988 = arith.index_cast %parallel_loop3A_986 : i32 to index
        %parallel_loop3A_989 = arith.index_cast %parallel_loop3A_624 : i32 to index
        %parallel_loop3A_990 = tpu.vector_load %arg8[%parallel_loop3A_987, %parallel_loop3A_988, %parallel_loop3A_989] {strides = array<i32>} : memref<2x32x128xf32, #tpu.memory_space<vmem>>, vector<16xf32>,
        tpu.vector_store %arg8[%parallel_loop3A_987, %parallel_loop3A_988, %parallel_loop3A_989], %parallel_loop3A_939 {strides = array<i32>} : memref<2x32x128xf32, #tpu.memory_space<vmem>>, vector<16xf32>,
        %parallel_loop3A_991 = arith.constant 0 : i32
        %parallel_loop3A_992 = arith.constant 23 : i32
        %parallel_loop3A_993 = arith.index_cast %parallel_loop3A_991 : i32 to index
        %parallel_loop3A_994 = arith.index_cast %parallel_loop3A_992 : i32 to index
        %parallel_loop3A_995 = arith.index_cast %parallel_loop3A_624 : i32 to index
        %parallel_loop3A_996 = tpu.vector_load %arg8[%parallel_loop3A_993, %parallel_loop3A_994, %parallel_loop3A_995] {strides = array<i32>} : memref<2x32x128xf32, #tpu.memory_space<vmem>>, vector<16xf32>,
        tpu.vector_store %arg8[%parallel_loop3A_993, %parallel_loop3A_994, %parallel_loop3A_995], %parallel_loop3A_948 {strides = array<i32>} : memref<2x32x128xf32, #tpu.memory_space<vmem>>, vector<16xf32>,
        %parallel_loop3A_997 = arith.constant 24 : i32
        %parallel_loop3A_998 = vector.broadcast %parallel_loop3A_997 : i32 to vector<16xi32>
        %parallel_loop3A_999 = arith.addi %parallel_loop3A_636, %parallel_loop3A_998 : vector<16xi32>
        %parallel_loop3A_1000 = arith.constant 2 : i32
        %parallel_loop3A_1001 = arith.constant 0 : i32
        %parallel_loop3A_1002 = arith.constant 0 : i32
        %parallel_loop3A_1003 = tpu.memref_slice %arg7[%parallel_loop3A_1000, %parallel_loop3A_1001, %parallel_loop3A_1002] : memref<4x128x128xf32, #tpu.memory_space<vmem>> -> memref<1x128x128xf32, #tpu.memory_space<vmem>>
        %parallel_loop3A_1004 = tpu.memref_squeeze %parallel_loop3A_1003 : memref<1x128x128xf32, #tpu.memory_space<vmem>> -> memref<128x128xf32, #tpu.memory_space<vmem>>
        %parallel_loop3A_1005 = tpu.vector_load_idx %parallel_loop3A_1004[%parallel_loop3A_626, %parallel_loop3A_999] : memref<128x128xf32, #tpu.memory_space<vmem>>[vector<16xi32>, vector<16xi32>], vector<16xf32>,
        %parallel_loop3A_1006 = arith.constant 25 : i32
        %parallel_loop3A_1007 = vector.broadcast %parallel_loop3A_1006 : i32 to vector<16xi32>
        %parallel_loop3A_1008 = arith.addi %parallel_loop3A_636, %parallel_loop3A_1007 : vector<16xi32>
        %parallel_loop3A_1009 = arith.constant 2 : i32
        %parallel_loop3A_1010 = arith.constant 0 : i32
        %parallel_loop3A_1011 = arith.constant 0 : i32
        %parallel_loop3A_1012 = tpu.memref_slice %arg7[%parallel_loop3A_1009, %parallel_loop3A_1010, %parallel_loop3A_1011] : memref<4x128x128xf32, #tpu.memory_space<vmem>> -> memref<1x128x128xf32, #tpu.memory_space<vmem>>
        %parallel_loop3A_1013 = tpu.memref_squeeze %parallel_loop3A_1012 : memref<1x128x128xf32, #tpu.memory_space<vmem>> -> memref<128x128xf32, #tpu.memory_space<vmem>>
        %parallel_loop3A_1014 = tpu.vector_load_idx %parallel_loop3A_1013[%parallel_loop3A_626, %parallel_loop3A_1008] : memref<128x128xf32, #tpu.memory_space<vmem>>[vector<16xi32>, vector<16xi32>], vector<16xf32>,
        %parallel_loop3A_1015 = arith.constant 26 : i32
        %parallel_loop3A_1016 = vector.broadcast %parallel_loop3A_1015 : i32 to vector<16xi32>
        %parallel_loop3A_1017 = arith.addi %parallel_loop3A_636, %parallel_loop3A_1016 : vector<16xi32>
        %parallel_loop3A_1018 = arith.constant 2 : i32
        %parallel_loop3A_1019 = arith.constant 0 : i32
        %parallel_loop3A_1020 = arith.constant 0 : i32
        %parallel_loop3A_1021 = tpu.memref_slice %arg7[%parallel_loop3A_1018, %parallel_loop3A_1019, %parallel_loop3A_1020] : memref<4x128x128xf32, #tpu.memory_space<vmem>> -> memref<1x128x128xf32, #tpu.memory_space<vmem>>
        %parallel_loop3A_1022 = tpu.memref_squeeze %parallel_loop3A_1021 : memref<1x128x128xf32, #tpu.memory_space<vmem>> -> memref<128x128xf32, #tpu.memory_space<vmem>>
        %parallel_loop3A_1023 = tpu.vector_load_idx %parallel_loop3A_1022[%parallel_loop3A_626, %parallel_loop3A_1017] : memref<128x128xf32, #tpu.memory_space<vmem>>[vector<16xi32>, vector<16xi32>], vector<16xf32>,
        %parallel_loop3A_1024 = arith.constant 27 : i32
        %parallel_loop3A_1025 = vector.broadcast %parallel_loop3A_1024 : i32 to vector<16xi32>
        %parallel_loop3A_1026 = arith.addi %parallel_loop3A_636, %parallel_loop3A_1025 : vector<16xi32>
        %parallel_loop3A_1027 = arith.constant 2 : i32
        %parallel_loop3A_1028 = arith.constant 0 : i32
        %parallel_loop3A_1029 = arith.constant 0 : i32
        %parallel_loop3A_1030 = tpu.memref_slice %arg7[%parallel_loop3A_1027, %parallel_loop3A_1028, %parallel_loop3A_1029] : memref<4x128x128xf32, #tpu.memory_space<vmem>> -> memref<1x128x128xf32, #tpu.memory_space<vmem>>
        %parallel_loop3A_1031 = tpu.memref_squeeze %parallel_loop3A_1030 : memref<1x128x128xf32, #tpu.memory_space<vmem>> -> memref<128x128xf32, #tpu.memory_space<vmem>>
        %parallel_loop3A_1032 = tpu.vector_load_idx %parallel_loop3A_1031[%parallel_loop3A_626, %parallel_loop3A_1026] : memref<128x128xf32, #tpu.memory_space<vmem>>[vector<16xi32>, vector<16xi32>], vector<16xf32>,
        %parallel_loop3A_1033 = arith.constant 28 : i32
        %parallel_loop3A_1034 = vector.broadcast %parallel_loop3A_1033 : i32 to vector<16xi32>
        %parallel_loop3A_1035 = arith.addi %parallel_loop3A_636, %parallel_loop3A_1034 : vector<16xi32>
        %parallel_loop3A_1036 = arith.constant 2 : i32
        %parallel_loop3A_1037 = arith.constant 0 : i32
        %parallel_loop3A_1038 = arith.constant 0 : i32
        %parallel_loop3A_1039 = tpu.memref_slice %arg7[%parallel_loop3A_1036, %parallel_loop3A_1037, %parallel_loop3A_1038] : memref<4x128x128xf32, #tpu.memory_space<vmem>> -> memref<1x128x128xf32, #tpu.memory_space<vmem>>
        %parallel_loop3A_1040 = tpu.memref_squeeze %parallel_loop3A_1039 : memref<1x128x128xf32, #tpu.memory_space<vmem>> -> memref<128x128xf32, #tpu.memory_space<vmem>>
        %parallel_loop3A_1041 = tpu.vector_load_idx %parallel_loop3A_1040[%parallel_loop3A_626, %parallel_loop3A_1035] : memref<128x128xf32, #tpu.memory_space<vmem>>[vector<16xi32>, vector<16xi32>], vector<16xf32>,
        %parallel_loop3A_1042 = arith.constant 29 : i32
        %parallel_loop3A_1043 = vector.broadcast %parallel_loop3A_1042 : i32 to vector<16xi32>
        %parallel_loop3A_1044 = arith.addi %parallel_loop3A_636, %parallel_loop3A_1043 : vector<16xi32>
        %parallel_loop3A_1045 = arith.constant 2 : i32
        %parallel_loop3A_1046 = arith.constant 0 : i32
        %parallel_loop3A_1047 = arith.constant 0 : i32
        %parallel_loop3A_1048 = tpu.memref_slice %arg7[%parallel_loop3A_1045, %parallel_loop3A_1046, %parallel_loop3A_1047] : memref<4x128x128xf32, #tpu.memory_space<vmem>> -> memref<1x128x128xf32, #tpu.memory_space<vmem>>
        %parallel_loop3A_1049 = tpu.memref_squeeze %parallel_loop3A_1048 : memref<1x128x128xf32, #tpu.memory_space<vmem>> -> memref<128x128xf32, #tpu.memory_space<vmem>>
        %parallel_loop3A_1050 = tpu.vector_load_idx %parallel_loop3A_1049[%parallel_loop3A_626, %parallel_loop3A_1044] : memref<128x128xf32, #tpu.memory_space<vmem>>[vector<16xi32>, vector<16xi32>], vector<16xf32>,
        %parallel_loop3A_1051 = arith.constant 30 : i32
        %parallel_loop3A_1052 = vector.broadcast %parallel_loop3A_1051 : i32 to vector<16xi32>
        %parallel_loop3A_1053 = arith.addi %parallel_loop3A_636, %parallel_loop3A_1052 : vector<16xi32>
        %parallel_loop3A_1054 = arith.constant 2 : i32
        %parallel_loop3A_1055 = arith.constant 0 : i32
        %parallel_loop3A_1056 = arith.constant 0 : i32
        %parallel_loop3A_1057 = tpu.memref_slice %arg7[%parallel_loop3A_1054, %parallel_loop3A_1055, %parallel_loop3A_1056] : memref<4x128x128xf32, #tpu.memory_space<vmem>> -> memref<1x128x128xf32, #tpu.memory_space<vmem>>
        %parallel_loop3A_1058 = tpu.memref_squeeze %parallel_loop3A_1057 : memref<1x128x128xf32, #tpu.memory_space<vmem>> -> memref<128x128xf32, #tpu.memory_space<vmem>>
        %parallel_loop3A_1059 = tpu.vector_load_idx %parallel_loop3A_1058[%parallel_loop3A_626, %parallel_loop3A_1053] : memref<128x128xf32, #tpu.memory_space<vmem>>[vector<16xi32>, vector<16xi32>], vector<16xf32>,
        %parallel_loop3A_1060 = arith.constant 31 : i32
        %parallel_loop3A_1061 = vector.broadcast %parallel_loop3A_1060 : i32 to vector<16xi32>
        %parallel_loop3A_1062 = arith.addi %parallel_loop3A_636, %parallel_loop3A_1061 : vector<16xi32>
        %parallel_loop3A_1063 = arith.constant 2 : i32
        %parallel_loop3A_1064 = arith.constant 0 : i32
        %parallel_loop3A_1065 = arith.constant 0 : i32
        %parallel_loop3A_1066 = tpu.memref_slice %arg7[%parallel_loop3A_1063, %parallel_loop3A_1064, %parallel_loop3A_1065] : memref<4x128x128xf32, #tpu.memory_space<vmem>> -> memref<1x128x128xf32, #tpu.memory_space<vmem>>
        %parallel_loop3A_1067 = tpu.memref_squeeze %parallel_loop3A_1066 : memref<1x128x128xf32, #tpu.memory_space<vmem>> -> memref<128x128xf32, #tpu.memory_space<vmem>>
        %parallel_loop3A_1068 = tpu.vector_load_idx %parallel_loop3A_1067[%parallel_loop3A_626, %parallel_loop3A_1062] : memref<128x128xf32, #tpu.memory_space<vmem>>[vector<16xi32>, vector<16xi32>], vector<16xf32>,
        %parallel_loop3A_1069 = arith.constant 0 : i32
        %parallel_loop3A_1070 = arith.constant 24 : i32
        %parallel_loop3A_1071 = arith.index_cast %parallel_loop3A_1069 : i32 to index
        %parallel_loop3A_1072 = arith.index_cast %parallel_loop3A_1070 : i32 to index
        %parallel_loop3A_1073 = arith.index_cast %parallel_loop3A_624 : i32 to index
        %parallel_loop3A_1074 = tpu.vector_load %arg8[%parallel_loop3A_1071, %parallel_loop3A_1072, %parallel_loop3A_1073] {strides = array<i32>} : memref<2x32x128xf32, #tpu.memory_space<vmem>>, vector<16xf32>,
        tpu.vector_store %arg8[%parallel_loop3A_1071, %parallel_loop3A_1072, %parallel_loop3A_1073], %parallel_loop3A_1005 {strides = array<i32>} : memref<2x32x128xf32, #tpu.memory_space<vmem>>, vector<16xf32>,
        %parallel_loop3A_1075 = arith.constant 0 : i32
        %parallel_loop3A_1076 = arith.constant 25 : i32
        %parallel_loop3A_1077 = arith.index_cast %parallel_loop3A_1075 : i32 to index
        %parallel_loop3A_1078 = arith.index_cast %parallel_loop3A_1076 : i32 to index
        %parallel_loop3A_1079 = arith.index_cast %parallel_loop3A_624 : i32 to index
        %parallel_loop3A_1080 = tpu.vector_load %arg8[%parallel_loop3A_1077, %parallel_loop3A_1078, %parallel_loop3A_1079] {strides = array<i32>} : memref<2x32x128xf32, #tpu.memory_space<vmem>>, vector<16xf32>,
        tpu.vector_store %arg8[%parallel_loop3A_1077, %parallel_loop3A_1078, %parallel_loop3A_1079], %parallel_loop3A_1014 {strides = array<i32>} : memref<2x32x128xf32, #tpu.memory_space<vmem>>, vector<16xf32>,
        %parallel_loop3A_1081 = arith.constant 0 : i32
        %parallel_loop3A_1082 = arith.constant 26 : i32
        %parallel_loop3A_1083 = arith.index_cast %parallel_loop3A_1081 : i32 to index
        %parallel_loop3A_1084 = arith.index_cast %parallel_loop3A_1082 : i32 to index
        %parallel_loop3A_1085 = arith.index_cast %parallel_loop3A_624 : i32 to index
        %parallel_loop3A_1086 = tpu.vector_load %arg8[%parallel_loop3A_1083, %parallel_loop3A_1084, %parallel_loop3A_1085] {strides = array<i32>} : memref<2x32x128xf32, #tpu.memory_space<vmem>>, vector<16xf32>,
        tpu.vector_store %arg8[%parallel_loop3A_1083, %parallel_loop3A_1084, %parallel_loop3A_1085], %parallel_loop3A_1023 {strides = array<i32>} : memref<2x32x128xf32, #tpu.memory_space<vmem>>, vector<16xf32>,
        %parallel_loop3A_1087 = arith.constant 0 : i32
        %parallel_loop3A_1088 = arith.constant 27 : i32
        %parallel_loop3A_1089 = arith.index_cast %parallel_loop3A_1087 : i32 to index
        %parallel_loop3A_1090 = arith.index_cast %parallel_loop3A_1088 : i32 to index
        %parallel_loop3A_1091 = arith.index_cast %parallel_loop3A_624 : i32 to index
        %parallel_loop3A_1092 = tpu.vector_load %arg8[%parallel_loop3A_1089, %parallel_loop3A_1090, %parallel_loop3A_1091] {strides = array<i32>} : memref<2x32x128xf32, #tpu.memory_space<vmem>>, vector<16xf32>,
        tpu.vector_store %arg8[%parallel_loop3A_1089, %parallel_loop3A_1090, %parallel_loop3A_1091], %parallel_loop3A_1032 {strides = array<i32>} : memref<2x32x128xf32, #tpu.memory_space<vmem>>, vector<16xf32>,
        %parallel_loop3A_1093 = arith.constant 0 : i32
        %parallel_loop3A_1094 = arith.constant 28 : i32
        %parallel_loop3A_1095 = arith.index_cast %parallel_loop3A_1093 : i32 to index
        %parallel_loop3A_1096 = arith.index_cast %parallel_loop3A_1094 : i32 to index
        %parallel_loop3A_1097 = arith.index_cast %parallel_loop3A_624 : i32 to index
        %parallel_loop3A_1098 = tpu.vector_load %arg8[%parallel_loop3A_1095, %parallel_loop3A_1096, %parallel_loop3A_1097] {strides = array<i32>} : memref<2x32x128xf32, #tpu.memory_space<vmem>>, vector<16xf32>,
        tpu.vector_store %arg8[%parallel_loop3A_1095, %parallel_loop3A_1096, %parallel_loop3A_1097], %parallel_loop3A_1041 {strides = array<i32>} : memref<2x32x128xf32, #tpu.memory_space<vmem>>, vector<16xf32>,
        %parallel_loop3A_1099 = arith.constant 0 : i32
        %parallel_loop3A_1100 = arith.constant 29 : i32
        %parallel_loop3A_1101 = arith.index_cast %parallel_loop3A_1099 : i32 to index
        %parallel_loop3A_1102 = arith.index_cast %parallel_loop3A_1100 : i32 to index
        %parallel_loop3A_1103 = arith.index_cast %parallel_loop3A_624 : i32 to index
        %parallel_loop3A_1104 = tpu.vector_load %arg8[%parallel_loop3A_1101, %parallel_loop3A_1102, %parallel_loop3A_1103] {strides = array<i32>} : memref<2x32x128xf32, #tpu.memory_space<vmem>>, vector<16xf32>,
        tpu.vector_store %arg8[%parallel_loop3A_1101, %parallel_loop3A_1102, %parallel_loop3A_1103], %parallel_loop3A_1050 {strides = array<i32>} : memref<2x32x128xf32, #tpu.memory_space<vmem>>, vector<16xf32>,
        %parallel_loop3A_1105 = arith.constant 0 : i32
        %parallel_loop3A_1106 = arith.constant 30 : i32
        %parallel_loop3A_1107 = arith.index_cast %parallel_loop3A_1105 : i32 to index
        %parallel_loop3A_1108 = arith.index_cast %parallel_loop3A_1106 : i32 to index
        %parallel_loop3A_1109 = arith.index_cast %parallel_loop3A_624 : i32 to index
        %parallel_loop3A_1110 = tpu.vector_load %arg8[%parallel_loop3A_1107, %parallel_loop3A_1108, %parallel_loop3A_1109] {strides = array<i32>} : memref<2x32x128xf32, #tpu.memory_space<vmem>>, vector<16xf32>,
        tpu.vector_store %arg8[%parallel_loop3A_1107, %parallel_loop3A_1108, %parallel_loop3A_1109], %parallel_loop3A_1059 {strides = array<i32>} : memref<2x32x128xf32, #tpu.memory_space<vmem>>, vector<16xf32>,
        %parallel_loop3A_1111 = arith.constant 0 : i32
        %parallel_loop3A_1112 = arith.constant 31 : i32
        %parallel_loop3A_1113 = arith.index_cast %parallel_loop3A_1111 : i32 to index
        %parallel_loop3A_1114 = arith.index_cast %parallel_loop3A_1112 : i32 to index
        %parallel_loop3A_1115 = arith.index_cast %parallel_loop3A_624 : i32 to index
        %parallel_loop3A_1116 = tpu.vector_load %arg8[%parallel_loop3A_1113, %parallel_loop3A_1114, %parallel_loop3A_1115] {strides = array<i32>} : memref<2x32x128xf32, #tpu.memory_space<vmem>>, vector<16xf32>,
        tpu.vector_store %arg8[%parallel_loop3A_1113, %parallel_loop3A_1114, %parallel_loop3A_1115], %parallel_loop3A_1068 {strides = array<i32>} : memref<2x32x128xf32, #tpu.memory_space<vmem>>, vector<16xf32>,
      } {sc.loop_unroll_factor = 2 : i64, sc.parallel_access}
      %add3A_509 = arith.addi %mul3A_2, %add3A_461 : i32
      %shift_right_arithmetic3A_510 = arith.constant 5 : i32
      %shift_right_arithmetic3A_511 = arith.shrsi %add3A_509, %shift_right_arithmetic3A_510 : i32
      %and3A_512 = arith.constant 31 : i32
      %and3A_513 = arith.andi %add3A_509, %and3A_512 : i32
      %mul3A_514 = arith.constant 128 : i32
      %mul3A_515 = arith.muli %and3A_513, %mul3A_514 : i32
      %dma_start3A_516 = arith.constant 0 : i32
      %dma_start3A_517 = arith.constant 0 : i32
      %dma_start3A_518 = arith.constant 0 : i32
      %dma_start3A_519 = arith.constant 0 : i32
      %dma_start3A_520 = tpu.memref_slice %arg8[%dma_start3A_516, %dma_start3A_518, %dma_start3A_519] : memref<2x32x128xf32, #tpu.memory_space<vmem>> -> memref<1x32x128xf32, #tpu.memory_space<vmem>>
      %dma_start3A_521 = tpu.memref_squeeze %dma_start3A_520 : memref<1x32x128xf32, #tpu.memory_space<vmem>> -> memref<32x128xf32, #tpu.memory_space<vmem>>
      %dma_start3A_522 = arith.constant 0 : i32
      %dma_start3A_523 = tpu.memref_slice %arg4[%shift_right_arithmetic3A_511, %dma_start3A_522, %mul3A_515] : memref<200x32x4096xf32, #tpu.memory_space<hbm>> -> memref<1x32x128xf32, #tpu.memory_space<hbm>>
      %dma_start3A_524 = tpu.memref_squeeze %dma_start3A_523 : memref<1x32x128xf32, #tpu.memory_space<hbm>> -> memref<32x128xf32, #tpu.memory_space<hbm>>
      %dma_start3A_525 = tpu.memref_slice %arg10[%dma_start3A_517] : memref<2x!tpu.dma_semaphore, #tpu.memory_space<semaphore_mem>> -> memref<1x!tpu.dma_semaphore, #tpu.memory_space<semaphore_mem>>
      %dma_start3A_526 = tpu.memref_squeeze %dma_start3A_525 : memref<1x!tpu.dma_semaphore, #tpu.memory_space<semaphore_mem>> -> memref<!tpu.dma_semaphore, #tpu.memory_space<semaphore_mem>>
      %dma_start3A_527 = arith.constant 0 : i32
      %dma_start3A_528 = tpu.memref_slice %arg4[%shift_right_arithmetic3A_511, %dma_start3A_527, %mul3A_515] : memref<200x32x4096xf32, #tpu.memory_space<hbm>> -> memref<1x32x128xf32, #tpu.memory_space<hbm>>
      %dma_start3A_529 = tpu.memref_squeeze %dma_start3A_528 : memref<1x32x128xf32, #tpu.memory_space<hbm>> -> memref<32x128xf32, #tpu.memory_space<hbm>>
      %dma_start3A_530 = arith.constant 0 : i32
      %dma_start3A_531 = arith.constant 0 : i32
      %dma_start3A_532 = tpu.memref_slice %arg8[%dma_start3A_516, %dma_start3A_530, %dma_start3A_531] : memref<2x32x128xf32, #tpu.memory_space<vmem>> -> memref<1x32x128xf32, #tpu.memory_space<vmem>>
      %dma_start3A_533 = tpu.memref_squeeze %dma_start3A_532 : memref<1x32x128xf32, #tpu.memory_space<vmem>> -> memref<32x128xf32, #tpu.memory_space<vmem>>
      tpu.enqueue_dma source(%dma_start3A_533 : memref<32x128xf32, #tpu.memory_space<vmem>>) target(%dma_start3A_529 : memref<32x128xf32, #tpu.memory_space<hbm>>) target_semaphore(%dma_start3A_526 : memref<!tpu.dma_semaphore, #tpu.memory_space<semaphore_mem>>)
      %add3A_534 = arith.constant 4 : i32
      %add3A_535 = arith.addi %add3A_461, %add3A_534 : i32
      %lt3A_536 = arith.constant 200 : i32
      %lt3A_537 = arith.cmpi slt, %add3A_535, %lt3A_536 : i32
      %convert_element_type3A_538 = arith.extui %lt3A_537 : i1 to i32
      %cond3A_539 = arith.constant 0 : i32
      %cond3A_540 = arith.cmpi ne, %convert_element_type3A_538, %cond3A_539 : i32
      scf.if %cond3A_540 {
        %add3A_624 = arith.constant 4 : i32
        %add3A_625 = arith.addi %add3A_461, %add3A_624 : i32
        %add3A_626 = arith.addi %mul3A_2, %add3A_625 : i32
        %shift_right_arithmetic3A_627 = arith.constant 5 : i32
        %shift_right_arithmetic3A_628 = arith.shrsi %add3A_626, %shift_right_arithmetic3A_627 : i32
        %and3A_629 = arith.constant 31 : i32
        %and3A_630 = arith.andi %add3A_626, %and3A_629 : i32
        %mul3A_631 = arith.constant 128 : i32
        %mul3A_632 = arith.muli %and3A_630, %mul3A_631 : i32
        %dma_start3A_633 = arith.constant 2 : i32
        %dma_start3A_634 = arith.constant 2 : i32
        %dma_start3A_635 = arith.constant 0 : i32
        %dma_start3A_636 = tpu.memref_slice %arg5[%dma_start3A_633, %dma_start3A_635] : memref<4x128xi32, #tpu.memory_space<vmem>> -> memref<1x128xi32, #tpu.memory_space<vmem>>
        %dma_start3A_637 = tpu.memref_squeeze %dma_start3A_636 : memref<1x128xi32, #tpu.memory_space<vmem>> -> memref<128xi32, #tpu.memory_space<vmem>>
        %dma_start3A_638 = tpu.memref_slice %arg3[%shift_right_arithmetic3A_628, %mul3A_632] : memref<200x4096xi32, #tpu.memory_space<hbm>> -> memref<1x128xi32, #tpu.memory_space<hbm>>
        %dma_start3A_639 = tpu.memref_squeeze %dma_start3A_638 : memref<1x128xi32, #tpu.memory_space<hbm>> -> memref<128xi32, #tpu.memory_space<hbm>>
        %dma_start3A_640 = tpu.memref_slice %arg11[%dma_start3A_634] : memref<4x!tpu.dma_semaphore, #tpu.memory_space<semaphore_mem>> -> memref<1x!tpu.dma_semaphore, #tpu.memory_space<semaphore_mem>>
        %dma_start3A_641 = tpu.memref_squeeze %dma_start3A_640 : memref<1x!tpu.dma_semaphore, #tpu.memory_space<semaphore_mem>> -> memref<!tpu.dma_semaphore, #tpu.memory_space<semaphore_mem>>
        %dma_start3A_642 = arith.constant 0 : i32
        %dma_start3A_643 = tpu.memref_slice %arg5[%dma_start3A_633, %dma_start3A_642] : memref<4x128xi32, #tpu.memory_space<vmem>> -> memref<1x128xi32, #tpu.memory_space<vmem>>
        %dma_start3A_644 = tpu.memref_squeeze %dma_start3A_643 : memref<1x128xi32, #tpu.memory_space<vmem>> -> memref<128xi32, #tpu.memory_space<vmem>>
        %dma_start3A_645 = tpu.memref_slice %arg3[%shift_right_arithmetic3A_628, %mul3A_632] : memref<200x4096xi32, #tpu.memory_space<hbm>> -> memref<1x128xi32, #tpu.memory_space<hbm>>
        %dma_start3A_646 = tpu.memref_squeeze %dma_start3A_645 : memref<1x128xi32, #tpu.memory_space<hbm>> -> memref<128xi32, #tpu.memory_space<hbm>>
        tpu.enqueue_dma source(%dma_start3A_646 : memref<128xi32, #tpu.memory_space<hbm>>) target(%dma_start3A_644 : memref<128xi32, #tpu.memory_space<vmem>>) target_semaphore(%dma_start3A_641 : memref<!tpu.dma_semaphore, #tpu.memory_space<semaphore_mem>>)
      } else {
      }
      %mul3A_541 = arith.constant 4 : i32
      %mul3A_542 = arith.muli %add3A_296, %mul3A_541 : i32
      %add3A_543 = arith.constant 3 : i32
      %add3A_544 = arith.addi %mul3A_542, %add3A_543 : i32
      %dma_wait3A_545 = arith.constant 3 : i32
      %dma_wait3A_546 = arith.constant 3 : i32
      %dma_wait3A_547 = arith.constant 3 : i32
      %dma_wait3A_548 = arith.constant 0 : i32
      %dma_wait3A_549 = arith.constant 0 : i32
      %dma_wait3A_550 = tpu.memref_slice %arg7[%dma_wait3A_546, %dma_wait3A_548, %dma_wait3A_549] : memref<4x128x128xf32, #tpu.memory_space<vmem>> -> memref<1x64x128xf32, #tpu.memory_space<vmem>>
      %dma_wait3A_551 = tpu.memref_squeeze %dma_wait3A_550 : memref<1x64x128xf32, #tpu.memory_space<vmem>> -> memref<64x128xf32, #tpu.memory_space<vmem>>
      %dma_wait3A_552 = arith.constant 0 : i32
      %dma_wait3A_553 = tpu.memref_slice %arg6[%dma_wait3A_545, %dma_wait3A_552] : memref<4x128xi32, #tpu.memory_space<vmem>> -> memref<1x64xi32, #tpu.memory_space<vmem>>
      %dma_wait3A_554 = tpu.memref_squeeze %dma_wait3A_553 : memref<1x64xi32, #tpu.memory_space<vmem>> -> memref<64xi32, #tpu.memory_space<vmem>>
      %dma_wait3A_555 = arith.constant 0 : i32
      %dma_wait3A_556 = arith.constant 0 : i32
      %dma_wait3A_557 = tpu.memref_slice %arg2[%dma_wait3A_555, %dma_wait3A_556] : memref<250000x128xf32, #tpu.memory_space<hbm>> -> memref<250000x128xf32, #tpu.memory_space<hbm>>
      %dma_wait3A_558 = tpu.memref_slice %arg9[%dma_wait3A_547] : memref<4x!tpu.dma_semaphore, #tpu.memory_space<semaphore_mem>> -> memref<1x!tpu.dma_semaphore, #tpu.memory_space<semaphore_mem>>
      %dma_wait3A_559 = tpu.memref_squeeze %dma_wait3A_558 : memref<1x!tpu.dma_semaphore, #tpu.memory_space<semaphore_mem>> -> memref<!tpu.dma_semaphore, #tpu.memory_space<semaphore_mem>>
      tpu.wait_indirect_dma semaphore(%dma_wait3A_559 : memref<!tpu.dma_semaphore, #tpu.memory_space<semaphore_mem>>) src(%dma_wait3A_557 : memref<250000x128xf32, #tpu.memory_space<hbm>>) dst(%dma_wait3A_551 : memref<64x128xf32, #tpu.memory_space<vmem>>)
      %dma_wait3A_560 = arith.constant 3 : i32
      %dma_wait3A_561 = arith.constant 3 : i32
      %dma_wait3A_562 = arith.constant 3 : i32
      %dma_wait3A_563 = arith.constant 64 : i32
      %dma_wait3A_564 = arith.constant 0 : i32
      %dma_wait3A_565 = tpu.memref_slice %arg7[%dma_wait3A_561, %dma_wait3A_563, %dma_wait3A_564] : memref<4x128x128xf32, #tpu.memory_space<vmem>> -> memref<1x64x128xf32, #tpu.memory_space<vmem>>
      %dma_wait3A_566 = tpu.memref_squeeze %dma_wait3A_565 : memref<1x64x128xf32, #tpu.memory_space<vmem>> -> memref<64x128xf32, #tpu.memory_space<vmem>>
      %dma_wait3A_567 = arith.constant 64 : i32
      %dma_wait3A_568 = tpu.memref_slice %arg6[%dma_wait3A_560, %dma_wait3A_567] : memref<4x128xi32, #tpu.memory_space<vmem>> -> memref<1x64xi32, #tpu.memory_space<vmem>>
      %dma_wait3A_569 = tpu.memref_squeeze %dma_wait3A_568 : memref<1x64xi32, #tpu.memory_space<vmem>> -> memref<64xi32, #tpu.memory_space<vmem>>
      %dma_wait3A_570 = arith.constant 0 : i32
      %dma_wait3A_571 = arith.constant 0 : i32
      %dma_wait3A_572 = tpu.memref_slice %arg2[%dma_wait3A_570, %dma_wait3A_571] : memref<250000x128xf32, #tpu.memory_space<hbm>> -> memref<250000x128xf32, #tpu.memory_space<hbm>>
      %dma_wait3A_573 = tpu.memref_slice %arg9[%dma_wait3A_562] : memref<4x!tpu.dma_semaphore, #tpu.memory_space<semaphore_mem>> -> memref<1x!tpu.dma_semaphore, #tpu.memory_space<semaphore_mem>>
      %dma_wait3A_574 = tpu.memref_squeeze %dma_wait3A_573 : memref<1x!tpu.dma_semaphore, #tpu.memory_space<semaphore_mem>> -> memref<!tpu.dma_semaphore, #tpu.memory_space<semaphore_mem>>
      tpu.wait_indirect_dma semaphore(%dma_wait3A_574 : memref<!tpu.dma_semaphore, #tpu.memory_space<semaphore_mem>>) src(%dma_wait3A_572 : memref<250000x128xf32, #tpu.memory_space<hbm>>) dst(%dma_wait3A_566 : memref<64x128xf32, #tpu.memory_space<vmem>>)
      %add3A_575 = arith.constant 4 : i32
      %add3A_576 = arith.addi %add3A_544, %add3A_575 : i32
      %sub3A_577 = arith.constant 1 : i32
      %sub3A_578 = arith.subi %add3A_576, %sub3A_577 : i32
      %lt3A_579 = arith.constant 200 : i32
      %lt3A_580 = arith.cmpi slt, %sub3A_578, %lt3A_579 : i32
      %convert_element_type3A_581 = arith.extui %lt3A_580 : i1 to i32
      %cond3A_582 = arith.constant 0 : i32
      %cond3A_583 = arith.cmpi ne, %convert_element_type3A_581, %cond3A_582 : i32
      scf.if %cond3A_583 {
        %dma_wait3A_624 = arith.constant 0 : i32
        %dma_wait3A_625 = arith.constant 2 : i32
        %dma_wait3A_626 = arith.constant 2 : i32
        %dma_wait3A_627 = arith.constant 0 : i32
        %dma_wait3A_628 = tpu.memref_slice %arg5[%dma_wait3A_625, %dma_wait3A_627] : memref<4x128xi32, #tpu.memory_space<vmem>> -> memref<1x128xi32, #tpu.memory_space<vmem>>
        %dma_wait3A_629 = tpu.memref_squeeze %dma_wait3A_628 : memref<1x128xi32, #tpu.memory_space<vmem>> -> memref<128xi32, #tpu.memory_space<vmem>>
        %dma_wait3A_630 = arith.constant 0 : i32
        %dma_wait3A_631 = tpu.memref_slice %arg3[%dma_wait3A_624, %dma_wait3A_630] : memref<200x4096xi32, #tpu.memory_space<hbm>> -> memref<1x128xi32, #tpu.memory_space<hbm>>
        %dma_wait3A_632 = tpu.memref_squeeze %dma_wait3A_631 : memref<1x128xi32, #tpu.memory_space<hbm>> -> memref<128xi32, #tpu.memory_space<hbm>>
        %dma_wait3A_633 = tpu.memref_slice %arg11[%dma_wait3A_626] : memref<4x!tpu.dma_semaphore, #tpu.memory_space<semaphore_mem>> -> memref<1x!tpu.dma_semaphore, #tpu.memory_space<semaphore_mem>>
        %dma_wait3A_634 = tpu.memref_squeeze %dma_wait3A_633 : memref<1x!tpu.dma_semaphore, #tpu.memory_space<semaphore_mem>> -> memref<!tpu.dma_semaphore, #tpu.memory_space<semaphore_mem>>
        %dma_wait3A_635 = arith.constant 0 : i32
        %dma_wait3A_636 = tpu.memref_slice %arg5[%dma_wait3A_625, %dma_wait3A_635] : memref<4x128xi32, #tpu.memory_space<vmem>> -> memref<1x128xi32, #tpu.memory_space<vmem>>
        %dma_wait3A_637 = tpu.memref_squeeze %dma_wait3A_636 : memref<1x128xi32, #tpu.memory_space<vmem>> -> memref<128xi32, #tpu.memory_space<vmem>>
        %dma_wait3A_638 = arith.constant 0 : i32
        %dma_wait3A_639 = tpu.memref_slice %arg3[%dma_wait3A_624, %dma_wait3A_638] : memref<200x4096xi32, #tpu.memory_space<hbm>> -> memref<1x128xi32, #tpu.memory_space<hbm>>
        %dma_wait3A_640 = tpu.memref_squeeze %dma_wait3A_639 : memref<1x128xi32, #tpu.memory_space<hbm>> -> memref<128xi32, #tpu.memory_space<hbm>>
        tpu.wait_dma2 semaphore(%dma_wait3A_634 : memref<!tpu.dma_semaphore, #tpu.memory_space<semaphore_mem>>) src(%dma_wait3A_640 : memref<128xi32, #tpu.memory_space<hbm>>) dst(%dma_wait3A_637 : memref<128xi32, #tpu.memory_space<vmem>>)
        %parallel_loop3A_641 = arith.constant 0 : i32
        %parallel_loop3A_642 = arith.constant 128 : i32
        %parallel_loop3A_643 = arith.constant 16 : i32
        scf.for %parallel_loop3A_674 = %parallel_loop3A_641 to %parallel_loop3A_642 step %parallel_loop3A_643  : i32 {
          %parallel_loop3A_675 = arith.constant 2 : i32
          %parallel_loop3A_676 = arith.index_cast %parallel_loop3A_675 : i32 to index
          %parallel_loop3A_677 = arith.index_cast %parallel_loop3A_674 : i32 to index
          %parallel_loop3A_678 = tpu.vector_load %arg5[%parallel_loop3A_676, %parallel_loop3A_677] {strides = array<i32>} : memref<4x128xi32, #tpu.memory_space<vmem>>, vector<16xi32>,
          %parallel_loop3A_679 = arith.constant 2 : i32
          %parallel_loop3A_680 = vector.broadcast %parallel_loop3A_679 : i32 to vector<16xi32>
          %parallel_loop3A_681 = arith.shrui %parallel_loop3A_678, %parallel_loop3A_680 : vector<16xi32>
          %parallel_loop3A_682 = arith.constant 2 : i32
          %parallel_loop3A_683 = arith.index_cast %parallel_loop3A_682 : i32 to index
          %parallel_loop3A_684 = arith.index_cast %parallel_loop3A_674 : i32 to index
          %parallel_loop3A_685 = tpu.vector_load %arg6[%parallel_loop3A_683, %parallel_loop3A_684] {strides = array<i32>} : memref<4x128xi32, #tpu.memory_space<vmem>>, vector<16xi32>,
          tpu.vector_store %arg6[%parallel_loop3A_683, %parallel_loop3A_684], %parallel_loop3A_681 {strides = array<i32>} : memref<4x128xi32, #tpu.memory_space<vmem>>, vector<16xi32>,
        } {sc.loop_unroll_factor = 1 : i64, sc.parallel_access}
        %dma_start3A_644 = arith.constant 2 : i32
        %dma_start3A_645 = arith.constant 2 : i32
        %dma_start3A_646 = arith.constant 2 : i32
        %dma_start3A_647 = arith.constant 0 : i32
        %dma_start3A_648 = arith.constant 0 : i32
        %dma_start3A_649 = tpu.memref_slice %arg7[%dma_start3A_645, %dma_start3A_647, %dma_start3A_648] : memref<4x128x128xf32, #tpu.memory_space<vmem>> -> memref<1x64x128xf32, #tpu.memory_space<vmem>>
        %dma_start3A_650 = tpu.memref_squeeze %dma_start3A_649 : memref<1x64x128xf32, #tpu.memory_space<vmem>> -> memref<64x128xf32, #tpu.memory_space<vmem>>
        %dma_start3A_651 = arith.constant 0 : i32
        %dma_start3A_652 = tpu.memref_slice %arg6[%dma_start3A_644, %dma_start3A_651] : memref<4x128xi32, #tpu.memory_space<vmem>> -> memref<1x64xi32, #tpu.memory_space<vmem>>
        %dma_start3A_653 = tpu.memref_squeeze %dma_start3A_652 : memref<1x64xi32, #tpu.memory_space<vmem>> -> memref<64xi32, #tpu.memory_space<vmem>>
        %dma_start3A_654 = arith.constant 0 : i32
        %dma_start3A_655 = arith.constant 0 : i32
        %dma_start3A_656 = tpu.memref_slice %arg2[%dma_start3A_654, %dma_start3A_655] : memref<250000x128xf32, #tpu.memory_space<hbm>> -> memref<250000x128xf32, #tpu.memory_space<hbm>>
        %dma_start3A_657 = tpu.memref_slice %arg9[%dma_start3A_646] : memref<4x!tpu.dma_semaphore, #tpu.memory_space<semaphore_mem>> -> memref<1x!tpu.dma_semaphore, #tpu.memory_space<semaphore_mem>>
        %dma_start3A_658 = tpu.memref_squeeze %dma_start3A_657 : memref<1x!tpu.dma_semaphore, #tpu.memory_space<semaphore_mem>> -> memref<!tpu.dma_semaphore, #tpu.memory_space<semaphore_mem>>
        tpu.enqueue_indirect_dma source(%dma_start3A_656 : memref<250000x128xf32, #tpu.memory_space<hbm>>) target(%dma_start3A_650 : memref<64x128xf32, #tpu.memory_space<vmem>>) offsets(%dma_start3A_653 : memref<64xi32, #tpu.memory_space<vmem>>) semaphore(%dma_start3A_658 : memref<!tpu.dma_semaphore, #tpu.memory_space<semaphore_mem>>)
        %dma_start3A_659 = arith.constant 2 : i32
        %dma_start3A_660 = arith.constant 2 : i32
        %dma_start3A_661 = arith.constant 2 : i32
        %dma_start3A_662 = arith.constant 64 : i32
        %dma_start3A_663 = arith.constant 0 : i32
        %dma_start3A_664 = tpu.memref_slice %arg7[%dma_start3A_660, %dma_start3A_662, %dma_start3A_663] : memref<4x128x128xf32, #tpu.memory_space<vmem>> -> memref<1x64x128xf32, #tpu.memory_space<vmem>>
        %dma_start3A_665 = tpu.memref_squeeze %dma_start3A_664 : memref<1x64x128xf32, #tpu.memory_space<vmem>> -> memref<64x128xf32, #tpu.memory_space<vmem>>
        %dma_start3A_666 = arith.constant 64 : i32
        %dma_start3A_667 = tpu.memref_slice %arg6[%dma_start3A_659, %dma_start3A_666] : memref<4x128xi32, #tpu.memory_space<vmem>> -> memref<1x64xi32, #tpu.memory_space<vmem>>
        %dma_start3A_668 = tpu.memref_squeeze %dma_start3A_667 : memref<1x64xi32, #tpu.memory_space<vmem>> -> memref<64xi32, #tpu.memory_space<vmem>>
        %dma_start3A_669 = arith.constant 0 : i32
        %dma_start3A_670 = arith.constant 0 : i32
        %dma_start3A_671 = tpu.memref_slice %arg2[%dma_start3A_669, %dma_start3A_670] : memref<250000x128xf32, #tpu.memory_space<hbm>> -> memref<250000x128xf32, #tpu.memory_space<hbm>>
        %dma_start3A_672 = tpu.memref_slice %arg9[%dma_start3A_661] : memref<4x!tpu.dma_semaphore, #tpu.memory_space<semaphore_mem>> -> memref<1x!tpu.dma_semaphore, #tpu.memory_space<semaphore_mem>>
        %dma_start3A_673 = tpu.memref_squeeze %dma_start3A_672 : memref<1x!tpu.dma_semaphore, #tpu.memory_space<semaphore_mem>> -> memref<!tpu.dma_semaphore, #tpu.memory_space<semaphore_mem>>
        tpu.enqueue_indirect_dma source(%dma_start3A_671 : memref<250000x128xf32, #tpu.memory_space<hbm>>) target(%dma_start3A_665 : memref<64x128xf32, #tpu.memory_space<vmem>>) offsets(%dma_start3A_668 : memref<64xi32, #tpu.memory_space<vmem>>) semaphore(%dma_start3A_673 : memref<!tpu.dma_semaphore, #tpu.memory_space<semaphore_mem>>)
      } else {
      }
      %ge3A_584 = arith.constant 2 : i32
      %ge3A_585 = arith.cmpi sge, %add3A_544, %ge3A_584 : i32
      %convert_element_type3A_586 = arith.extui %ge3A_585 : i1 to i32
      %cond3A_587 = arith.constant 0 : i32
      %cond3A_588 = arith.cmpi ne, %convert_element_type3A_586, %cond3A_587 : i32
      scf.if %cond3A_588 {
        %add3A_624 = arith.constant 0 : i32
        %add3A_625 = arith.addi %mul3A_2, %add3A_624 : i32
        %shift_right_arithmetic3A_626 = arith.constant 5 : i32
        %shift_right_arithmetic3A_627 = arith.shrsi %add3A_625, %shift_right_arithmetic3A_626 : i32
        %and3A_628 = arith.constant 31 : i32
        %and3A_629 = arith.andi %add3A_625, %and3A_628 : i32
        %mul3A_630 = arith.constant 128 : i32
        %mul3A_631 = arith.muli %and3A_629, %mul3A_630 : i32
        %dma_wait3A_632 = arith.constant 1 : i32
        %dma_wait3A_633 = arith.constant 1 : i32
        %dma_wait3A_634 = arith.constant 0 : i32
        %dma_wait3A_635 = arith.constant 0 : i32
        %dma_wait3A_636 = tpu.memref_slice %arg8[%dma_wait3A_632, %dma_wait3A_634, %dma_wait3A_635] : memref<2x32x128xf32, #tpu.memory_space<vmem>> -> memref<1x32x128xf32, #tpu.memory_space<vmem>>
        %dma_wait3A_637 = tpu.memref_squeeze %dma_wait3A_636 : memref<1x32x128xf32, #tpu.memory_space<vmem>> -> memref<32x128xf32, #tpu.memory_space<vmem>>
        %dma_wait3A_638 = arith.constant 0 : i32
        %dma_wait3A_639 = tpu.memref_slice %arg4[%shift_right_arithmetic3A_627, %dma_wait3A_638, %mul3A_631] : memref<200x32x4096xf32, #tpu.memory_space<hbm>> -> memref<1x32x128xf32, #tpu.memory_space<hbm>>
        %dma_wait3A_640 = tpu.memref_squeeze %dma_wait3A_639 : memref<1x32x128xf32, #tpu.memory_space<hbm>> -> memref<32x128xf32, #tpu.memory_space<hbm>>
        %dma_wait3A_641 = tpu.memref_slice %arg10[%dma_wait3A_633] : memref<2x!tpu.dma_semaphore, #tpu.memory_space<semaphore_mem>> -> memref<1x!tpu.dma_semaphore, #tpu.memory_space<semaphore_mem>>
        %dma_wait3A_642 = tpu.memref_squeeze %dma_wait3A_641 : memref<1x!tpu.dma_semaphore, #tpu.memory_space<semaphore_mem>> -> memref<!tpu.dma_semaphore, #tpu.memory_space<semaphore_mem>>
        %dma_wait3A_643 = arith.constant 0 : i32
        %dma_wait3A_644 = tpu.memref_slice %arg4[%shift_right_arithmetic3A_627, %dma_wait3A_643, %mul3A_631] : memref<200x32x4096xf32, #tpu.memory_space<hbm>> -> memref<1x32x128xf32, #tpu.memory_space<hbm>>
        %dma_wait3A_645 = tpu.memref_squeeze %dma_wait3A_644 : memref<1x32x128xf32, #tpu.memory_space<hbm>> -> memref<32x128xf32, #tpu.memory_space<hbm>>
        %dma_wait3A_646 = arith.constant 0 : i32
        %dma_wait3A_647 = arith.constant 0 : i32
        %dma_wait3A_648 = tpu.memref_slice %arg8[%dma_wait3A_632, %dma_wait3A_646, %dma_wait3A_647] : memref<2x32x128xf32, #tpu.memory_space<vmem>> -> memref<1x32x128xf32, #tpu.memory_space<vmem>>
        %dma_wait3A_649 = tpu.memref_squeeze %dma_wait3A_648 : memref<1x32x128xf32, #tpu.memory_space<vmem>> -> memref<32x128xf32, #tpu.memory_space<vmem>>
        tpu.wait_dma2 semaphore(%dma_wait3A_642 : memref<!tpu.dma_semaphore, #tpu.memory_space<semaphore_mem>>) src(%dma_wait3A_649 : memref<32x128xf32, #tpu.memory_space<vmem>>) dst(%dma_wait3A_645 : memref<32x128xf32, #tpu.memory_space<hbm>>)
      } else {
      }
      %parallel_loop3A_589 = arith.constant 0 : i32
      %parallel_loop3A_590 = arith.constant 128 : i32
      %parallel_loop3A_591 = arith.constant 16 : i32
      scf.for %parallel_loop3A_624 = %parallel_loop3A_589 to %parallel_loop3A_590 step %parallel_loop3A_591  : i32 {
        %parallel_loop3A_625 = vector.broadcast %parallel_loop3A_624 : i32 to vector<16xi32>
        %parallel_loop3A_626 = arith.addi %iota3A, %parallel_loop3A_625 : vector<16xi32>
        %parallel_loop3A_627 = arith.constant 3 : i32
        %parallel_loop3A_628 = arith.index_cast %parallel_loop3A_627 : i32 to index
        %parallel_loop3A_629 = arith.index_cast %parallel_loop3A_624 : i32 to index
        %parallel_loop3A_630 = tpu.vector_load %arg5[%parallel_loop3A_628, %parallel_loop3A_629] {strides = array<i32>} : memref<4x128xi32, #tpu.memory_space<vmem>>, vector<16xi32>,
        %parallel_loop3A_631 = arith.constant 3 : i32
        %parallel_loop3A_632 = vector.broadcast %parallel_loop3A_631 : i32 to vector<16xi32>
        %parallel_loop3A_633 = arith.andi %parallel_loop3A_630, %parallel_loop3A_632 : vector<16xi32>
        %parallel_loop3A_634 = arith.constant 32 : i32
        %parallel_loop3A_635 = vector.broadcast %parallel_loop3A_634 : i32 to vector<16xi32>
        %parallel_loop3A_636 = arith.muli %parallel_loop3A_633, %parallel_loop3A_635 : vector<16xi32>
        %parallel_loop3A_637 = arith.constant 0 : i32
        %parallel_loop3A_638 = vector.broadcast %parallel_loop3A_637 : i32 to vector<16xi32>
        %parallel_loop3A_639 = arith.addi %parallel_loop3A_636, %parallel_loop3A_638 : vector<16xi32>
        %parallel_loop3A_640 = arith.constant 3 : i32
        %parallel_loop3A_641 = arith.constant 0 : i32
        %parallel_loop3A_642 = arith.constant 0 : i32
        %parallel_loop3A_643 = tpu.memref_slice %arg7[%parallel_loop3A_640, %parallel_loop3A_641, %parallel_loop3A_642] : memref<4x128x128xf32, #tpu.memory_space<vmem>> -> memref<1x128x128xf32, #tpu.memory_space<vmem>>
        %parallel_loop3A_644 = tpu.memref_squeeze %parallel_loop3A_643 : memref<1x128x128xf32, #tpu.memory_space<vmem>> -> memref<128x128xf32, #tpu.memory_space<vmem>>
        %parallel_loop3A_645 = tpu.vector_load_idx %parallel_loop3A_644[%parallel_loop3A_626, %parallel_loop3A_639] : memref<128x128xf32, #tpu.memory_space<vmem>>[vector<16xi32>, vector<16xi32>], vector<16xf32>,
        %parallel_loop3A_646 = arith.constant 1 : i32
        %parallel_loop3A_647 = vector.broadcast %parallel_loop3A_646 : i32 to vector<16xi32>
        %parallel_loop3A_648 = arith.addi %parallel_loop3A_636, %parallel_loop3A_647 : vector<16xi32>
        %parallel_loop3A_649 = arith.constant 3 : i32
        %parallel_loop3A_650 = arith.constant 0 : i32
        %parallel_loop3A_651 = arith.constant 0 : i32
        %parallel_loop3A_652 = tpu.memref_slice %arg7[%parallel_loop3A_649, %parallel_loop3A_650, %parallel_loop3A_651] : memref<4x128x128xf32, #tpu.memory_space<vmem>> -> memref<1x128x128xf32, #tpu.memory_space<vmem>>
        %parallel_loop3A_653 = tpu.memref_squeeze %parallel_loop3A_652 : memref<1x128x128xf32, #tpu.memory_space<vmem>> -> memref<128x128xf32, #tpu.memory_space<vmem>>
        %parallel_loop3A_654 = tpu.vector_load_idx %parallel_loop3A_653[%parallel_loop3A_626, %parallel_loop3A_648] : memref<128x128xf32, #tpu.memory_space<vmem>>[vector<16xi32>, vector<16xi32>], vector<16xf32>,
        %parallel_loop3A_655 = arith.constant 2 : i32
        %parallel_loop3A_656 = vector.broadcast %parallel_loop3A_655 : i32 to vector<16xi32>
        %parallel_loop3A_657 = arith.addi %parallel_loop3A_636, %parallel_loop3A_656 : vector<16xi32>
        %parallel_loop3A_658 = arith.constant 3 : i32
        %parallel_loop3A_659 = arith.constant 0 : i32
        %parallel_loop3A_660 = arith.constant 0 : i32
        %parallel_loop3A_661 = tpu.memref_slice %arg7[%parallel_loop3A_658, %parallel_loop3A_659, %parallel_loop3A_660] : memref<4x128x128xf32, #tpu.memory_space<vmem>> -> memref<1x128x128xf32, #tpu.memory_space<vmem>>
        %parallel_loop3A_662 = tpu.memref_squeeze %parallel_loop3A_661 : memref<1x128x128xf32, #tpu.memory_space<vmem>> -> memref<128x128xf32, #tpu.memory_space<vmem>>
        %parallel_loop3A_663 = tpu.vector_load_idx %parallel_loop3A_662[%parallel_loop3A_626, %parallel_loop3A_657] : memref<128x128xf32, #tpu.memory_space<vmem>>[vector<16xi32>, vector<16xi32>], vector<16xf32>,
        %parallel_loop3A_664 = arith.constant 3 : i32
        %parallel_loop3A_665 = vector.broadcast %parallel_loop3A_664 : i32 to vector<16xi32>
        %parallel_loop3A_666 = arith.addi %parallel_loop3A_636, %parallel_loop3A_665 : vector<16xi32>
        %parallel_loop3A_667 = arith.constant 3 : i32
        %parallel_loop3A_668 = arith.constant 0 : i32
        %parallel_loop3A_669 = arith.constant 0 : i32
        %parallel_loop3A_670 = tpu.memref_slice %arg7[%parallel_loop3A_667, %parallel_loop3A_668, %parallel_loop3A_669] : memref<4x128x128xf32, #tpu.memory_space<vmem>> -> memref<1x128x128xf32, #tpu.memory_space<vmem>>
        %parallel_loop3A_671 = tpu.memref_squeeze %parallel_loop3A_670 : memref<1x128x128xf32, #tpu.memory_space<vmem>> -> memref<128x128xf32, #tpu.memory_space<vmem>>
        %parallel_loop3A_672 = tpu.vector_load_idx %parallel_loop3A_671[%parallel_loop3A_626, %parallel_loop3A_666] : memref<128x128xf32, #tpu.memory_space<vmem>>[vector<16xi32>, vector<16xi32>], vector<16xf32>,
        %parallel_loop3A_673 = arith.constant 4 : i32
        %parallel_loop3A_674 = vector.broadcast %parallel_loop3A_673 : i32 to vector<16xi32>
        %parallel_loop3A_675 = arith.addi %parallel_loop3A_636, %parallel_loop3A_674 : vector<16xi32>
        %parallel_loop3A_676 = arith.constant 3 : i32
        %parallel_loop3A_677 = arith.constant 0 : i32
        %parallel_loop3A_678 = arith.constant 0 : i32
        %parallel_loop3A_679 = tpu.memref_slice %arg7[%parallel_loop3A_676, %parallel_loop3A_677, %parallel_loop3A_678] : memref<4x128x128xf32, #tpu.memory_space<vmem>> -> memref<1x128x128xf32, #tpu.memory_space<vmem>>
        %parallel_loop3A_680 = tpu.memref_squeeze %parallel_loop3A_679 : memref<1x128x128xf32, #tpu.memory_space<vmem>> -> memref<128x128xf32, #tpu.memory_space<vmem>>
        %parallel_loop3A_681 = tpu.vector_load_idx %parallel_loop3A_680[%parallel_loop3A_626, %parallel_loop3A_675] : memref<128x128xf32, #tpu.memory_space<vmem>>[vector<16xi32>, vector<16xi32>], vector<16xf32>,
        %parallel_loop3A_682 = arith.constant 5 : i32
        %parallel_loop3A_683 = vector.broadcast %parallel_loop3A_682 : i32 to vector<16xi32>
        %parallel_loop3A_684 = arith.addi %parallel_loop3A_636, %parallel_loop3A_683 : vector<16xi32>
        %parallel_loop3A_685 = arith.constant 3 : i32
        %parallel_loop3A_686 = arith.constant 0 : i32
        %parallel_loop3A_687 = arith.constant 0 : i32
        %parallel_loop3A_688 = tpu.memref_slice %arg7[%parallel_loop3A_685, %parallel_loop3A_686, %parallel_loop3A_687] : memref<4x128x128xf32, #tpu.memory_space<vmem>> -> memref<1x128x128xf32, #tpu.memory_space<vmem>>
        %parallel_loop3A_689 = tpu.memref_squeeze %parallel_loop3A_688 : memref<1x128x128xf32, #tpu.memory_space<vmem>> -> memref<128x128xf32, #tpu.memory_space<vmem>>
        %parallel_loop3A_690 = tpu.vector_load_idx %parallel_loop3A_689[%parallel_loop3A_626, %parallel_loop3A_684] : memref<128x128xf32, #tpu.memory_space<vmem>>[vector<16xi32>, vector<16xi32>], vector<16xf32>,
        %parallel_loop3A_691 = arith.constant 6 : i32
        %parallel_loop3A_692 = vector.broadcast %parallel_loop3A_691 : i32 to vector<16xi32>
        %parallel_loop3A_693 = arith.addi %parallel_loop3A_636, %parallel_loop3A_692 : vector<16xi32>
        %parallel_loop3A_694 = arith.constant 3 : i32
        %parallel_loop3A_695 = arith.constant 0 : i32
        %parallel_loop3A_696 = arith.constant 0 : i32
        %parallel_loop3A_697 = tpu.memref_slice %arg7[%parallel_loop3A_694, %parallel_loop3A_695, %parallel_loop3A_696] : memref<4x128x128xf32, #tpu.memory_space<vmem>> -> memref<1x128x128xf32, #tpu.memory_space<vmem>>
        %parallel_loop3A_698 = tpu.memref_squeeze %parallel_loop3A_697 : memref<1x128x128xf32, #tpu.memory_space<vmem>> -> memref<128x128xf32, #tpu.memory_space<vmem>>
        %parallel_loop3A_699 = tpu.vector_load_idx %parallel_loop3A_698[%parallel_loop3A_626, %parallel_loop3A_693] : memref<128x128xf32, #tpu.memory_space<vmem>>[vector<16xi32>, vector<16xi32>], vector<16xf32>,
        %parallel_loop3A_700 = arith.constant 7 : i32
        %parallel_loop3A_701 = vector.broadcast %parallel_loop3A_700 : i32 to vector<16xi32>
        %parallel_loop3A_702 = arith.addi %parallel_loop3A_636, %parallel_loop3A_701 : vector<16xi32>
        %parallel_loop3A_703 = arith.constant 3 : i32
        %parallel_loop3A_704 = arith.constant 0 : i32
        %parallel_loop3A_705 = arith.constant 0 : i32
        %parallel_loop3A_706 = tpu.memref_slice %arg7[%parallel_loop3A_703, %parallel_loop3A_704, %parallel_loop3A_705] : memref<4x128x128xf32, #tpu.memory_space<vmem>> -> memref<1x128x128xf32, #tpu.memory_space<vmem>>
        %parallel_loop3A_707 = tpu.memref_squeeze %parallel_loop3A_706 : memref<1x128x128xf32, #tpu.memory_space<vmem>> -> memref<128x128xf32, #tpu.memory_space<vmem>>
        %parallel_loop3A_708 = tpu.vector_load_idx %parallel_loop3A_707[%parallel_loop3A_626, %parallel_loop3A_702] : memref<128x128xf32, #tpu.memory_space<vmem>>[vector<16xi32>, vector<16xi32>], vector<16xf32>,
        %parallel_loop3A_709 = arith.constant 1 : i32
        %parallel_loop3A_710 = arith.constant 0 : i32
        %parallel_loop3A_711 = arith.index_cast %parallel_loop3A_709 : i32 to index
        %parallel_loop3A_712 = arith.index_cast %parallel_loop3A_710 : i32 to index
        %parallel_loop3A_713 = arith.index_cast %parallel_loop3A_624 : i32 to index
        %parallel_loop3A_714 = tpu.vector_load %arg8[%parallel_loop3A_711, %parallel_loop3A_712, %parallel_loop3A_713] {strides = array<i32>} : memref<2x32x128xf32, #tpu.memory_space<vmem>>, vector<16xf32>,
        tpu.vector_store %arg8[%parallel_loop3A_711, %parallel_loop3A_712, %parallel_loop3A_713], %parallel_loop3A_645 {strides = array<i32>} : memref<2x32x128xf32, #tpu.memory_space<vmem>>, vector<16xf32>,
        %parallel_loop3A_715 = arith.constant 1 : i32
        %parallel_loop3A_716 = arith.constant 1 : i32
        %parallel_loop3A_717 = arith.index_cast %parallel_loop3A_715 : i32 to index
        %parallel_loop3A_718 = arith.index_cast %parallel_loop3A_716 : i32 to index
        %parallel_loop3A_719 = arith.index_cast %parallel_loop3A_624 : i32 to index
        %parallel_loop3A_720 = tpu.vector_load %arg8[%parallel_loop3A_717, %parallel_loop3A_718, %parallel_loop3A_719] {strides = array<i32>} : memref<2x32x128xf32, #tpu.memory_space<vmem>>, vector<16xf32>,
        tpu.vector_store %arg8[%parallel_loop3A_717, %parallel_loop3A_718, %parallel_loop3A_719], %parallel_loop3A_654 {strides = array<i32>} : memref<2x32x128xf32, #tpu.memory_space<vmem>>, vector<16xf32>,
        %parallel_loop3A_721 = arith.constant 1 : i32
        %parallel_loop3A_722 = arith.constant 2 : i32
        %parallel_loop3A_723 = arith.index_cast %parallel_loop3A_721 : i32 to index
        %parallel_loop3A_724 = arith.index_cast %parallel_loop3A_722 : i32 to index
        %parallel_loop3A_725 = arith.index_cast %parallel_loop3A_624 : i32 to index
        %parallel_loop3A_726 = tpu.vector_load %arg8[%parallel_loop3A_723, %parallel_loop3A_724, %parallel_loop3A_725] {strides = array<i32>} : memref<2x32x128xf32, #tpu.memory_space<vmem>>, vector<16xf32>,
        tpu.vector_store %arg8[%parallel_loop3A_723, %parallel_loop3A_724, %parallel_loop3A_725], %parallel_loop3A_663 {strides = array<i32>} : memref<2x32x128xf32, #tpu.memory_space<vmem>>, vector<16xf32>,
        %parallel_loop3A_727 = arith.constant 1 : i32
        %parallel_loop3A_728 = arith.constant 3 : i32
        %parallel_loop3A_729 = arith.index_cast %parallel_loop3A_727 : i32 to index
        %parallel_loop3A_730 = arith.index_cast %parallel_loop3A_728 : i32 to index
        %parallel_loop3A_731 = arith.index_cast %parallel_loop3A_624 : i32 to index
        %parallel_loop3A_732 = tpu.vector_load %arg8[%parallel_loop3A_729, %parallel_loop3A_730, %parallel_loop3A_731] {strides = array<i32>} : memref<2x32x128xf32, #tpu.memory_space<vmem>>, vector<16xf32>,
        tpu.vector_store %arg8[%parallel_loop3A_729, %parallel_loop3A_730, %parallel_loop3A_731], %parallel_loop3A_672 {strides = array<i32>} : memref<2x32x128xf32, #tpu.memory_space<vmem>>, vector<16xf32>,
        %parallel_loop3A_733 = arith.constant 1 : i32
        %parallel_loop3A_734 = arith.constant 4 : i32
        %parallel_loop3A_735 = arith.index_cast %parallel_loop3A_733 : i32 to index
        %parallel_loop3A_736 = arith.index_cast %parallel_loop3A_734 : i32 to index
        %parallel_loop3A_737 = arith.index_cast %parallel_loop3A_624 : i32 to index
        %parallel_loop3A_738 = tpu.vector_load %arg8[%parallel_loop3A_735, %parallel_loop3A_736, %parallel_loop3A_737] {strides = array<i32>} : memref<2x32x128xf32, #tpu.memory_space<vmem>>, vector<16xf32>,
        tpu.vector_store %arg8[%parallel_loop3A_735, %parallel_loop3A_736, %parallel_loop3A_737], %parallel_loop3A_681 {strides = array<i32>} : memref<2x32x128xf32, #tpu.memory_space<vmem>>, vector<16xf32>,
        %parallel_loop3A_739 = arith.constant 1 : i32
        %parallel_loop3A_740 = arith.constant 5 : i32
        %parallel_loop3A_741 = arith.index_cast %parallel_loop3A_739 : i32 to index
        %parallel_loop3A_742 = arith.index_cast %parallel_loop3A_740 : i32 to index
        %parallel_loop3A_743 = arith.index_cast %parallel_loop3A_624 : i32 to index
        %parallel_loop3A_744 = tpu.vector_load %arg8[%parallel_loop3A_741, %parallel_loop3A_742, %parallel_loop3A_743] {strides = array<i32>} : memref<2x32x128xf32, #tpu.memory_space<vmem>>, vector<16xf32>,
        tpu.vector_store %arg8[%parallel_loop3A_741, %parallel_loop3A_742, %parallel_loop3A_743], %parallel_loop3A_690 {strides = array<i32>} : memref<2x32x128xf32, #tpu.memory_space<vmem>>, vector<16xf32>,
        %parallel_loop3A_745 = arith.constant 1 : i32
        %parallel_loop3A_746 = arith.constant 6 : i32
        %parallel_loop3A_747 = arith.index_cast %parallel_loop3A_745 : i32 to index
        %parallel_loop3A_748 = arith.index_cast %parallel_loop3A_746 : i32 to index
        %parallel_loop3A_749 = arith.index_cast %parallel_loop3A_624 : i32 to index
        %parallel_loop3A_750 = tpu.vector_load %arg8[%parallel_loop3A_747, %parallel_loop3A_748, %parallel_loop3A_749] {strides = array<i32>} : memref<2x32x128xf32, #tpu.memory_space<vmem>>, vector<16xf32>,
        tpu.vector_store %arg8[%parallel_loop3A_747, %parallel_loop3A_748, %parallel_loop3A_749], %parallel_loop3A_699 {strides = array<i32>} : memref<2x32x128xf32, #tpu.memory_space<vmem>>, vector<16xf32>,
        %parallel_loop3A_751 = arith.constant 1 : i32
        %parallel_loop3A_752 = arith.constant 7 : i32
        %parallel_loop3A_753 = arith.index_cast %parallel_loop3A_751 : i32 to index
        %parallel_loop3A_754 = arith.index_cast %parallel_loop3A_752 : i32 to index
        %parallel_loop3A_755 = arith.index_cast %parallel_loop3A_624 : i32 to index
        %parallel_loop3A_756 = tpu.vector_load %arg8[%parallel_loop3A_753, %parallel_loop3A_754, %parallel_loop3A_755] {strides = array<i32>} : memref<2x32x128xf32, #tpu.memory_space<vmem>>, vector<16xf32>,
        tpu.vector_store %arg8[%parallel_loop3A_753, %parallel_loop3A_754, %parallel_loop3A_755], %parallel_loop3A_708 {strides = array<i32>} : memref<2x32x128xf32, #tpu.memory_space<vmem>>, vector<16xf32>,
        %parallel_loop3A_757 = arith.constant 8 : i32
        %parallel_loop3A_758 = vector.broadcast %parallel_loop3A_757 : i32 to vector<16xi32>
        %parallel_loop3A_759 = arith.addi %parallel_loop3A_636, %parallel_loop3A_758 : vector<16xi32>
        %parallel_loop3A_760 = arith.constant 3 : i32
        %parallel_loop3A_761 = arith.constant 0 : i32
        %parallel_loop3A_762 = arith.constant 0 : i32
        %parallel_loop3A_763 = tpu.memref_slice %arg7[%parallel_loop3A_760, %parallel_loop3A_761, %parallel_loop3A_762] : memref<4x128x128xf32, #tpu.memory_space<vmem>> -> memref<1x128x128xf32, #tpu.memory_space<vmem>>
        %parallel_loop3A_764 = tpu.memref_squeeze %parallel_loop3A_763 : memref<1x128x128xf32, #tpu.memory_space<vmem>> -> memref<128x128xf32, #tpu.memory_space<vmem>>
        %parallel_loop3A_765 = tpu.vector_load_idx %parallel_loop3A_764[%parallel_loop3A_626, %parallel_loop3A_759] : memref<128x128xf32, #tpu.memory_space<vmem>>[vector<16xi32>, vector<16xi32>], vector<16xf32>,
        %parallel_loop3A_766 = arith.constant 9 : i32
        %parallel_loop3A_767 = vector.broadcast %parallel_loop3A_766 : i32 to vector<16xi32>
        %parallel_loop3A_768 = arith.addi %parallel_loop3A_636, %parallel_loop3A_767 : vector<16xi32>
        %parallel_loop3A_769 = arith.constant 3 : i32
        %parallel_loop3A_770 = arith.constant 0 : i32
        %parallel_loop3A_771 = arith.constant 0 : i32
        %parallel_loop3A_772 = tpu.memref_slice %arg7[%parallel_loop3A_769, %parallel_loop3A_770, %parallel_loop3A_771] : memref<4x128x128xf32, #tpu.memory_space<vmem>> -> memref<1x128x128xf32, #tpu.memory_space<vmem>>
        %parallel_loop3A_773 = tpu.memref_squeeze %parallel_loop3A_772 : memref<1x128x128xf32, #tpu.memory_space<vmem>> -> memref<128x128xf32, #tpu.memory_space<vmem>>
        %parallel_loop3A_774 = tpu.vector_load_idx %parallel_loop3A_773[%parallel_loop3A_626, %parallel_loop3A_768] : memref<128x128xf32, #tpu.memory_space<vmem>>[vector<16xi32>, vector<16xi32>], vector<16xf32>,
        %parallel_loop3A_775 = arith.constant 10 : i32
        %parallel_loop3A_776 = vector.broadcast %parallel_loop3A_775 : i32 to vector<16xi32>
        %parallel_loop3A_777 = arith.addi %parallel_loop3A_636, %parallel_loop3A_776 : vector<16xi32>
        %parallel_loop3A_778 = arith.constant 3 : i32
        %parallel_loop3A_779 = arith.constant 0 : i32
        %parallel_loop3A_780 = arith.constant 0 : i32
        %parallel_loop3A_781 = tpu.memref_slice %arg7[%parallel_loop3A_778, %parallel_loop3A_779, %parallel_loop3A_780] : memref<4x128x128xf32, #tpu.memory_space<vmem>> -> memref<1x128x128xf32, #tpu.memory_space<vmem>>
        %parallel_loop3A_782 = tpu.memref_squeeze %parallel_loop3A_781 : memref<1x128x128xf32, #tpu.memory_space<vmem>> -> memref<128x128xf32, #tpu.memory_space<vmem>>
        %parallel_loop3A_783 = tpu.vector_load_idx %parallel_loop3A_782[%parallel_loop3A_626, %parallel_loop3A_777] : memref<128x128xf32, #tpu.memory_space<vmem>>[vector<16xi32>, vector<16xi32>], vector<16xf32>,
        %parallel_loop3A_784 = arith.constant 11 : i32
        %parallel_loop3A_785 = vector.broadcast %parallel_loop3A_784 : i32 to vector<16xi32>
        %parallel_loop3A_786 = arith.addi %parallel_loop3A_636, %parallel_loop3A_785 : vector<16xi32>
        %parallel_loop3A_787 = arith.constant 3 : i32
        %parallel_loop3A_788 = arith.constant 0 : i32
        %parallel_loop3A_789 = arith.constant 0 : i32
        %parallel_loop3A_790 = tpu.memref_slice %arg7[%parallel_loop3A_787, %parallel_loop3A_788, %parallel_loop3A_789] : memref<4x128x128xf32, #tpu.memory_space<vmem>> -> memref<1x128x128xf32, #tpu.memory_space<vmem>>
        %parallel_loop3A_791 = tpu.memref_squeeze %parallel_loop3A_790 : memref<1x128x128xf32, #tpu.memory_space<vmem>> -> memref<128x128xf32, #tpu.memory_space<vmem>>
        %parallel_loop3A_792 = tpu.vector_load_idx %parallel_loop3A_791[%parallel_loop3A_626, %parallel_loop3A_786] : memref<128x128xf32, #tpu.memory_space<vmem>>[vector<16xi32>, vector<16xi32>], vector<16xf32>,
        %parallel_loop3A_793 = arith.constant 12 : i32
        %parallel_loop3A_794 = vector.broadcast %parallel_loop3A_793 : i32 to vector<16xi32>
        %parallel_loop3A_795 = arith.addi %parallel_loop3A_636, %parallel_loop3A_794 : vector<16xi32>
        %parallel_loop3A_796 = arith.constant 3 : i32
        %parallel_loop3A_797 = arith.constant 0 : i32
        %parallel_loop3A_798 = arith.constant 0 : i32
        %parallel_loop3A_799 = tpu.memref_slice %arg7[%parallel_loop3A_796, %parallel_loop3A_797, %parallel_loop3A_798] : memref<4x128x128xf32, #tpu.memory_space<vmem>> -> memref<1x128x128xf32, #tpu.memory_space<vmem>>
        %parallel_loop3A_800 = tpu.memref_squeeze %parallel_loop3A_799 : memref<1x128x128xf32, #tpu.memory_space<vmem>> -> memref<128x128xf32, #tpu.memory_space<vmem>>
        %parallel_loop3A_801 = tpu.vector_load_idx %parallel_loop3A_800[%parallel_loop3A_626, %parallel_loop3A_795] : memref<128x128xf32, #tpu.memory_space<vmem>>[vector<16xi32>, vector<16xi32>], vector<16xf32>,
        %parallel_loop3A_802 = arith.constant 13 : i32
        %parallel_loop3A_803 = vector.broadcast %parallel_loop3A_802 : i32 to vector<16xi32>
        %parallel_loop3A_804 = arith.addi %parallel_loop3A_636, %parallel_loop3A_803 : vector<16xi32>
        %parallel_loop3A_805 = arith.constant 3 : i32
        %parallel_loop3A_806 = arith.constant 0 : i32
        %parallel_loop3A_807 = arith.constant 0 : i32
        %parallel_loop3A_808 = tpu.memref_slice %arg7[%parallel_loop3A_805, %parallel_loop3A_806, %parallel_loop3A_807] : memref<4x128x128xf32, #tpu.memory_space<vmem>> -> memref<1x128x128xf32, #tpu.memory_space<vmem>>
        %parallel_loop3A_809 = tpu.memref_squeeze %parallel_loop3A_808 : memref<1x128x128xf32, #tpu.memory_space<vmem>> -> memref<128x128xf32, #tpu.memory_space<vmem>>
        %parallel_loop3A_810 = tpu.vector_load_idx %parallel_loop3A_809[%parallel_loop3A_626, %parallel_loop3A_804] : memref<128x128xf32, #tpu.memory_space<vmem>>[vector<16xi32>, vector<16xi32>], vector<16xf32>,
        %parallel_loop3A_811 = arith.constant 14 : i32
        %parallel_loop3A_812 = vector.broadcast %parallel_loop3A_811 : i32 to vector<16xi32>
        %parallel_loop3A_813 = arith.addi %parallel_loop3A_636, %parallel_loop3A_812 : vector<16xi32>
        %parallel_loop3A_814 = arith.constant 3 : i32
        %parallel_loop3A_815 = arith.constant 0 : i32
        %parallel_loop3A_816 = arith.constant 0 : i32
        %parallel_loop3A_817 = tpu.memref_slice %arg7[%parallel_loop3A_814, %parallel_loop3A_815, %parallel_loop3A_816] : memref<4x128x128xf32, #tpu.memory_space<vmem>> -> memref<1x128x128xf32, #tpu.memory_space<vmem>>
        %parallel_loop3A_818 = tpu.memref_squeeze %parallel_loop3A_817 : memref<1x128x128xf32, #tpu.memory_space<vmem>> -> memref<128x128xf32, #tpu.memory_space<vmem>>
        %parallel_loop3A_819 = tpu.vector_load_idx %parallel_loop3A_818[%parallel_loop3A_626, %parallel_loop3A_813] : memref<128x128xf32, #tpu.memory_space<vmem>>[vector<16xi32>, vector<16xi32>], vector<16xf32>,
        %parallel_loop3A_820 = arith.constant 15 : i32
        %parallel_loop3A_821 = vector.broadcast %parallel_loop3A_820 : i32 to vector<16xi32>
        %parallel_loop3A_822 = arith.addi %parallel_loop3A_636, %parallel_loop3A_821 : vector<16xi32>
        %parallel_loop3A_823 = arith.constant 3 : i32
        %parallel_loop3A_824 = arith.constant 0 : i32
        %parallel_loop3A_825 = arith.constant 0 : i32
        %parallel_loop3A_826 = tpu.memref_slice %arg7[%parallel_loop3A_823, %parallel_loop3A_824, %parallel_loop3A_825] : memref<4x128x128xf32, #tpu.memory_space<vmem>> -> memref<1x128x128xf32, #tpu.memory_space<vmem>>
        %parallel_loop3A_827 = tpu.memref_squeeze %parallel_loop3A_826 : memref<1x128x128xf32, #tpu.memory_space<vmem>> -> memref<128x128xf32, #tpu.memory_space<vmem>>
        %parallel_loop3A_828 = tpu.vector_load_idx %parallel_loop3A_827[%parallel_loop3A_626, %parallel_loop3A_822] : memref<128x128xf32, #tpu.memory_space<vmem>>[vector<16xi32>, vector<16xi32>], vector<16xf32>,
        %parallel_loop3A_829 = arith.constant 1 : i32
        %parallel_loop3A_830 = arith.constant 8 : i32
        %parallel_loop3A_831 = arith.index_cast %parallel_loop3A_829 : i32 to index
        %parallel_loop3A_832 = arith.index_cast %parallel_loop3A_830 : i32 to index
        %parallel_loop3A_833 = arith.index_cast %parallel_loop3A_624 : i32 to index
        %parallel_loop3A_834 = tpu.vector_load %arg8[%parallel_loop3A_831, %parallel_loop3A_832, %parallel_loop3A_833] {strides = array<i32>} : memref<2x32x128xf32, #tpu.memory_space<vmem>>, vector<16xf32>,
        tpu.vector_store %arg8[%parallel_loop3A_831, %parallel_loop3A_832, %parallel_loop3A_833], %parallel_loop3A_765 {strides = array<i32>} : memref<2x32x128xf32, #tpu.memory_space<vmem>>, vector<16xf32>,
        %parallel_loop3A_835 = arith.constant 1 : i32
        %parallel_loop3A_836 = arith.constant 9 : i32
        %parallel_loop3A_837 = arith.index_cast %parallel_loop3A_835 : i32 to index
        %parallel_loop3A_838 = arith.index_cast %parallel_loop3A_836 : i32 to index
        %parallel_loop3A_839 = arith.index_cast %parallel_loop3A_624 : i32 to index
        %parallel_loop3A_840 = tpu.vector_load %arg8[%parallel_loop3A_837, %parallel_loop3A_838, %parallel_loop3A_839] {strides = array<i32>} : memref<2x32x128xf32, #tpu.memory_space<vmem>>, vector<16xf32>,
        tpu.vector_store %arg8[%parallel_loop3A_837, %parallel_loop3A_838, %parallel_loop3A_839], %parallel_loop3A_774 {strides = array<i32>} : memref<2x32x128xf32, #tpu.memory_space<vmem>>, vector<16xf32>,
        %parallel_loop3A_841 = arith.constant 1 : i32
        %parallel_loop3A_842 = arith.constant 10 : i32
        %parallel_loop3A_843 = arith.index_cast %parallel_loop3A_841 : i32 to index
        %parallel_loop3A_844 = arith.index_cast %parallel_loop3A_842 : i32 to index
        %parallel_loop3A_845 = arith.index_cast %parallel_loop3A_624 : i32 to index
        %parallel_loop3A_846 = tpu.vector_load %arg8[%parallel_loop3A_843, %parallel_loop3A_844, %parallel_loop3A_845] {strides = array<i32>} : memref<2x32x128xf32, #tpu.memory_space<vmem>>, vector<16xf32>,
        tpu.vector_store %arg8[%parallel_loop3A_843, %parallel_loop3A_844, %parallel_loop3A_845], %parallel_loop3A_783 {strides = array<i32>} : memref<2x32x128xf32, #tpu.memory_space<vmem>>, vector<16xf32>,
        %parallel_loop3A_847 = arith.constant 1 : i32
        %parallel_loop3A_848 = arith.constant 11 : i32
        %parallel_loop3A_849 = arith.index_cast %parallel_loop3A_847 : i32 to index
        %parallel_loop3A_850 = arith.index_cast %parallel_loop3A_848 : i32 to index
        %parallel_loop3A_851 = arith.index_cast %parallel_loop3A_624 : i32 to index
        %parallel_loop3A_852 = tpu.vector_load %arg8[%parallel_loop3A_849, %parallel_loop3A_850, %parallel_loop3A_851] {strides = array<i32>} : memref<2x32x128xf32, #tpu.memory_space<vmem>>, vector<16xf32>,
        tpu.vector_store %arg8[%parallel_loop3A_849, %parallel_loop3A_850, %parallel_loop3A_851], %parallel_loop3A_792 {strides = array<i32>} : memref<2x32x128xf32, #tpu.memory_space<vmem>>, vector<16xf32>,
        %parallel_loop3A_853 = arith.constant 1 : i32
        %parallel_loop3A_854 = arith.constant 12 : i32
        %parallel_loop3A_855 = arith.index_cast %parallel_loop3A_853 : i32 to index
        %parallel_loop3A_856 = arith.index_cast %parallel_loop3A_854 : i32 to index
        %parallel_loop3A_857 = arith.index_cast %parallel_loop3A_624 : i32 to index
        %parallel_loop3A_858 = tpu.vector_load %arg8[%parallel_loop3A_855, %parallel_loop3A_856, %parallel_loop3A_857] {strides = array<i32>} : memref<2x32x128xf32, #tpu.memory_space<vmem>>, vector<16xf32>,
        tpu.vector_store %arg8[%parallel_loop3A_855, %parallel_loop3A_856, %parallel_loop3A_857], %parallel_loop3A_801 {strides = array<i32>} : memref<2x32x128xf32, #tpu.memory_space<vmem>>, vector<16xf32>,
        %parallel_loop3A_859 = arith.constant 1 : i32
        %parallel_loop3A_860 = arith.constant 13 : i32
        %parallel_loop3A_861 = arith.index_cast %parallel_loop3A_859 : i32 to index
        %parallel_loop3A_862 = arith.index_cast %parallel_loop3A_860 : i32 to index
        %parallel_loop3A_863 = arith.index_cast %parallel_loop3A_624 : i32 to index
        %parallel_loop3A_864 = tpu.vector_load %arg8[%parallel_loop3A_861, %parallel_loop3A_862, %parallel_loop3A_863] {strides = array<i32>} : memref<2x32x128xf32, #tpu.memory_space<vmem>>, vector<16xf32>,
        tpu.vector_store %arg8[%parallel_loop3A_861, %parallel_loop3A_862, %parallel_loop3A_863], %parallel_loop3A_810 {strides = array<i32>} : memref<2x32x128xf32, #tpu.memory_space<vmem>>, vector<16xf32>,
        %parallel_loop3A_865 = arith.constant 1 : i32
        %parallel_loop3A_866 = arith.constant 14 : i32
        %parallel_loop3A_867 = arith.index_cast %parallel_loop3A_865 : i32 to index
        %parallel_loop3A_868 = arith.index_cast %parallel_loop3A_866 : i32 to index
        %parallel_loop3A_869 = arith.index_cast %parallel_loop3A_624 : i32 to index
        %parallel_loop3A_870 = tpu.vector_load %arg8[%parallel_loop3A_867, %parallel_loop3A_868, %parallel_loop3A_869] {strides = array<i32>} : memref<2x32x128xf32, #tpu.memory_space<vmem>>, vector<16xf32>,
        tpu.vector_store %arg8[%parallel_loop3A_867, %parallel_loop3A_868, %parallel_loop3A_869], %parallel_loop3A_819 {strides = array<i32>} : memref<2x32x128xf32, #tpu.memory_space<vmem>>, vector<16xf32>,
        %parallel_loop3A_871 = arith.constant 1 : i32
        %parallel_loop3A_872 = arith.constant 15 : i32
        %parallel_loop3A_873 = arith.index_cast %parallel_loop3A_871 : i32 to index
        %parallel_loop3A_874 = arith.index_cast %parallel_loop3A_872 : i32 to index
        %parallel_loop3A_875 = arith.index_cast %parallel_loop3A_624 : i32 to index
        %parallel_loop3A_876 = tpu.vector_load %arg8[%parallel_loop3A_873, %parallel_loop3A_874, %parallel_loop3A_875] {strides = array<i32>} : memref<2x32x128xf32, #tpu.memory_space<vmem>>, vector<16xf32>,
        tpu.vector_store %arg8[%parallel_loop3A_873, %parallel_loop3A_874, %parallel_loop3A_875], %parallel_loop3A_828 {strides = array<i32>} : memref<2x32x128xf32, #tpu.memory_space<vmem>>, vector<16xf32>,
        %parallel_loop3A_877 = arith.constant 16 : i32
        %parallel_loop3A_878 = vector.broadcast %parallel_loop3A_877 : i32 to vector<16xi32>
        %parallel_loop3A_879 = arith.addi %parallel_loop3A_636, %parallel_loop3A_878 : vector<16xi32>
        %parallel_loop3A_880 = arith.constant 3 : i32
        %parallel_loop3A_881 = arith.constant 0 : i32
        %parallel_loop3A_882 = arith.constant 0 : i32
        %parallel_loop3A_883 = tpu.memref_slice %arg7[%parallel_loop3A_880, %parallel_loop3A_881, %parallel_loop3A_882] : memref<4x128x128xf32, #tpu.memory_space<vmem>> -> memref<1x128x128xf32, #tpu.memory_space<vmem>>
        %parallel_loop3A_884 = tpu.memref_squeeze %parallel_loop3A_883 : memref<1x128x128xf32, #tpu.memory_space<vmem>> -> memref<128x128xf32, #tpu.memory_space<vmem>>
        %parallel_loop3A_885 = tpu.vector_load_idx %parallel_loop3A_884[%parallel_loop3A_626, %parallel_loop3A_879] : memref<128x128xf32, #tpu.memory_space<vmem>>[vector<16xi32>, vector<16xi32>], vector<16xf32>,
        %parallel_loop3A_886 = arith.constant 17 : i32
        %parallel_loop3A_887 = vector.broadcast %parallel_loop3A_886 : i32 to vector<16xi32>
        %parallel_loop3A_888 = arith.addi %parallel_loop3A_636, %parallel_loop3A_887 : vector<16xi32>
        %parallel_loop3A_889 = arith.constant 3 : i32
        %parallel_loop3A_890 = arith.constant 0 : i32
        %parallel_loop3A_891 = arith.constant 0 : i32
        %parallel_loop3A_892 = tpu.memref_slice %arg7[%parallel_loop3A_889, %parallel_loop3A_890, %parallel_loop3A_891] : memref<4x128x128xf32, #tpu.memory_space<vmem>> -> memref<1x128x128xf32, #tpu.memory_space<vmem>>
        %parallel_loop3A_893 = tpu.memref_squeeze %parallel_loop3A_892 : memref<1x128x128xf32, #tpu.memory_space<vmem>> -> memref<128x128xf32, #tpu.memory_space<vmem>>
        %parallel_loop3A_894 = tpu.vector_load_idx %parallel_loop3A_893[%parallel_loop3A_626, %parallel_loop3A_888] : memref<128x128xf32, #tpu.memory_space<vmem>>[vector<16xi32>, vector<16xi32>], vector<16xf32>,
        %parallel_loop3A_895 = arith.constant 18 : i32
        %parallel_loop3A_896 = vector.broadcast %parallel_loop3A_895 : i32 to vector<16xi32>
        %parallel_loop3A_897 = arith.addi %parallel_loop3A_636, %parallel_loop3A_896 : vector<16xi32>
        %parallel_loop3A_898 = arith.constant 3 : i32
        %parallel_loop3A_899 = arith.constant 0 : i32
        %parallel_loop3A_900 = arith.constant 0 : i32
        %parallel_loop3A_901 = tpu.memref_slice %arg7[%parallel_loop3A_898, %parallel_loop3A_899, %parallel_loop3A_900] : memref<4x128x128xf32, #tpu.memory_space<vmem>> -> memref<1x128x128xf32, #tpu.memory_space<vmem>>
        %parallel_loop3A_902 = tpu.memref_squeeze %parallel_loop3A_901 : memref<1x128x128xf32, #tpu.memory_space<vmem>> -> memref<128x128xf32, #tpu.memory_space<vmem>>
        %parallel_loop3A_903 = tpu.vector_load_idx %parallel_loop3A_902[%parallel_loop3A_626, %parallel_loop3A_897] : memref<128x128xf32, #tpu.memory_space<vmem>>[vector<16xi32>, vector<16xi32>], vector<16xf32>,
        %parallel_loop3A_904 = arith.constant 19 : i32
        %parallel_loop3A_905 = vector.broadcast %parallel_loop3A_904 : i32 to vector<16xi32>
        %parallel_loop3A_906 = arith.addi %parallel_loop3A_636, %parallel_loop3A_905 : vector<16xi32>
        %parallel_loop3A_907 = arith.constant 3 : i32
        %parallel_loop3A_908 = arith.constant 0 : i32
        %parallel_loop3A_909 = arith.constant 0 : i32
        %parallel_loop3A_910 = tpu.memref_slice %arg7[%parallel_loop3A_907, %parallel_loop3A_908, %parallel_loop3A_909] : memref<4x128x128xf32, #tpu.memory_space<vmem>> -> memref<1x128x128xf32, #tpu.memory_space<vmem>>
        %parallel_loop3A_911 = tpu.memref_squeeze %parallel_loop3A_910 : memref<1x128x128xf32, #tpu.memory_space<vmem>> -> memref<128x128xf32, #tpu.memory_space<vmem>>
        %parallel_loop3A_912 = tpu.vector_load_idx %parallel_loop3A_911[%parallel_loop3A_626, %parallel_loop3A_906] : memref<128x128xf32, #tpu.memory_space<vmem>>[vector<16xi32>, vector<16xi32>], vector<16xf32>,
        %parallel_loop3A_913 = arith.constant 20 : i32
        %parallel_loop3A_914 = vector.broadcast %parallel_loop3A_913 : i32 to vector<16xi32>
        %parallel_loop3A_915 = arith.addi %parallel_loop3A_636, %parallel_loop3A_914 : vector<16xi32>
        %parallel_loop3A_916 = arith.constant 3 : i32
        %parallel_loop3A_917 = arith.constant 0 : i32
        %parallel_loop3A_918 = arith.constant 0 : i32
        %parallel_loop3A_919 = tpu.memref_slice %arg7[%parallel_loop3A_916, %parallel_loop3A_917, %parallel_loop3A_918] : memref<4x128x128xf32, #tpu.memory_space<vmem>> -> memref<1x128x128xf32, #tpu.memory_space<vmem>>
        %parallel_loop3A_920 = tpu.memref_squeeze %parallel_loop3A_919 : memref<1x128x128xf32, #tpu.memory_space<vmem>> -> memref<128x128xf32, #tpu.memory_space<vmem>>
        %parallel_loop3A_921 = tpu.vector_load_idx %parallel_loop3A_920[%parallel_loop3A_626, %parallel_loop3A_915] : memref<128x128xf32, #tpu.memory_space<vmem>>[vector<16xi32>, vector<16xi32>], vector<16xf32>,
        %parallel_loop3A_922 = arith.constant 21 : i32
        %parallel_loop3A_923 = vector.broadcast %parallel_loop3A_922 : i32 to vector<16xi32>
        %parallel_loop3A_924 = arith.addi %parallel_loop3A_636, %parallel_loop3A_923 : vector<16xi32>
        %parallel_loop3A_925 = arith.constant 3 : i32
        %parallel_loop3A_926 = arith.constant 0 : i32
        %parallel_loop3A_927 = arith.constant 0 : i32
        %parallel_loop3A_928 = tpu.memref_slice %arg7[%parallel_loop3A_925, %parallel_loop3A_926, %parallel_loop3A_927] : memref<4x128x128xf32, #tpu.memory_space<vmem>> -> memref<1x128x128xf32, #tpu.memory_space<vmem>>
        %parallel_loop3A_929 = tpu.memref_squeeze %parallel_loop3A_928 : memref<1x128x128xf32, #tpu.memory_space<vmem>> -> memref<128x128xf32, #tpu.memory_space<vmem>>
        %parallel_loop3A_930 = tpu.vector_load_idx %parallel_loop3A_929[%parallel_loop3A_626, %parallel_loop3A_924] : memref<128x128xf32, #tpu.memory_space<vmem>>[vector<16xi32>, vector<16xi32>], vector<16xf32>,
        %parallel_loop3A_931 = arith.constant 22 : i32
        %parallel_loop3A_932 = vector.broadcast %parallel_loop3A_931 : i32 to vector<16xi32>
        %parallel_loop3A_933 = arith.addi %parallel_loop3A_636, %parallel_loop3A_932 : vector<16xi32>
        %parallel_loop3A_934 = arith.constant 3 : i32
        %parallel_loop3A_935 = arith.constant 0 : i32
        %parallel_loop3A_936 = arith.constant 0 : i32
        %parallel_loop3A_937 = tpu.memref_slice %arg7[%parallel_loop3A_934, %parallel_loop3A_935, %parallel_loop3A_936] : memref<4x128x128xf32, #tpu.memory_space<vmem>> -> memref<1x128x128xf32, #tpu.memory_space<vmem>>
        %parallel_loop3A_938 = tpu.memref_squeeze %parallel_loop3A_937 : memref<1x128x128xf32, #tpu.memory_space<vmem>> -> memref<128x128xf32, #tpu.memory_space<vmem>>
        %parallel_loop3A_939 = tpu.vector_load_idx %parallel_loop3A_938[%parallel_loop3A_626, %parallel_loop3A_933] : memref<128x128xf32, #tpu.memory_space<vmem>>[vector<16xi32>, vector<16xi32>], vector<16xf32>,
        %parallel_loop3A_940 = arith.constant 23 : i32
        %parallel_loop3A_941 = vector.broadcast %parallel_loop3A_940 : i32 to vector<16xi32>
        %parallel_loop3A_942 = arith.addi %parallel_loop3A_636, %parallel_loop3A_941 : vector<16xi32>
        %parallel_loop3A_943 = arith.constant 3 : i32
        %parallel_loop3A_944 = arith.constant 0 : i32
        %parallel_loop3A_945 = arith.constant 0 : i32
        %parallel_loop3A_946 = tpu.memref_slice %arg7[%parallel_loop3A_943, %parallel_loop3A_944, %parallel_loop3A_945] : memref<4x128x128xf32, #tpu.memory_space<vmem>> -> memref<1x128x128xf32, #tpu.memory_space<vmem>>
        %parallel_loop3A_947 = tpu.memref_squeeze %parallel_loop3A_946 : memref<1x128x128xf32, #tpu.memory_space<vmem>> -> memref<128x128xf32, #tpu.memory_space<vmem>>
        %parallel_loop3A_948 = tpu.vector_load_idx %parallel_loop3A_947[%parallel_loop3A_626, %parallel_loop3A_942] : memref<128x128xf32, #tpu.memory_space<vmem>>[vector<16xi32>, vector<16xi32>], vector<16xf32>,
        %parallel_loop3A_949 = arith.constant 1 : i32
        %parallel_loop3A_950 = arith.constant 16 : i32
        %parallel_loop3A_951 = arith.index_cast %parallel_loop3A_949 : i32 to index
        %parallel_loop3A_952 = arith.index_cast %parallel_loop3A_950 : i32 to index
        %parallel_loop3A_953 = arith.index_cast %parallel_loop3A_624 : i32 to index
        %parallel_loop3A_954 = tpu.vector_load %arg8[%parallel_loop3A_951, %parallel_loop3A_952, %parallel_loop3A_953] {strides = array<i32>} : memref<2x32x128xf32, #tpu.memory_space<vmem>>, vector<16xf32>,
        tpu.vector_store %arg8[%parallel_loop3A_951, %parallel_loop3A_952, %parallel_loop3A_953], %parallel_loop3A_885 {strides = array<i32>} : memref<2x32x128xf32, #tpu.memory_space<vmem>>, vector<16xf32>,
        %parallel_loop3A_955 = arith.constant 1 : i32
        %parallel_loop3A_956 = arith.constant 17 : i32
        %parallel_loop3A_957 = arith.index_cast %parallel_loop3A_955 : i32 to index
        %parallel_loop3A_958 = arith.index_cast %parallel_loop3A_956 : i32 to index
        %parallel_loop3A_959 = arith.index_cast %parallel_loop3A_624 : i32 to index
        %parallel_loop3A_960 = tpu.vector_load %arg8[%parallel_loop3A_957, %parallel_loop3A_958, %parallel_loop3A_959] {strides = array<i32>} : memref<2x32x128xf32, #tpu.memory_space<vmem>>, vector<16xf32>,
        tpu.vector_store %arg8[%parallel_loop3A_957, %parallel_loop3A_958, %parallel_loop3A_959], %parallel_loop3A_894 {strides = array<i32>} : memref<2x32x128xf32, #tpu.memory_space<vmem>>, vector<16xf32>,
        %parallel_loop3A_961 = arith.constant 1 : i32
        %parallel_loop3A_962 = arith.constant 18 : i32
        %parallel_loop3A_963 = arith.index_cast %parallel_loop3A_961 : i32 to index
        %parallel_loop3A_964 = arith.index_cast %parallel_loop3A_962 : i32 to index
        %parallel_loop3A_965 = arith.index_cast %parallel_loop3A_624 : i32 to index
        %parallel_loop3A_966 = tpu.vector_load %arg8[%parallel_loop3A_963, %parallel_loop3A_964, %parallel_loop3A_965] {strides = array<i32>} : memref<2x32x128xf32, #tpu.memory_space<vmem>>, vector<16xf32>,
        tpu.vector_store %arg8[%parallel_loop3A_963, %parallel_loop3A_964, %parallel_loop3A_965], %parallel_loop3A_903 {strides = array<i32>} : memref<2x32x128xf32, #tpu.memory_space<vmem>>, vector<16xf32>,
        %parallel_loop3A_967 = arith.constant 1 : i32
        %parallel_loop3A_968 = arith.constant 19 : i32
        %parallel_loop3A_969 = arith.index_cast %parallel_loop3A_967 : i32 to index
        %parallel_loop3A_970 = arith.index_cast %parallel_loop3A_968 : i32 to index
        %parallel_loop3A_971 = arith.index_cast %parallel_loop3A_624 : i32 to index
        %parallel_loop3A_972 = tpu.vector_load %arg8[%parallel_loop3A_969, %parallel_loop3A_970, %parallel_loop3A_971] {strides = array<i32>} : memref<2x32x128xf32, #tpu.memory_space<vmem>>, vector<16xf32>,
        tpu.vector_store %arg8[%parallel_loop3A_969, %parallel_loop3A_970, %parallel_loop3A_971], %parallel_loop3A_912 {strides = array<i32>} : memref<2x32x128xf32, #tpu.memory_space<vmem>>, vector<16xf32>,
        %parallel_loop3A_973 = arith.constant 1 : i32
        %parallel_loop3A_974 = arith.constant 20 : i32
        %parallel_loop3A_975 = arith.index_cast %parallel_loop3A_973 : i32 to index
        %parallel_loop3A_976 = arith.index_cast %parallel_loop3A_974 : i32 to index
        %parallel_loop3A_977 = arith.index_cast %parallel_loop3A_624 : i32 to index
        %parallel_loop3A_978 = tpu.vector_load %arg8[%parallel_loop3A_975, %parallel_loop3A_976, %parallel_loop3A_977] {strides = array<i32>} : memref<2x32x128xf32, #tpu.memory_space<vmem>>, vector<16xf32>,
        tpu.vector_store %arg8[%parallel_loop3A_975, %parallel_loop3A_976, %parallel_loop3A_977], %parallel_loop3A_921 {strides = array<i32>} : memref<2x32x128xf32, #tpu.memory_space<vmem>>, vector<16xf32>,
        %parallel_loop3A_979 = arith.constant 1 : i32
        %parallel_loop3A_980 = arith.constant 21 : i32
        %parallel_loop3A_981 = arith.index_cast %parallel_loop3A_979 : i32 to index
        %parallel_loop3A_982 = arith.index_cast %parallel_loop3A_980 : i32 to index
        %parallel_loop3A_983 = arith.index_cast %parallel_loop3A_624 : i32 to index
        %parallel_loop3A_984 = tpu.vector_load %arg8[%parallel_loop3A_981, %parallel_loop3A_982, %parallel_loop3A_983] {strides = array<i32>} : memref<2x32x128xf32, #tpu.memory_space<vmem>>, vector<16xf32>,
        tpu.vector_store %arg8[%parallel_loop3A_981, %parallel_loop3A_982, %parallel_loop3A_983], %parallel_loop3A_930 {strides = array<i32>} : memref<2x32x128xf32, #tpu.memory_space<vmem>>, vector<16xf32>,
        %parallel_loop3A_985 = arith.constant 1 : i32
        %parallel_loop3A_986 = arith.constant 22 : i32
        %parallel_loop3A_987 = arith.index_cast %parallel_loop3A_985 : i32 to index
        %parallel_loop3A_988 = arith.index_cast %parallel_loop3A_986 : i32 to index
        %parallel_loop3A_989 = arith.index_cast %parallel_loop3A_624 : i32 to index
        %parallel_loop3A_990 = tpu.vector_load %arg8[%parallel_loop3A_987, %parallel_loop3A_988, %parallel_loop3A_989] {strides = array<i32>} : memref<2x32x128xf32, #tpu.memory_space<vmem>>, vector<16xf32>,
        tpu.vector_store %arg8[%parallel_loop3A_987, %parallel_loop3A_988, %parallel_loop3A_989], %parallel_loop3A_939 {strides = array<i32>} : memref<2x32x128xf32, #tpu.memory_space<vmem>>, vector<16xf32>,
        %parallel_loop3A_991 = arith.constant 1 : i32
        %parallel_loop3A_992 = arith.constant 23 : i32
        %parallel_loop3A_993 = arith.index_cast %parallel_loop3A_991 : i32 to index
        %parallel_loop3A_994 = arith.index_cast %parallel_loop3A_992 : i32 to index
        %parallel_loop3A_995 = arith.index_cast %parallel_loop3A_624 : i32 to index
        %parallel_loop3A_996 = tpu.vector_load %arg8[%parallel_loop3A_993, %parallel_loop3A_994, %parallel_loop3A_995] {strides = array<i32>} : memref<2x32x128xf32, #tpu.memory_space<vmem>>, vector<16xf32>,
        tpu.vector_store %arg8[%parallel_loop3A_993, %parallel_loop3A_994, %parallel_loop3A_995], %parallel_loop3A_948 {strides = array<i32>} : memref<2x32x128xf32, #tpu.memory_space<vmem>>, vector<16xf32>,
        %parallel_loop3A_997 = arith.constant 24 : i32
        %parallel_loop3A_998 = vector.broadcast %parallel_loop3A_997 : i32 to vector<16xi32>
        %parallel_loop3A_999 = arith.addi %parallel_loop3A_636, %parallel_loop3A_998 : vector<16xi32>
        %parallel_loop3A_1000 = arith.constant 3 : i32
        %parallel_loop3A_1001 = arith.constant 0 : i32
        %parallel_loop3A_1002 = arith.constant 0 : i32
        %parallel_loop3A_1003 = tpu.memref_slice %arg7[%parallel_loop3A_1000, %parallel_loop3A_1001, %parallel_loop3A_1002] : memref<4x128x128xf32, #tpu.memory_space<vmem>> -> memref<1x128x128xf32, #tpu.memory_space<vmem>>
        %parallel_loop3A_1004 = tpu.memref_squeeze %parallel_loop3A_1003 : memref<1x128x128xf32, #tpu.memory_space<vmem>> -> memref<128x128xf32, #tpu.memory_space<vmem>>
        %parallel_loop3A_1005 = tpu.vector_load_idx %parallel_loop3A_1004[%parallel_loop3A_626, %parallel_loop3A_999] : memref<128x128xf32, #tpu.memory_space<vmem>>[vector<16xi32>, vector<16xi32>], vector<16xf32>,
        %parallel_loop3A_1006 = arith.constant 25 : i32
        %parallel_loop3A_1007 = vector.broadcast %parallel_loop3A_1006 : i32 to vector<16xi32>
        %parallel_loop3A_1008 = arith.addi %parallel_loop3A_636, %parallel_loop3A_1007 : vector<16xi32>
        %parallel_loop3A_1009 = arith.constant 3 : i32
        %parallel_loop3A_1010 = arith.constant 0 : i32
        %parallel_loop3A_1011 = arith.constant 0 : i32
        %parallel_loop3A_1012 = tpu.memref_slice %arg7[%parallel_loop3A_1009, %parallel_loop3A_1010, %parallel_loop3A_1011] : memref<4x128x128xf32, #tpu.memory_space<vmem>> -> memref<1x128x128xf32, #tpu.memory_space<vmem>>
        %parallel_loop3A_1013 = tpu.memref_squeeze %parallel_loop3A_1012 : memref<1x128x128xf32, #tpu.memory_space<vmem>> -> memref<128x128xf32, #tpu.memory_space<vmem>>
        %parallel_loop3A_1014 = tpu.vector_load_idx %parallel_loop3A_1013[%parallel_loop3A_626, %parallel_loop3A_1008] : memref<128x128xf32, #tpu.memory_space<vmem>>[vector<16xi32>, vector<16xi32>], vector<16xf32>,
        %parallel_loop3A_1015 = arith.constant 26 : i32
        %parallel_loop3A_1016 = vector.broadcast %parallel_loop3A_1015 : i32 to vector<16xi32>
        %parallel_loop3A_1017 = arith.addi %parallel_loop3A_636, %parallel_loop3A_1016 : vector<16xi32>
        %parallel_loop3A_1018 = arith.constant 3 : i32
        %parallel_loop3A_1019 = arith.constant 0 : i32
        %parallel_loop3A_1020 = arith.constant 0 : i32
        %parallel_loop3A_1021 = tpu.memref_slice %arg7[%parallel_loop3A_1018, %parallel_loop3A_1019, %parallel_loop3A_1020] : memref<4x128x128xf32, #tpu.memory_space<vmem>> -> memref<1x128x128xf32, #tpu.memory_space<vmem>>
        %parallel_loop3A_1022 = tpu.memref_squeeze %parallel_loop3A_1021 : memref<1x128x128xf32, #tpu.memory_space<vmem>> -> memref<128x128xf32, #tpu.memory_space<vmem>>
        %parallel_loop3A_1023 = tpu.vector_load_idx %parallel_loop3A_1022[%parallel_loop3A_626, %parallel_loop3A_1017] : memref<128x128xf32, #tpu.memory_space<vmem>>[vector<16xi32>, vector<16xi32>], vector<16xf32>,
        %parallel_loop3A_1024 = arith.constant 27 : i32
        %parallel_loop3A_1025 = vector.broadcast %parallel_loop3A_1024 : i32 to vector<16xi32>
        %parallel_loop3A_1026 = arith.addi %parallel_loop3A_636, %parallel_loop3A_1025 : vector<16xi32>
        %parallel_loop3A_1027 = arith.constant 3 : i32
        %parallel_loop3A_1028 = arith.constant 0 : i32
        %parallel_loop3A_1029 = arith.constant 0 : i32
        %parallel_loop3A_1030 = tpu.memref_slice %arg7[%parallel_loop3A_1027, %parallel_loop3A_1028, %parallel_loop3A_1029] : memref<4x128x128xf32, #tpu.memory_space<vmem>> -> memref<1x128x128xf32, #tpu.memory_space<vmem>>
        %parallel_loop3A_1031 = tpu.memref_squeeze %parallel_loop3A_1030 : memref<1x128x128xf32, #tpu.memory_space<vmem>> -> memref<128x128xf32, #tpu.memory_space<vmem>>
        %parallel_loop3A_1032 = tpu.vector_load_idx %parallel_loop3A_1031[%parallel_loop3A_626, %parallel_loop3A_1026] : memref<128x128xf32, #tpu.memory_space<vmem>>[vector<16xi32>, vector<16xi32>], vector<16xf32>,
        %parallel_loop3A_1033 = arith.constant 28 : i32
        %parallel_loop3A_1034 = vector.broadcast %parallel_loop3A_1033 : i32 to vector<16xi32>
        %parallel_loop3A_1035 = arith.addi %parallel_loop3A_636, %parallel_loop3A_1034 : vector<16xi32>
        %parallel_loop3A_1036 = arith.constant 3 : i32
        %parallel_loop3A_1037 = arith.constant 0 : i32
        %parallel_loop3A_1038 = arith.constant 0 : i32
        %parallel_loop3A_1039 = tpu.memref_slice %arg7[%parallel_loop3A_1036, %parallel_loop3A_1037, %parallel_loop3A_1038] : memref<4x128x128xf32, #tpu.memory_space<vmem>> -> memref<1x128x128xf32, #tpu.memory_space<vmem>>
        %parallel_loop3A_1040 = tpu.memref_squeeze %parallel_loop3A_1039 : memref<1x128x128xf32, #tpu.memory_space<vmem>> -> memref<128x128xf32, #tpu.memory_space<vmem>>
        %parallel_loop3A_1041 = tpu.vector_load_idx %parallel_loop3A_1040[%parallel_loop3A_626, %parallel_loop3A_1035] : memref<128x128xf32, #tpu.memory_space<vmem>>[vector<16xi32>, vector<16xi32>], vector<16xf32>,
        %parallel_loop3A_1042 = arith.constant 29 : i32
        %parallel_loop3A_1043 = vector.broadcast %parallel_loop3A_1042 : i32 to vector<16xi32>
        %parallel_loop3A_1044 = arith.addi %parallel_loop3A_636, %parallel_loop3A_1043 : vector<16xi32>
        %parallel_loop3A_1045 = arith.constant 3 : i32
        %parallel_loop3A_1046 = arith.constant 0 : i32
        %parallel_loop3A_1047 = arith.constant 0 : i32
        %parallel_loop3A_1048 = tpu.memref_slice %arg7[%parallel_loop3A_1045, %parallel_loop3A_1046, %parallel_loop3A_1047] : memref<4x128x128xf32, #tpu.memory_space<vmem>> -> memref<1x128x128xf32, #tpu.memory_space<vmem>>
        %parallel_loop3A_1049 = tpu.memref_squeeze %parallel_loop3A_1048 : memref<1x128x128xf32, #tpu.memory_space<vmem>> -> memref<128x128xf32, #tpu.memory_space<vmem>>
        %parallel_loop3A_1050 = tpu.vector_load_idx %parallel_loop3A_1049[%parallel_loop3A_626, %parallel_loop3A_1044] : memref<128x128xf32, #tpu.memory_space<vmem>>[vector<16xi32>, vector<16xi32>], vector<16xf32>,
        %parallel_loop3A_1051 = arith.constant 30 : i32
        %parallel_loop3A_1052 = vector.broadcast %parallel_loop3A_1051 : i32 to vector<16xi32>
        %parallel_loop3A_1053 = arith.addi %parallel_loop3A_636, %parallel_loop3A_1052 : vector<16xi32>
        %parallel_loop3A_1054 = arith.constant 3 : i32
        %parallel_loop3A_1055 = arith.constant 0 : i32
        %parallel_loop3A_1056 = arith.constant 0 : i32
        %parallel_loop3A_1057 = tpu.memref_slice %arg7[%parallel_loop3A_1054, %parallel_loop3A_1055, %parallel_loop3A_1056] : memref<4x128x128xf32, #tpu.memory_space<vmem>> -> memref<1x128x128xf32, #tpu.memory_space<vmem>>
        %parallel_loop3A_1058 = tpu.memref_squeeze %parallel_loop3A_1057 : memref<1x128x128xf32, #tpu.memory_space<vmem>> -> memref<128x128xf32, #tpu.memory_space<vmem>>
        %parallel_loop3A_1059 = tpu.vector_load_idx %parallel_loop3A_1058[%parallel_loop3A_626, %parallel_loop3A_1053] : memref<128x128xf32, #tpu.memory_space<vmem>>[vector<16xi32>, vector<16xi32>], vector<16xf32>,
        %parallel_loop3A_1060 = arith.constant 31 : i32
        %parallel_loop3A_1061 = vector.broadcast %parallel_loop3A_1060 : i32 to vector<16xi32>
        %parallel_loop3A_1062 = arith.addi %parallel_loop3A_636, %parallel_loop3A_1061 : vector<16xi32>
        %parallel_loop3A_1063 = arith.constant 3 : i32
        %parallel_loop3A_1064 = arith.constant 0 : i32
        %parallel_loop3A_1065 = arith.constant 0 : i32
        %parallel_loop3A_1066 = tpu.memref_slice %arg7[%parallel_loop3A_1063, %parallel_loop3A_1064, %parallel_loop3A_1065] : memref<4x128x128xf32, #tpu.memory_space<vmem>> -> memref<1x128x128xf32, #tpu.memory_space<vmem>>
        %parallel_loop3A_1067 = tpu.memref_squeeze %parallel_loop3A_1066 : memref<1x128x128xf32, #tpu.memory_space<vmem>> -> memref<128x128xf32, #tpu.memory_space<vmem>>
        %parallel_loop3A_1068 = tpu.vector_load_idx %parallel_loop3A_1067[%parallel_loop3A_626, %parallel_loop3A_1062] : memref<128x128xf32, #tpu.memory_space<vmem>>[vector<16xi32>, vector<16xi32>], vector<16xf32>,
        %parallel_loop3A_1069 = arith.constant 1 : i32
        %parallel_loop3A_1070 = arith.constant 24 : i32
        %parallel_loop3A_1071 = arith.index_cast %parallel_loop3A_1069 : i32 to index
        %parallel_loop3A_1072 = arith.index_cast %parallel_loop3A_1070 : i32 to index
        %parallel_loop3A_1073 = arith.index_cast %parallel_loop3A_624 : i32 to index
        %parallel_loop3A_1074 = tpu.vector_load %arg8[%parallel_loop3A_1071, %parallel_loop3A_1072, %parallel_loop3A_1073] {strides = array<i32>} : memref<2x32x128xf32, #tpu.memory_space<vmem>>, vector<16xf32>,
        tpu.vector_store %arg8[%parallel_loop3A_1071, %parallel_loop3A_1072, %parallel_loop3A_1073], %parallel_loop3A_1005 {strides = array<i32>} : memref<2x32x128xf32, #tpu.memory_space<vmem>>, vector<16xf32>,
        %parallel_loop3A_1075 = arith.constant 1 : i32
        %parallel_loop3A_1076 = arith.constant 25 : i32
        %parallel_loop3A_1077 = arith.index_cast %parallel_loop3A_1075 : i32 to index
        %parallel_loop3A_1078 = arith.index_cast %parallel_loop3A_1076 : i32 to index
        %parallel_loop3A_1079 = arith.index_cast %parallel_loop3A_624 : i32 to index
        %parallel_loop3A_1080 = tpu.vector_load %arg8[%parallel_loop3A_1077, %parallel_loop3A_1078, %parallel_loop3A_1079] {strides = array<i32>} : memref<2x32x128xf32, #tpu.memory_space<vmem>>, vector<16xf32>,
        tpu.vector_store %arg8[%parallel_loop3A_1077, %parallel_loop3A_1078, %parallel_loop3A_1079], %parallel_loop3A_1014 {strides = array<i32>} : memref<2x32x128xf32, #tpu.memory_space<vmem>>, vector<16xf32>,
        %parallel_loop3A_1081 = arith.constant 1 : i32
        %parallel_loop3A_1082 = arith.constant 26 : i32
        %parallel_loop3A_1083 = arith.index_cast %parallel_loop3A_1081 : i32 to index
        %parallel_loop3A_1084 = arith.index_cast %parallel_loop3A_1082 : i32 to index
        %parallel_loop3A_1085 = arith.index_cast %parallel_loop3A_624 : i32 to index
        %parallel_loop3A_1086 = tpu.vector_load %arg8[%parallel_loop3A_1083, %parallel_loop3A_1084, %parallel_loop3A_1085] {strides = array<i32>} : memref<2x32x128xf32, #tpu.memory_space<vmem>>, vector<16xf32>,
        tpu.vector_store %arg8[%parallel_loop3A_1083, %parallel_loop3A_1084, %parallel_loop3A_1085], %parallel_loop3A_1023 {strides = array<i32>} : memref<2x32x128xf32, #tpu.memory_space<vmem>>, vector<16xf32>,
        %parallel_loop3A_1087 = arith.constant 1 : i32
        %parallel_loop3A_1088 = arith.constant 27 : i32
        %parallel_loop3A_1089 = arith.index_cast %parallel_loop3A_1087 : i32 to index
        %parallel_loop3A_1090 = arith.index_cast %parallel_loop3A_1088 : i32 to index
        %parallel_loop3A_1091 = arith.index_cast %parallel_loop3A_624 : i32 to index
        %parallel_loop3A_1092 = tpu.vector_load %arg8[%parallel_loop3A_1089, %parallel_loop3A_1090, %parallel_loop3A_1091] {strides = array<i32>} : memref<2x32x128xf32, #tpu.memory_space<vmem>>, vector<16xf32>,
        tpu.vector_store %arg8[%parallel_loop3A_1089, %parallel_loop3A_1090, %parallel_loop3A_1091], %parallel_loop3A_1032 {strides = array<i32>} : memref<2x32x128xf32, #tpu.memory_space<vmem>>, vector<16xf32>,
        %parallel_loop3A_1093 = arith.constant 1 : i32
        %parallel_loop3A_1094 = arith.constant 28 : i32
        %parallel_loop3A_1095 = arith.index_cast %parallel_loop3A_1093 : i32 to index
        %parallel_loop3A_1096 = arith.index_cast %parallel_loop3A_1094 : i32 to index
        %parallel_loop3A_1097 = arith.index_cast %parallel_loop3A_624 : i32 to index
        %parallel_loop3A_1098 = tpu.vector_load %arg8[%parallel_loop3A_1095, %parallel_loop3A_1096, %parallel_loop3A_1097] {strides = array<i32>} : memref<2x32x128xf32, #tpu.memory_space<vmem>>, vector<16xf32>,
        tpu.vector_store %arg8[%parallel_loop3A_1095, %parallel_loop3A_1096, %parallel_loop3A_1097], %parallel_loop3A_1041 {strides = array<i32>} : memref<2x32x128xf32, #tpu.memory_space<vmem>>, vector<16xf32>,
        %parallel_loop3A_1099 = arith.constant 1 : i32
        %parallel_loop3A_1100 = arith.constant 29 : i32
        %parallel_loop3A_1101 = arith.index_cast %parallel_loop3A_1099 : i32 to index
        %parallel_loop3A_1102 = arith.index_cast %parallel_loop3A_1100 : i32 to index
        %parallel_loop3A_1103 = arith.index_cast %parallel_loop3A_624 : i32 to index
        %parallel_loop3A_1104 = tpu.vector_load %arg8[%parallel_loop3A_1101, %parallel_loop3A_1102, %parallel_loop3A_1103] {strides = array<i32>} : memref<2x32x128xf32, #tpu.memory_space<vmem>>, vector<16xf32>,
        tpu.vector_store %arg8[%parallel_loop3A_1101, %parallel_loop3A_1102, %parallel_loop3A_1103], %parallel_loop3A_1050 {strides = array<i32>} : memref<2x32x128xf32, #tpu.memory_space<vmem>>, vector<16xf32>,
        %parallel_loop3A_1105 = arith.constant 1 : i32
        %parallel_loop3A_1106 = arith.constant 30 : i32
        %parallel_loop3A_1107 = arith.index_cast %parallel_loop3A_1105 : i32 to index
        %parallel_loop3A_1108 = arith.index_cast %parallel_loop3A_1106 : i32 to index
        %parallel_loop3A_1109 = arith.index_cast %parallel_loop3A_624 : i32 to index
        %parallel_loop3A_1110 = tpu.vector_load %arg8[%parallel_loop3A_1107, %parallel_loop3A_1108, %parallel_loop3A_1109] {strides = array<i32>} : memref<2x32x128xf32, #tpu.memory_space<vmem>>, vector<16xf32>,
        tpu.vector_store %arg8[%parallel_loop3A_1107, %parallel_loop3A_1108, %parallel_loop3A_1109], %parallel_loop3A_1059 {strides = array<i32>} : memref<2x32x128xf32, #tpu.memory_space<vmem>>, vector<16xf32>,
        %parallel_loop3A_1111 = arith.constant 1 : i32
        %parallel_loop3A_1112 = arith.constant 31 : i32
        %parallel_loop3A_1113 = arith.index_cast %parallel_loop3A_1111 : i32 to index
        %parallel_loop3A_1114 = arith.index_cast %parallel_loop3A_1112 : i32 to index
        %parallel_loop3A_1115 = arith.index_cast %parallel_loop3A_624 : i32 to index
        %parallel_loop3A_1116 = tpu.vector_load %arg8[%parallel_loop3A_1113, %parallel_loop3A_1114, %parallel_loop3A_1115] {strides = array<i32>} : memref<2x32x128xf32, #tpu.memory_space<vmem>>, vector<16xf32>,
        tpu.vector_store %arg8[%parallel_loop3A_1113, %parallel_loop3A_1114, %parallel_loop3A_1115], %parallel_loop3A_1068 {strides = array<i32>} : memref<2x32x128xf32, #tpu.memory_space<vmem>>, vector<16xf32>,
      } {sc.loop_unroll_factor = 2 : i64, sc.parallel_access}
      %add3A_592 = arith.addi %mul3A_2, %add3A_544 : i32
      %shift_right_arithmetic3A_593 = arith.constant 5 : i32
      %shift_right_arithmetic3A_594 = arith.shrsi %add3A_592, %shift_right_arithmetic3A_593 : i32
      %and3A_595 = arith.constant 31 : i32
      %and3A_596 = arith.andi %add3A_592, %and3A_595 : i32
      %mul3A_597 = arith.constant 128 : i32
      %mul3A_598 = arith.muli %and3A_596, %mul3A_597 : i32
      %dma_start3A_599 = arith.constant 1 : i32
      %dma_start3A_600 = arith.constant 1 : i32
      %dma_start3A_601 = arith.constant 0 : i32
      %dma_start3A_602 = arith.constant 0 : i32
      %dma_start3A_603 = tpu.memref_slice %arg8[%dma_start3A_599, %dma_start3A_601, %dma_start3A_602] : memref<2x32x128xf32, #tpu.memory_space<vmem>> -> memref<1x32x128xf32, #tpu.memory_space<vmem>>
      %dma_start3A_604 = tpu.memref_squeeze %dma_start3A_603 : memref<1x32x128xf32, #tpu.memory_space<vmem>> -> memref<32x128xf32, #tpu.memory_space<vmem>>
      %dma_start3A_605 = arith.constant 0 : i32
      %dma_start3A_606 = tpu.memref_slice %arg4[%shift_right_arithmetic3A_594, %dma_start3A_605, %mul3A_598] : memref<200x32x4096xf32, #tpu.memory_space<hbm>> -> memref<1x32x128xf32, #tpu.memory_space<hbm>>
      %dma_start3A_607 = tpu.memref_squeeze %dma_start3A_606 : memref<1x32x128xf32, #tpu.memory_space<hbm>> -> memref<32x128xf32, #tpu.memory_space<hbm>>
      %dma_start3A_608 = tpu.memref_slice %arg10[%dma_start3A_600] : memref<2x!tpu.dma_semaphore, #tpu.memory_space<semaphore_mem>> -> memref<1x!tpu.dma_semaphore, #tpu.memory_space<semaphore_mem>>
      %dma_start3A_609 = tpu.memref_squeeze %dma_start3A_608 : memref<1x!tpu.dma_semaphore, #tpu.memory_space<semaphore_mem>> -> memref<!tpu.dma_semaphore, #tpu.memory_space<semaphore_mem>>
      %dma_start3A_610 = arith.constant 0 : i32
      %dma_start3A_611 = tpu.memref_slice %arg4[%shift_right_arithmetic3A_594, %dma_start3A_610, %mul3A_598] : memref<200x32x4096xf32, #tpu.memory_space<hbm>> -> memref<1x32x128xf32, #tpu.memory_space<hbm>>
      %dma_start3A_612 = tpu.memref_squeeze %dma_start3A_611 : memref<1x32x128xf32, #tpu.memory_space<hbm>> -> memref<32x128xf32, #tpu.memory_space<hbm>>
      %dma_start3A_613 = arith.constant 0 : i32
      %dma_start3A_614 = arith.constant 0 : i32
      %dma_start3A_615 = tpu.memref_slice %arg8[%dma_start3A_599, %dma_start3A_613, %dma_start3A_614] : memref<2x32x128xf32, #tpu.memory_space<vmem>> -> memref<1x32x128xf32, #tpu.memory_space<vmem>>
      %dma_start3A_616 = tpu.memref_squeeze %dma_start3A_615 : memref<1x32x128xf32, #tpu.memory_space<vmem>> -> memref<32x128xf32, #tpu.memory_space<vmem>>
      tpu.enqueue_dma source(%dma_start3A_616 : memref<32x128xf32, #tpu.memory_space<vmem>>) target(%dma_start3A_612 : memref<32x128xf32, #tpu.memory_space<hbm>>) target_semaphore(%dma_start3A_609 : memref<!tpu.dma_semaphore, #tpu.memory_space<semaphore_mem>>)
      %add3A_617 = arith.constant 4 : i32
      %add3A_618 = arith.addi %add3A_544, %add3A_617 : i32
      %lt3A_619 = arith.constant 200 : i32
      %lt3A_620 = arith.cmpi slt, %add3A_618, %lt3A_619 : i32
      %convert_element_type3A_621 = arith.extui %lt3A_620 : i1 to i32
      %cond3A_622 = arith.constant 0 : i32
      %cond3A_623 = arith.cmpi ne, %convert_element_type3A_621, %cond3A_622 : i32
      scf.if %cond3A_623 {
        %add3A_624 = arith.constant 4 : i32
        %add3A_625 = arith.addi %add3A_544, %add3A_624 : i32
        %add3A_626 = arith.addi %mul3A_2, %add3A_625 : i32
        %shift_right_arithmetic3A_627 = arith.constant 5 : i32
        %shift_right_arithmetic3A_628 = arith.shrsi %add3A_626, %shift_right_arithmetic3A_627 : i32
        %and3A_629 = arith.constant 31 : i32
        %and3A_630 = arith.andi %add3A_626, %and3A_629 : i32
        %mul3A_631 = arith.constant 128 : i32
        %mul3A_632 = arith.muli %and3A_630, %mul3A_631 : i32
        %dma_start3A_633 = arith.constant 3 : i32
        %dma_start3A_634 = arith.constant 3 : i32
        %dma_start3A_635 = arith.constant 0 : i32
        %dma_start3A_636 = tpu.memref_slice %arg5[%dma_start3A_633, %dma_start3A_635] : memref<4x128xi32, #tpu.memory_space<vmem>> -> memref<1x128xi32, #tpu.memory_space<vmem>>
        %dma_start3A_637 = tpu.memref_squeeze %dma_start3A_636 : memref<1x128xi32, #tpu.memory_space<vmem>> -> memref<128xi32, #tpu.memory_space<vmem>>
        %dma_start3A_638 = tpu.memref_slice %arg3[%shift_right_arithmetic3A_628, %mul3A_632] : memref<200x4096xi32, #tpu.memory_space<hbm>> -> memref<1x128xi32, #tpu.memory_space<hbm>>
        %dma_start3A_639 = tpu.memref_squeeze %dma_start3A_638 : memref<1x128xi32, #tpu.memory_space<hbm>> -> memref<128xi32, #tpu.memory_space<hbm>>
        %dma_start3A_640 = tpu.memref_slice %arg11[%dma_start3A_634] : memref<4x!tpu.dma_semaphore, #tpu.memory_space<semaphore_mem>> -> memref<1x!tpu.dma_semaphore, #tpu.memory_space<semaphore_mem>>
        %dma_start3A_641 = tpu.memref_squeeze %dma_start3A_640 : memref<1x!tpu.dma_semaphore, #tpu.memory_space<semaphore_mem>> -> memref<!tpu.dma_semaphore, #tpu.memory_space<semaphore_mem>>
        %dma_start3A_642 = arith.constant 0 : i32
        %dma_start3A_643 = tpu.memref_slice %arg5[%dma_start3A_633, %dma_start3A_642] : memref<4x128xi32, #tpu.memory_space<vmem>> -> memref<1x128xi32, #tpu.memory_space<vmem>>
        %dma_start3A_644 = tpu.memref_squeeze %dma_start3A_643 : memref<1x128xi32, #tpu.memory_space<vmem>> -> memref<128xi32, #tpu.memory_space<vmem>>
        %dma_start3A_645 = tpu.memref_slice %arg3[%shift_right_arithmetic3A_628, %mul3A_632] : memref<200x4096xi32, #tpu.memory_space<hbm>> -> memref<1x128xi32, #tpu.memory_space<hbm>>
        %dma_start3A_646 = tpu.memref_squeeze %dma_start3A_645 : memref<1x128xi32, #tpu.memory_space<hbm>> -> memref<128xi32, #tpu.memory_space<hbm>>
        tpu.enqueue_dma source(%dma_start3A_646 : memref<128xi32, #tpu.memory_space<hbm>>) target(%dma_start3A_644 : memref<128xi32, #tpu.memory_space<vmem>>) target_semaphore(%dma_start3A_641 : memref<!tpu.dma_semaphore, #tpu.memory_space<semaphore_mem>>)
      } else {
      }
    }
    %scan3A_239 = arith.constant 50 : i32
    %add3A_240 = arith.constant 0 : i32
    %add3A_241 = arith.addi %mul3A_2, %add3A_240 : i32
    %shift_right_arithmetic3A_242 = arith.constant 5 : i32
    %shift_right_arithmetic3A_243 = arith.shrsi %add3A_241, %shift_right_arithmetic3A_242 : i32
    %and3A_244 = arith.constant 31 : i32
    %and3A_245 = arith.andi %add3A_241, %and3A_244 : i32
    %mul3A_246 = arith.constant 128 : i32
    %mul3A_247 = arith.muli %and3A_245, %mul3A_246 : i32
    %dma_wait3A_248 = arith.constant 0 : i32
    %dma_wait3A_249 = arith.constant 0 : i32
    %dma_wait3A_250 = arith.constant 0 : i32
    %dma_wait3A_251 = arith.constant 0 : i32
    %dma_wait3A_252 = tpu.memref_slice %arg8[%dma_wait3A_248, %dma_wait3A_250, %dma_wait3A_251] : memref<2x32x128xf32, #tpu.memory_space<vmem>> -> memref<1x32x128xf32, #tpu.memory_space<vmem>>
    %dma_wait3A_253 = tpu.memref_squeeze %dma_wait3A_252 : memref<1x32x128xf32, #tpu.memory_space<vmem>> -> memref<32x128xf32, #tpu.memory_space<vmem>>
    %dma_wait3A_254 = arith.constant 0 : i32
    %dma_wait3A_255 = tpu.memref_slice %arg4[%shift_right_arithmetic3A_243, %dma_wait3A_254, %mul3A_247] : memref<200x32x4096xf32, #tpu.memory_space<hbm>> -> memref<1x32x128xf32, #tpu.memory_space<hbm>>
    %dma_wait3A_256 = tpu.memref_squeeze %dma_wait3A_255 : memref<1x32x128xf32, #tpu.memory_space<hbm>> -> memref<32x128xf32, #tpu.memory_space<hbm>>
    %dma_wait3A_257 = tpu.memref_slice %arg10[%dma_wait3A_249] : memref<2x!tpu.dma_semaphore, #tpu.memory_space<semaphore_mem>> -> memref<1x!tpu.dma_semaphore, #tpu.memory_space<semaphore_mem>>
    %dma_wait3A_258 = tpu.memref_squeeze %dma_wait3A_257 : memref<1x!tpu.dma_semaphore, #tpu.memory_space<semaphore_mem>> -> memref<!tpu.dma_semaphore, #tpu.memory_space<semaphore_mem>>
    %dma_wait3A_259 = arith.constant 0 : i32
    %dma_wait3A_260 = tpu.memref_slice %arg4[%shift_right_arithmetic3A_243, %dma_wait3A_259, %mul3A_247] : memref<200x32x4096xf32, #tpu.memory_space<hbm>> -> memref<1x32x128xf32, #tpu.memory_space<hbm>>
    %dma_wait3A_261 = tpu.memref_squeeze %dma_wait3A_260 : memref<1x32x128xf32, #tpu.memory_space<hbm>> -> memref<32x128xf32, #tpu.memory_space<hbm>>
    %dma_wait3A_262 = arith.constant 0 : i32
    %dma_wait3A_263 = arith.constant 0 : i32
    %dma_wait3A_264 = tpu.memref_slice %arg8[%dma_wait3A_248, %dma_wait3A_262, %dma_wait3A_263] : memref<2x32x128xf32, #tpu.memory_space<vmem>> -> memref<1x32x128xf32, #tpu.memory_space<vmem>>
    %dma_wait3A_265 = tpu.memref_squeeze %dma_wait3A_264 : memref<1x32x128xf32, #tpu.memory_space<vmem>> -> memref<32x128xf32, #tpu.memory_space<vmem>>
    tpu.wait_dma2 semaphore(%dma_wait3A_258 : memref<!tpu.dma_semaphore, #tpu.memory_space<semaphore_mem>>) src(%dma_wait3A_265 : memref<32x128xf32, #tpu.memory_space<vmem>>) dst(%dma_wait3A_261 : memref<32x128xf32, #tpu.memory_space<hbm>>)
    %add3A_266 = arith.constant 0 : i32
    %add3A_267 = arith.addi %mul3A_2, %add3A_266 : i32
    %shift_right_arithmetic3A_268 = arith.constant 5 : i32
    %shift_right_arithmetic3A_269 = arith.shrsi %add3A_267, %shift_right_arithmetic3A_268 : i32
    %and3A_270 = arith.constant 31 : i32
    %and3A_271 = arith.andi %add3A_267, %and3A_270 : i32
    %mul3A_272 = arith.constant 128 : i32
    %mul3A_273 = arith.muli %and3A_271, %mul3A_272 : i32
    %dma_wait3A_274 = arith.constant 1 : i32
    %dma_wait3A_275 = arith.constant 1 : i32
    %dma_wait3A_276 = arith.constant 0 : i32
    %dma_wait3A_277 = arith.constant 0 : i32
    %dma_wait3A_278 = tpu.memref_slice %arg8[%dma_wait3A_274, %dma_wait3A_276, %dma_wait3A_277] : memref<2x32x128xf32, #tpu.memory_space<vmem>> -> memref<1x32x128xf32, #tpu.memory_space<vmem>>
    %dma_wait3A_279 = tpu.memref_squeeze %dma_wait3A_278 : memref<1x32x128xf32, #tpu.memory_space<vmem>> -> memref<32x128xf32, #tpu.memory_space<vmem>>
    %dma_wait3A_280 = arith.constant 0 : i32
    %dma_wait3A_281 = tpu.memref_slice %arg4[%shift_right_arithmetic3A_269, %dma_wait3A_280, %mul3A_273] : memref<200x32x4096xf32, #tpu.memory_space<hbm>> -> memref<1x32x128xf32, #tpu.memory_space<hbm>>
    %dma_wait3A_282 = tpu.memref_squeeze %dma_wait3A_281 : memref<1x32x128xf32, #tpu.memory_space<hbm>> -> memref<32x128xf32, #tpu.memory_space<hbm>>
    %dma_wait3A_283 = tpu.memref_slice %arg10[%dma_wait3A_275] : memref<2x!tpu.dma_semaphore, #tpu.memory_space<semaphore_mem>> -> memref<1x!tpu.dma_semaphore, #tpu.memory_space<semaphore_mem>>
    %dma_wait3A_284 = tpu.memref_squeeze %dma_wait3A_283 : memref<1x!tpu.dma_semaphore, #tpu.memory_space<semaphore_mem>> -> memref<!tpu.dma_semaphore, #tpu.memory_space<semaphore_mem>>
    %dma_wait3A_285 = arith.constant 0 : i32
    %dma_wait3A_286 = tpu.memref_slice %arg4[%shift_right_arithmetic3A_269, %dma_wait3A_285, %mul3A_273] : memref<200x32x4096xf32, #tpu.memory_space<hbm>> -> memref<1x32x128xf32, #tpu.memory_space<hbm>>
    %dma_wait3A_287 = tpu.memref_squeeze %dma_wait3A_286 : memref<1x32x128xf32, #tpu.memory_space<hbm>> -> memref<32x128xf32, #tpu.memory_space<hbm>>
    %dma_wait3A_288 = arith.constant 0 : i32
    %dma_wait3A_289 = arith.constant 0 : i32
    %dma_wait3A_290 = tpu.memref_slice %arg8[%dma_wait3A_274, %dma_wait3A_288, %dma_wait3A_289] : memref<2x32x128xf32, #tpu.memory_space<vmem>> -> memref<1x32x128xf32, #tpu.memory_space<vmem>>
    %dma_wait3A_291 = tpu.memref_squeeze %dma_wait3A_290 : memref<1x32x128xf32, #tpu.memory_space<vmem>> -> memref<32x128xf32, #tpu.memory_space<vmem>>
    tpu.wait_dma2 semaphore(%dma_wait3A_284 : memref<!tpu.dma_semaphore, #tpu.memory_space<semaphore_mem>>) src(%dma_wait3A_291 : memref<32x128xf32, #tpu.memory_space<vmem>>) dst(%dma_wait3A_287 : memref<32x128xf32, #tpu.memory_space<hbm>>)
    return
  }
}

</mosaic_0001>

<sc_bundles>
// kernel: kernel.3.cloned.1.call-start
scs
__scs_entry_jumppad:
0x0: {  	(pc) =	sbr.rel $0x88, $3  }
0x1: {  	(tag) =	ssettag $0x0;
	lr =	simm.s32 $0x1  }
0x2: {  	[smem:$0x3F9F] =	sst lr;
	_ =	strace $0xD0000000  }
0x3: {  	_ = 	snop  }
0x4: {  	_ = 	snop  }
0x5: {  	_ = 	snop  }
0x6: {  	_ = 	snop  }
0x7: {  	_ = 	snop  }
__scs_overlays_trampoline_lowered:
0x8: {  	[smem:$0x3FAE] =	sst s0  }
0x9: {  	[smem:$0x3FAF] =	sst s1  }
0xa: {  	[smem:$0x3FB0] =	sst s2  }
0xb: {  	[smem:$0x3FB1] =	sst s3  }
0xc: {  	[smem:$0x3FB2] =	sst s4  }
0xd: {  	[smem:$0x3FB3] =	sst s5  }
0xe: {  	[smem:$0x3FB4] =	sst s6  }
0xf: {  	[smem:$0x3FB5] =	sst s7  }
0x10: {  	[smem:$0x3FB6] =	sst s8  }
0x11: {  	[smem:$0x3FB7] =	sst s9;
	s0 =	simm.s32 @!p0 $0x0  }
0x12: {  	s1 =	sld [smem:$0x3F9D];
	s0 =	simm.s32 @p0 $0x1  }
0x13: {  	[smem:$0x3FB8] =	sst s0;
	s0 =	simm.s32 @!p1 $0x0  }
0x14: {  	s2 =	sld [smem:$0x3F9C];
	s0 =	simm.s32 @p1 $0x1  }
0x15: {  	[smem:$0x3FB9] =	sst s0;
	s0 =	simm.s32 @!p2 $0x0  }
0x16: {  	s3 =	sld [smem:$0x3FDB];
	s0 =	simm.s32 @p2 $0x1  }
0x17: {  	s4 =	simm.s32 $0x1BF5;
	[smem:$0x3FBB] =	sst s0  }
0x18: {  	s0 =	sld [smem:$0x3F9E];
	_ =	swait.ge [sflag:s4], $0x0  }
0x19: {  	s7 =	sld [smem:$0x3F9F]  }
0x1a: {  	s8 =	sadd.s32 $0xFFFFE003, lr  }
0x1b: {  	s9 =	sadd.s32 $0xFFFFFEF7, lr;
	s5 =	simm.s32 $0xFFFFFFFF;
	p2 =	slt.u32 s8, $0xFFFFF086  }
0x1c: {  	p1 =	slt.u32 s9, $0xF7A;
	s5 =	simm.s32 @!p2 $0x0  }
0x1d: {  	s5 =	simm.s32 @p1 $0x1;
	p0 =	seq.s32 s7, s2  }
0x1e: {  	s7 =	smul.u32 @!p0 $0xF7A, s2;
	p2 =	seq.s32 @!p0 s5, $0x0  }
0x1f: {  	s9 =	smul.u32 $0xF7A, s1;
	s8 =	simm.s32 @!p0 $0x1BF5;
	p2 =	por !p2, p0  }
0x20: {  	[sflag:s8] =	ssyncset.s32 @!p0 $0xFFFFF086;
	s6 =	sadd.s32 @!p0 s3, s7;
	s7 =	simm.s32 @!p0 $0x108  }
0x21: {  	s3 =	sadd.s32 s3, s9;
	s6 =	sadd.s32 @!p0 $0x88, s6;
	s7 =	simm.s32 @p2 $0x1082  }
0x22: {  	[simem:s7], [sflag:s8] =	dma.local @!p0 [hbm:s6], $0xF7A  }
0x23: {  	s9 =	sor.u32 $0xD0000000, s2;
	s6 =	simm.s32 $0x108;
	_ =	swait.ge @!p0 [sflag:s8], $0x0  }
0x24: {  	s3 =	sadd.s32 $0x88, s3;
	s6 =	simm.s32 @!p1 $0x1082;
	[sflag:s4] =	ssyncset.s32 $0xFFFFF086  }
0x25: {  	[simem:s6], [sflag:s4] =	dma.local [hbm:s3], $0xF7A  }
0x26: {  	[smem:$0x3F9F] =	sst s1;
	(tag) =	ssettag s2;
	_ =	strace s9  }
0x27: {  	s1 =	sld [smem:$0x3FAF]  }
0x28: {  	s2 =	sld [smem:$0x3FB0]  }
0x29: {  	s4 =	sld [smem:$0x3FB2]  }
0x2a: {  	p0 =	seq.s32 s5, $0x0;
	s5 =	sld [smem:$0x3FB3]  }
0x2b: {  	s6 =	sld [smem:$0x3FB4]  }
0x2c: {  	s7 =	sld [smem:$0x3FB5]  }
0x2d: {  	s3 =	simm.s32 $0x108;
	s8 =	sld [smem:$0x3FB6]  }
0x2e: {  	s3 =	simm.s32 @!p0 $0x1082;
	s9 =	sld [smem:$0x3FB7]  }
0x2f: {  	lr =	sadd.s32 s0, s3;
	s0 =	sld [smem:$0x3FAE]  }
0x30: {  	s3 =	sld [smem:$0x3FB1]  }
0x31: {  	[smem:$0x3FBA] =	sst s10  }
0x32: {  	s10 =	sld [smem:$0x3FB8];
	_ =	sdelay $0x3  }
0x33: {  	p0 =	seq.s32 s10, $0x1;
	s10 =	sld [smem:$0x3FBA];
	_ =	sdelay $0x3  }
0x34: {  	[smem:$0x3FBA] =	sst s10  }
0x35: {  	s10 =	sld [smem:$0x3FB9];
	_ =	sdelay $0x3  }
0x36: {  	p1 =	seq.s32 s10, $0x1;
	s10 =	sld [smem:$0x3FBA];
	_ =	sdelay $0x3  }
0x37: {  	[smem:$0x3FBA] =	sst s10  }
0x38: {  	s10 =	sld [smem:$0x3FBB]  }
0x39: {  	_ = 	snop;
	(pc) =	sbr.ind lr, $3  }
0x3a: {  	_ = 	snop  }
0x3b: {  	_ = 	snop  }
0x3c: {  	p2 =	seq.s32 s10, $0x1;
	s10 =	sld [smem:$0x3FBA]  }
0x3d: {  	_ =	shalt  }
0x3e: {  	_ =	shalt  }
0x3f: {  	_ =	shalt  }
0x40: {  	_ =	shalt  }
0x41: {  	_ =	shalt  }
0x42: {  	_ =	shalt  }
0x43: {  	_ =	shalt  }
0x44: {  	_ =	shalt  }
0x45: {  	_ =	shalt  }
0x46: {  	_ =	shalt  }
0x47: {  	_ =	shalt  }
0x48: {  	_ =	shalt  }
0x49: {  	_ =	shalt  }
0x4a: {  	_ =	shalt  }
0x4b: {  	_ =	shalt  }
0x4c: {  	_ =	shalt  }
0x4d: {  	_ =	shalt  }
0x4e: {  	_ =	shalt  }
0x4f: {  	_ =	shalt  }
0x50: {  	_ =	shalt  }
0x51: {  	_ =	shalt  }
0x52: {  	_ =	shalt  }
0x53: {  	_ =	shalt  }
0x54: {  	_ =	shalt  }
0x55: {  	_ =	shalt  }
0x56: {  	_ =	shalt  }
0x57: {  	_ =	shalt  }
0x58: {  	_ =	shalt  }
0x59: {  	_ =	shalt  }
0x5a: {  	_ =	shalt  }
0x5b: {  	_ =	shalt  }
0x5c: {  	_ =	shalt  }
0x5d: {  	_ =	shalt  }
0x5e: {  	_ =	shalt  }
0x5f: {  	_ =	shalt  }
0x60: {  	_ =	shalt  }
0x61: {  	_ =	shalt  }
0x62: {  	_ =	shalt  }
0x63: {  	_ =	shalt  }
0x64: {  	_ =	shalt  }
0x65: {  	_ =	shalt  }
0x66: {  	_ =	shalt  }
0x67: {  	_ =	shalt  }
0x68: {  	_ =	shalt  }
0x69: {  	_ =	shalt  }
0x6a: {  	_ =	shalt  }
0x6b: {  	_ =	shalt  }
0x6c: {  	_ =	shalt  }
0x6d: {  	_ =	shalt  }
0x6e: {  	_ =	shalt  }
0x6f: {  	_ =	shalt  }
0x70: {  	_ =	shalt  }
0x71: {  	_ =	shalt  }
0x72: {  	_ =	shalt  }
0x73: {  	_ =	shalt  }
0x74: {  	_ =	shalt  }
0x75: {  	_ =	shalt  }
0x76: {  	_ =	shalt  }
0x77: {  	_ =	shalt  }
0x78: {  	_ =	shalt  }
0x79: {  	_ =	shalt  }
0x7a: {  	_ =	shalt  }
0x7b: {  	_ =	shalt  }
0x7c: {  	_ =	shalt  }
0x7d: {  	_ =	shalt  }
0x7e: {  	_ =	shalt  }
0x7f: {  	_ =	shalt  }
0x80: {  	_ =	shalt  }
0x81: {  	_ =	shalt  }
0x82: {  	_ =	shalt  }
0x83: {  	_ =	shalt  }
0x84: {  	_ =	shalt  }
0x85: {  	_ =	shalt  }
0x86: {  	_ =	shalt  }
0x87: {  	_ =	shalt  }
.Lfunc_end0:
.L_simem_size_0:
called_computation_lowered:
.L_overlay_start_0:
0x88: {  	s2 =	sld [smem:$0x3FD9]  }
0x89: {  	s3 =	sld [smem:$0x3FFE];
	_ =	sdelay $0x1  }
0x8a: {  	s1 =	srdreg.scid  }
0x8b: {  	s0 =	sand.u32 $0x1, s1  }
0x8c: {  	s17 =	sshll.u32 s0, $0xA;
	s2 =	sadd.s32 s3, s2  }
0x8d: {  	s2 =	sadd.s32 s2, s17  }
0x8e: {  	[smem:$0x3FC6] =	sst s2  }
0x8f: {  	_ = 	snop  }
0x90: {  	s2 =	sld [smem:$0x3FC9]  }
0x91: {  	s18 =	sld [smem:$0x3FD0];
	(tm) =	ssettm $0x1  }
0x92: {  	s4 =	sld [smem:$0x3FFB];
	_ =	sdelay $0x3  }
0x93: {  	_ =	strace s4  }
0x94: {  	s4 =	sld [smem:$0x3FFC];
	_ =	sdelay $0x3  }
0x95: {  	_ =	strace s4  }
0x96: {  	s4 =	sld [smem:$0x3FFD];
	_ =	sdelay $0x3  }
0x97: {  	_ =	strace s4  }
0x98: {  	_ =	strace $0x8FFFFFFF  }
0x99: {  	s19 =	sld [smem:$0x3FDB];
	_ =	sdelay $0x1  }
0x9a: {  	s5 =	simm.s32 $_scs_section_size  }
0x9b: {  	s6 =	simm.s32 $_size__tile_overlayer_lowered;
	s7 =	simm.s32 $_tile_overlayer_lowered  }
0x9c: {  	s22 =	simm.s32 $0x1BFF;
	s21 =	sshll.u32 s7, $0x1;
	s4 =	sadd.s32 s5, s19  }
0x9d: {  	s8 =	simm.s32 $0x0;
	s20 =	sshll.u32 s6, $0x1;
	s6 =	sadd.s32 s21, s4  }
0x9e: {  	[timem:s8], [sflag:s22] =	dma.local [hbm:s6], s20  }
0x9f: {  	_ =	swait.ge [sflag:s22], s20  }
0xa0: {  	s5 =	ssub.s32 $0x0, s20;
	[sflag:s22] =	ssyncset.done $0x0  }
0xa1: {  	[sflag:s22] =	ssyncadd.s32 s5;
	_ =	sdelay $0x1  }
0xa2: {  	s23 =	simm.s32 $0x1B8B  }
0xa3: {  	_ =	swait.ge [sflag:s23], $0x1  }
0xa4: {  	[sflag:s23] =	ssyncset.done $0x0  }
0xa5: {  	s25 =	simm.s32 $0x1B8E;
	s24 =	sld [smem:$0x3FFE];
	[sflag:s23] =	ssyncadd.s32 $0xFFFFFFFF  }
0xa6: {  	s26 =	simm.s32 $execute0_lowered;
	[smem:$0x3FD2] =	sst s25  }
0xa7: {  	s6 =	sshll.u32 s26, $0x1;
	_ =	strace $0x80000046;
	[dreg:$0x1] =	wrdreg $0xFFFFFFFF  }
0xa8: {  	s28 =	simm.s32 $_size_execute0_lowered;
	s4 =	sadd.s32 s4, s6;
	[dreg:$0x0] =	wrdreg $0x0  }
0xa9: {  	s6 =	sshll.u32 s28, $0x1;
	[dreg:$0x2] =	wrdreg s4  }
0xaa: {  	[dreg:$0x3] =	wrdreg s6  }
0xab: {  	[dreg:$0x4] =	wrdreg $0xC0  }
0xac: {  	_ =	task [dreg:s8], $0x5FFFF  }
0xad: {  	[dreg:$0x1] =	wrdreg $0xFFFFFFFF  }
0xae: {  	[dreg:$0x0] =	wrdreg $0x60  }
0xaf: {  	[dreg:$0x2] =	wrdreg s24  }
0xb0: {  	[dreg:$0x3] =	wrdreg s2  }
0xb1: {  	[dreg:$0x4] =	wrdreg s18  }
0xb2: {  	[dreg:$0x5] =	wrdreg $0x9  }
0xb3: {  	_ =	task.clear_ibuf [dreg:s8], $0x6FFFF;
	_ =	strace $0x90000046  }
0xb4: {  	s29 =	simm.s32 $0x9;
	_ =	strace $0x80000048  }
0xb5: {  	_ =	swait.ge [sflag:s29], $0x1  }
0xb6: {  	[sflag:s29] =	ssyncadd.s32 $0xFFFFFFFF  }
0xb7: {  	_ =	strace $0x90000048  }
0xb8: {  	_ =	sfence  }
0xb9: {  	s30 =	sld [smem:$0x0];
	_ =	sdelay $0x2  }
0xba: {  	s31 =	sshll.u32 s1, $0xD;
	s1 =	sshrl.u32 s1, $0x2  }
0xbb: {  	s3 =	sand.u32 $0x4000, s31;
	s1 =	sadd.s32 s1, s30  }
0xbc: {  	s0 =	sor.u32 s3, s0;
	s1 =	sshll.u32 s1, $0x11  }
0xbd: {  	s0 =	sor.u32 s1, s0  }
0xbe: {  	s0 =	sadd.s32 $0x8F2B, s0  }
0xbf: {  	[sflag:s0] =	ssyncadd.remote.s32 $0x1  }
0xc0: {  	_ =	sfence.sel $0xFFFF  }
0xc1: {  	[dreg:$0x0] =	wrdreg $0xFFFFFFFF;
	(pc) =	sbr.abs _section_cstart, $3  }
0xc2: {  	[dreg:$0x1] =	wrdreg $0xFFFFFFFF  }
0xc3: {  	_ =	task.clear_ibuf [dreg:s8], $0x2FFFF;
	_ =	strace $0x9FFFFFFF  }
0xc4: {  	(tm) =	ssettm $0x7FFFFFFF  }
0xc5: {  	_ =	shalt  }
tec
execute0_lowered:
.L_overlay_start_1:
0x0: {  	(tag) =	ssettag $0x1  }
0x1: {  	s0 =	srdreg.scid  }
0x2: {  	s2 =	stileid.u32;
	s1 =	rddreg [dreg:$0x0]  }
0x3: {  	s6 =	simm.s32 $0x0;
	s20 =	simm.s32 $0x40;
	s28 =	simm.s32 $0x4400  }
0x4: {  	s8 =	simm.s32 $0x1;
	s9 =	simm.s32 $0xA;
	s15 =	simm.s32 $0xC400  }
0x5: {  	s29 =	simm.s32 $0x6;
	s30 =	simm.s32 $0x11400;
	s16 =	simm.s32 $0x5  }
0x6: {  	s0 =	sand.u32 $0x1, s0;
	s3 =	sshll.u32 s2, $0x1;
	s2 =	rddreg [dreg:$0x1]  }
0x7: {  	s17 =	simm.s32 $0x4;
	[smem:$0x7FF] =	sst s6;
	s5 =	sor.u32 s0, s3  }
0x8: {  	s3 =	rddreg [dreg:$0x2];
	s0 =	ssub.s32 $0x2, s0;
	_ =	strace $0x80000047  }
0x9: {  	s4 =	smul.u32 $0xC8, s5;
	s5 =	sshll.u32 s5, $0xA;
	s23 =	sshrl.u32 s0, $0x1  }
0xa: {  	s5 =	sand.u32 $0xC00, s5;
	s0 =	ssub.s32 s0, s23;
	s23 =	simm.s32 $0x8000  }
0xb: {  	s21 =	sshll.u32 s4, $0x4;
	s7 =	sshrl.u32 s4, $0x1;
	s11 =	sor.u32 $0x4, s4  }
0xc: {  	s12 =	sor.u32 $0x5, s4;
	s26 =	sor.u32 $0x6, s4;
	s31 =	sor.u32 $0x7, s4  }
0xd: {  	s0 =	smax.u32 s0, $0x1;
	s6 =	sand.u32 $0x1F000, s21;
	[dreg:$0x8] =	wrdreg s26  }
0xe: {  	s22 =	sand.u32 $0x70, s7;
	[dreg:$0x9] =	wrdreg s31;
	s5 =	sor.u32 s5, s6  }
0xf: {  	[dreg:$0xa] =	wrdreg s0;
	s0 =	simm.s32 $0x8400;
	s5 =	sor.u32 s22, s5  }
.Ltmp0:
0x10: {  	s26 =	simm.s32 $0x2;
	s24 =	sadd.s32 s2, s5;
	(pc) =	sbr.rel .LBB2_1-.Ltmp0, $4  }
0x11: {  	s7 =	simm.s32 $0x0;
	s5 =	sadd.s32 $0x80, s24;
	[dreg:$0x4] =	wrdreg s24  }
0x12: {  	s6 =	sadd.s32 $0xF42800, s1;
	s25 =	sadd.s32 $0x100, s24;
	[dreg:$0x5] =	wrdreg s5  }
0x13: {  	v0 =	vlaneseq.u32;
	s22 =	simm.s32 $0x400;
	s1 =	sadd.s32 $0x180, s24;
	[dreg:$0x6] =	wrdreg s25  }
0x14: {  	v0 =	vmul.u32 $0x80, v0;
	s24 =	simm.s32 $0x10400;
	[dreg:$0x7] =	wrdreg s1;
	s1 =	simm.s32 $0x3  }
.LBB2_34:
0x15: {  	_ =	swait.ge [sflag:s16], $0x1000  }
0x16: {  	[sflag:s16] =	ssyncset.done $0x0  }
0x17: {  	[sflag:s16] =	ssyncadd.s32 $0xFFFFF000  }
0x18: {  	_ =	swait.ge [sflag:s29], $0x1000  }
0x19: {  	s7 =	rddreg [dreg:$0xb]  }
0x1a: {  	s5 =	rddreg [dreg:$0xa];
	s7 =	sadd.s32 $0x1, s7  }
0x1b: {  	p0 =	sne.s32 s7, s5  }
.Ltmp1:
0x1c: {  	_ = 	snop;
	(pc) =	sbr.rel @!p0 .LBB2_35-.Ltmp1, $3  }
0x1d: {  	_ =	sdelay $0x1  }
0x1e: {  	[sflag:s29] =	ssyncset.done $0x0  }
0x1f: {  	[sflag:s29] =	ssyncadd.s32 $0xFFFFF000  }
.LBB2_1:
0x20: {  	[dreg:$0xb] =	wrdreg s7  }
0x21: {  	s5 =	simm.s32 $0x0;
	s13 =	rddreg [dreg:$0x4]  }
0x22: {  	[tilespmem:s5], [sflag:$0x7] =	stream.linear.gather [hbm4b:s13+s5], $0x80, $0x38;
	[tilespmem:$0x12400] =	vst v63  }
0x23: {  	s14 =	rddreg [dreg:$0x5];
	s10 =	simm.s32 $0x80  }
0x24: {  	[tilespmem:s10], [sflag:$0x8] =	stream.linear.gather [hbm4b:s14+s5], $0x80, $0x38;
	[tilespmem:$0x12400] =	vst v63  }
0x25: {  	s18 =	rddreg [dreg:$0x6];
	s19 =	simm.s32 $0x100  }
0x26: {  	[tilespmem:s19], [sflag:$0x9] =	stream.linear.gather [hbm4b:s18+s5], $0x80, $0x38;
	[tilespmem:$0x12400] =	vst v63  }
0x27: {  	s21 =	rddreg [dreg:$0x7];
	s25 =	simm.s32 $0x180;
	s31 =	simm.s32 $0x7  }
0x28: {  	[tilespmem:s25], [sflag:$0xA] =	stream.linear.gather [hbm4b:s21+s5], $0x80, $0x38;
	[tilespmem:$0x12400] =	vst v63  }
0x29: {  	_ =	swait.ge [sflag:s31], $0x80  }
0x2a: {  	[sflag:s31] =	ssyncset.done $0x0  }
0x2b: {  	[sflag:s31] =	ssyncadd.s32 $0xFFFFFF80  }
0x2c: {  	v1 =	vld [tilespmem:s5+$0x0];
	_ =	sdelay $0x4  }
0x2d: {  	s7 =	simm.s32 $0x10;
	s10 =	simm.s32 $0x10;
	s5 =	simm.s32 $0x200;
	v1 =	vshrl.u32 v1, $0x2  }
.LBB2_2:
0x2e: {  	s7 =	sadd.s32 $0x10, s7  }
0x2f: {  	v2 =	vld [tilespmem:s10+$0x0];
	[tilespmem:s5+$0x0] =	vst v1;
	s5 =	sadd.s32 $0x10, s5;
	p0 =	slt.u32 s7, $0x70  }
.Ltmp2:
0x30: {  	(pc) =	sbr.rel @p0 .LBB2_2-.Ltmp2, $2  }
0x31: {  	_ =	sdelay $0x2  }
0x32: {  	s10 =	sadd.s32 $0x10, s10;
	v1 =	vshrl.u32 v2, $0x2  }
0x33: {  	v2 =	vld [tilespmem:s10+$0x0];
	_ =	sdelay $0x4  }
0x34: {  	[tilespmem:s5+$0x0] =	vst v1;
	s18 =	sadd.s32 $0x10, s5;
	v1 =	vshrl.u32 v2, $0x2  }
0x35: {  	s19 =	simm.s32 $0x200;
	[tilespmem:s18+$0x0] =	vst v1  }
0x36: {  	[tilespmem:s22], [sflag:$0x1] =	stream.indirect.gather [hbm4b:s6+s20], $0x80, s19, s20, $0xb8;
	[tilespmem:$0x12400] =	vst v63  }
0x37: {  	s21 =	simm.s32 $0x240;
	s7 =	simm.s32 $0x2400;
	s25 =	simm.s32 $0x8  }
0x38: {  	[tilespmem:s7], [sflag:$0x1] =	stream.indirect.gather [hbm4b:s6+s20], $0x80, s21, s20, $0xb8;
	[tilespmem:$0x12400] =	vst v63  }
0x39: {  	_ =	swait.ge [sflag:s25], $0x80  }
0x3a: {  	[sflag:s25] =	ssyncset.done $0x0  }
0x3b: {  	s31 =	simm.s32 $0x80;
	[sflag:s25] =	ssyncadd.s32 $0xFFFFFF80  }
0x3c: {  	v1 =	vld [tilespmem:s31+$0x0];
	_ =	sdelay $0x4  }
0x3d: {  	s5 =	simm.s32 $0x280;
	s10 =	simm.s32 $0x90;
	s7 =	simm.s32 $0x10;
	v1 =	vshrl.u32 v1, $0x2  }
.LBB2_4:
0x3e: {  	s7 =	sadd.s32 $0x10, s7  }
0x3f: {  	v2 =	vld [tilespmem:s10+$0x0];
	[tilespmem:s5+$0x0] =	vst v1;
	s5 =	sadd.s32 $0x10, s5;
	p0 =	slt.u32 s7, $0x70  }
.Ltmp3:
0x40: {  	(pc) =	sbr.rel @p0 .LBB2_4-.Ltmp3, $2  }
0x41: {  	_ =	sdelay $0x2  }
0x42: {  	s10 =	sadd.s32 $0x10, s10;
	v1 =	vshrl.u32 v2, $0x2  }
0x43: {  	v2 =	vld [tilespmem:s10+$0x0];
	_ =	sdelay $0x4  }
0x44: {  	[tilespmem:s5+$0x0] =	vst v1;
	s18 =	sadd.s32 $0x10, s5;
	v1 =	vshrl.u32 v2, $0x2  }
0x45: {  	s19 =	simm.s32 $0x280;
	[tilespmem:s18+$0x0] =	vst v1  }
0x46: {  	[tilespmem:s28], [sflag:$0x2] =	stream.indirect.gather [hbm4b:s6+s20], $0x80, s19, s20, $0xb8;
	[tilespmem:$0x12400] =	vst v63  }
0x47: {  	s21 =	simm.s32 $0x2C0;
	s7 =	simm.s32 $0x6400;
	s25 =	simm.s32 $0x9  }
0x48: {  	[tilespmem:s7], [sflag:$0x2] =	stream.indirect.gather [hbm4b:s6+s20], $0x80, s21, s20, $0xb8;
	[tilespmem:$0x12400] =	vst v63  }
0x49: {  	_ =	swait.ge [sflag:s25], $0x80  }
0x4a: {  	[sflag:s25] =	ssyncset.done $0x0  }
0x4b: {  	s31 =	simm.s32 $0x100;
	[sflag:s25] =	ssyncadd.s32 $0xFFFFFF80  }
0x4c: {  	v1 =	vld [tilespmem:s31+$0x0];
	_ =	sdelay $0x4  }
0x4d: {  	s5 =	simm.s32 $0x300;
	s10 =	simm.s32 $0x110;
	s7 =	simm.s32 $0x10;
	v1 =	vshrl.u32 v1, $0x2  }
.LBB2_6:
0x4e: {  	s7 =	sadd.s32 $0x10, s7  }
0x4f: {  	v2 =	vld [tilespmem:s10+$0x0];
	[tilespmem:s5+$0x0] =	vst v1;
	s5 =	sadd.s32 $0x10, s5;
	p0 =	slt.u32 s7, $0x70  }
.Ltmp4:
0x50: {  	(pc) =	sbr.rel @p0 .LBB2_6-.Ltmp4, $2  }
0x51: {  	_ =	sdelay $0x2  }
0x52: {  	s10 =	sadd.s32 $0x10, s10;
	v1 =	vshrl.u32 v2, $0x2  }
0x53: {  	v2 =	vld [tilespmem:s10+$0x0];
	_ =	sdelay $0x4  }
0x54: {  	[tilespmem:s5+$0x0] =	vst v1;
	s21 =	sadd.s32 $0x10, s5;
	v1 =	vshrl.u32 v2, $0x2  }
0x55: {  	s25 =	simm.s32 $0x300;
	[tilespmem:s21+$0x0] =	vst v1  }
0x56: {  	[tilespmem:s0], [sflag:$0x3] =	stream.indirect.gather [hbm4b:s6+s20], $0x80, s25, s20, $0xb8;
	[tilespmem:$0x12400] =	vst v63  }
0x57: {  	s31 =	simm.s32 $0x340;
	s7 =	simm.s32 $0xA400;
	s13 =	simm.s32 $0x0  }
0x58: {  	[tilespmem:s7], [sflag:$0x3] =	stream.indirect.gather [hbm4b:s6+s20], $0x80, s31, s20, $0xb8;
	[tilespmem:$0x12400] =	vst v63  }
.LBB2_8:
0x59: {  	_ =	swait.ge [sflag:s8], $0x2000  }
0x5a: {  	[sflag:s8] =	ssyncset.done $0x0  }
0x5b: {  	[sflag:s8] =	ssyncadd.s32 $0xFFFFE000  }
0x5c: {  	_ =	swait.ge [sflag:s8], $0x2000  }
0x5d: {  	[sflag:s8] =	ssyncset.done $0x0  }
0x5e: {  	[sflag:s8] =	ssyncadd.s32 $0xFFFFE000  }
0x5f: {  	_ =	swait.ge [sflag:s9], $0x80  }
0x60: {  	[sflag:s9] =	ssyncset.done $0x0  }
0x61: {  	s5 =	simm.s32 $0x180;
	[sflag:s9] =	ssyncadd.s32 $0xFFFFFF80  }
0x62: {  	v1 =	vld [tilespmem:s5+$0x0];
	_ =	sdelay $0x4  }
0x63: {  	s7 =	simm.s32 $0x10;
	s10 =	simm.s32 $0x190;
	s5 =	simm.s32 $0x380;
	v1 =	vshrl.u32 v1, $0x2  }
.LBB2_9:
0x64: {  	s7 =	sadd.s32 $0x10, s7  }
0x65: {  	v2 =	vld [tilespmem:s10+$0x0];
	[tilespmem:s5+$0x0] =	vst v1;
	s5 =	sadd.s32 $0x10, s5;
	p0 =	slt.u32 s7, $0x70  }
.Ltmp5:
0x66: {  	(pc) =	sbr.rel @p0 .LBB2_9-.Ltmp5, $2  }
0x67: {  	_ =	sdelay $0x2  }
0x68: {  	s10 =	sadd.s32 $0x10, s10;
	v1 =	vshrl.u32 v2, $0x2  }
0x69: {  	v2 =	vld [tilespmem:s10+$0x0];
	_ =	sdelay $0x4  }
0x6a: {  	[tilespmem:s5+$0x0] =	vst v1;
	s18 =	sadd.s32 $0x10, s5;
	v1 =	vshrl.u32 v2, $0x2  }
0x6b: {  	s19 =	simm.s32 $0x380;
	p1 =	seq.s32 s13, $0x0;
	[tilespmem:s18+$0x0] =	vst v1  }
0x6c: {  	[tilespmem:s15], [sflag:$0x4] =	stream.indirect.gather [hbm4b:s6+s20], $0x80, s19, s20, $0xb8;
	[tilespmem:$0x12400] =	vst v63  }
0x6d: {  	s21 =	simm.s32 $0x3C0;
	s7 =	simm.s32 $0xE400;
	s5 =	simm.s32 @!p1 $0x5  }
0x6e: {  	[tilespmem:s7], [sflag:$0x4] =	stream.indirect.gather [hbm4b:s6+s20], $0x80, s21, s20, $0xb8;
	[tilespmem:$0x12400] =	vst v63  }
0x6f: {  	_ =	swait.ge @!p1 [sflag:s5], $0x1000  }
0x70: {  	[sflag:s5] =	ssyncset.done @!p1 $0x0  }
0x71: {  	s21 =	simm.s32 $0x10;
	[sflag:s5] =	ssyncadd.s32 @!p1 $0xFFFFF000  }
0x72: {  	v1 =	vld [tilespmem:s21+$0xFFFFFFF0];
	_ =	sdelay $0x2  }
0x73: {  	s25 =	simm.s32 $0x0  }
0x74: {  	v2 =	vmov s25  }
0x75: {  	v2 =	vshll.u32 v2, $0x7;
	v1 =	vshll.u32 v1, $0x5  }
0x76: {  	v2 =	vor.u32 v0, v2;
	v1 =	vand.u32 $0x60, v1  }
0x77: {  	v2 =	vor.u32 v2, v1  }
0x78: {  	v1 =	vor.u32 $0x7, v2  }
0x79: {  	v3 =	vld [tilespmem:s21+$0x0]  }
0x7a: {  	v6 =	vor.u32 $0x6, v2  }
0x7b: {  	v10 =	vor.u32 $0x4, v2  }
0x7c: {  	s31 =	simm.s32 $0x10;
	v5 =	vor.u32 $0x5, v2  }
0x7d: {  	v7 =	vmov s31;
	v11 =	vor.u32 $0x3, v2;
	v9 =	vld.idx.msk [tilespmem:v1+s22+$0x0], $0xffff  }
0x7e: {  	v3 =	vshll.u32 v3, $0x5;
	v4 =	vor.u32 $0x1, v2;
	v1 =	vshll.u32 v7, $0x7;
	v7 =	vld.idx.msk [tilespmem:v2+s22+$0x0], $0xffff  }
0x7f: {  	v3 =	vand.u32 $0x60, v3;
	v8 =	vor.u32 $0x2, v2;
	v6 =	vld.idx.msk [tilespmem:v6+s22+$0x0], $0xffff;
	v1 =	vor.u32 v0, v1  }
0x80: {  	v10 =	vld.idx.msk [tilespmem:v10+s22+$0x0], $0xffff;
	v1 =	vor.u32 v1, v3  }
0x81: {  	v3 =	vld.idx.msk [tilespmem:v5+s22+$0x0], $0xffff;
	v5 =	vor.u32 $0x7, v1  }
0x82: {  	v11 =	vld.idx.msk [tilespmem:v11+s22+$0x0], $0xffff;
	v12 =	vor.u32 $0x6, v1  }
0x83: {  	s7 =	simm.s32 $0x10C00;
	v4 =	vld.idx.msk [tilespmem:v4+s22+$0x0], $0xffff;
	v13 =	vor.u32 $0x2, v1  }
0x84: {  	v8 =	vld.idx.msk [tilespmem:v8+s22+$0x0], $0xffff;
	v14 =	vor.u32 $0x1, v1;
	[tilespmem:s7+$0xFFFFF800] =	vst v7  }
0x85: {  	v7 =	vor.u32 $0x5, v1;
	[tilespmem:s7+$0xFFFFFB00] =	vst v6;
	v16 =	vld.idx.msk [tilespmem:v1+s22+$0x0], $0xffff  }
0x86: {  	v6 =	vor.u32 $0x4, v1;
	[tilespmem:s7+$0xFFFFFA00] =	vst v10;
	v5 =	vld.idx.msk [tilespmem:v5+s22+$0x0], $0xffff  }
0x87: {  	v10 =	vor.u32 $0x8, v2;
	[tilespmem:s7+$0xFFFFF980] =	vst v11;
	v12 =	vld.idx.msk [tilespmem:v12+s22+$0x0], $0xffff  }
0x88: {  	[tilespmem:s7+$0xFFFFFA80] =	vst v3;
	v3 =	vor.u32 $0x3, v1;
	v13 =	vld.idx.msk [tilespmem:v13+s22+$0x0], $0xffff  }
0x89: {  	v11 =	vor.u32 $0x9, v2;
	[tilespmem:s7+$0xFFFFF900] =	vst v8;
	v14 =	vld.idx.msk [tilespmem:v14+s22+$0x0], $0xffff  }
0x8a: {  	v8 =	vor.u32 $0xF, v2;
	[tilespmem:s7+$0xFFFFFB80] =	vst v9;
	v7 =	vld.idx.msk [tilespmem:v7+s22+$0x0], $0xffff  }
0x8b: {  	v17 =	vor.u32 $0xD, v2;
	[tilespmem:s7+$0xFFFFF880] =	vst v4;
	v15 =	vld.idx.msk [tilespmem:v6+s22+$0x0], $0xffff  }
0x8c: {  	v9 =	vor.u32 $0xE, v2;
	v18 =	vld.idx.msk [tilespmem:v10+s22+$0x0], $0xffff  }
0x8d: {  	v10 =	vor.u32 $0xC, v2;
	v3 =	vld.idx.msk [tilespmem:v3+s22+$0x0], $0xffff;
	[tilespmem:s7+$0xFFFFF810] =	vst v16  }
0x8e: {  	v19 =	vor.u32 $0xA, v2;
	v4 =	vld.idx.msk [tilespmem:v11+s22+$0x0], $0xffff;
	[tilespmem:s7+$0xFFFFF910] =	vst v13  }
0x8f: {  	v6 =	vld.idx.msk [tilespmem:v8+s22+$0x0], $0xffff;
	v13 =	vor.u32 $0xB, v2;
	[tilespmem:s7+$0xFFFFFB90] =	vst v5  }
0x90: {  	v11 =	vld.idx.msk [tilespmem:v17+s22+$0x0], $0xffff;
	[tilespmem:s7+$0xFFFFFA90] =	vst v7;
	v7 =	vor.u32 $0x9, v1  }
0x91: {  	v5 =	vld.idx.msk [tilespmem:v9+s22+$0x0], $0xffff;
	[tilespmem:s7+$0xFFFFFA10] =	vst v15;
	v15 =	vor.u32 $0xD, v1  }
0x92: {  	[tilespmem:s7+$0xFFFFFB10] =	vst v12;
	v9 =	vld.idx.msk [tilespmem:v10+s22+$0x0], $0xffff  }
0x93: {  	[tilespmem:s7+$0xFFFFF890] =	vst v14;
	v14 =	vor.u32 $0xC, v1;
	v10 =	vld.idx.msk [tilespmem:v19+s22+$0x0], $0xffff  }
0x94: {  	s10 =	sshllo.u32 s13, $0x2;
	v12 =	vor.u32 $0xB, v1;
	[tilespmem:s7+$0xFFFFF990] =	vst v3;
	v8 =	vld.idx.msk [tilespmem:v13+s22+$0x0], $0xffff  }
0x95: {  	s25 =	simm.s32 $0x10C00;
	s18 =	sshll.u32 s13, $0x2;
	s19 =	simm.s32 $0x20;
	v3 =	vor.u32 $0xF, v1;
	[tilespmem:s7+$0xFFFFFC00] =	vst v18;
	v13 =	vor.u32 $0xA, v1;
	v7 =	vld.idx.msk [tilespmem:v7+s22+$0x0], $0xffff  }
.LBB2_11:
0x96: {  	p0 =	slt.u32 s19, $0x60;
	[tilespmem:s7+$0xFFFFFC80] =	vst v4;
	v15 =	vld.idx.msk [tilespmem:v15+s22+$0x0], $0xffff;
	s21 =	sadd.s32 $0x20, s21;
	s25 =	sadd.s32 $0x20, s25  }
0x97: {  	s31 =	smov.u32 s19;
	s19 =	sadd.s32 $0x20, s19;
	v4 =	vld [tilespmem:s21+$0xFFFFFFF0];
	[tilespmem:s7+$0xFFFFFE80] =	vst v11;
	v11 =	vor.u32 $0x8, v1  }
0x98: {  	[tilespmem:s7+$0xFFFFFE00] =	vst v9;
	v9 =	vld.idx.msk [tilespmem:v14+s22+$0x0], $0xffff;
	v14 =	vor.u32 $0xE, v1  }
0x99: {  	[tilespmem:s7+$0xFFFFFD80] =	vst v8;
	v8 =	vld.idx.msk [tilespmem:v12+s22+$0x0], $0xffff  }
0x9a: {  	[tilespmem:s7+$0xFFFFFD00] =	vst v10;
	v10 =	vor.u32 $0x10, v2;
	v12 =	vld.idx.msk [tilespmem:v13+s22+$0x0], $0xffff  }
0x9b: {  	[tilespmem:s7+$0xFFFFFF80] =	vst v6;
	v6 =	vor.u32 $0x11, v2;
	v3 =	vld.idx.msk [tilespmem:v3+s22+$0x0], $0xffff  }
0x9c: {  	v13 =	vor.u32 $0x12, v2;
	v11 =	vld.idx.msk [tilespmem:v11+s22+$0x0], $0xffff  }
0x9d: {  	[tilespmem:s7+$0xFFFFFF00] =	vst v5;
	v5 =	vor.u32 $0x13, v2;
	v14 =	vld.idx.msk [tilespmem:v14+s22+$0x0], $0xffff  }
0x9e: {  	v17 =	vor.u32 $0x14, v2;
	v16 =	vld [tilespmem:s21+$0x0];
	[tilespmem:s7+$0xFFFFFC90] =	vst v7  }
0x9f: {  	v7 =	vld.idx.msk [tilespmem:v10+s22+$0x0], $0xffff;
	v10 =	vor.u32 $0x15, v2;
	[tilespmem:s7+$0xFFFFFD90] =	vst v8  }
0xa0: {  	v8 =	vor.u32 $0x16, v2;
	v6 =	vld.idx.msk [tilespmem:v6+s22+$0x0], $0xffff;
	[tilespmem:s7+$0xFFFFFD10] =	vst v12  }
0xa1: {  	v12 =	vld.idx.msk [tilespmem:v13+s22+$0x0], $0xffff;
	v13 =	vor.u32 $0x17, v2;
	[tilespmem:s7+$0xFFFFFF90] =	vst v3  }
0xa2: {  	v3 =	vld.idx.msk [tilespmem:v5+s22+$0x0], $0xffff;
	[tilespmem:s7+$0xFFFFFC10] =	vst v11;
	v5 =	vor.u32 $0x17, v1  }
0xa3: {  	v11 =	vld.idx.msk [tilespmem:v17+s22+$0x0], $0xffff;
	[tilespmem:s7+$0xFFFFFF10] =	vst v14;
	v14 =	vor.u32 $0x16, v1  }
0xa4: {  	v10 =	vld.idx.msk [tilespmem:v10+s22+$0x0], $0xffff;
	[tilespmem:s7+$0xFFFFFE10] =	vst v9;
	v9 =	vor.u32 $0x12, v1  }
0xa5: {  	v8 =	vld.idx.msk [tilespmem:v8+s22+$0x0], $0xffff;
	[tilespmem:s7+$0xFFFFFE90] =	vst v15;
	v15 =	vor.u32 $0x13, v1  }
0xa6: {  	v17 =	vor.u32 $0x14, v1;
	v13 =	vld.idx.msk [tilespmem:v13+s22+$0x0], $0xffff  }
0xa7: {  	[tilespmem:s7+$0x100] =	vst v12;
	v12 =	vor.u32 $0x10, v1;
	v5 =	vld.idx.msk [tilespmem:v5+s22+$0x0], $0xffff  }
0xa8: {  	[tilespmem:s7+$0x180] =	vst v3;
	v3 =	vor.u32 $0x15, v1;
	v14 =	vld.idx.msk [tilespmem:v14+s22+$0x0], $0xffff  }
0xa9: {  	[tilespmem:s7+$0x200] =	vst v11;
	v9 =	vld.idx.msk [tilespmem:v9+s22+$0x0], $0xffff  }
0xaa: {  	[tilespmem:s7+$0x280] =	vst v10;
	v10 =	vor.u32 $0x11, v1;
	v11 =	vld.idx.msk [tilespmem:v15+s22+$0x0], $0xffff  }
0xab: {  	[tilespmem:s7+$0x80] =	vst v6;
	v6 =	vor.u32 $0x18, v2;
	v15 =	vld.idx.msk [tilespmem:v17+s22+$0x0], $0xffff  }
0xac: {  	[tilespmem:s7+$0x380] =	vst v13;
	v13 =	vor.u32 $0x19, v2;
	v12 =	vld.idx.msk [tilespmem:v12+s22+$0x0], $0xffff  }
0xad: {  	[tilespmem:s7+$0x300] =	vst v8;
	v8 =	vor.u32 $0x1A, v2;
	v3 =	vld.idx.msk [tilespmem:v3+s22+$0x0], $0xffff  }
0xae: {  	v17 =	vor.u32 $0x1B, v2  }
0xaf: {  	[tilespmem:s7+$0x0] =	vst v7;
	v7 =	vor.u32 $0x1C, v2;
	v10 =	vld.idx.msk [tilespmem:v10+s22+$0x0], $0xffff  }
0xb0: {  	v18 =	vor.u32 $0x1D, v2;
	v6 =	vld.idx.msk [tilespmem:v6+s22+$0x0], $0xffff;
	[tilespmem:s7+$0x110] =	vst v9  }
0xb1: {  	v9 =	vld.idx.msk [tilespmem:v13+s22+$0x0], $0xffff;
	v13 =	vor.u32 $0x1E, v2;
	[tilespmem:s7+$0x210] =	vst v15  }
0xb2: {  	v2 =	vor.u32 $0x1F, v2;
	v8 =	vld.idx.msk [tilespmem:v8+s22+$0x0], $0xffff;
	[tilespmem:s7+$0x190] =	vst v11  }
0xb3: {  	v11 =	vld.idx.msk [tilespmem:v17+s22+$0x0], $0xffff;
	[tilespmem:s7+$0x290] =	vst v3;
	v3 =	vor.u32 $0x18, v1  }
0xb4: {  	v7 =	vld.idx.msk [tilespmem:v7+s22+$0x0], $0xffff;
	[tilespmem:s7+$0x310] =	vst v14;
	v14 =	vor.u32 $0x19, v1  }
0xb5: {  	v15 =	vld.idx.msk [tilespmem:v18+s22+$0x0], $0xffff;
	[tilespmem:s7+$0x90] =	vst v10;
	v10 =	vor.u32 $0x1A, v1  }
0xb6: {  	v13 =	vld.idx.msk [tilespmem:v13+s22+$0x0], $0xffff;
	[tilespmem:s7+$0x390] =	vst v5;
	v5 =	vor.u32 $0x1B, v1  }
0xb7: {  	s5 =	sadd.s32 $0x10, s31;
	v17 =	vld.idx.msk [tilespmem:v2+s22+$0x0], $0xffff;
	[tilespmem:s7+$0x10] =	vst v12;
	v2 =	vor.u32 $0x1C, v1;
	v12 =	vor.u32 $0x1F, v1  }
0xb8: {  	v19 =	vor.u32 $0x1E, v1;
	v18 =	vmov s5;
	[tilespmem:s7+$0x400] =	vst v6;
	v6 =	vld.idx.msk [tilespmem:v3+s22+$0x0], $0xffff;
	v3 =	vor.u32 $0x1D, v1  }
0xb9: {  	v16 =	vshll.u32 v16, $0x5;
	v18 =	vshll.u32 v18, $0x7;
	v1 =	vmov s31;
	[tilespmem:s7+$0x580] =	vst v11;
	v11 =	vld.idx.msk [tilespmem:v14+s22+$0x0], $0xffff  }
0xba: {  	v4 =	vshll.u32 v4, $0x5;
	v14 =	vand.u32 $0x60, v16;
	v16 =	vor.u32 v0, v18;
	[tilespmem:s7+$0x600] =	vst v7;
	v7 =	vld.idx.msk [tilespmem:v10+s22+$0x0], $0xffff  }
0xbb: {  	v4 =	vand.u32 $0x60, v4;
	v10 =	vshll.u32 v1, $0x7;
	v1 =	vor.u32 v16, v14;
	[tilespmem:s7+$0x680] =	vst v15;
	v5 =	vld.idx.msk [tilespmem:v5+s22+$0x0], $0xffff  }
0xbc: {  	v10 =	vor.u32 v0, v10;
	v14 =	vor.u32 $0x1, v1;
	v15 =	vor.u32 $0x7, v1;
	[tilespmem:s7+$0x700] =	vst v13;
	v13 =	vld.idx.msk [tilespmem:v2+s22+$0x0], $0xffff  }
0xbd: {  	v2 =	vor.u32 v10, v4;
	v4 =	vor.u32 $0x6, v1;
	[tilespmem:s7+$0x780] =	vst v17;
	v10 =	vld.idx.msk [tilespmem:v3+s22+$0x0], $0xffff  }
0xbe: {  	v16 =	vor.u32 $0x7, v2;
	[tilespmem:s7+$0x480] =	vst v9;
	v9 =	vld.idx.msk [tilespmem:v19+s22+$0x0], $0xffff  }
0xbf: {  	v17 =	vor.u32 $0x2, v1;
	v3 =	vor.u32 $0xF, v1;
	[tilespmem:s7+$0x500] =	vst v8;
	v8 =	vld.idx.msk [tilespmem:v12+s22+$0x0], $0xffff  }
0xc0: {  	v18 =	vor.u32 $0x5, v2;
	v12 =	vor.u32 $0x1, v2;
	v19 =	vld.idx.msk [tilespmem:v1+s22+$0x0], $0xffff;
	[tilespmem:s7+$0x510] =	vst v7  }
0xc1: {  	v7 =	vor.u32 $0x6, v2;
	v15 =	vld.idx.msk [tilespmem:v15+s22+$0x0], $0xffff;
	[tilespmem:s7+$0x590] =	vst v5  }
0xc2: {  	v5 =	vld.idx.msk [tilespmem:v4+s22+$0x0], $0xffff;
	[tilespmem:s7+$0x610] =	vst v13  }
0xc3: {  	v4 =	vor.u32 $0x2, v2;
	v13 =	vld.idx.msk [tilespmem:v16+s22+$0x0], $0xffff;
	[tilespmem:s7+$0x690] =	vst v10  }
0xc4: {  	v16 =	vor.u32 $0x4, v2;
	v10 =	vld.idx.msk [tilespmem:v2+s22+$0x0], $0xffff;
	[tilespmem:s7+$0x710] =	vst v9  }
0xc5: {  	v9 =	vld.idx.msk [tilespmem:v12+s22+$0x0], $0xffff;
	v12 =	vor.u32 $0x3, v2;
	[tilespmem:s7+$0x790] =	vst v8  }
0xc6: {  	v8 =	vld.idx.msk [tilespmem:v18+s22+$0x0], $0xffff;
	[tilespmem:s7+$0x410] =	vst v6  }
0xc7: {  	v6 =	vld.idx.msk [tilespmem:v7+s22+$0x0], $0xffff;
	[tilespmem:s7+$0x490] =	vst v11;
	s7 =	smov.u32 s25  }
0xc8: {  	v4 =	vld.idx.msk [tilespmem:v4+s22+$0x0], $0xffff  }
0xc9: {  	v7 =	vld.idx.msk [tilespmem:v16+s22+$0x0], $0xffff  }
0xca: {  	v11 =	vld.idx.msk [tilespmem:v12+s22+$0x0], $0xffff;
	_ =	sdelay $0x1  }
0xcb: {  	v12 =	vor.u32 $0x5, v1;
	[tilespmem:s25+$0xFFFFF800] =	vst v10;
	v10 =	vld.idx.msk [tilespmem:v17+s22+$0x0], $0xffff  }
0xcc: {  	[tilespmem:s25+$0xFFFFFB00] =	vst v6;
	v6 =	vor.u32 $0x4, v1  }
0xcd: {  	[tilespmem:s25+$0xFFFFFA80] =	vst v8;
	v8 =	vor.u32 $0x3, v1  }
0xce: {  	[tilespmem:s25+$0xFFFFFA00] =	vst v7;
	v7 =	vor.u32 $0x8, v2  }
0xcf: {  	[tilespmem:s25+$0xFFFFF980] =	vst v11;
	v11 =	vor.u32 $0x9, v2;
	v14 =	vld.idx.msk [tilespmem:v14+s22+$0x0], $0xffff  }
0xd0: {  	v16 =	vor.u32 $0xF, v2;
	[tilespmem:s25+$0xFFFFF900] =	vst v4;
	v12 =	vld.idx.msk [tilespmem:v12+s22+$0x0], $0xffff  }
0xd1: {  	[tilespmem:s25+$0xFFFFFB80] =	vst v13;
	v13 =	vor.u32 $0xE, v2;
	v17 =	vld.idx.msk [tilespmem:v6+s22+$0x0], $0xffff  }
0xd2: {  	[tilespmem:s25+$0xFFFFF880] =	vst v9;
	v9 =	vor.u32 $0xD, v2;
	v8 =	vld.idx.msk [tilespmem:v8+s22+$0x0], $0xffff  }
0xd3: {  	v18 =	vor.u32 $0xC, v2;
	v7 =	vld.idx.msk [tilespmem:v7+s22+$0x0], $0xffff;
	[tilespmem:s25+$0xFFFFF910] =	vst v10  }
0xd4: {  	v10 =	vor.u32 $0xB, v2;
	v4 =	vld.idx.msk [tilespmem:v11+s22+$0x0], $0xffff;
	[tilespmem:s25+$0xFFFFFB90] =	vst v15  }
0xd5: {  	v20 =	vor.u32 $0xA, v2;
	v6 =	vld.idx.msk [tilespmem:v16+s22+$0x0], $0xffff;
	[tilespmem:s25+$0xFFFFFB10] =	vst v5  }
0xd6: {  	v5 =	vld.idx.msk [tilespmem:v13+s22+$0x0], $0xffff;
	[tilespmem:s25+$0xFFFFFA90] =	vst v12;
	v13 =	vor.u32 $0x9, v1  }
.Ltmp6:
0xd7: {  	v15 =	vor.u32 $0xD, v1;
	v11 =	vld.idx.msk [tilespmem:v9+s22+$0x0], $0xffff;
	[tilespmem:s25+$0xFFFFFA10] =	vst v17;
	(pc) =	sbr.rel @p0 .LBB2_11-.Ltmp6, $4  }
0xd8: {  	v9 =	vld.idx.msk [tilespmem:v18+s22+$0x0], $0xffff;
	[tilespmem:s25+$0xFFFFF990] =	vst v8  }
0xd9: {  	v8 =	vld.idx.msk [tilespmem:v10+s22+$0x0], $0xffff;
	[tilespmem:s25+$0xFFFFF890] =	vst v14;
	v14 =	vor.u32 $0xC, v1  }
0xda: {  	v12 =	vor.u32 $0xB, v1;
	v10 =	vld.idx.msk [tilespmem:v20+s22+$0x0], $0xffff;
	[tilespmem:s25+$0xFFFFF810] =	vst v19  }
0xdb: {  	[tilespmem:s25+$0xFFFFFC00] =	vst v7;
	v7 =	vld.idx.msk [tilespmem:v13+s22+$0x0], $0xffff;
	v13 =	vor.u32 $0xA, v1  }
0xdc: {  	_ =	sdelay $0x2  }
0xdd: {  	[tilespmem:s7+$0xFFFFFC80] =	vst v4  }
0xde: {  	v57 =	vld.idx.msk [tilespmem:v15+s22+$0x0], $0xffff;
	v58 =	vor.u32 $0x8, v1;
	[tilespmem:s7+$0xFFFFFE80] =	vst v11  }
0xdf: {  	v59 =	vld.idx.msk [tilespmem:v14+s22+$0x0], $0xffff;
	v60 =	vor.u32 $0xE, v1;
	[tilespmem:s7+$0xFFFFFF80] =	vst v6  }
0xe0: {  	v61 =	vld.idx.msk [tilespmem:v12+s22+$0x0], $0xffff;
	v62 =	vor.u32 $0x10, v2;
	[tilespmem:s7+$0xFFFFFF00] =	vst v5  }
0xe1: {  	v63 =	vld.idx.msk [tilespmem:v13+s22+$0x0], $0xffff;
	v18 =	vor.u32 $0x11, v2;
	[tilespmem:s7+$0xFFFFFE00] =	vst v9  }
0xe2: {  	v3 =	vld.idx.msk [tilespmem:v3+s22+$0x0], $0xffff;
	v19 =	vor.u32 $0x12, v2;
	[tilespmem:s7+$0xFFFFFD80] =	vst v8  }
0xe3: {  	v21 =	vor.u32 $0x13, v2;
	[tilespmem:s7+$0xFFFFFD00] =	vst v10;
	v20 =	vld.idx.msk [tilespmem:v58+s22+$0x0], $0xffff  }
0xe4: {  	v23 =	vor.u32 $0x14, v2;
	v22 =	vld.idx.msk [tilespmem:v60+s22+$0x0], $0xffff;
	[tilespmem:s7+$0xFFFFFC90] =	vst v7  }
0xe5: {  	v25 =	vor.u32 $0x15, v2;
	v24 =	vld.idx.msk [tilespmem:v62+s22+$0x0], $0xffff;
	[tilespmem:s7+$0xFFFFFD90] =	vst v61  }
0xe6: {  	v27 =	vor.u32 $0x16, v2;
	v26 =	vld.idx.msk [tilespmem:v18+s22+$0x0], $0xffff;
	[tilespmem:s7+$0xFFFFFD10] =	vst v63  }
0xe7: {  	v29 =	vor.u32 $0x17, v2;
	v28 =	vld.idx.msk [tilespmem:v19+s22+$0x0], $0xffff;
	[tilespmem:s7+$0xFFFFFF90] =	vst v3  }
0xe8: {  	v30 =	vor.u32 $0x17, v1;
	v3 =	vld.idx.msk [tilespmem:v21+s22+$0x0], $0xffff;
	[tilespmem:s7+$0xFFFFFE10] =	vst v59  }
0xe9: {  	v32 =	vor.u32 $0x16, v1;
	v31 =	vld.idx.msk [tilespmem:v23+s22+$0x0], $0xffff;
	[tilespmem:s7+$0xFFFFFE90] =	vst v57  }
0xea: {  	v34 =	vor.u32 $0x12, v1;
	v33 =	vld.idx.msk [tilespmem:v25+s22+$0x0], $0xffff;
	[tilespmem:s7+$0xFFFFFC10] =	vst v20  }
0xeb: {  	v36 =	vor.u32 $0x13, v1;
	v35 =	vld.idx.msk [tilespmem:v27+s22+$0x0], $0xffff;
	[tilespmem:s7+$0xFFFFFF10] =	vst v22  }
0xec: {  	v38 =	vor.u32 $0x14, v1;
	v37 =	vld.idx.msk [tilespmem:v29+s22+$0x0], $0xffff;
	[tilespmem:s7+$0x100] =	vst v28  }
0xed: {  	v39 =	vor.u32 $0x10, v1;
	[tilespmem:s7+$0x180] =	vst v3;
	v15 =	vld.idx.msk [tilespmem:v30+s22+$0x0], $0xffff  }
0xee: {  	v41 =	vor.u32 $0x11, v1;
	[tilespmem:s7+$0x200] =	vst v31;
	v14 =	vld.idx.msk [tilespmem:v32+s22+$0x0], $0xffff  }
0xef: {  	v43 =	vor.u32 $0x18, v2;
	[tilespmem:s7+$0x280] =	vst v33;
	v40 =	vld.idx.msk [tilespmem:v34+s22+$0x0], $0xffff  }
0xf0: {  	v3 =	vor.u32 $0x15, v1;
	[tilespmem:s7+$0x80] =	vst v26;
	v42 =	vld.idx.msk [tilespmem:v36+s22+$0x0], $0xffff  }
0xf1: {  	v45 =	vor.u32 $0x19, v2;
	[tilespmem:s7+$0x380] =	vst v37;
	v44 =	vld.idx.msk [tilespmem:v38+s22+$0x0], $0xffff  }
0xf2: {  	v47 =	vor.u32 $0x1A, v2;
	[tilespmem:s7+$0x300] =	vst v35;
	v46 =	vld.idx.msk [tilespmem:v39+s22+$0x0], $0xffff  }
0xf3: {  	v48 =	vor.u32 $0x1B, v2;
	[tilespmem:s7+$0x0] =	vst v24;
	v12 =	vld.idx.msk [tilespmem:v41+s22+$0x0], $0xffff  }
0xf4: {  	v49 =	vor.u32 $0x1C, v2;
	v13 =	vld.idx.msk [tilespmem:v43+s22+$0x0], $0xffff  }
0xf5: {  	v16 =	vor.u32 $0x1D, v2;
	v3 =	vld.idx.msk [tilespmem:v3+s22+$0x0], $0xffff;
	[tilespmem:s7+$0x110] =	vst v40  }
0xf6: {  	v51 =	vor.u32 $0x1E, v2;
	v50 =	vld.idx.msk [tilespmem:v45+s22+$0x0], $0xffff;
	[tilespmem:s7+$0x210] =	vst v44  }
0xf7: {  	v2 =	vor.u32 $0x1F, v2;
	v8 =	vld.idx.msk [tilespmem:v47+s22+$0x0], $0xffff;
	[tilespmem:s7+$0x190] =	vst v42  }
0xf8: {  	v52 =	vld.idx.msk [tilespmem:v48+s22+$0x0], $0xffff;
	[tilespmem:s7+$0x310] =	vst v14  }
0xf9: {  	v53 =	vor.u32 $0x19, v1;
	v7 =	vld.idx.msk [tilespmem:v49+s22+$0x0], $0xffff;
	[tilespmem:s7+$0x90] =	vst v12  }
0xfa: {  	v55 =	vor.u32 $0x1A, v1;
	v54 =	vld.idx.msk [tilespmem:v16+s22+$0x0], $0xffff;
	[tilespmem:s7+$0x390] =	vst v15  }
0xfb: {  	v56 =	vor.u32 $0x1B, v1;
	v10 =	vld.idx.msk [tilespmem:v51+s22+$0x0], $0xffff;
	[tilespmem:s7+$0x10] =	vst v46  }
0xfc: {  	v57 =	vor.u32 $0x1C, v1;
	v2 =	vld.idx.msk [tilespmem:v2+s22+$0x0], $0xffff;
	[tilespmem:s7+$0x400] =	vst v13  }
0xfd: {  	v58 =	vor.u32 $0x1D, v1;
	[tilespmem:s7+$0x290] =	vst v3  }
0xfe: {  	v59 =	vor.u32 $0x1E, v1;
	[tilespmem:s7+$0x580] =	vst v52;
	v60 =	vld.idx.msk [tilespmem:v53+s22+$0x0], $0xffff  }
0xff: {  	[tilespmem:s7+$0x600] =	vst v7;
	v3 =	vor.u32 $0x18, v1;
	v61 =	vld.idx.msk [tilespmem:v55+s22+$0x0], $0xffff  }
0x100: {  	[tilespmem:s7+$0x680] =	vst v54;
	v1 =	vor.u32 $0x1F, v1;
	v62 =	vld.idx.msk [tilespmem:v56+s22+$0x0], $0xffff  }
0x101: {  	[tilespmem:s7+$0x700] =	vst v10;
	v4 =	vld.idx.msk [tilespmem:v57+s22+$0x0], $0xffff  }
0x102: {  	[tilespmem:s7+$0x780] =	vst v2;
	v2 =	vld.idx.msk [tilespmem:v58+s22+$0x0], $0xffff  }
0x103: {  	[tilespmem:s7+$0x480] =	vst v50;
	v63 =	vld.idx.msk [tilespmem:v59+s22+$0x0], $0xffff  }
0x104: {  	[tilespmem:s7+$0x500] =	vst v8;
	v3 =	vld.idx.msk [tilespmem:v3+s22+$0x0], $0xffff  }
0x105: {  	v1 =	vld.idx.msk [tilespmem:v1+s22+$0x0], $0xffff;
	[tilespmem:s7+$0x510] =	vst v61  }
0x106: {  	[tilespmem:s7+$0x590] =	vst v62  }
0x107: {  	[tilespmem:s7+$0x610] =	vst v4  }
0x108: {  	s5 =	sadd.s32 s4, s18;
	[tilespmem:s7+$0x690] =	vst v2  }
0x109: {  	s19 =	sshll.u32 s5, $0x7;
	[tilespmem:s7+$0x710] =	vst v63  }
0x10a: {  	s5 =	sshll.u32 s5, $0x9;
	s19 =	sand.u32 $0xE00, s19;
	[tilespmem:s7+$0x490] =	vst v60  }
0x10b: {  	s5 =	sand.u32 $0xFFFC000, s5;
	s19 =	sadd.s32 s3, s19;
	[tilespmem:s7+$0x790] =	vst v1  }
0x10c: {  	p0 =	seq.s32 s13, $0x31;
	s5 =	sadd.s32 s5, s19;
	[tilespmem:s7+$0x410] =	vst v3  }
0x10d: {  	[hbm4b:s5+s22] =	stream.strided.scatter [tilespmem:s24], [sflag:$0x5], $0x1000, s23, s22, $0x38;
	[tilespmem:$0x12400] =	vst v63  }
0x10e: {  	s5 =	sadd.s32 @!p0 s18, s11  }
0x10f: {  	s7 =	sshll.u32 @!p0 s5, $0x4;
	s19 =	sshll.u32 @!p0 s5, $0x7;
	s5 =	sshrl.u32 @!p0 s5, $0x1  }
0x110: {  	s7 =	sand.u32 @!p0 $0xFFFF000, s7;
	s19 =	sand.u32 @!p0 $0xE00, s19;
	s5 =	sand.u32 @!p0 $0x70, s5  }
0x111: {  	s7 =	sor.u32 @!p0 s7, s19;
	s5 =	sadd.s32 @!p0 s2, s5  }
0x112: {  	s5 =	sadd.s32 @!p0 s7, s5;
	s7 =	simm.s32 @!p0 $0x0  }
0x113: {  	[tilespmem:s7], [sflag:$0x7] =	stream.linear.gather @!p0 [hbm4b:s5+s7], $0x80, $0x38;
	[tilespmem:$0x12400] =	vst v63  }
0x114: {  	_ =	swait.ge [sflag:s26], $0x2000  }
.Ltmp7:
0x115: {  	[sflag:s26] =	ssyncset.done $0x0;
	(pc) =	sbr.rel @p0 .LBB2_16-.Ltmp7, $4  }
0x116: {  	[sflag:s26] =	ssyncadd.s32 $0xFFFFE000  }
0x117: {  	_ =	swait.ge [sflag:s26], $0x2000  }
0x118: {  	[sflag:s26] =	ssyncset.done $0x0  }
0x119: {  	[sflag:s26] =	ssyncadd.s32 $0xFFFFE000  }
0x11a: {  	s5 =	simm.s32 $0x7  }
0x11b: {  	_ =	swait.ge [sflag:s5], $0x80  }
0x11c: {  	[sflag:s5] =	ssyncset.done $0x0  }
0x11d: {  	s31 =	simm.s32 $0x0;
	[sflag:s5] =	ssyncadd.s32 $0xFFFFFF80  }
0x11e: {  	v1 =	vld [tilespmem:s31+$0x0];
	_ =	sdelay $0x4  }
0x11f: {  	s7 =	simm.s32 $0x10;
	s19 =	simm.s32 $0x10;
	s5 =	simm.s32 $0x200;
	v1 =	vshrl.u32 v1, $0x2  }
.LBB2_14:
0x120: {  	s7 =	sadd.s32 $0x10, s7  }
0x121: {  	v2 =	vld [tilespmem:s19+$0x0];
	[tilespmem:s5+$0x0] =	vst v1;
	s5 =	sadd.s32 $0x10, s5;
	p2 =	slt.u32 s7, $0x70  }
.Ltmp8:
0x122: {  	(pc) =	sbr.rel @p2 .LBB2_14-.Ltmp8, $2  }
0x123: {  	_ =	sdelay $0x2  }
0x124: {  	s19 =	sadd.s32 $0x10, s19;
	v1 =	vshrl.u32 v2, $0x2  }
0x125: {  	v2 =	vld [tilespmem:s19+$0x0];
	_ =	sdelay $0x4  }
.Ltmp9:
0x126: {  	[tilespmem:s5+$0x0] =	vst v1;
	s21 =	sadd.s32 $0x10, s5;
	v1 =	vshrl.u32 v2, $0x2;
	(pc) =	sbr.rel @p1 .LBB2_17-.Ltmp9, $4  }
0x127: {  	s25 =	simm.s32 $0x200;
	[tilespmem:s21+$0x0] =	vst v1  }
0x128: {  	[tilespmem:s22], [sflag:$0x1] =	stream.indirect.gather [hbm4b:s6+s20], $0x80, s25, s20, $0xb8;
	[tilespmem:$0x12400] =	vst v63  }
0x129: {  	s31 =	simm.s32 $0x240;
	s7 =	simm.s32 $0x2400  }
0x12a: {  	[tilespmem:s7], [sflag:$0x1] =	stream.indirect.gather [hbm4b:s6+s20], $0x80, s31, s20, $0xb8;
	[tilespmem:$0x12400] =	vst v63  }
.LBB2_16:
0x12b: {  	_ =	swait.ge [sflag:s29], $0x1000  }
0x12c: {  	[sflag:s29] =	ssyncset.done $0x0  }
0x12d: {  	[sflag:s29] =	ssyncadd.s32 $0xFFFFF000  }
.LBB2_17:
0x12e: {  	s19 =	simm.s32 $0x90  }
0x12f: {  	v1 =	vld [tilespmem:s19+$0xFFFFFFF0];
	_ =	sdelay $0x2  }
0x130: {  	s5 =	simm.s32 $0x0  }
0x131: {  	v2 =	vmov s5  }
0x132: {  	v2 =	vshll.u32 v2, $0x7;
	v1 =	vshll.u32 v1, $0x5  }
0x133: {  	v2 =	vor.u32 v0, v2;
	v1 =	vand.u32 $0x60, v1  }
0x134: {  	v2 =	vor.u32 v2, v1  }
0x135: {  	v1 =	vor.u32 $0x7, v2  }
0x136: {  	v3 =	vld [tilespmem:s19+$0x0]  }
0x137: {  	v6 =	vor.u32 $0x6, v2  }
0x138: {  	v10 =	vor.u32 $0x4, v2  }
0x139: {  	s25 =	simm.s32 $0x10;
	v5 =	vor.u32 $0x5, v2  }
0x13a: {  	v7 =	vmov s25;
	v11 =	vor.u32 $0x3, v2;
	v9 =	vld.idx.msk [tilespmem:v1+s28+$0x0], $0xffff  }
0x13b: {  	v3 =	vshll.u32 v3, $0x5;
	v4 =	vor.u32 $0x1, v2;
	v1 =	vshll.u32 v7, $0x7;
	v7 =	vld.idx.msk [tilespmem:v2+s28+$0x0], $0xffff  }
0x13c: {  	v3 =	vand.u32 $0x60, v3;
	v8 =	vor.u32 $0x2, v2;
	v6 =	vld.idx.msk [tilespmem:v6+s28+$0x0], $0xffff;
	v1 =	vor.u32 v0, v1  }
0x13d: {  	v10 =	vld.idx.msk [tilespmem:v10+s28+$0x0], $0xffff;
	v1 =	vor.u32 v1, v3  }
0x13e: {  	v3 =	vld.idx.msk [tilespmem:v5+s28+$0x0], $0xffff;
	v5 =	vor.u32 $0x7, v1  }
0x13f: {  	v11 =	vld.idx.msk [tilespmem:v11+s28+$0x0], $0xffff;
	v12 =	vor.u32 $0x6, v1  }
0x140: {  	s7 =	simm.s32 $0x12390;
	v4 =	vld.idx.msk [tilespmem:v4+s28+$0x0], $0xffff;
	v13 =	vor.u32 $0x2, v1  }
0x141: {  	v8 =	vld.idx.msk [tilespmem:v8+s28+$0x0], $0xffff;
	v14 =	vor.u32 $0x1, v1;
	[tilespmem:s7+$0xFFFFF070] =	vst v7  }
0x142: {  	v7 =	vor.u32 $0x5, v1;
	[tilespmem:s7+$0xFFFFF370] =	vst v6;
	v16 =	vld.idx.msk [tilespmem:v1+s28+$0x0], $0xffff  }
0x143: {  	v6 =	vor.u32 $0x4, v1;
	[tilespmem:s7+$0xFFFFF270] =	vst v10;
	v5 =	vld.idx.msk [tilespmem:v5+s28+$0x0], $0xffff  }
0x144: {  	v10 =	vor.u32 $0x8, v2;
	[tilespmem:s7+$0xFFFFF1F0] =	vst v11;
	v12 =	vld.idx.msk [tilespmem:v12+s28+$0x0], $0xffff  }
0x145: {  	[tilespmem:s7+$0xFFFFF2F0] =	vst v3;
	v3 =	vor.u32 $0x3, v1;
	v13 =	vld.idx.msk [tilespmem:v13+s28+$0x0], $0xffff  }
0x146: {  	v11 =	vor.u32 $0x9, v2;
	[tilespmem:s7+$0xFFFFF170] =	vst v8;
	v14 =	vld.idx.msk [tilespmem:v14+s28+$0x0], $0xffff  }
0x147: {  	v8 =	vor.u32 $0xF, v2;
	[tilespmem:s7+$0xFFFFF3F0] =	vst v9;
	v7 =	vld.idx.msk [tilespmem:v7+s28+$0x0], $0xffff  }
0x148: {  	v17 =	vor.u32 $0xD, v2;
	[tilespmem:s7+$0xFFFFF0F0] =	vst v4;
	v15 =	vld.idx.msk [tilespmem:v6+s28+$0x0], $0xffff  }
0x149: {  	v9 =	vor.u32 $0xE, v2;
	v18 =	vld.idx.msk [tilespmem:v10+s28+$0x0], $0xffff  }
0x14a: {  	v10 =	vor.u32 $0xC, v2;
	v3 =	vld.idx.msk [tilespmem:v3+s28+$0x0], $0xffff;
	[tilespmem:s7+$0xFFFFF080] =	vst v16  }
0x14b: {  	v19 =	vor.u32 $0xA, v2;
	v4 =	vld.idx.msk [tilespmem:v11+s28+$0x0], $0xffff;
	[tilespmem:s7+$0xFFFFF180] =	vst v13  }
0x14c: {  	v6 =	vld.idx.msk [tilespmem:v8+s28+$0x0], $0xffff;
	v13 =	vor.u32 $0xB, v2;
	[tilespmem:s7+$0xFFFFF400] =	vst v5  }
0x14d: {  	v11 =	vld.idx.msk [tilespmem:v17+s28+$0x0], $0xffff;
	[tilespmem:s7+$0xFFFFF300] =	vst v7;
	v7 =	vor.u32 $0x9, v1  }
0x14e: {  	v5 =	vld.idx.msk [tilespmem:v9+s28+$0x0], $0xffff;
	[tilespmem:s7+$0xFFFFF280] =	vst v15;
	v15 =	vor.u32 $0xD, v1  }
0x14f: {  	[tilespmem:s7+$0xFFFFF380] =	vst v12;
	v9 =	vld.idx.msk [tilespmem:v10+s28+$0x0], $0xffff  }
0x150: {  	[tilespmem:s7+$0xFFFFF100] =	vst v14;
	v14 =	vor.u32 $0xC, v1;
	v10 =	vld.idx.msk [tilespmem:v19+s28+$0x0], $0xffff  }
0x151: {  	v12 =	vor.u32 $0xB, v1;
	[tilespmem:s7+$0xFFFFF200] =	vst v3;
	v8 =	vld.idx.msk [tilespmem:v13+s28+$0x0], $0xffff  }
0x152: {  	s21 =	sor.u32 $0x1, s18;
	s31 =	simm.s32 $0x12390;
	s25 =	simm.s32 $0x20;
	v3 =	vor.u32 $0xF, v1;
	[tilespmem:s7+$0xFFFFF470] =	vst v18;
	v13 =	vor.u32 $0xA, v1;
	v7 =	vld.idx.msk [tilespmem:v7+s28+$0x0], $0xffff  }
.LBB2_18:
0x153: {  	p1 =	slt.u32 s25, $0x60;
	[tilespmem:s7+$0xFFFFF4F0] =	vst v4;
	v15 =	vld.idx.msk [tilespmem:v15+s28+$0x0], $0xffff;
	s19 =	sadd.s32 $0x20, s19;
	s31 =	sadd.s32 $0x20, s31  }
0x154: {  	s5 =	smov.u32 s25;
	s25 =	sadd.s32 $0x20, s25;
	v4 =	vld [tilespmem:s19+$0xFFFFFFF0];
	[tilespmem:s7+$0xFFFFF6F0] =	vst v11;
	v11 =	vor.u32 $0x8, v1  }
0x155: {  	[tilespmem:s7+$0xFFFFF670] =	vst v9;
	v9 =	vld.idx.msk [tilespmem:v14+s28+$0x0], $0xffff;
	v14 =	vor.u32 $0xE, v1  }
0x156: {  	[tilespmem:s7+$0xFFFFF5F0] =	vst v8;
	v8 =	vld.idx.msk [tilespmem:v12+s28+$0x0], $0xffff  }
0x157: {  	[tilespmem:s7+$0xFFFFF570] =	vst v10;
	v10 =	vor.u32 $0x10, v2;
	v12 =	vld.idx.msk [tilespmem:v13+s28+$0x0], $0xffff  }
0x158: {  	[tilespmem:s7+$0xFFFFF7F0] =	vst v6;
	v6 =	vor.u32 $0x11, v2;
	v3 =	vld.idx.msk [tilespmem:v3+s28+$0x0], $0xffff  }
0x159: {  	v13 =	vor.u32 $0x12, v2;
	v11 =	vld.idx.msk [tilespmem:v11+s28+$0x0], $0xffff  }
0x15a: {  	[tilespmem:s7+$0xFFFFF770] =	vst v5;
	v5 =	vor.u32 $0x13, v2;
	v14 =	vld.idx.msk [tilespmem:v14+s28+$0x0], $0xffff  }
0x15b: {  	v17 =	vor.u32 $0x14, v2;
	v16 =	vld [tilespmem:s19+$0x0];
	[tilespmem:s7+$0xFFFFF500] =	vst v7  }
0x15c: {  	v7 =	vld.idx.msk [tilespmem:v10+s28+$0x0], $0xffff;
	v10 =	vor.u32 $0x15, v2;
	[tilespmem:s7+$0xFFFFF600] =	vst v8  }
0x15d: {  	v8 =	vor.u32 $0x16, v2;
	v6 =	vld.idx.msk [tilespmem:v6+s28+$0x0], $0xffff;
	[tilespmem:s7+$0xFFFFF580] =	vst v12  }
0x15e: {  	v12 =	vld.idx.msk [tilespmem:v13+s28+$0x0], $0xffff;
	v13 =	vor.u32 $0x17, v2;
	[tilespmem:s7+$0xFFFFF800] =	vst v3  }
0x15f: {  	v3 =	vld.idx.msk [tilespmem:v5+s28+$0x0], $0xffff;
	[tilespmem:s7+$0xFFFFF480] =	vst v11;
	v5 =	vor.u32 $0x17, v1  }
0x160: {  	v11 =	vld.idx.msk [tilespmem:v17+s28+$0x0], $0xffff;
	[tilespmem:s7+$0xFFFFF780] =	vst v14;
	v14 =	vor.u32 $0x16, v1  }
0x161: {  	v10 =	vld.idx.msk [tilespmem:v10+s28+$0x0], $0xffff;
	[tilespmem:s7+$0xFFFFF680] =	vst v9;
	v9 =	vor.u32 $0x12, v1  }
0x162: {  	v8 =	vld.idx.msk [tilespmem:v8+s28+$0x0], $0xffff;
	[tilespmem:s7+$0xFFFFF700] =	vst v15;
	v15 =	vor.u32 $0x13, v1  }
0x163: {  	v17 =	vor.u32 $0x14, v1;
	v13 =	vld.idx.msk [tilespmem:v13+s28+$0x0], $0xffff  }
0x164: {  	[tilespmem:s7+$0xFFFFF970] =	vst v12;
	v12 =	vor.u32 $0x10, v1;
	v5 =	vld.idx.msk [tilespmem:v5+s28+$0x0], $0xffff  }
0x165: {  	[tilespmem:s7+$0xFFFFF9F0] =	vst v3;
	v3 =	vor.u32 $0x15, v1;
	v14 =	vld.idx.msk [tilespmem:v14+s28+$0x0], $0xffff  }
0x166: {  	[tilespmem:s7+$0xFFFFFA70] =	vst v11;
	v9 =	vld.idx.msk [tilespmem:v9+s28+$0x0], $0xffff  }
0x167: {  	[tilespmem:s7+$0xFFFFFAF0] =	vst v10;
	v10 =	vor.u32 $0x11, v1;
	v11 =	vld.idx.msk [tilespmem:v15+s28+$0x0], $0xffff  }
0x168: {  	[tilespmem:s7+$0xFFFFF8F0] =	vst v6;
	v6 =	vor.u32 $0x18, v2;
	v15 =	vld.idx.msk [tilespmem:v17+s28+$0x0], $0xffff  }
0x169: {  	[tilespmem:s7+$0xFFFFFBF0] =	vst v13;
	v13 =	vor.u32 $0x19, v2;
	v12 =	vld.idx.msk [tilespmem:v12+s28+$0x0], $0xffff  }
0x16a: {  	[tilespmem:s7+$0xFFFFFB70] =	vst v8;
	v8 =	vor.u32 $0x1A, v2;
	v3 =	vld.idx.msk [tilespmem:v3+s28+$0x0], $0xffff  }
0x16b: {  	v17 =	vor.u32 $0x1B, v2  }
0x16c: {  	[tilespmem:s7+$0xFFFFF870] =	vst v7;
	v7 =	vor.u32 $0x1C, v2;
	v10 =	vld.idx.msk [tilespmem:v10+s28+$0x0], $0xffff  }
0x16d: {  	v18 =	vor.u32 $0x1D, v2;
	v6 =	vld.idx.msk [tilespmem:v6+s28+$0x0], $0xffff;
	[tilespmem:s7+$0xFFFFF980] =	vst v9  }
0x16e: {  	v9 =	vld.idx.msk [tilespmem:v13+s28+$0x0], $0xffff;
	v13 =	vor.u32 $0x1E, v2;
	[tilespmem:s7+$0xFFFFFA80] =	vst v15  }
0x16f: {  	v2 =	vor.u32 $0x1F, v2;
	v8 =	vld.idx.msk [tilespmem:v8+s28+$0x0], $0xffff;
	[tilespmem:s7+$0xFFFFFA00] =	vst v11  }
0x170: {  	v11 =	vld.idx.msk [tilespmem:v17+s28+$0x0], $0xffff;
	[tilespmem:s7+$0xFFFFFB00] =	vst v3;
	v3 =	vor.u32 $0x18, v1  }
0x171: {  	v7 =	vld.idx.msk [tilespmem:v7+s28+$0x0], $0xffff;
	[tilespmem:s7+$0xFFFFFB80] =	vst v14;
	v14 =	vor.u32 $0x19, v1  }
0x172: {  	v15 =	vld.idx.msk [tilespmem:v18+s28+$0x0], $0xffff;
	[tilespmem:s7+$0xFFFFF900] =	vst v10;
	v10 =	vor.u32 $0x1A, v1  }
0x173: {  	v13 =	vld.idx.msk [tilespmem:v13+s28+$0x0], $0xffff;
	[tilespmem:s7+$0xFFFFFC00] =	vst v5;
	v5 =	vor.u32 $0x1B, v1  }
0x174: {  	s14 =	sadd.s32 $0x10, s5;
	v17 =	vld.idx.msk [tilespmem:v2+s28+$0x0], $0xffff;
	[tilespmem:s7+$0xFFFFF880] =	vst v12;
	v2 =	vor.u32 $0x1C, v1;
	v12 =	vor.u32 $0x1F, v1  }
0x175: {  	v19 =	vor.u32 $0x1E, v1;
	v18 =	vmov s14;
	[tilespmem:s7+$0xFFFFFC70] =	vst v6;
	v6 =	vld.idx.msk [tilespmem:v3+s28+$0x0], $0xffff;
	v3 =	vor.u32 $0x1D, v1  }
0x176: {  	v16 =	vshll.u32 v16, $0x5;
	v18 =	vshll.u32 v18, $0x7;
	v1 =	vmov s5;
	[tilespmem:s7+$0xFFFFFDF0] =	vst v11;
	v11 =	vld.idx.msk [tilespmem:v14+s28+$0x0], $0xffff  }
0x177: {  	v4 =	vshll.u32 v4, $0x5;
	v14 =	vand.u32 $0x60, v16;
	v16 =	vor.u32 v0, v18;
	[tilespmem:s7+$0xFFFFFE70] =	vst v7;
	v7 =	vld.idx.msk [tilespmem:v10+s28+$0x0], $0xffff  }
0x178: {  	v4 =	vand.u32 $0x60, v4;
	v10 =	vshll.u32 v1, $0x7;
	v1 =	vor.u32 v16, v14;
	[tilespmem:s7+$0xFFFFFEF0] =	vst v15;
	v5 =	vld.idx.msk [tilespmem:v5+s28+$0x0], $0xffff  }
0x179: {  	v10 =	vor.u32 v0, v10;
	v14 =	vor.u32 $0x1, v1;
	v15 =	vor.u32 $0x7, v1;
	[tilespmem:s7+$0xFFFFFF70] =	vst v13;
	v13 =	vld.idx.msk [tilespmem:v2+s28+$0x0], $0xffff  }
0x17a: {  	v2 =	vor.u32 v10, v4;
	v4 =	vor.u32 $0x6, v1;
	[tilespmem:s7+$0xFFFFFFF0] =	vst v17;
	v10 =	vld.idx.msk [tilespmem:v3+s28+$0x0], $0xffff  }
0x17b: {  	v16 =	vor.u32 $0x7, v2;
	[tilespmem:s7+$0xFFFFFCF0] =	vst v9;
	v9 =	vld.idx.msk [tilespmem:v19+s28+$0x0], $0xffff  }
0x17c: {  	v17 =	vor.u32 $0x2, v1;
	v3 =	vor.u32 $0xF, v1;
	[tilespmem:s7+$0xFFFFFD70] =	vst v8;
	v8 =	vld.idx.msk [tilespmem:v12+s28+$0x0], $0xffff  }
0x17d: {  	v18 =	vor.u32 $0x5, v2;
	v12 =	vor.u32 $0x1, v2;
	v19 =	vld.idx.msk [tilespmem:v1+s28+$0x0], $0xffff;
	[tilespmem:s7+$0xFFFFFD80] =	vst v7  }
0x17e: {  	v7 =	vor.u32 $0x6, v2;
	v15 =	vld.idx.msk [tilespmem:v15+s28+$0x0], $0xffff;
	[tilespmem:s7+$0xFFFFFE00] =	vst v5  }
0x17f: {  	v5 =	vld.idx.msk [tilespmem:v4+s28+$0x0], $0xffff;
	[tilespmem:s7+$0xFFFFFE80] =	vst v13  }
0x180: {  	v4 =	vor.u32 $0x2, v2;
	v13 =	vld.idx.msk [tilespmem:v16+s28+$0x0], $0xffff;
	[tilespmem:s7+$0xFFFFFF00] =	vst v10  }
0x181: {  	v16 =	vor.u32 $0x4, v2;
	v10 =	vld.idx.msk [tilespmem:v2+s28+$0x0], $0xffff;
	[tilespmem:s7+$0xFFFFFF80] =	vst v9  }
0x182: {  	v9 =	vld.idx.msk [tilespmem:v12+s28+$0x0], $0xffff;
	v12 =	vor.u32 $0x3, v2;
	[tilespmem:s7+$0x0] =	vst v8  }
0x183: {  	v8 =	vld.idx.msk [tilespmem:v18+s28+$0x0], $0xffff;
	[tilespmem:s7+$0xFFFFFC80] =	vst v6  }
0x184: {  	v6 =	vld.idx.msk [tilespmem:v7+s28+$0x0], $0xffff;
	[tilespmem:s7+$0xFFFFFD00] =	vst v11;
	s7 =	smov.u32 s31  }
0x185: {  	v4 =	vld.idx.msk [tilespmem:v4+s28+$0x0], $0xffff  }
0x186: {  	v7 =	vld.idx.msk [tilespmem:v16+s28+$0x0], $0xffff  }
0x187: {  	v11 =	vld.idx.msk [tilespmem:v12+s28+$0x0], $0xffff;
	_ =	sdelay $0x1  }
0x188: {  	v12 =	vor.u32 $0x5, v1;
	[tilespmem:s31+$0xFFFFF070] =	vst v10;
	v10 =	vld.idx.msk [tilespmem:v17+s28+$0x0], $0xffff  }
0x189: {  	[tilespmem:s31+$0xFFFFF370] =	vst v6;
	v6 =	vor.u32 $0x4, v1  }
0x18a: {  	[tilespmem:s31+$0xFFFFF2F0] =	vst v8;
	v8 =	vor.u32 $0x3, v1  }
0x18b: {  	[tilespmem:s31+$0xFFFFF270] =	vst v7;
	v7 =	vor.u32 $0x8, v2  }
0x18c: {  	[tilespmem:s31+$0xFFFFF1F0] =	vst v11;
	v11 =	vor.u32 $0x9, v2;
	v14 =	vld.idx.msk [tilespmem:v14+s28+$0x0], $0xffff  }
0x18d: {  	v16 =	vor.u32 $0xF, v2;
	[tilespmem:s31+$0xFFFFF170] =	vst v4;
	v12 =	vld.idx.msk [tilespmem:v12+s28+$0x0], $0xffff  }
0x18e: {  	[tilespmem:s31+$0xFFFFF3F0] =	vst v13;
	v13 =	vor.u32 $0xE, v2;
	v17 =	vld.idx.msk [tilespmem:v6+s28+$0x0], $0xffff  }
0x18f: {  	[tilespmem:s31+$0xFFFFF0F0] =	vst v9;
	v9 =	vor.u32 $0xD, v2;
	v8 =	vld.idx.msk [tilespmem:v8+s28+$0x0], $0xffff  }
0x190: {  	v18 =	vor.u32 $0xC, v2;
	v7 =	vld.idx.msk [tilespmem:v7+s28+$0x0], $0xffff;
	[tilespmem:s31+$0xFFFFF180] =	vst v10  }
0x191: {  	v10 =	vor.u32 $0xB, v2;
	v4 =	vld.idx.msk [tilespmem:v11+s28+$0x0], $0xffff;
	[tilespmem:s31+$0xFFFFF400] =	vst v15  }
0x192: {  	v20 =	vor.u32 $0xA, v2;
	v6 =	vld.idx.msk [tilespmem:v16+s28+$0x0], $0xffff;
	[tilespmem:s31+$0xFFFFF380] =	vst v5  }
0x193: {  	v5 =	vld.idx.msk [tilespmem:v13+s28+$0x0], $0xffff;
	[tilespmem:s31+$0xFFFFF300] =	vst v12;
	v13 =	vor.u32 $0x9, v1  }
.Ltmp10:
0x194: {  	v15 =	vor.u32 $0xD, v1;
	v11 =	vld.idx.msk [tilespmem:v9+s28+$0x0], $0xffff;
	[tilespmem:s31+$0xFFFFF280] =	vst v17;
	(pc) =	sbr.rel @p1 .LBB2_18-.Ltmp10, $4  }
0x195: {  	v9 =	vld.idx.msk [tilespmem:v18+s28+$0x0], $0xffff;
	[tilespmem:s31+$0xFFFFF200] =	vst v8  }
0x196: {  	v8 =	vld.idx.msk [tilespmem:v10+s28+$0x0], $0xffff;
	[tilespmem:s31+$0xFFFFF100] =	vst v14;
	v14 =	vor.u32 $0xC, v1  }
0x197: {  	v12 =	vor.u32 $0xB, v1;
	v10 =	vld.idx.msk [tilespmem:v20+s28+$0x0], $0xffff;
	[tilespmem:s31+$0xFFFFF080] =	vst v19  }
0x198: {  	[tilespmem:s31+$0xFFFFF470] =	vst v7;
	v7 =	vld.idx.msk [tilespmem:v13+s28+$0x0], $0xffff;
	v13 =	vor.u32 $0xA, v1  }
0x199: {  	_ =	sdelay $0x2  }
0x19a: {  	[tilespmem:s7+$0xFFFFF4F0] =	vst v4  }
0x19b: {  	v57 =	vld.idx.msk [tilespmem:v15+s28+$0x0], $0xffff;
	v58 =	vor.u32 $0x8, v1;
	[tilespmem:s7+$0xFFFFF6F0] =	vst v11  }
0x19c: {  	v59 =	vld.idx.msk [tilespmem:v14+s28+$0x0], $0xffff;
	v60 =	vor.u32 $0xE, v1;
	[tilespmem:s7+$0xFFFFF7F0] =	vst v6  }
0x19d: {  	v61 =	vld.idx.msk [tilespmem:v12+s28+$0x0], $0xffff;
	v62 =	vor.u32 $0x10, v2;
	[tilespmem:s7+$0xFFFFF770] =	vst v5  }
0x19e: {  	v63 =	vld.idx.msk [tilespmem:v13+s28+$0x0], $0xffff;
	v18 =	vor.u32 $0x11, v2;
	[tilespmem:s7+$0xFFFFF670] =	vst v9  }
0x19f: {  	v3 =	vld.idx.msk [tilespmem:v3+s28+$0x0], $0xffff;
	v19 =	vor.u32 $0x12, v2;
	[tilespmem:s7+$0xFFFFF5F0] =	vst v8  }
0x1a0: {  	v21 =	vor.u32 $0x13, v2;
	[tilespmem:s7+$0xFFFFF570] =	vst v10;
	v20 =	vld.idx.msk [tilespmem:v58+s28+$0x0], $0xffff  }
0x1a1: {  	v23 =	vor.u32 $0x14, v2;
	v22 =	vld.idx.msk [tilespmem:v60+s28+$0x0], $0xffff;
	[tilespmem:s7+$0xFFFFF500] =	vst v7  }
0x1a2: {  	v25 =	vor.u32 $0x15, v2;
	v24 =	vld.idx.msk [tilespmem:v62+s28+$0x0], $0xffff;
	[tilespmem:s7+$0xFFFFF600] =	vst v61  }
0x1a3: {  	v27 =	vor.u32 $0x16, v2;
	v26 =	vld.idx.msk [tilespmem:v18+s28+$0x0], $0xffff;
	[tilespmem:s7+$0xFFFFF580] =	vst v63  }
0x1a4: {  	v29 =	vor.u32 $0x17, v2;
	v28 =	vld.idx.msk [tilespmem:v19+s28+$0x0], $0xffff;
	[tilespmem:s7+$0xFFFFF800] =	vst v3  }
0x1a5: {  	v30 =	vor.u32 $0x17, v1;
	v3 =	vld.idx.msk [tilespmem:v21+s28+$0x0], $0xffff;
	[tilespmem:s7+$0xFFFFF680] =	vst v59  }
0x1a6: {  	v32 =	vor.u32 $0x16, v1;
	v31 =	vld.idx.msk [tilespmem:v23+s28+$0x0], $0xffff;
	[tilespmem:s7+$0xFFFFF700] =	vst v57  }
0x1a7: {  	v34 =	vor.u32 $0x12, v1;
	v33 =	vld.idx.msk [tilespmem:v25+s28+$0x0], $0xffff;
	[tilespmem:s7+$0xFFFFF480] =	vst v20  }
0x1a8: {  	v36 =	vor.u32 $0x13, v1;
	v35 =	vld.idx.msk [tilespmem:v27+s28+$0x0], $0xffff;
	[tilespmem:s7+$0xFFFFF780] =	vst v22  }
0x1a9: {  	v38 =	vor.u32 $0x14, v1;
	v37 =	vld.idx.msk [tilespmem:v29+s28+$0x0], $0xffff;
	[tilespmem:s7+$0xFFFFF970] =	vst v28  }
0x1aa: {  	v39 =	vor.u32 $0x10, v1;
	[tilespmem:s7+$0xFFFFF9F0] =	vst v3;
	v15 =	vld.idx.msk [tilespmem:v30+s28+$0x0], $0xffff  }
0x1ab: {  	v41 =	vor.u32 $0x11, v1;
	[tilespmem:s7+$0xFFFFFA70] =	vst v31;
	v14 =	vld.idx.msk [tilespmem:v32+s28+$0x0], $0xffff  }
0x1ac: {  	v43 =	vor.u32 $0x18, v2;
	[tilespmem:s7+$0xFFFFFAF0] =	vst v33;
	v40 =	vld.idx.msk [tilespmem:v34+s28+$0x0], $0xffff  }
0x1ad: {  	v3 =	vor.u32 $0x15, v1;
	[tilespmem:s7+$0xFFFFF8F0] =	vst v26;
	v42 =	vld.idx.msk [tilespmem:v36+s28+$0x0], $0xffff  }
0x1ae: {  	v45 =	vor.u32 $0x19, v2;
	[tilespmem:s7+$0xFFFFFBF0] =	vst v37;
	v44 =	vld.idx.msk [tilespmem:v38+s28+$0x0], $0xffff  }
0x1af: {  	v47 =	vor.u32 $0x1A, v2;
	[tilespmem:s7+$0xFFFFFB70] =	vst v35;
	v46 =	vld.idx.msk [tilespmem:v39+s28+$0x0], $0xffff  }
0x1b0: {  	v48 =	vor.u32 $0x1B, v2;
	[tilespmem:s7+$0xFFFFF870] =	vst v24;
	v12 =	vld.idx.msk [tilespmem:v41+s28+$0x0], $0xffff  }
0x1b1: {  	v49 =	vor.u32 $0x1C, v2;
	v13 =	vld.idx.msk [tilespmem:v43+s28+$0x0], $0xffff  }
0x1b2: {  	v16 =	vor.u32 $0x1D, v2;
	v3 =	vld.idx.msk [tilespmem:v3+s28+$0x0], $0xffff;
	[tilespmem:s7+$0xFFFFF980] =	vst v40  }
0x1b3: {  	v51 =	vor.u32 $0x1E, v2;
	v50 =	vld.idx.msk [tilespmem:v45+s28+$0x0], $0xffff;
	[tilespmem:s7+$0xFFFFFA80] =	vst v44  }
0x1b4: {  	v2 =	vor.u32 $0x1F, v2;
	v8 =	vld.idx.msk [tilespmem:v47+s28+$0x0], $0xffff;
	[tilespmem:s7+$0xFFFFFA00] =	vst v42  }
0x1b5: {  	v52 =	vld.idx.msk [tilespmem:v48+s28+$0x0], $0xffff;
	[tilespmem:s7+$0xFFFFFB80] =	vst v14  }
0x1b6: {  	v53 =	vor.u32 $0x19, v1;
	v7 =	vld.idx.msk [tilespmem:v49+s28+$0x0], $0xffff;
	[tilespmem:s7+$0xFFFFF900] =	vst v12  }
0x1b7: {  	v55 =	vor.u32 $0x1A, v1;
	v54 =	vld.idx.msk [tilespmem:v16+s28+$0x0], $0xffff;
	[tilespmem:s7+$0xFFFFFC00] =	vst v15  }
0x1b8: {  	v56 =	vor.u32 $0x1B, v1;
	v10 =	vld.idx.msk [tilespmem:v51+s28+$0x0], $0xffff;
	[tilespmem:s7+$0xFFFFF880] =	vst v46  }
0x1b9: {  	v57 =	vor.u32 $0x1C, v1;
	v2 =	vld.idx.msk [tilespmem:v2+s28+$0x0], $0xffff;
	[tilespmem:s7+$0xFFFFFC70] =	vst v13  }
0x1ba: {  	v58 =	vor.u32 $0x1D, v1;
	[tilespmem:s7+$0xFFFFFB00] =	vst v3  }
0x1bb: {  	v59 =	vor.u32 $0x1E, v1;
	[tilespmem:s7+$0xFFFFFDF0] =	vst v52;
	v60 =	vld.idx.msk [tilespmem:v53+s28+$0x0], $0xffff  }
0x1bc: {  	[tilespmem:s7+$0xFFFFFE70] =	vst v7;
	v3 =	vor.u32 $0x18, v1;
	v61 =	vld.idx.msk [tilespmem:v55+s28+$0x0], $0xffff  }
0x1bd: {  	[tilespmem:s7+$0xFFFFFEF0] =	vst v54;
	v1 =	vor.u32 $0x1F, v1;
	v62 =	vld.idx.msk [tilespmem:v56+s28+$0x0], $0xffff  }
0x1be: {  	[tilespmem:s7+$0xFFFFFF70] =	vst v10;
	v4 =	vld.idx.msk [tilespmem:v57+s28+$0x0], $0xffff  }
0x1bf: {  	[tilespmem:s7+$0xFFFFFFF0] =	vst v2;
	v2 =	vld.idx.msk [tilespmem:v58+s28+$0x0], $0xffff  }
0x1c0: {  	[tilespmem:s7+$0xFFFFFCF0] =	vst v50;
	v63 =	vld.idx.msk [tilespmem:v59+s28+$0x0], $0xffff  }
0x1c1: {  	[tilespmem:s7+$0xFFFFFD70] =	vst v8;
	v3 =	vld.idx.msk [tilespmem:v3+s28+$0x0], $0xffff  }
0x1c2: {  	v1 =	vld.idx.msk [tilespmem:v1+s28+$0x0], $0xffff;
	[tilespmem:s7+$0xFFFFFD80] =	vst v61  }
0x1c3: {  	[tilespmem:s7+$0xFFFFFE00] =	vst v62  }
0x1c4: {  	[tilespmem:s7+$0xFFFFFE80] =	vst v4  }
0x1c5: {  	s5 =	sadd.s32 s4, s21;
	[tilespmem:s7+$0xFFFFFF00] =	vst v2  }
0x1c6: {  	s14 =	sshll.u32 s5, $0x7;
	[tilespmem:s7+$0xFFFFFF80] =	vst v63  }
0x1c7: {  	s5 =	sshll.u32 s5, $0x9;
	s14 =	sand.u32 $0xE80, s14;
	[tilespmem:s7+$0xFFFFFD00] =	vst v60  }
0x1c8: {  	s5 =	sand.u32 $0xFFFC000, s5;
	s14 =	sadd.s32 s3, s14;
	[tilespmem:s7+$0x0] =	vst v1  }
0x1c9: {  	s5 =	sadd.s32 s5, s14;
	[tilespmem:s7+$0xFFFFFC80] =	vst v3  }
0x1ca: {  	[hbm4b:s5+s22] =	stream.strided.scatter [tilespmem:s30], [sflag:$0x6], $0x1000, s23, s22, $0x38;
	[tilespmem:$0x12400] =	vst v63  }
0x1cb: {  	s5 =	sadd.s32 @!p0 s18, s12  }
0x1cc: {  	s7 =	sshll.u32 @!p0 s5, $0x4;
	s14 =	sshll.u32 @!p0 s5, $0x7;
	s5 =	sshrl.u32 @!p0 s5, $0x1  }
0x1cd: {  	s7 =	sand.u32 @!p0 $0xFFFF000, s7;
	s14 =	sand.u32 @!p0 $0xE80, s14;
	s5 =	sand.u32 @!p0 $0x70, s5  }
0x1ce: {  	s7 =	sor.u32 @!p0 s7, s14;
	s5 =	sadd.s32 @!p0 s2, s5  }
0x1cf: {  	s14 =	simm.s32 @!p0 $0x80;
	s5 =	sadd.s32 @!p0 s7, s5;
	s7 =	simm.s32 @!p0 $0x0  }
0x1d0: {  	[tilespmem:s14], [sflag:$0x8] =	stream.linear.gather @!p0 [hbm4b:s5+s7], $0x80, $0x38;
	[tilespmem:$0x12400] =	vst v63  }
0x1d1: {  	_ =	swait.ge [sflag:s1], $0x2000  }
.Ltmp11:
0x1d2: {  	[sflag:s1] =	ssyncset.done $0x0;
	(pc) =	sbr.rel @p0 .LBB2_23-.Ltmp11, $4  }
0x1d3: {  	[sflag:s1] =	ssyncadd.s32 $0xFFFFE000  }
0x1d4: {  	_ =	swait.ge [sflag:s1], $0x2000  }
0x1d5: {  	[sflag:s1] =	ssyncset.done $0x0  }
0x1d6: {  	[sflag:s1] =	ssyncadd.s32 $0xFFFFE000  }
0x1d7: {  	s5 =	simm.s32 $0x8  }
0x1d8: {  	_ =	swait.ge [sflag:s5], $0x80  }
0x1d9: {  	[sflag:s5] =	ssyncset.done $0x0  }
0x1da: {  	s31 =	simm.s32 $0x80;
	[sflag:s5] =	ssyncadd.s32 $0xFFFFFF80  }
0x1db: {  	v1 =	vld [tilespmem:s31+$0x0];
	_ =	sdelay $0x4  }
0x1dc: {  	s7 =	simm.s32 $0x10;
	s19 =	simm.s32 $0x90;
	s5 =	simm.s32 $0x280;
	v1 =	vshrl.u32 v1, $0x2  }
.LBB2_21:
0x1dd: {  	s7 =	sadd.s32 $0x10, s7  }
0x1de: {  	v2 =	vld [tilespmem:s19+$0x0];
	[tilespmem:s5+$0x0] =	vst v1;
	s5 =	sadd.s32 $0x10, s5;
	p1 =	slt.u32 s7, $0x70  }
.Ltmp12:
0x1df: {  	(pc) =	sbr.rel @p1 .LBB2_21-.Ltmp12, $2  }
0x1e0: {  	_ =	sdelay $0x2  }
0x1e1: {  	s19 =	sadd.s32 $0x10, s19;
	v1 =	vshrl.u32 v2, $0x2  }
0x1e2: {  	v2 =	vld [tilespmem:s19+$0x0];
	_ =	sdelay $0x4  }
0x1e3: {  	[tilespmem:s5+$0x0] =	vst v1;
	s21 =	sadd.s32 $0x10, s5;
	v1 =	vshrl.u32 v2, $0x2  }
0x1e4: {  	s25 =	simm.s32 $0x280;
	[tilespmem:s21+$0x0] =	vst v1  }
0x1e5: {  	[tilespmem:s28], [sflag:$0x2] =	stream.indirect.gather [hbm4b:s6+s20], $0x80, s25, s20, $0xb8;
	[tilespmem:$0x12400] =	vst v63  }
0x1e6: {  	s31 =	simm.s32 $0x2C0;
	s7 =	simm.s32 $0x6400  }
0x1e7: {  	[tilespmem:s7], [sflag:$0x2] =	stream.indirect.gather [hbm4b:s6+s20], $0x80, s31, s20, $0xb8;
	[tilespmem:$0x12400] =	vst v63  }
.LBB2_23:
0x1e8: {  	_ =	swait.ge [sflag:s16], $0x1000  }
0x1e9: {  	[sflag:s16] =	ssyncset.done $0x0  }
0x1ea: {  	s19 =	simm.s32 $0x110;
	[sflag:s16] =	ssyncadd.s32 $0xFFFFF000  }
0x1eb: {  	v1 =	vld [tilespmem:s19+$0xFFFFFFF0];
	_ =	sdelay $0x2  }
0x1ec: {  	s5 =	simm.s32 $0x0  }
0x1ed: {  	v2 =	vmov s5  }
0x1ee: {  	v2 =	vshll.u32 v2, $0x7;
	v1 =	vshll.u32 v1, $0x5  }
0x1ef: {  	v2 =	vor.u32 v0, v2;
	v1 =	vand.u32 $0x60, v1  }
0x1f0: {  	v2 =	vor.u32 v2, v1  }
0x1f1: {  	v1 =	vor.u32 $0x7, v2  }
0x1f2: {  	v3 =	vld [tilespmem:s19+$0x0]  }
0x1f3: {  	v6 =	vor.u32 $0x6, v2  }
0x1f4: {  	v10 =	vor.u32 $0x4, v2  }
0x1f5: {  	s25 =	simm.s32 $0x10;
	v5 =	vor.u32 $0x5, v2  }
0x1f6: {  	v7 =	vmov s25;
	v11 =	vor.u32 $0x3, v2;
	v9 =	vld.idx.msk [tilespmem:v1+s0+$0x0], $0xffff  }
0x1f7: {  	v3 =	vshll.u32 v3, $0x5;
	v4 =	vor.u32 $0x1, v2;
	v1 =	vshll.u32 v7, $0x7;
	v7 =	vld.idx.msk [tilespmem:v2+s0+$0x0], $0xffff  }
0x1f8: {  	v3 =	vand.u32 $0x60, v3;
	v8 =	vor.u32 $0x2, v2;
	v6 =	vld.idx.msk [tilespmem:v6+s0+$0x0], $0xffff;
	v1 =	vor.u32 v0, v1  }
0x1f9: {  	v10 =	vld.idx.msk [tilespmem:v10+s0+$0x0], $0xffff;
	v1 =	vor.u32 v1, v3  }
0x1fa: {  	v3 =	vld.idx.msk [tilespmem:v5+s0+$0x0], $0xffff;
	v5 =	vor.u32 $0x7, v1  }
0x1fb: {  	v11 =	vld.idx.msk [tilespmem:v11+s0+$0x0], $0xffff;
	v12 =	vor.u32 $0x6, v1  }
0x1fc: {  	s7 =	simm.s32 $0x10C00;
	v4 =	vld.idx.msk [tilespmem:v4+s0+$0x0], $0xffff;
	v13 =	vor.u32 $0x2, v1  }
0x1fd: {  	v8 =	vld.idx.msk [tilespmem:v8+s0+$0x0], $0xffff;
	v14 =	vor.u32 $0x1, v1;
	[tilespmem:s7+$0xFFFFF800] =	vst v7  }
0x1fe: {  	v7 =	vor.u32 $0x5, v1;
	[tilespmem:s7+$0xFFFFFB00] =	vst v6;
	v16 =	vld.idx.msk [tilespmem:v1+s0+$0x0], $0xffff  }
0x1ff: {  	v6 =	vor.u32 $0x4, v1;
	[tilespmem:s7+$0xFFFFFA00] =	vst v10;
	v5 =	vld.idx.msk [tilespmem:v5+s0+$0x0], $0xffff  }
0x200: {  	v10 =	vor.u32 $0x8, v2;
	[tilespmem:s7+$0xFFFFF980] =	vst v11;
	v12 =	vld.idx.msk [tilespmem:v12+s0+$0x0], $0xffff  }
0x201: {  	[tilespmem:s7+$0xFFFFFA80] =	vst v3;
	v3 =	vor.u32 $0x3, v1;
	v13 =	vld.idx.msk [tilespmem:v13+s0+$0x0], $0xffff  }
0x202: {  	v11 =	vor.u32 $0x9, v2;
	[tilespmem:s7+$0xFFFFF900] =	vst v8;
	v14 =	vld.idx.msk [tilespmem:v14+s0+$0x0], $0xffff  }
0x203: {  	v8 =	vor.u32 $0xF, v2;
	[tilespmem:s7+$0xFFFFFB80] =	vst v9;
	v7 =	vld.idx.msk [tilespmem:v7+s0+$0x0], $0xffff  }
0x204: {  	v17 =	vor.u32 $0xD, v2;
	[tilespmem:s7+$0xFFFFF880] =	vst v4;
	v15 =	vld.idx.msk [tilespmem:v6+s0+$0x0], $0xffff  }
0x205: {  	v9 =	vor.u32 $0xE, v2;
	v18 =	vld.idx.msk [tilespmem:v10+s0+$0x0], $0xffff  }
0x206: {  	v10 =	vor.u32 $0xC, v2;
	v3 =	vld.idx.msk [tilespmem:v3+s0+$0x0], $0xffff;
	[tilespmem:s7+$0xFFFFF810] =	vst v16  }
0x207: {  	v19 =	vor.u32 $0xA, v2;
	v4 =	vld.idx.msk [tilespmem:v11+s0+$0x0], $0xffff;
	[tilespmem:s7+$0xFFFFF910] =	vst v13  }
0x208: {  	v6 =	vld.idx.msk [tilespmem:v8+s0+$0x0], $0xffff;
	v13 =	vor.u32 $0xB, v2;
	[tilespmem:s7+$0xFFFFFB90] =	vst v5  }
0x209: {  	v11 =	vld.idx.msk [tilespmem:v17+s0+$0x0], $0xffff;
	[tilespmem:s7+$0xFFFFFA90] =	vst v7;
	v7 =	vor.u32 $0x9, v1  }
0x20a: {  	v5 =	vld.idx.msk [tilespmem:v9+s0+$0x0], $0xffff;
	[tilespmem:s7+$0xFFFFFA10] =	vst v15;
	v15 =	vor.u32 $0xD, v1  }
0x20b: {  	[tilespmem:s7+$0xFFFFFB10] =	vst v12;
	v9 =	vld.idx.msk [tilespmem:v10+s0+$0x0], $0xffff  }
0x20c: {  	[tilespmem:s7+$0xFFFFF890] =	vst v14;
	v14 =	vor.u32 $0xC, v1;
	v10 =	vld.idx.msk [tilespmem:v19+s0+$0x0], $0xffff  }
0x20d: {  	v12 =	vor.u32 $0xB, v1;
	[tilespmem:s7+$0xFFFFF990] =	vst v3;
	v8 =	vld.idx.msk [tilespmem:v13+s0+$0x0], $0xffff  }
0x20e: {  	s21 =	sor.u32 $0x2, s18;
	s31 =	simm.s32 $0x10C00;
	s25 =	simm.s32 $0x20;
	v3 =	vor.u32 $0xF, v1;
	[tilespmem:s7+$0xFFFFFC00] =	vst v18;
	v13 =	vor.u32 $0xA, v1;
	v7 =	vld.idx.msk [tilespmem:v7+s0+$0x0], $0xffff  }
.LBB2_24:
0x20f: {  	p1 =	slt.u32 s25, $0x60;
	[tilespmem:s7+$0xFFFFFC80] =	vst v4;
	v15 =	vld.idx.msk [tilespmem:v15+s0+$0x0], $0xffff;
	s19 =	sadd.s32 $0x20, s19;
	s31 =	sadd.s32 $0x20, s31  }
0x210: {  	s5 =	smov.u32 s25;
	s25 =	sadd.s32 $0x20, s25;
	v4 =	vld [tilespmem:s19+$0xFFFFFFF0];
	[tilespmem:s7+$0xFFFFFE80] =	vst v11;
	v11 =	vor.u32 $0x8, v1  }
0x211: {  	[tilespmem:s7+$0xFFFFFE00] =	vst v9;
	v9 =	vld.idx.msk [tilespmem:v14+s0+$0x0], $0xffff;
	v14 =	vor.u32 $0xE, v1  }
0x212: {  	[tilespmem:s7+$0xFFFFFD80] =	vst v8;
	v8 =	vld.idx.msk [tilespmem:v12+s0+$0x0], $0xffff  }
0x213: {  	[tilespmem:s7+$0xFFFFFD00] =	vst v10;
	v10 =	vor.u32 $0x10, v2;
	v12 =	vld.idx.msk [tilespmem:v13+s0+$0x0], $0xffff  }
0x214: {  	[tilespmem:s7+$0xFFFFFF80] =	vst v6;
	v6 =	vor.u32 $0x11, v2;
	v3 =	vld.idx.msk [tilespmem:v3+s0+$0x0], $0xffff  }
0x215: {  	v13 =	vor.u32 $0x12, v2;
	v11 =	vld.idx.msk [tilespmem:v11+s0+$0x0], $0xffff  }
0x216: {  	[tilespmem:s7+$0xFFFFFF00] =	vst v5;
	v5 =	vor.u32 $0x13, v2;
	v14 =	vld.idx.msk [tilespmem:v14+s0+$0x0], $0xffff  }
0x217: {  	v17 =	vor.u32 $0x14, v2;
	v16 =	vld [tilespmem:s19+$0x0];
	[tilespmem:s7+$0xFFFFFC90] =	vst v7  }
0x218: {  	v7 =	vld.idx.msk [tilespmem:v10+s0+$0x0], $0xffff;
	v10 =	vor.u32 $0x15, v2;
	[tilespmem:s7+$0xFFFFFD90] =	vst v8  }
0x219: {  	v8 =	vor.u32 $0x16, v2;
	v6 =	vld.idx.msk [tilespmem:v6+s0+$0x0], $0xffff;
	[tilespmem:s7+$0xFFFFFD10] =	vst v12  }
0x21a: {  	v12 =	vld.idx.msk [tilespmem:v13+s0+$0x0], $0xffff;
	v13 =	vor.u32 $0x17, v2;
	[tilespmem:s7+$0xFFFFFF90] =	vst v3  }
0x21b: {  	v3 =	vld.idx.msk [tilespmem:v5+s0+$0x0], $0xffff;
	[tilespmem:s7+$0xFFFFFC10] =	vst v11;
	v5 =	vor.u32 $0x17, v1  }
0x21c: {  	v11 =	vld.idx.msk [tilespmem:v17+s0+$0x0], $0xffff;
	[tilespmem:s7+$0xFFFFFF10] =	vst v14;
	v14 =	vor.u32 $0x16, v1  }
0x21d: {  	v10 =	vld.idx.msk [tilespmem:v10+s0+$0x0], $0xffff;
	[tilespmem:s7+$0xFFFFFE10] =	vst v9;
	v9 =	vor.u32 $0x12, v1  }
0x21e: {  	v8 =	vld.idx.msk [tilespmem:v8+s0+$0x0], $0xffff;
	[tilespmem:s7+$0xFFFFFE90] =	vst v15;
	v15 =	vor.u32 $0x13, v1  }
0x21f: {  	v17 =	vor.u32 $0x14, v1;
	v13 =	vld.idx.msk [tilespmem:v13+s0+$0x0], $0xffff  }
0x220: {  	[tilespmem:s7+$0x100] =	vst v12;
	v12 =	vor.u32 $0x10, v1;
	v5 =	vld.idx.msk [tilespmem:v5+s0+$0x0], $0xffff  }
0x221: {  	[tilespmem:s7+$0x180] =	vst v3;
	v3 =	vor.u32 $0x15, v1;
	v14 =	vld.idx.msk [tilespmem:v14+s0+$0x0], $0xffff  }
0x222: {  	[tilespmem:s7+$0x200] =	vst v11;
	v9 =	vld.idx.msk [tilespmem:v9+s0+$0x0], $0xffff  }
0x223: {  	[tilespmem:s7+$0x280] =	vst v10;
	v10 =	vor.u32 $0x11, v1;
	v11 =	vld.idx.msk [tilespmem:v15+s0+$0x0], $0xffff  }
0x224: {  	[tilespmem:s7+$0x80] =	vst v6;
	v6 =	vor.u32 $0x18, v2;
	v15 =	vld.idx.msk [tilespmem:v17+s0+$0x0], $0xffff  }
0x225: {  	[tilespmem:s7+$0x380] =	vst v13;
	v13 =	vor.u32 $0x19, v2;
	v12 =	vld.idx.msk [tilespmem:v12+s0+$0x0], $0xffff  }
0x226: {  	[tilespmem:s7+$0x300] =	vst v8;
	v8 =	vor.u32 $0x1A, v2;
	v3 =	vld.idx.msk [tilespmem:v3+s0+$0x0], $0xffff  }
0x227: {  	v17 =	vor.u32 $0x1B, v2  }
0x228: {  	[tilespmem:s7+$0x0] =	vst v7;
	v7 =	vor.u32 $0x1C, v2;
	v10 =	vld.idx.msk [tilespmem:v10+s0+$0x0], $0xffff  }
0x229: {  	v18 =	vor.u32 $0x1D, v2;
	v6 =	vld.idx.msk [tilespmem:v6+s0+$0x0], $0xffff;
	[tilespmem:s7+$0x110] =	vst v9  }
0x22a: {  	v9 =	vld.idx.msk [tilespmem:v13+s0+$0x0], $0xffff;
	v13 =	vor.u32 $0x1E, v2;
	[tilespmem:s7+$0x210] =	vst v15  }
0x22b: {  	v2 =	vor.u32 $0x1F, v2;
	v8 =	vld.idx.msk [tilespmem:v8+s0+$0x0], $0xffff;
	[tilespmem:s7+$0x190] =	vst v11  }
0x22c: {  	v11 =	vld.idx.msk [tilespmem:v17+s0+$0x0], $0xffff;
	[tilespmem:s7+$0x290] =	vst v3;
	v3 =	vor.u32 $0x18, v1  }
0x22d: {  	v7 =	vld.idx.msk [tilespmem:v7+s0+$0x0], $0xffff;
	[tilespmem:s7+$0x310] =	vst v14;
	v14 =	vor.u32 $0x19, v1  }
0x22e: {  	v15 =	vld.idx.msk [tilespmem:v18+s0+$0x0], $0xffff;
	[tilespmem:s7+$0x90] =	vst v10;
	v10 =	vor.u32 $0x1A, v1  }
0x22f: {  	v13 =	vld.idx.msk [tilespmem:v13+s0+$0x0], $0xffff;
	[tilespmem:s7+$0x390] =	vst v5;
	v5 =	vor.u32 $0x1B, v1  }
0x230: {  	s14 =	sadd.s32 $0x10, s5;
	v17 =	vld.idx.msk [tilespmem:v2+s0+$0x0], $0xffff;
	[tilespmem:s7+$0x10] =	vst v12;
	v2 =	vor.u32 $0x1C, v1;
	v12 =	vor.u32 $0x1F, v1  }
0x231: {  	v19 =	vor.u32 $0x1E, v1;
	v18 =	vmov s14;
	[tilespmem:s7+$0x400] =	vst v6;
	v6 =	vld.idx.msk [tilespmem:v3+s0+$0x0], $0xffff;
	v3 =	vor.u32 $0x1D, v1  }
0x232: {  	v16 =	vshll.u32 v16, $0x5;
	v18 =	vshll.u32 v18, $0x7;
	v1 =	vmov s5;
	[tilespmem:s7+$0x580] =	vst v11;
	v11 =	vld.idx.msk [tilespmem:v14+s0+$0x0], $0xffff  }
0x233: {  	v4 =	vshll.u32 v4, $0x5;
	v14 =	vand.u32 $0x60, v16;
	v16 =	vor.u32 v0, v18;
	[tilespmem:s7+$0x600] =	vst v7;
	v7 =	vld.idx.msk [tilespmem:v10+s0+$0x0], $0xffff  }
0x234: {  	v4 =	vand.u32 $0x60, v4;
	v10 =	vshll.u32 v1, $0x7;
	v1 =	vor.u32 v16, v14;
	[tilespmem:s7+$0x680] =	vst v15;
	v5 =	vld.idx.msk [tilespmem:v5+s0+$0x0], $0xffff  }
0x235: {  	v10 =	vor.u32 v0, v10;
	v14 =	vor.u32 $0x1, v1;
	v15 =	vor.u32 $0x7, v1;
	[tilespmem:s7+$0x700] =	vst v13;
	v13 =	vld.idx.msk [tilespmem:v2+s0+$0x0], $0xffff  }
0x236: {  	v2 =	vor.u32 v10, v4;
	v4 =	vor.u32 $0x6, v1;
	[tilespmem:s7+$0x780] =	vst v17;
	v10 =	vld.idx.msk [tilespmem:v3+s0+$0x0], $0xffff  }
0x237: {  	v16 =	vor.u32 $0x7, v2;
	[tilespmem:s7+$0x480] =	vst v9;
	v9 =	vld.idx.msk [tilespmem:v19+s0+$0x0], $0xffff  }
0x238: {  	v17 =	vor.u32 $0x2, v1;
	v3 =	vor.u32 $0xF, v1;
	[tilespmem:s7+$0x500] =	vst v8;
	v8 =	vld.idx.msk [tilespmem:v12+s0+$0x0], $0xffff  }
0x239: {  	v18 =	vor.u32 $0x5, v2;
	v12 =	vor.u32 $0x1, v2;
	v19 =	vld.idx.msk [tilespmem:v1+s0+$0x0], $0xffff;
	[tilespmem:s7+$0x510] =	vst v7  }
0x23a: {  	v7 =	vor.u32 $0x6, v2;
	v15 =	vld.idx.msk [tilespmem:v15+s0+$0x0], $0xffff;
	[tilespmem:s7+$0x590] =	vst v5  }
0x23b: {  	v5 =	vld.idx.msk [tilespmem:v4+s0+$0x0], $0xffff;
	[tilespmem:s7+$0x610] =	vst v13  }
0x23c: {  	v4 =	vor.u32 $0x2, v2;
	v13 =	vld.idx.msk [tilespmem:v16+s0+$0x0], $0xffff;
	[tilespmem:s7+$0x690] =	vst v10  }
0x23d: {  	v16 =	vor.u32 $0x4, v2;
	v10 =	vld.idx.msk [tilespmem:v2+s0+$0x0], $0xffff;
	[tilespmem:s7+$0x710] =	vst v9  }
0x23e: {  	v9 =	vld.idx.msk [tilespmem:v12+s0+$0x0], $0xffff;
	v12 =	vor.u32 $0x3, v2;
	[tilespmem:s7+$0x790] =	vst v8  }
0x23f: {  	v8 =	vld.idx.msk [tilespmem:v18+s0+$0x0], $0xffff;
	[tilespmem:s7+$0x410] =	vst v6  }
0x240: {  	v6 =	vld.idx.msk [tilespmem:v7+s0+$0x0], $0xffff;
	[tilespmem:s7+$0x490] =	vst v11;
	s7 =	smov.u32 s31  }
0x241: {  	v4 =	vld.idx.msk [tilespmem:v4+s0+$0x0], $0xffff  }
0x242: {  	v7 =	vld.idx.msk [tilespmem:v16+s0+$0x0], $0xffff  }
0x243: {  	v11 =	vld.idx.msk [tilespmem:v12+s0+$0x0], $0xffff;
	_ =	sdelay $0x1  }
0x244: {  	v12 =	vor.u32 $0x5, v1;
	[tilespmem:s31+$0xFFFFF800] =	vst v10;
	v10 =	vld.idx.msk [tilespmem:v17+s0+$0x0], $0xffff  }
0x245: {  	[tilespmem:s31+$0xFFFFFB00] =	vst v6;
	v6 =	vor.u32 $0x4, v1  }
0x246: {  	[tilespmem:s31+$0xFFFFFA80] =	vst v8;
	v8 =	vor.u32 $0x3, v1  }
0x247: {  	[tilespmem:s31+$0xFFFFFA00] =	vst v7;
	v7 =	vor.u32 $0x8, v2  }
0x248: {  	[tilespmem:s31+$0xFFFFF980] =	vst v11;
	v11 =	vor.u32 $0x9, v2;
	v14 =	vld.idx.msk [tilespmem:v14+s0+$0x0], $0xffff  }
0x249: {  	v16 =	vor.u32 $0xF, v2;
	[tilespmem:s31+$0xFFFFF900] =	vst v4;
	v12 =	vld.idx.msk [tilespmem:v12+s0+$0x0], $0xffff  }
0x24a: {  	[tilespmem:s31+$0xFFFFFB80] =	vst v13;
	v13 =	vor.u32 $0xE, v2;
	v17 =	vld.idx.msk [tilespmem:v6+s0+$0x0], $0xffff  }
0x24b: {  	[tilespmem:s31+$0xFFFFF880] =	vst v9;
	v9 =	vor.u32 $0xD, v2;
	v8 =	vld.idx.msk [tilespmem:v8+s0+$0x0], $0xffff  }
0x24c: {  	v18 =	vor.u32 $0xC, v2;
	v7 =	vld.idx.msk [tilespmem:v7+s0+$0x0], $0xffff;
	[tilespmem:s31+$0xFFFFF910] =	vst v10  }
0x24d: {  	v10 =	vor.u32 $0xB, v2;
	v4 =	vld.idx.msk [tilespmem:v11+s0+$0x0], $0xffff;
	[tilespmem:s31+$0xFFFFFB90] =	vst v15  }
0x24e: {  	v20 =	vor.u32 $0xA, v2;
	v6 =	vld.idx.msk [tilespmem:v16+s0+$0x0], $0xffff;
	[tilespmem:s31+$0xFFFFFB10] =	vst v5  }
0x24f: {  	v5 =	vld.idx.msk [tilespmem:v13+s0+$0x0], $0xffff;
	[tilespmem:s31+$0xFFFFFA90] =	vst v12;
	v13 =	vor.u32 $0x9, v1  }
.Ltmp13:
0x250: {  	v15 =	vor.u32 $0xD, v1;
	v11 =	vld.idx.msk [tilespmem:v9+s0+$0x0], $0xffff;
	[tilespmem:s31+$0xFFFFFA10] =	vst v17;
	(pc) =	sbr.rel @p1 .LBB2_24-.Ltmp13, $4  }
0x251: {  	v9 =	vld.idx.msk [tilespmem:v18+s0+$0x0], $0xffff;
	[tilespmem:s31+$0xFFFFF990] =	vst v8  }
0x252: {  	v8 =	vld.idx.msk [tilespmem:v10+s0+$0x0], $0xffff;
	[tilespmem:s31+$0xFFFFF890] =	vst v14;
	v14 =	vor.u32 $0xC, v1  }
0x253: {  	v12 =	vor.u32 $0xB, v1;
	v10 =	vld.idx.msk [tilespmem:v20+s0+$0x0], $0xffff;
	[tilespmem:s31+$0xFFFFF810] =	vst v19  }
0x254: {  	[tilespmem:s31+$0xFFFFFC00] =	vst v7;
	v7 =	vld.idx.msk [tilespmem:v13+s0+$0x0], $0xffff;
	v13 =	vor.u32 $0xA, v1  }
0x255: {  	_ =	sdelay $0x2  }
0x256: {  	[tilespmem:s7+$0xFFFFFC80] =	vst v4  }
0x257: {  	v57 =	vld.idx.msk [tilespmem:v15+s0+$0x0], $0xffff;
	v58 =	vor.u32 $0x8, v1;
	[tilespmem:s7+$0xFFFFFE80] =	vst v11  }
0x258: {  	v59 =	vld.idx.msk [tilespmem:v14+s0+$0x0], $0xffff;
	v60 =	vor.u32 $0xE, v1;
	[tilespmem:s7+$0xFFFFFF80] =	vst v6  }
0x259: {  	v61 =	vld.idx.msk [tilespmem:v12+s0+$0x0], $0xffff;
	v62 =	vor.u32 $0x10, v2;
	[tilespmem:s7+$0xFFFFFF00] =	vst v5  }
0x25a: {  	v63 =	vld.idx.msk [tilespmem:v13+s0+$0x0], $0xffff;
	v18 =	vor.u32 $0x11, v2;
	[tilespmem:s7+$0xFFFFFE00] =	vst v9  }
0x25b: {  	v3 =	vld.idx.msk [tilespmem:v3+s0+$0x0], $0xffff;
	v19 =	vor.u32 $0x12, v2;
	[tilespmem:s7+$0xFFFFFD80] =	vst v8  }
0x25c: {  	v21 =	vor.u32 $0x13, v2;
	[tilespmem:s7+$0xFFFFFD00] =	vst v10;
	v20 =	vld.idx.msk [tilespmem:v58+s0+$0x0], $0xffff  }
0x25d: {  	v23 =	vor.u32 $0x14, v2;
	v22 =	vld.idx.msk [tilespmem:v60+s0+$0x0], $0xffff;
	[tilespmem:s7+$0xFFFFFC90] =	vst v7  }
0x25e: {  	v25 =	vor.u32 $0x15, v2;
	v24 =	vld.idx.msk [tilespmem:v62+s0+$0x0], $0xffff;
	[tilespmem:s7+$0xFFFFFD90] =	vst v61  }
0x25f: {  	v27 =	vor.u32 $0x16, v2;
	v26 =	vld.idx.msk [tilespmem:v18+s0+$0x0], $0xffff;
	[tilespmem:s7+$0xFFFFFD10] =	vst v63  }
0x260: {  	v29 =	vor.u32 $0x17, v2;
	v28 =	vld.idx.msk [tilespmem:v19+s0+$0x0], $0xffff;
	[tilespmem:s7+$0xFFFFFF90] =	vst v3  }
0x261: {  	v30 =	vor.u32 $0x17, v1;
	v3 =	vld.idx.msk [tilespmem:v21+s0+$0x0], $0xffff;
	[tilespmem:s7+$0xFFFFFE10] =	vst v59  }
0x262: {  	v32 =	vor.u32 $0x16, v1;
	v31 =	vld.idx.msk [tilespmem:v23+s0+$0x0], $0xffff;
	[tilespmem:s7+$0xFFFFFE90] =	vst v57  }
0x263: {  	v34 =	vor.u32 $0x12, v1;
	v33 =	vld.idx.msk [tilespmem:v25+s0+$0x0], $0xffff;
	[tilespmem:s7+$0xFFFFFC10] =	vst v20  }
0x264: {  	v36 =	vor.u32 $0x13, v1;
	v35 =	vld.idx.msk [tilespmem:v27+s0+$0x0], $0xffff;
	[tilespmem:s7+$0xFFFFFF10] =	vst v22  }
0x265: {  	v38 =	vor.u32 $0x14, v1;
	v37 =	vld.idx.msk [tilespmem:v29+s0+$0x0], $0xffff;
	[tilespmem:s7+$0x100] =	vst v28  }
0x266: {  	v39 =	vor.u32 $0x10, v1;
	[tilespmem:s7+$0x180] =	vst v3;
	v15 =	vld.idx.msk [tilespmem:v30+s0+$0x0], $0xffff  }
0x267: {  	v41 =	vor.u32 $0x11, v1;
	[tilespmem:s7+$0x200] =	vst v31;
	v14 =	vld.idx.msk [tilespmem:v32+s0+$0x0], $0xffff  }
0x268: {  	v43 =	vor.u32 $0x18, v2;
	[tilespmem:s7+$0x280] =	vst v33;
	v40 =	vld.idx.msk [tilespmem:v34+s0+$0x0], $0xffff  }
0x269: {  	v3 =	vor.u32 $0x15, v1;
	[tilespmem:s7+$0x80] =	vst v26;
	v42 =	vld.idx.msk [tilespmem:v36+s0+$0x0], $0xffff  }
0x26a: {  	v45 =	vor.u32 $0x19, v2;
	[tilespmem:s7+$0x380] =	vst v37;
	v44 =	vld.idx.msk [tilespmem:v38+s0+$0x0], $0xffff  }
0x26b: {  	v47 =	vor.u32 $0x1A, v2;
	[tilespmem:s7+$0x300] =	vst v35;
	v46 =	vld.idx.msk [tilespmem:v39+s0+$0x0], $0xffff  }
0x26c: {  	v48 =	vor.u32 $0x1B, v2;
	[tilespmem:s7+$0x0] =	vst v24;
	v12 =	vld.idx.msk [tilespmem:v41+s0+$0x0], $0xffff  }
0x26d: {  	v49 =	vor.u32 $0x1C, v2;
	v13 =	vld.idx.msk [tilespmem:v43+s0+$0x0], $0xffff  }
0x26e: {  	v16 =	vor.u32 $0x1D, v2;
	v3 =	vld.idx.msk [tilespmem:v3+s0+$0x0], $0xffff;
	[tilespmem:s7+$0x110] =	vst v40  }
0x26f: {  	v51 =	vor.u32 $0x1E, v2;
	v50 =	vld.idx.msk [tilespmem:v45+s0+$0x0], $0xffff;
	[tilespmem:s7+$0x210] =	vst v44  }
0x270: {  	v2 =	vor.u32 $0x1F, v2;
	v8 =	vld.idx.msk [tilespmem:v47+s0+$0x0], $0xffff;
	[tilespmem:s7+$0x190] =	vst v42  }
0x271: {  	v52 =	vld.idx.msk [tilespmem:v48+s0+$0x0], $0xffff;
	[tilespmem:s7+$0x310] =	vst v14  }
0x272: {  	v53 =	vor.u32 $0x19, v1;
	v7 =	vld.idx.msk [tilespmem:v49+s0+$0x0], $0xffff;
	[tilespmem:s7+$0x90] =	vst v12  }
0x273: {  	v55 =	vor.u32 $0x1A, v1;
	v54 =	vld.idx.msk [tilespmem:v16+s0+$0x0], $0xffff;
	[tilespmem:s7+$0x390] =	vst v15  }
0x274: {  	v56 =	vor.u32 $0x1B, v1;
	v10 =	vld.idx.msk [tilespmem:v51+s0+$0x0], $0xffff;
	[tilespmem:s7+$0x10] =	vst v46  }
0x275: {  	v57 =	vor.u32 $0x1C, v1;
	v2 =	vld.idx.msk [tilespmem:v2+s0+$0x0], $0xffff;
	[tilespmem:s7+$0x400] =	vst v13  }
0x276: {  	v58 =	vor.u32 $0x1D, v1;
	[tilespmem:s7+$0x290] =	vst v3  }
0x277: {  	v59 =	vor.u32 $0x1E, v1;
	[tilespmem:s7+$0x580] =	vst v52;
	v60 =	vld.idx.msk [tilespmem:v53+s0+$0x0], $0xffff  }
0x278: {  	[tilespmem:s7+$0x600] =	vst v7;
	v3 =	vor.u32 $0x18, v1;
	v61 =	vld.idx.msk [tilespmem:v55+s0+$0x0], $0xffff  }
0x279: {  	[tilespmem:s7+$0x680] =	vst v54;
	v1 =	vor.u32 $0x1F, v1;
	v62 =	vld.idx.msk [tilespmem:v56+s0+$0x0], $0xffff  }
0x27a: {  	[tilespmem:s7+$0x700] =	vst v10;
	v4 =	vld.idx.msk [tilespmem:v57+s0+$0x0], $0xffff  }
0x27b: {  	[tilespmem:s7+$0x780] =	vst v2;
	v2 =	vld.idx.msk [tilespmem:v58+s0+$0x0], $0xffff  }
0x27c: {  	[tilespmem:s7+$0x480] =	vst v50;
	v63 =	vld.idx.msk [tilespmem:v59+s0+$0x0], $0xffff  }
0x27d: {  	[tilespmem:s7+$0x500] =	vst v8;
	v3 =	vld.idx.msk [tilespmem:v3+s0+$0x0], $0xffff  }
0x27e: {  	v1 =	vld.idx.msk [tilespmem:v1+s0+$0x0], $0xffff;
	[tilespmem:s7+$0x510] =	vst v61  }
0x27f: {  	[tilespmem:s7+$0x590] =	vst v62  }
0x280: {  	[tilespmem:s7+$0x610] =	vst v4  }
0x281: {  	s5 =	sadd.s32 s4, s21;
	[tilespmem:s7+$0x690] =	vst v2  }
.Ltmp14:
0x282: {  	s14 =	sshll.u32 s5, $0x7;
	[tilespmem:s7+$0x710] =	vst v63;
	(pc) =	sbr.rel @!p0 .LBB2_26-.Ltmp14, $4  }
0x283: {  	s5 =	sshll.u32 s5, $0x9;
	s14 =	sand.u32 $0xF00, s14;
	[tilespmem:s7+$0x490] =	vst v60  }
0x284: {  	s5 =	sand.u32 $0xFFFC000, s5;
	s14 =	sadd.s32 s3, s14;
	[tilespmem:s7+$0x790] =	vst v1  }
0x285: {  	s5 =	sadd.s32 s5, s14;
	[tilespmem:s7+$0x410] =	vst v3  }
0x286: {  	[hbm4b:s5+s22] =	stream.strided.scatter [tilespmem:s24], [sflag:$0x5], $0x1000, s23, s22, $0x38;
	[tilespmem:$0x12400] =	vst v63  }
0x287: {  	_ =	swait.ge [sflag:s17], $0x2000  }
.Ltmp15:
0x288: {  	[sflag:s17] =	ssyncset.done $0x0;
	(pc) =	sbr.rel .LBB2_30-.Ltmp15, $4  }
0x289: {  	[sflag:s17] =	ssyncadd.s32 $0xFFFFE000  }
0x28a: {  	_ =	swait.ge [sflag:s17], $0x2000  }
0x28b: {  	[sflag:s17] =	ssyncset.done $0x0  }
0x28c: {  	[sflag:s17] =	ssyncadd.s32 $0xFFFFE000  }
.LBB2_26:
0x28d: {  	s5 =	rddreg [dreg:$0x8]  }
0x28e: {  	s5 =	sadd.s32 s18, s5  }
0x28f: {  	s7 =	sshll.u32 s5, $0x4;
	s14 =	sshll.u32 s5, $0x7;
	s5 =	sshrl.u32 s5, $0x1  }
0x290: {  	s7 =	sand.u32 $0xFFFF000, s7;
	s14 =	sand.u32 $0xF00, s14;
	s5 =	sand.u32 $0x70, s5  }
0x291: {  	s7 =	sor.u32 s7, s14;
	s5 =	sadd.s32 s2, s5  }
0x292: {  	s21 =	simm.s32 $0x100;
	s25 =	simm.s32 $0x0;
	s5 =	sadd.s32 s7, s5  }
0x293: {  	[tilespmem:s21], [sflag:$0x9] =	stream.linear.gather [hbm4b:s5+s25], $0x80, $0x38;
	[tilespmem:$0x12400] =	vst v63  }
0x294: {  	_ =	swait.ge [sflag:s17], $0x2000  }
0x295: {  	[sflag:s17] =	ssyncset.done $0x0  }
0x296: {  	[sflag:s17] =	ssyncadd.s32 $0xFFFFE000  }
0x297: {  	_ =	swait.ge [sflag:s17], $0x2000  }
0x298: {  	[sflag:s17] =	ssyncset.done $0x0  }
0x299: {  	s31 =	simm.s32 $0x9;
	[sflag:s17] =	ssyncadd.s32 $0xFFFFE000  }
0x29a: {  	_ =	swait.ge [sflag:s31], $0x80  }
0x29b: {  	[sflag:s31] =	ssyncset.done $0x0  }
0x29c: {  	[sflag:s31] =	ssyncadd.s32 $0xFFFFFF80  }
0x29d: {  	v1 =	vld [tilespmem:s21+$0x0];
	_ =	sdelay $0x4  }
0x29e: {  	s19 =	simm.s32 $0x110;
	s7 =	simm.s32 $0x10;
	s5 =	simm.s32 $0x300;
	v1 =	vshrl.u32 v1, $0x2  }
.LBB2_27:
0x29f: {  	s7 =	sadd.s32 $0x10, s7  }
0x2a0: {  	v2 =	vld [tilespmem:s19+$0x0];
	[tilespmem:s5+$0x0] =	vst v1;
	s5 =	sadd.s32 $0x10, s5;
	p1 =	slt.u32 s7, $0x70  }
.Ltmp16:
0x2a1: {  	(pc) =	sbr.rel @p1 .LBB2_27-.Ltmp16, $2  }
0x2a2: {  	_ =	sdelay $0x2  }
0x2a3: {  	s19 =	sadd.s32 $0x10, s19;
	v1 =	vshrl.u32 v2, $0x2  }
0x2a4: {  	v2 =	vld [tilespmem:s19+$0x0];
	_ =	sdelay $0x4  }
0x2a5: {  	[tilespmem:s5+$0x0] =	vst v1;
	s21 =	sadd.s32 $0x10, s5;
	v1 =	vshrl.u32 v2, $0x2  }
0x2a6: {  	s25 =	simm.s32 $0x300;
	[tilespmem:s21+$0x0] =	vst v1  }
0x2a7: {  	[tilespmem:s0], [sflag:$0x3] =	stream.indirect.gather [hbm4b:s6+s20], $0x80, s25, s20, $0xb8;
	[tilespmem:$0x12400] =	vst v63  }
0x2a8: {  	s31 =	simm.s32 $0x340;
	s7 =	simm.s32 $0xA400  }
0x2a9: {  	[tilespmem:s7], [sflag:$0x3] =	stream.indirect.gather [hbm4b:s6+s20], $0x80, s31, s20, $0xb8;
	[tilespmem:$0x12400] =	vst v63  }
.LBB2_30:
0x2aa: {  	_ =	swait.ge [sflag:s29], $0x1000  }
0x2ab: {  	[sflag:s29] =	ssyncset.done $0x0  }
0x2ac: {  	s19 =	simm.s32 $0x190;
	[sflag:s29] =	ssyncadd.s32 $0xFFFFF000  }
0x2ad: {  	v1 =	vld [tilespmem:s19+$0xFFFFFFF0];
	_ =	sdelay $0x2  }
0x2ae: {  	s5 =	simm.s32 $0x0  }
0x2af: {  	v2 =	vmov s5  }
0x2b0: {  	v2 =	vshll.u32 v2, $0x7;
	v1 =	vshll.u32 v1, $0x5  }
0x2b1: {  	v2 =	vor.u32 v0, v2;
	v1 =	vand.u32 $0x60, v1  }
0x2b2: {  	v2 =	vor.u32 v2, v1  }
0x2b3: {  	v1 =	vor.u32 $0x7, v2  }
0x2b4: {  	v3 =	vld [tilespmem:s19+$0x0]  }
0x2b5: {  	v6 =	vor.u32 $0x6, v2  }
0x2b6: {  	v10 =	vor.u32 $0x4, v2  }
0x2b7: {  	s31 =	simm.s32 $0x10;
	v5 =	vor.u32 $0x5, v2  }
0x2b8: {  	v7 =	vmov s31;
	v11 =	vor.u32 $0x3, v2;
	v9 =	vld.idx.msk [tilespmem:v1+s15+$0x0], $0xffff  }
0x2b9: {  	v3 =	vshll.u32 v3, $0x5;
	v4 =	vor.u32 $0x1, v2;
	v1 =	vshll.u32 v7, $0x7;
	v7 =	vld.idx.msk [tilespmem:v2+s15+$0x0], $0xffff  }
0x2ba: {  	v3 =	vand.u32 $0x60, v3;
	v8 =	vor.u32 $0x2, v2;
	v6 =	vld.idx.msk [tilespmem:v6+s15+$0x0], $0xffff;
	v1 =	vor.u32 v0, v1  }
0x2bb: {  	v10 =	vld.idx.msk [tilespmem:v10+s15+$0x0], $0xffff;
	v1 =	vor.u32 v1, v3  }
0x2bc: {  	v3 =	vld.idx.msk [tilespmem:v5+s15+$0x0], $0xffff;
	v5 =	vor.u32 $0x7, v1  }
0x2bd: {  	v11 =	vld.idx.msk [tilespmem:v11+s15+$0x0], $0xffff;
	v12 =	vor.u32 $0x6, v1  }
0x2be: {  	s7 =	simm.s32 $0x12390;
	v4 =	vld.idx.msk [tilespmem:v4+s15+$0x0], $0xffff;
	v13 =	vor.u32 $0x2, v1  }
0x2bf: {  	v8 =	vld.idx.msk [tilespmem:v8+s15+$0x0], $0xffff;
	v14 =	vor.u32 $0x1, v1;
	[tilespmem:s7+$0xFFFFF070] =	vst v7  }
0x2c0: {  	v7 =	vor.u32 $0x5, v1;
	[tilespmem:s7+$0xFFFFF370] =	vst v6;
	v16 =	vld.idx.msk [tilespmem:v1+s15+$0x0], $0xffff  }
0x2c1: {  	v6 =	vor.u32 $0x4, v1;
	[tilespmem:s7+$0xFFFFF270] =	vst v10;
	v5 =	vld.idx.msk [tilespmem:v5+s15+$0x0], $0xffff  }
0x2c2: {  	v10 =	vor.u32 $0x8, v2;
	[tilespmem:s7+$0xFFFFF1F0] =	vst v11;
	v12 =	vld.idx.msk [tilespmem:v12+s15+$0x0], $0xffff  }
0x2c3: {  	[tilespmem:s7+$0xFFFFF2F0] =	vst v3;
	v3 =	vor.u32 $0x3, v1;
	v13 =	vld.idx.msk [tilespmem:v13+s15+$0x0], $0xffff  }
0x2c4: {  	v11 =	vor.u32 $0x9, v2;
	[tilespmem:s7+$0xFFFFF170] =	vst v8;
	v14 =	vld.idx.msk [tilespmem:v14+s15+$0x0], $0xffff  }
0x2c5: {  	v8 =	vor.u32 $0xF, v2;
	[tilespmem:s7+$0xFFFFF3F0] =	vst v9;
	v7 =	vld.idx.msk [tilespmem:v7+s15+$0x0], $0xffff  }
0x2c6: {  	v17 =	vor.u32 $0xD, v2;
	[tilespmem:s7+$0xFFFFF0F0] =	vst v4;
	v15 =	vld.idx.msk [tilespmem:v6+s15+$0x0], $0xffff  }
0x2c7: {  	v9 =	vor.u32 $0xE, v2;
	v18 =	vld.idx.msk [tilespmem:v10+s15+$0x0], $0xffff  }
0x2c8: {  	v10 =	vor.u32 $0xC, v2;
	v3 =	vld.idx.msk [tilespmem:v3+s15+$0x0], $0xffff;
	[tilespmem:s7+$0xFFFFF080] =	vst v16  }
0x2c9: {  	v19 =	vor.u32 $0xA, v2;
	v4 =	vld.idx.msk [tilespmem:v11+s15+$0x0], $0xffff;
	[tilespmem:s7+$0xFFFFF180] =	vst v13  }
0x2ca: {  	v6 =	vld.idx.msk [tilespmem:v8+s15+$0x0], $0xffff;
	v13 =	vor.u32 $0xB, v2;
	[tilespmem:s7+$0xFFFFF400] =	vst v5  }
0x2cb: {  	v11 =	vld.idx.msk [tilespmem:v17+s15+$0x0], $0xffff;
	[tilespmem:s7+$0xFFFFF300] =	vst v7;
	v7 =	vor.u32 $0x9, v1  }
0x2cc: {  	v5 =	vld.idx.msk [tilespmem:v9+s15+$0x0], $0xffff;
	[tilespmem:s7+$0xFFFFF280] =	vst v15;
	v15 =	vor.u32 $0xD, v1  }
0x2cd: {  	[tilespmem:s7+$0xFFFFF380] =	vst v12;
	v9 =	vld.idx.msk [tilespmem:v10+s15+$0x0], $0xffff  }
0x2ce: {  	[tilespmem:s7+$0xFFFFF100] =	vst v14;
	v14 =	vor.u32 $0xC, v1;
	v10 =	vld.idx.msk [tilespmem:v19+s15+$0x0], $0xffff  }
0x2cf: {  	v12 =	vor.u32 $0xB, v1;
	[tilespmem:s7+$0xFFFFF200] =	vst v3;
	v8 =	vld.idx.msk [tilespmem:v13+s15+$0x0], $0xffff  }
0x2d0: {  	s21 =	simm.s32 $0x20;
	s25 =	simm.s32 $0x12390;
	v3 =	vor.u32 $0xF, v1;
	[tilespmem:s7+$0xFFFFF470] =	vst v18;
	v13 =	vor.u32 $0xA, v1;
	v7 =	vld.idx.msk [tilespmem:v7+s15+$0x0], $0xffff  }
.LBB2_31:
0x2d1: {  	p1 =	slt.u32 s21, $0x60;
	[tilespmem:s7+$0xFFFFF4F0] =	vst v4;
	v15 =	vld.idx.msk [tilespmem:v15+s15+$0x0], $0xffff;
	s19 =	sadd.s32 $0x20, s19;
	s25 =	sadd.s32 $0x20, s25  }
0x2d2: {  	s5 =	smov.u32 s21;
	s21 =	sadd.s32 $0x20, s21;
	v4 =	vld [tilespmem:s19+$0xFFFFFFF0];
	[tilespmem:s7+$0xFFFFF6F0] =	vst v11;
	v11 =	vor.u32 $0x8, v1  }
0x2d3: {  	[tilespmem:s7+$0xFFFFF670] =	vst v9;
	v9 =	vld.idx.msk [tilespmem:v14+s15+$0x0], $0xffff;
	v14 =	vor.u32 $0xE, v1  }
0x2d4: {  	[tilespmem:s7+$0xFFFFF5F0] =	vst v8;
	v8 =	vld.idx.msk [tilespmem:v12+s15+$0x0], $0xffff  }
0x2d5: {  	[tilespmem:s7+$0xFFFFF570] =	vst v10;
	v10 =	vor.u32 $0x10, v2;
	v12 =	vld.idx.msk [tilespmem:v13+s15+$0x0], $0xffff  }
0x2d6: {  	[tilespmem:s7+$0xFFFFF7F0] =	vst v6;
	v6 =	vor.u32 $0x11, v2;
	v3 =	vld.idx.msk [tilespmem:v3+s15+$0x0], $0xffff  }
0x2d7: {  	v13 =	vor.u32 $0x12, v2;
	v11 =	vld.idx.msk [tilespmem:v11+s15+$0x0], $0xffff  }
0x2d8: {  	[tilespmem:s7+$0xFFFFF770] =	vst v5;
	v5 =	vor.u32 $0x13, v2;
	v14 =	vld.idx.msk [tilespmem:v14+s15+$0x0], $0xffff  }
0x2d9: {  	v17 =	vor.u32 $0x14, v2;
	v16 =	vld [tilespmem:s19+$0x0];
	[tilespmem:s7+$0xFFFFF500] =	vst v7  }
0x2da: {  	v7 =	vld.idx.msk [tilespmem:v10+s15+$0x0], $0xffff;
	v10 =	vor.u32 $0x15, v2;
	[tilespmem:s7+$0xFFFFF600] =	vst v8  }
0x2db: {  	v8 =	vor.u32 $0x16, v2;
	v6 =	vld.idx.msk [tilespmem:v6+s15+$0x0], $0xffff;
	[tilespmem:s7+$0xFFFFF580] =	vst v12  }
0x2dc: {  	v12 =	vld.idx.msk [tilespmem:v13+s15+$0x0], $0xffff;
	v13 =	vor.u32 $0x17, v2;
	[tilespmem:s7+$0xFFFFF800] =	vst v3  }
0x2dd: {  	v3 =	vld.idx.msk [tilespmem:v5+s15+$0x0], $0xffff;
	[tilespmem:s7+$0xFFFFF480] =	vst v11;
	v5 =	vor.u32 $0x17, v1  }
0x2de: {  	v11 =	vld.idx.msk [tilespmem:v17+s15+$0x0], $0xffff;
	[tilespmem:s7+$0xFFFFF780] =	vst v14;
	v14 =	vor.u32 $0x16, v1  }
0x2df: {  	v10 =	vld.idx.msk [tilespmem:v10+s15+$0x0], $0xffff;
	[tilespmem:s7+$0xFFFFF680] =	vst v9;
	v9 =	vor.u32 $0x12, v1  }
0x2e0: {  	v8 =	vld.idx.msk [tilespmem:v8+s15+$0x0], $0xffff;
	[tilespmem:s7+$0xFFFFF700] =	vst v15;
	v15 =	vor.u32 $0x13, v1  }
0x2e1: {  	v17 =	vor.u32 $0x14, v1;
	v13 =	vld.idx.msk [tilespmem:v13+s15+$0x0], $0xffff  }
0x2e2: {  	[tilespmem:s7+$0xFFFFF970] =	vst v12;
	v12 =	vor.u32 $0x10, v1;
	v5 =	vld.idx.msk [tilespmem:v5+s15+$0x0], $0xffff  }
0x2e3: {  	[tilespmem:s7+$0xFFFFF9F0] =	vst v3;
	v3 =	vor.u32 $0x15, v1;
	v14 =	vld.idx.msk [tilespmem:v14+s15+$0x0], $0xffff  }
0x2e4: {  	[tilespmem:s7+$0xFFFFFA70] =	vst v11;
	v9 =	vld.idx.msk [tilespmem:v9+s15+$0x0], $0xffff  }
0x2e5: {  	[tilespmem:s7+$0xFFFFFAF0] =	vst v10;
	v10 =	vor.u32 $0x11, v1;
	v11 =	vld.idx.msk [tilespmem:v15+s15+$0x0], $0xffff  }
0x2e6: {  	[tilespmem:s7+$0xFFFFF8F0] =	vst v6;
	v6 =	vor.u32 $0x18, v2;
	v15 =	vld.idx.msk [tilespmem:v17+s15+$0x0], $0xffff  }
0x2e7: {  	[tilespmem:s7+$0xFFFFFBF0] =	vst v13;
	v13 =	vor.u32 $0x19, v2;
	v12 =	vld.idx.msk [tilespmem:v12+s15+$0x0], $0xffff  }
0x2e8: {  	[tilespmem:s7+$0xFFFFFB70] =	vst v8;
	v8 =	vor.u32 $0x1A, v2;
	v3 =	vld.idx.msk [tilespmem:v3+s15+$0x0], $0xffff  }
0x2e9: {  	v17 =	vor.u32 $0x1B, v2  }
0x2ea: {  	[tilespmem:s7+$0xFFFFF870] =	vst v7;
	v7 =	vor.u32 $0x1C, v2;
	v10 =	vld.idx.msk [tilespmem:v10+s15+$0x0], $0xffff  }
0x2eb: {  	v18 =	vor.u32 $0x1D, v2;
	v6 =	vld.idx.msk [tilespmem:v6+s15+$0x0], $0xffff;
	[tilespmem:s7+$0xFFFFF980] =	vst v9  }
0x2ec: {  	v9 =	vld.idx.msk [tilespmem:v13+s15+$0x0], $0xffff;
	v13 =	vor.u32 $0x1E, v2;
	[tilespmem:s7+$0xFFFFFA80] =	vst v15  }
0x2ed: {  	v2 =	vor.u32 $0x1F, v2;
	v8 =	vld.idx.msk [tilespmem:v8+s15+$0x0], $0xffff;
	[tilespmem:s7+$0xFFFFFA00] =	vst v11  }
0x2ee: {  	v11 =	vld.idx.msk [tilespmem:v17+s15+$0x0], $0xffff;
	[tilespmem:s7+$0xFFFFFB00] =	vst v3;
	v3 =	vor.u32 $0x18, v1  }
0x2ef: {  	v7 =	vld.idx.msk [tilespmem:v7+s15+$0x0], $0xffff;
	[tilespmem:s7+$0xFFFFFB80] =	vst v14;
	v14 =	vor.u32 $0x19, v1  }
0x2f0: {  	v15 =	vld.idx.msk [tilespmem:v18+s15+$0x0], $0xffff;
	[tilespmem:s7+$0xFFFFF900] =	vst v10;
	v10 =	vor.u32 $0x1A, v1  }
0x2f1: {  	v13 =	vld.idx.msk [tilespmem:v13+s15+$0x0], $0xffff;
	[tilespmem:s7+$0xFFFFFC00] =	vst v5;
	v5 =	vor.u32 $0x1B, v1  }
0x2f2: {  	s14 =	sadd.s32 $0x10, s5;
	v17 =	vld.idx.msk [tilespmem:v2+s15+$0x0], $0xffff;
	[tilespmem:s7+$0xFFFFF880] =	vst v12;
	v2 =	vor.u32 $0x1C, v1;
	v12 =	vor.u32 $0x1F, v1  }
0x2f3: {  	v19 =	vor.u32 $0x1E, v1;
	v18 =	vmov s14;
	[tilespmem:s7+$0xFFFFFC70] =	vst v6;
	v6 =	vld.idx.msk [tilespmem:v3+s15+$0x0], $0xffff;
	v3 =	vor.u32 $0x1D, v1  }
0x2f4: {  	v16 =	vshll.u32 v16, $0x5;
	v18 =	vshll.u32 v18, $0x7;
	v1 =	vmov s5;
	[tilespmem:s7+$0xFFFFFDF0] =	vst v11;
	v11 =	vld.idx.msk [tilespmem:v14+s15+$0x0], $0xffff  }
0x2f5: {  	v4 =	vshll.u32 v4, $0x5;
	v14 =	vand.u32 $0x60, v16;
	v16 =	vor.u32 v0, v18;
	[tilespmem:s7+$0xFFFFFE70] =	vst v7;
	v7 =	vld.idx.msk [tilespmem:v10+s15+$0x0], $0xffff  }
0x2f6: {  	v4 =	vand.u32 $0x60, v4;
	v10 =	vshll.u32 v1, $0x7;
	v1 =	vor.u32 v16, v14;
	[tilespmem:s7+$0xFFFFFEF0] =	vst v15;
	v5 =	vld.idx.msk [tilespmem:v5+s15+$0x0], $0xffff  }
0x2f7: {  	v10 =	vor.u32 v0, v10;
	v14 =	vor.u32 $0x1, v1;
	v15 =	vor.u32 $0x7, v1;
	[tilespmem:s7+$0xFFFFFF70] =	vst v13;
	v13 =	vld.idx.msk [tilespmem:v2+s15+$0x0], $0xffff  }
0x2f8: {  	v2 =	vor.u32 v10, v4;
	v4 =	vor.u32 $0x6, v1;
	[tilespmem:s7+$0xFFFFFFF0] =	vst v17;
	v10 =	vld.idx.msk [tilespmem:v3+s15+$0x0], $0xffff  }
0x2f9: {  	v16 =	vor.u32 $0x7, v2;
	[tilespmem:s7+$0xFFFFFCF0] =	vst v9;
	v9 =	vld.idx.msk [tilespmem:v19+s15+$0x0], $0xffff  }
0x2fa: {  	v17 =	vor.u32 $0x2, v1;
	v3 =	vor.u32 $0xF, v1;
	[tilespmem:s7+$0xFFFFFD70] =	vst v8;
	v8 =	vld.idx.msk [tilespmem:v12+s15+$0x0], $0xffff  }
0x2fb: {  	v18 =	vor.u32 $0x5, v2;
	v12 =	vor.u32 $0x1, v2;
	v19 =	vld.idx.msk [tilespmem:v1+s15+$0x0], $0xffff;
	[tilespmem:s7+$0xFFFFFD80] =	vst v7  }
0x2fc: {  	v7 =	vor.u32 $0x6, v2;
	v15 =	vld.idx.msk [tilespmem:v15+s15+$0x0], $0xffff;
	[tilespmem:s7+$0xFFFFFE00] =	vst v5  }
0x2fd: {  	v5 =	vld.idx.msk [tilespmem:v4+s15+$0x0], $0xffff;
	[tilespmem:s7+$0xFFFFFE80] =	vst v13  }
0x2fe: {  	v4 =	vor.u32 $0x2, v2;
	v13 =	vld.idx.msk [tilespmem:v16+s15+$0x0], $0xffff;
	[tilespmem:s7+$0xFFFFFF00] =	vst v10  }
0x2ff: {  	v16 =	vor.u32 $0x4, v2;
	v10 =	vld.idx.msk [tilespmem:v2+s15+$0x0], $0xffff;
	[tilespmem:s7+$0xFFFFFF80] =	vst v9  }
0x300: {  	v9 =	vld.idx.msk [tilespmem:v12+s15+$0x0], $0xffff;
	v12 =	vor.u32 $0x3, v2;
	[tilespmem:s7+$0x0] =	vst v8  }
0x301: {  	v8 =	vld.idx.msk [tilespmem:v18+s15+$0x0], $0xffff;
	[tilespmem:s7+$0xFFFFFC80] =	vst v6  }
0x302: {  	v6 =	vld.idx.msk [tilespmem:v7+s15+$0x0], $0xffff;
	[tilespmem:s7+$0xFFFFFD00] =	vst v11;
	s7 =	smov.u32 s25  }
0x303: {  	v4 =	vld.idx.msk [tilespmem:v4+s15+$0x0], $0xffff  }
0x304: {  	v7 =	vld.idx.msk [tilespmem:v16+s15+$0x0], $0xffff  }
0x305: {  	v11 =	vld.idx.msk [tilespmem:v12+s15+$0x0], $0xffff;
	_ =	sdelay $0x1  }
0x306: {  	v12 =	vor.u32 $0x5, v1;
	[tilespmem:s25+$0xFFFFF070] =	vst v10;
	v10 =	vld.idx.msk [tilespmem:v17+s15+$0x0], $0xffff  }
0x307: {  	[tilespmem:s25+$0xFFFFF370] =	vst v6;
	v6 =	vor.u32 $0x4, v1  }
0x308: {  	[tilespmem:s25+$0xFFFFF2F0] =	vst v8;
	v8 =	vor.u32 $0x3, v1  }
0x309: {  	[tilespmem:s25+$0xFFFFF270] =	vst v7;
	v7 =	vor.u32 $0x8, v2  }
0x30a: {  	[tilespmem:s25+$0xFFFFF1F0] =	vst v11;
	v11 =	vor.u32 $0x9, v2;
	v14 =	vld.idx.msk [tilespmem:v14+s15+$0x0], $0xffff  }
0x30b: {  	v16 =	vor.u32 $0xF, v2;
	[tilespmem:s25+$0xFFFFF170] =	vst v4;
	v12 =	vld.idx.msk [tilespmem:v12+s15+$0x0], $0xffff  }
0x30c: {  	[tilespmem:s25+$0xFFFFF3F0] =	vst v13;
	v13 =	vor.u32 $0xE, v2;
	v17 =	vld.idx.msk [tilespmem:v6+s15+$0x0], $0xffff  }
0x30d: {  	[tilespmem:s25+$0xFFFFF0F0] =	vst v9;
	v9 =	vor.u32 $0xD, v2;
	v8 =	vld.idx.msk [tilespmem:v8+s15+$0x0], $0xffff  }
0x30e: {  	v18 =	vor.u32 $0xC, v2;
	v7 =	vld.idx.msk [tilespmem:v7+s15+$0x0], $0xffff;
	[tilespmem:s25+$0xFFFFF180] =	vst v10  }
0x30f: {  	v10 =	vor.u32 $0xB, v2;
	v4 =	vld.idx.msk [tilespmem:v11+s15+$0x0], $0xffff;
	[tilespmem:s25+$0xFFFFF400] =	vst v15  }
0x310: {  	v20 =	vor.u32 $0xA, v2;
	v6 =	vld.idx.msk [tilespmem:v16+s15+$0x0], $0xffff;
	[tilespmem:s25+$0xFFFFF380] =	vst v5  }
0x311: {  	v5 =	vld.idx.msk [tilespmem:v13+s15+$0x0], $0xffff;
	[tilespmem:s25+$0xFFFFF300] =	vst v12;
	v13 =	vor.u32 $0x9, v1  }
.Ltmp17:
0x312: {  	v15 =	vor.u32 $0xD, v1;
	v11 =	vld.idx.msk [tilespmem:v9+s15+$0x0], $0xffff;
	[tilespmem:s25+$0xFFFFF280] =	vst v17;
	(pc) =	sbr.rel @p1 .LBB2_31-.Ltmp17, $4  }
0x313: {  	v9 =	vld.idx.msk [tilespmem:v18+s15+$0x0], $0xffff;
	[tilespmem:s25+$0xFFFFF200] =	vst v8  }
0x314: {  	v8 =	vld.idx.msk [tilespmem:v10+s15+$0x0], $0xffff;
	[tilespmem:s25+$0xFFFFF100] =	vst v14;
	v14 =	vor.u32 $0xC, v1  }
0x315: {  	v12 =	vor.u32 $0xB, v1;
	v10 =	vld.idx.msk [tilespmem:v20+s15+$0x0], $0xffff;
	[tilespmem:s25+$0xFFFFF080] =	vst v19  }
0x316: {  	[tilespmem:s25+$0xFFFFF470] =	vst v7;
	v7 =	vld.idx.msk [tilespmem:v13+s15+$0x0], $0xffff;
	v13 =	vor.u32 $0xA, v1  }
0x317: {  	_ =	sdelay $0x2  }
0x318: {  	[tilespmem:s7+$0xFFFFF4F0] =	vst v4  }
0x319: {  	v57 =	vld.idx.msk [tilespmem:v15+s15+$0x0], $0xffff;
	v58 =	vor.u32 $0x8, v1;
	[tilespmem:s7+$0xFFFFF6F0] =	vst v11  }
0x31a: {  	v59 =	vld.idx.msk [tilespmem:v14+s15+$0x0], $0xffff;
	v60 =	vor.u32 $0xE, v1;
	[tilespmem:s7+$0xFFFFF7F0] =	vst v6  }
0x31b: {  	v61 =	vld.idx.msk [tilespmem:v12+s15+$0x0], $0xffff;
	v62 =	vor.u32 $0x10, v2;
	[tilespmem:s7+$0xFFFFF770] =	vst v5  }
0x31c: {  	v63 =	vld.idx.msk [tilespmem:v13+s15+$0x0], $0xffff;
	v18 =	vor.u32 $0x11, v2;
	[tilespmem:s7+$0xFFFFF670] =	vst v9  }
0x31d: {  	v3 =	vld.idx.msk [tilespmem:v3+s15+$0x0], $0xffff;
	v19 =	vor.u32 $0x12, v2;
	[tilespmem:s7+$0xFFFFF5F0] =	vst v8  }
0x31e: {  	v21 =	vor.u32 $0x13, v2;
	[tilespmem:s7+$0xFFFFF570] =	vst v10;
	v20 =	vld.idx.msk [tilespmem:v58+s15+$0x0], $0xffff  }
0x31f: {  	v23 =	vor.u32 $0x14, v2;
	v22 =	vld.idx.msk [tilespmem:v60+s15+$0x0], $0xffff;
	[tilespmem:s7+$0xFFFFF500] =	vst v7  }
0x320: {  	v25 =	vor.u32 $0x15, v2;
	v24 =	vld.idx.msk [tilespmem:v62+s15+$0x0], $0xffff;
	[tilespmem:s7+$0xFFFFF600] =	vst v61  }
0x321: {  	v27 =	vor.u32 $0x16, v2;
	v26 =	vld.idx.msk [tilespmem:v18+s15+$0x0], $0xffff;
	[tilespmem:s7+$0xFFFFF580] =	vst v63  }
0x322: {  	v29 =	vor.u32 $0x17, v2;
	v28 =	vld.idx.msk [tilespmem:v19+s15+$0x0], $0xffff;
	[tilespmem:s7+$0xFFFFF800] =	vst v3  }
0x323: {  	v30 =	vor.u32 $0x17, v1;
	v3 =	vld.idx.msk [tilespmem:v21+s15+$0x0], $0xffff;
	[tilespmem:s7+$0xFFFFF680] =	vst v59  }
0x324: {  	v32 =	vor.u32 $0x16, v1;
	v31 =	vld.idx.msk [tilespmem:v23+s15+$0x0], $0xffff;
	[tilespmem:s7+$0xFFFFF700] =	vst v57  }
0x325: {  	v34 =	vor.u32 $0x12, v1;
	v33 =	vld.idx.msk [tilespmem:v25+s15+$0x0], $0xffff;
	[tilespmem:s7+$0xFFFFF480] =	vst v20  }
0x326: {  	v36 =	vor.u32 $0x13, v1;
	v35 =	vld.idx.msk [tilespmem:v27+s15+$0x0], $0xffff;
	[tilespmem:s7+$0xFFFFF780] =	vst v22  }
0x327: {  	v38 =	vor.u32 $0x14, v1;
	v37 =	vld.idx.msk [tilespmem:v29+s15+$0x0], $0xffff;
	[tilespmem:s7+$0xFFFFF970] =	vst v28  }
0x328: {  	v39 =	vor.u32 $0x10, v1;
	[tilespmem:s7+$0xFFFFF9F0] =	vst v3;
	v15 =	vld.idx.msk [tilespmem:v30+s15+$0x0], $0xffff  }
0x329: {  	v41 =	vor.u32 $0x11, v1;
	[tilespmem:s7+$0xFFFFFA70] =	vst v31;
	v14 =	vld.idx.msk [tilespmem:v32+s15+$0x0], $0xffff  }
0x32a: {  	v43 =	vor.u32 $0x18, v2;
	[tilespmem:s7+$0xFFFFFAF0] =	vst v33;
	v40 =	vld.idx.msk [tilespmem:v34+s15+$0x0], $0xffff  }
0x32b: {  	v3 =	vor.u32 $0x15, v1;
	[tilespmem:s7+$0xFFFFF8F0] =	vst v26;
	v42 =	vld.idx.msk [tilespmem:v36+s15+$0x0], $0xffff  }
0x32c: {  	v45 =	vor.u32 $0x19, v2;
	[tilespmem:s7+$0xFFFFFBF0] =	vst v37;
	v44 =	vld.idx.msk [tilespmem:v38+s15+$0x0], $0xffff  }
0x32d: {  	v47 =	vor.u32 $0x1A, v2;
	[tilespmem:s7+$0xFFFFFB70] =	vst v35;
	v46 =	vld.idx.msk [tilespmem:v39+s15+$0x0], $0xffff  }
0x32e: {  	v48 =	vor.u32 $0x1B, v2;
	[tilespmem:s7+$0xFFFFF870] =	vst v24;
	v12 =	vld.idx.msk [tilespmem:v41+s15+$0x0], $0xffff  }
0x32f: {  	v49 =	vor.u32 $0x1C, v2;
	v13 =	vld.idx.msk [tilespmem:v43+s15+$0x0], $0xffff  }
0x330: {  	v16 =	vor.u32 $0x1D, v2;
	v3 =	vld.idx.msk [tilespmem:v3+s15+$0x0], $0xffff;
	[tilespmem:s7+$0xFFFFF980] =	vst v40  }
0x331: {  	v51 =	vor.u32 $0x1E, v2;
	v50 =	vld.idx.msk [tilespmem:v45+s15+$0x0], $0xffff;
	[tilespmem:s7+$0xFFFFFA80] =	vst v44  }
0x332: {  	v2 =	vor.u32 $0x1F, v2;
	v8 =	vld.idx.msk [tilespmem:v47+s15+$0x0], $0xffff;
	[tilespmem:s7+$0xFFFFFA00] =	vst v42  }
0x333: {  	v52 =	vld.idx.msk [tilespmem:v48+s15+$0x0], $0xffff;
	[tilespmem:s7+$0xFFFFFB80] =	vst v14  }
0x334: {  	v53 =	vor.u32 $0x19, v1;
	v7 =	vld.idx.msk [tilespmem:v49+s15+$0x0], $0xffff;
	[tilespmem:s7+$0xFFFFF900] =	vst v12  }
0x335: {  	v55 =	vor.u32 $0x1A, v1;
	v54 =	vld.idx.msk [tilespmem:v16+s15+$0x0], $0xffff;
	[tilespmem:s7+$0xFFFFFC00] =	vst v15  }
0x336: {  	v56 =	vor.u32 $0x1B, v1;
	v10 =	vld.idx.msk [tilespmem:v51+s15+$0x0], $0xffff;
	[tilespmem:s7+$0xFFFFF880] =	vst v46  }
0x337: {  	v57 =	vor.u32 $0x1C, v1;
	v2 =	vld.idx.msk [tilespmem:v2+s15+$0x0], $0xffff;
	[tilespmem:s7+$0xFFFFFC70] =	vst v13  }
0x338: {  	v58 =	vor.u32 $0x1D, v1;
	[tilespmem:s7+$0xFFFFFB00] =	vst v3  }
0x339: {  	v59 =	vor.u32 $0x1E, v1;
	[tilespmem:s7+$0xFFFFFDF0] =	vst v52;
	v60 =	vld.idx.msk [tilespmem:v53+s15+$0x0], $0xffff  }
0x33a: {  	[tilespmem:s7+$0xFFFFFE70] =	vst v7;
	v3 =	vor.u32 $0x18, v1;
	v61 =	vld.idx.msk [tilespmem:v55+s15+$0x0], $0xffff  }
0x33b: {  	[tilespmem:s7+$0xFFFFFEF0] =	vst v54;
	v1 =	vor.u32 $0x1F, v1;
	v62 =	vld.idx.msk [tilespmem:v56+s15+$0x0], $0xffff  }
0x33c: {  	[tilespmem:s7+$0xFFFFFF70] =	vst v10;
	v4 =	vld.idx.msk [tilespmem:v57+s15+$0x0], $0xffff  }
0x33d: {  	[tilespmem:s7+$0xFFFFFFF0] =	vst v2;
	v2 =	vld.idx.msk [tilespmem:v58+s15+$0x0], $0xffff  }
0x33e: {  	[tilespmem:s7+$0xFFFFFCF0] =	vst v50;
	v63 =	vld.idx.msk [tilespmem:v59+s15+$0x0], $0xffff  }
0x33f: {  	[tilespmem:s7+$0xFFFFFD70] =	vst v8;
	v3 =	vld.idx.msk [tilespmem:v3+s15+$0x0], $0xffff  }
0x340: {  	v1 =	vld.idx.msk [tilespmem:v1+s15+$0x0], $0xffff;
	[tilespmem:s7+$0xFFFFFD80] =	vst v61  }
0x341: {  	[tilespmem:s7+$0xFFFFFE00] =	vst v62  }
0x342: {  	[tilespmem:s7+$0xFFFFFE80] =	vst v4  }
0x343: {  	s5 =	sadd.s32 s4, s10;
	[tilespmem:s7+$0xFFFFFF00] =	vst v2  }
.Ltmp18:
0x344: {  	s10 =	sshll.u32 s5, $0x7;
	[tilespmem:s7+$0xFFFFFF80] =	vst v63;
	(pc) =	sbr.rel @p0 .LBB2_34-.Ltmp18, $4  }
0x345: {  	s5 =	sshll.u32 s5, $0x9;
	s10 =	sand.u32 $0xF80, s10;
	[tilespmem:s7+$0xFFFFFD00] =	vst v60  }
0x346: {  	s5 =	sand.u32 $0xFFFC000, s5;
	s10 =	sadd.s32 s3, s10;
	[tilespmem:s7+$0x0] =	vst v1  }
0x347: {  	s5 =	sadd.s32 s5, s10;
	[tilespmem:s7+$0xFFFFFC80] =	vst v3  }
0x348: {  	[hbm4b:s5+s22] =	stream.strided.scatter [tilespmem:s30], [sflag:$0x6], $0x1000, s23, s22, $0x38;
	[tilespmem:$0x12400] =	vst v63  }
0x349: {  	s5 =	rddreg [dreg:$0x9]  }
0x34a: {  	s5 =	sadd.s32 s18, s5  }
0x34b: {  	s7 =	sshll.u32 s5, $0x4  }
.Ltmp19:
0x34c: {  	s10 =	sshll.u32 s5, $0x7;
	s5 =	sshrl.u32 s5, $0x1;
	(pc) =	sbr.rel .LBB2_8-.Ltmp19, $4  }
0x34d: {  	s7 =	sand.u32 $0xFFFF000, s7;
	s10 =	sand.u32 $0xF80, s10;
	s5 =	sand.u32 $0x70, s5  }
0x34e: {  	s25 =	simm.s32 $0x0;
	s7 =	sor.u32 s7, s10;
	s5 =	sadd.s32 s2, s5  }
0x34f: {  	s31 =	simm.s32 $0x180;
	s13 =	sadd.s32 $0x1, s13;
	s5 =	sadd.s32 s7, s5  }
0x350: {  	[tilespmem:s31], [sflag:$0xA] =	stream.linear.gather [hbm4b:s5+s25], $0x80, $0x38;
	[tilespmem:$0x12400] =	vst v63  }
.LBB2_35:
0x351: {  	_ =	sfence.sel $0x180000  }
0x352: {  	[bflag:$0x0] =	sbarrier.arrive $0xFFFF  }
0x353: {  	_ =	strace $0x90000047  }
0x354: {  	s0 =	stileid.u32;
	[bflag:$0x2] =	sbarrier.arrive $0xFFFF  }
0x355: {  	p0 =	sne.s32 s0, $0x0;
	s0 =	rddreg [dreg:$0x3]  }
0x356: {  	s0 =	sadd.s32 @!p0 $0x100000, s0  }
0x357: {  	[sflag:s0] =	ssyncadd.tile.s32 @!p0 $0x1;
	_ =	shalt  }
.Lfunc_end2:
_tile_overlayer_lowered:
.L_overlay_start_2:
0x358: {  	(tag) =	ssettag $0x2  }
0x359: {  	s0 =	rddreg [dreg:$0x0];
	s2 =	stileid.u32  }
0x35a: {  	s1 =	rddreg [dreg:$0x1];
	p0 =	sne.s32 s2, $0x0  }
0x35b: {  	s3 =	rddreg [dreg:$0x2];
	[bflag:$0x3] =	sbarrier.arrive $0xFFFF;
	s2 =	simm.s32 @!p0 $0x1C0B  }
0x35c: {  	[timem:s3], [sflag:s2] =	dma.local @!p0 [hbm:s0], s1  }
0x35d: {  	s0 =	simm.s32 @!p0 $0xB  }
0x35e: {  	_ =	swait.ge @!p0 [sflag:s0], s1  }
0x35f: {  	s1 =	ssub.s32 @!p0 $0x0, s1;
	[sflag:s0] =	ssyncset.done @!p0 $0x0  }
0x360: {  	[sflag:s0] =	ssyncadd.s32 @!p0 s1  }
0x361: {  	[bflag:$0x3] =	sbarrier.arrive $0xFFFF  }
0x362: {  	_ =	shalt  }

</sc_bundles>
